<compile_context>
chip_gen: v7x
topology: tpu7x:2x2x1
jax: 0.10.2.dev20260603
libtpu: 0.0.44.dev20260713+nightly
codegen_flags: <defaults>
</compile_context>

<pallas_src>
import functools

import jax
import jax.numpy as jnp
from jax.experimental import pallas as pl
from jax.experimental.pallas import tpu as pltpu
from jax.experimental.pallas import tpu_sc as plsc

_INTERPRET = False

DIM = 1024
E = 8
H = 8
Dh = DIM // H
EH = E * H
EPS = 1e-9
SECOND_THRESHOLD = 0.2
NEG = -1e30


def _gating_body(x_ref, wg_ref, probs_ref, code_ref, gates_ref, loss_ref):
    n = x_ref.shape[1]
    nb = x_ref.shape[0]
    loss_acc = jnp.zeros((1, 1), jnp.float32)
    for b in range(nb):
        logits = jnp.dot(x_ref[b], wg_ref[...],
                         preferred_element_type=jnp.float32)
        lane = jax.lax.broadcasted_iota(jnp.int32, (n, 128), 1)
        logits = jnp.where(lane < E, logits, NEG)
        mx = jnp.max(logits, axis=-1, keepdims=True)
        eg = jnp.exp(logits - mx)
        g = eg / jnp.sum(eg, axis=-1, keepdims=True)
        v1 = jnp.max(g, axis=-1, keepdims=True)
        i1 = jnp.min(jnp.where((g == v1) & (lane < E), lane, 128),
                     axis=-1, keepdims=True)
        m1 = (lane == i1).astype(jnp.float32)
        g_wo = g * (1.0 - m1)
        v2 = jnp.max(g_wo, axis=-1, keepdims=True)
        i2 = jnp.min(jnp.where((g_wo == v2) & (lane < E), lane, 128),
                     axis=-1, keepdims=True)
        denom = v1 + v2 + EPS
        g1n = v1 / denom
        g2n = v2 / denom
        m2 = jnp.where(probs_ref[:, b:b + 1] < g2n / SECOND_THRESHOLD, 1, 0)
        dp = jnp.sum(g, axis=0, keepdims=True) / float(n)
        d1 = jnp.sum(m1, axis=0, keepdims=True) / float(n)
        loss_acc = loss_acc + jnp.sum(dp * d1, keepdims=True).reshape(1, 1)
        code_ref[:, b:b + 1] = i1 + 8 * i2 + 64 * m2
        gates_ref[:, b * 4:b * 4 + 1] = i1.astype(jnp.float32)
        gates_ref[:, b * 4 + 1:b * 4 + 2] = i2.astype(jnp.float32)
        gates_ref[:, b * 4 + 2:b * 4 + 3] = g1n
        gates_ref[:, b * 4 + 3:b * 4 + 4] = g2n
    loss_ref[...] = loss_acc * (float(E * E) / float(nb * E))


def _moe_attn_body(x_ref, audio_ref, bp_ref, route_ref,
                   wq_hbm, wk_hbm, wv_hbm, wp_hbm,
                   xo_ref, pbuf, aa_scr, s_scr, y_scr, sems, *, cap):
    nb, n, d = x_ref.shape
    scale = float(Dh) ** -0.5
    npairs = 2 * E

    def pair_copies(p):
        if p < E:
            srcs = (wq_hbm.at[p], wk_hbm.at[p])
        else:
            srcs = (wv_hbm.at[p - E], wp_hbm.at[p - E])
        slot = (p % 3) * 2
        return [pltpu.make_async_copy(srcs[j], pbuf.at[slot + j],
                                      sems.at[slot + j]) for j in (0, 1)]

    for p in (0, 1, 2):
        for c in pair_copies(p):
            c.start()

    for p in range(npairs):
        slot = (p % 3) * 2
        for c in pair_copies(p):
            c.wait()
        if p < E:
            e = p
            qT = jax.lax.dot_general(pbuf[slot], audio_ref[...],
                                     (((0,), (1,)), ((), ())),
                                     preferred_element_type=jnp.float32)
            blk = (jax.lax.broadcasted_iota(jnp.int32, (d, H), 0) // Dh
                   == jax.lax.broadcasted_iota(jnp.int32, (d, H), 1)
                   ).astype(jnp.float32) * scale
            for b in range(nb):
                Db = qT[:, b:b + 1] * blk
                aa_scr[b, :, e * H:(e + 1) * H] = jnp.dot(
                    pbuf[slot + 1], Db, preferred_element_type=jnp.float32)
        else:
            e = p - E
            rowsel = (jax.lax.broadcasted_iota(jnp.int32, (H, d), 0)
                      == jax.lax.broadcasted_iota(jnp.int32, (H, d), 1) // Dh
                      ).astype(jnp.float32)
            for b in range(nb):
                SS = jnp.dot(s_scr[b, e * H:(e + 1) * H, :], pbuf[slot],
                             preferred_element_type=jnp.float32)
                y_scr[b:b + 1, :] = jnp.sum(SS * rowsel, axis=0, keepdims=True)
            zlin = jnp.dot(y_scr[...], pbuf[slot + 1],
                           preferred_element_type=jnp.float32) + bp_ref[e:e + 1]
            xo_ref[:, e, :] = 1.0 / (1.0 + jnp.exp(-zlin))
        if p + 3 < npairs:
            for c in pair_copies(p + 3):
                c.start()
        if p == E - 1:
            lanef = jax.lax.broadcasted_iota(jnp.int32, (n, 128), 1)
            e_of = jax.lax.shift_right_logical(lanef, 3).astype(jnp.float32)
            valid = lanef < EH
            for b in range(nb):
                L = jnp.dot(x_ref[b], aa_scr[b],
                            preferred_element_type=jnp.float32)
                rt = route_ref[:, b * 4:(b + 1) * 4]
                amask = ((((rt[:, 2:3] > 0.0) & (rt[:, 0:1] == e_of))
                          | ((rt[:, 3:4] > 0.0) & (rt[:, 1:2] == e_of)))
                         & valid)
                nf = jnp.sum(amask.astype(jnp.float32), axis=0, keepdims=True)
                Lm = jnp.where(amask, L, NEG)
                mx = jnp.maximum(jnp.max(Lm, axis=0, keepdims=True), 0.0)
                expL = jnp.where(amask, jnp.exp(L - mx), 0.0)
                z = (jnp.sum(expL, axis=0, keepdims=True)
                     + (float(cap) - nf) * jnp.exp(-mx))
                w = expL / z
                s_scr[b] = jax.lax.dot_general(
                    w, x_ref[b], (((0,), (0,)), ((), ())),
                    preferred_element_type=jnp.float32)


def _combine_body(x_ref, route_ref, xo_ref, out_ref):
    nb = x_ref.shape[0]
    nc = x_ref.shape[1]
    lane8 = jax.lax.broadcasted_iota(jnp.int32, (nc, E), 1).astype(jnp.float32)
    for b in range(nb):
        rt = route_ref[:, b * 4:(b + 1) * 4]
        G = (rt[:, 2:3] * (lane8 == rt[:, 0:1])
             + rt[:, 3:4] * (lane8 == rt[:, 1:2]))
        mix = jnp.dot(G, xo_ref[b], preferred_element_type=jnp.float32)
        out_ref[b] = x_ref[b] * mix


def _make_sc_routing(nb, n, cap):
    mesh = plsc.VectorSubcoreMesh(core_axis_name="c", subcore_axis_name="s")
    nchunk = n // 16

    @functools.partial(
        pl.kernel, mesh=mesh,
        out_type=jax.ShapeDtypeStruct((nb, E, n), jnp.int32),
        scratch_types=[
            pltpu.VMEM((n,), jnp.int32),
            pltpu.VMEM((n,), jnp.int32),
        ],
    )
    def sc_routing(code_hbm, out_hbm, code_v, row_v):
        cid = jax.lax.axis_index("c")
        sid = jax.lax.axis_index("s")

        @pl.when(cid == 0)
        def _():
            b = jax.lax.div(sid, E)
            e = jax.lax.rem(sid, E)
            pltpu.sync_copy(code_hbm.at[b], code_v)

            lane16 = jax.lax.iota(jnp.int32, 16)
            last = lane16 * 0 + 15

            def _csum(m):
                cs = m
                for k in (1, 2, 4, 8):
                    sh = cs[jnp.maximum(lane16 - k, 0)]
                    cs = cs + jnp.where(lane16 >= k, sh, 0)
                return cs

            def body1(i, c1):
                sl = pl.ds(i * 16, 16)
                v = code_v[sl]
                m = jnp.where((v & 7) == e, 1, 0)
                cs = _csum(m)
                pos = c1 + cs - m
                s1 = jnp.where((m == 1) & (pos < cap), 1, 0)
                row_v[sl] = s1
                return c1 + cs[last]

            c1 = jax.lax.fori_loop(0, nchunk, body1,
                                   jnp.zeros((16,), jnp.int32))
            c1 = jnp.minimum(c1, cap)

            def body2(i, c2):
                sl = pl.ds(i * 16, 16)
                v = code_v[sl]
                m = (jnp.where((jax.lax.shift_right_logical(v, 3) & 7) == e, 1, 0)
                     * (jax.lax.shift_right_logical(v, 6) & 1))
                cs = _csum(m)
                pos = c2 + cs - m
                s2 = jnp.where((m == 1) & (pos < cap), 1, 0)
                row_v[sl] = row_v[sl] + 2 * s2
                return c2 + cs[last]

            jax.lax.fori_loop(0, nchunk, body2, c1)
            pltpu.sync_copy(row_v, out_hbm.at[b, e])

    return sc_routing


def kernel(x, audio_feat, w_gating, Wq, Wkv, Wp, bp):
    b, n, d = x.shape
    cap = max(min(n, int(n * 2.0 / E)), 4)
    f32 = jnp.float32

    probs = jax.random.uniform(jax.random.PRNGKey(42), (b, n), dtype=f32).T
    wgp = jnp.pad(w_gating, ((0, 0), (0, 128 - E)))
    audio = audio_feat[:, 0, :]
    Wk = Wkv[:, :, :DIM]
    Wv = Wkv[:, :, DIM:]

    code, gates, loss_arr = pl.pallas_call(
        _gating_body,
        out_shape=[
            jax.ShapeDtypeStruct((n, b), jnp.int32),
            jax.ShapeDtypeStruct((n, 4 * b), f32),
            jax.ShapeDtypeStruct((1, 1), f32),
        ],
        interpret=_INTERPRET,
    )(x, wgp, probs)

    scrows = _make_sc_routing(b, n, cap)(code.T)
    sfl = jnp.sum(scrows, axis=1).T
    s1 = (sfl & 1).astype(f32)
    s2 = ((sfl >> 1) & 1).astype(f32)
    keep = jnp.concatenate(
        [jnp.concatenate([jnp.ones((n, 2), f32), s1[:, i:i + 1],
                          s2[:, i:i + 1]], axis=1) for i in range(b)], axis=1)
    route = gates * keep

    xo = pl.pallas_call(
        functools.partial(_moe_attn_body, cap=cap),
        in_specs=[
            pl.BlockSpec(memory_space=pltpu.VMEM),
            pl.BlockSpec(memory_space=pltpu.VMEM),
            pl.BlockSpec(memory_space=pltpu.VMEM),
            pl.BlockSpec(memory_space=pltpu.VMEM),
            pl.BlockSpec(memory_space=pl.ANY),
            pl.BlockSpec(memory_space=pl.ANY),
            pl.BlockSpec(memory_space=pl.ANY),
            pl.BlockSpec(memory_space=pl.ANY),
        ],
        out_shape=jax.ShapeDtypeStruct((b, E, d), f32),
        scratch_shapes=[
            pltpu.VMEM((6, d, d), f32),
            pltpu.VMEM((b, d, 128), f32),
            pltpu.VMEM((b, 128, d), f32),
            pltpu.VMEM((b, d), f32),
            pltpu.SemaphoreType.DMA((6,)),
        ],
        interpret=_INTERPRET,
    )(x, audio, bp, route, Wq, Wk, Wv, Wp)

    nch = 256
    out = pl.pallas_call(
        _combine_body,
        grid=(n // nch,),
        in_specs=[
            pl.BlockSpec((b, nch, d), lambda i: (0, i, 0)),
            pl.BlockSpec((nch, 4 * b), lambda i: (i, 0)),
            pl.BlockSpec((b, E, d), lambda i: (0, 0, 0)),
        ],
        out_specs=pl.BlockSpec((b, nch, d), lambda i: (0, i, 0)),
        out_shape=jax.ShapeDtypeStruct((b, n, d), f32),
        interpret=_INTERPRET,
    )(x, route, xo)

    return out, loss_arr[0, 0]

# --- scband reference (transcript-rebuilt; emitter-appended) ---
"""Pipeline reference for scband-mo-e-53566832115813 (READ-ONLY COPY).

The authoritative reference and input builder live on the scoring server;
editing this copy changes nothing except your own understanding.
"""

import jax, jax.numpy as jnp
import numpy as np

DIM = 1024
NUM_EXPERTS = 8
N_HEADS = 8
EPS = 1e-9
SECOND_THRESHOLD_EVAL = 0.2
CAPACITY_FACTOR_EVAL = 2.0
MIN_EXPERT_CAPACITY = 4
B, N = 2, 2048


def cumsum_exclusive(t, axis=-2):
    return jnp.cumsum(t, axis=axis) - t


def top1(t):
    v, i = jax.lax.top_k(t, 1)
    return v[..., 0], i[..., 0]


def setup_inputs():
    key = jax.random.PRNGKey(0)
    ks = jax.random.split(key, 8)
    b, n, d, e = B, N, DIM, NUM_EXPERTS
    s = 1.0 / np.sqrt(d)
    return {
        'x': jax.random.normal(ks[0], (b, n, d), dtype=jnp.float32),
        'audio_feat': jax.random.normal(ks[1], (b, 1, d), dtype=jnp.float32),
        'w_gating': jax.random.normal(ks[2], (d, e), dtype=jnp.float32),
        'Wq': jax.random.normal(ks[3], (e, d, d), dtype=jnp.float32) * s,
        'Wkv': jax.random.normal(ks[4], (e, d, 2 * d), dtype=jnp.float32) * s,
        'Wp': jax.random.normal(ks[5], (e, d, d), dtype=jnp.float32) * s,
        'bp': jnp.zeros((e, d), dtype=jnp.float32),
    }


def top2_gating(x, w_gating):
    b, group_size, d = x.shape
    num_gates = w_gating.shape[-1]
    raw_gates = jnp.einsum('bnd,de->bne', x, w_gating)
    raw_gates = jax.nn.softmax(raw_gates, axis=-1)
    gate_1, index_1 = top1(raw_gates)
    mask_1 = jax.nn.one_hot(index_1, num_gates, dtype=jnp.float32)
    density_1_proxy = raw_gates
    gates_without_top_1 = raw_gates * (1.0 - mask_1)
    gate_2, index_2 = top1(gates_without_top_1)
    mask_2 = jax.nn.one_hot(index_2, num_gates, dtype=jnp.float32)
    denom = gate_1 + gate_2 + EPS
    gate_1 = gate_1 / denom
    gate_2 = gate_2 / denom
    density_1 = jnp.mean(mask_1, axis=-2)
    density_1_proxy = jnp.mean(density_1_proxy, axis=-2)
    loss = jnp.mean(density_1_proxy * density_1) * float(num_gates ** 2)
    # eval-mode second policy == 'random' (fixed key for determinism)
    probs = jax.random.uniform(jax.random.PRNGKey(42), gate_2.shape, dtype=jnp.float32)
    mask_2 = mask_2 * (probs < jax.lax.stop_gradient(gate_2) / max(SECOND_THRESHOLD_EVAL, EPS)).astype(jnp.float32)[..., None]
    expert_capacity = min(group_size, int(group_size * CAPACITY_FACTOR_EVAL / num_gates))
    expert_capacity = max(expert_capacity, MIN_EXPERT_CAPACITY)
    expert_capacity_f = float(expert_capacity)
    position_in_expert_1 = cumsum_exclusive(mask_1, axis=-2) * mask_1
    mask_1 = mask_1 * (position_in_expert_1 < expert_capacity_f).astype(jnp.float32)
    mask_1_count = jnp.sum(mask_1, axis=-2, keepdims=True)
    mask_1_flat = jnp.sum(mask_1, axis=-1)
    position_in_expert_1 = jnp.sum(position_in_expert_1, axis=-1)
    gate_1 = gate_1 * mask_1_flat
    position_in_expert_2 = cumsum_exclusive(mask_2, axis=-2) + mask_1_count
    position_in_expert_2 = position_in_expert_2 * mask_2
    mask_2 = mask_2 * (position_in_expert_2 < expert_capacity_f).astype(jnp.float32)
    mask_2_flat = jnp.sum(mask_2, axis=-1)
    position_in_expert_2 = jnp.sum(position_in_expert_2, axis=-1)
    gate_2 = gate_2 * mask_2_flat
    combine_tensor = (
        gate_1[..., None, None] * mask_1_flat[..., None, None]
        * jax.nn.one_hot(index_1, num_gates, dtype=jnp.float32)[..., None]
        * jax.nn.one_hot(position_in_expert_1.astype(jnp.int32), expert_capacity, dtype=jnp.float32)[..., None, :]
        + gate_2[..., None, None] * mask_2_flat[..., None, None]
        * jax.nn.one_hot(index_2, num_gates, dtype=jnp.float32)[..., None]
        * jax.nn.one_hot(position_in_expert_2.astype(jnp.int32), expert_capacity, dtype=jnp.float32)[..., None, :]
    )
    dispatch_tensor = (jax.lax.stop_gradient(combine_tensor) != 0).astype(combine_tensor.dtype)
    return dispatch_tensor, combine_tensor, loss


def cross_modal_mixer(fm, audio, Wq, Wkv, Wp, bp):
    B_, N_, C = fm.shape
    H = N_HEADS
    Dh = C // H
    scale = float(Dh) ** -0.5
    q = (audio @ Wq).reshape(B_, 1, H, Dh).transpose(0, 2, 1, 3)
    kv = (fm @ Wkv).reshape(B_, N_, 2, H, Dh).transpose(2, 0, 3, 1, 4)
    k, v = kv[0], kv[1]
    attn = jnp.einsum('bhqd,bhkd->bhqk', q, k) * scale
    attn = jax.nn.softmax(attn, axis=-1)
    xo = jnp.einsum('bhqk,bhkd->bhqd', attn, v).transpose(0, 2, 1, 3).reshape(B_, 1, C)
    xo = xo @ Wp + bp
    xo = jax.nn.sigmoid(xo)
    return fm * xo  # == einsum('bnc,bc->bnc', fm, xo.squeeze())


def reference(x, audio_feat, w_gating, Wq, Wkv, Wp, bp):
    dispatch, combine, loss = top2_gating(x, w_gating)
    expert_inputs = jnp.einsum('bnd,bnec->becd', x, dispatch)
    outs = []
    for ei in range(NUM_EXPERTS):
        outs.append(cross_modal_mixer(expert_inputs[:, ei], audio_feat, Wq[ei], Wkv[ei], Wp[ei], bp[ei]))
    expert_outputs = jnp.stack(outs, axis=1)
    out = jnp.einsum('becd,bnec->bnd', expert_outputs, combine)
    return out, loss

if __name__ == "__main__":
    import jax
    _d = setup_inputs()
    print(jax.jit(kernel)(*tuple(_d.values())))

</pallas_src>

<mosaic_0001>
#map = affine_map<(d0, d1) -> (0, 0)>
#map1 = affine_map<(d0, d1) -> (0, 0, 0)>
module attributes {stable_mosaic.version = 14 : i64} {
  func.func @sc_routing(%arg0: i32, %arg1: i32, %arg2: memref<2x2048xi32, #tpu.memory_space<hbm>>, %arg3: memref<2x8x2048xi32, #tpu.memory_space<hbm>>, %arg4: memref<2048xi32, #tpu.memory_space<vmem>>, %arg5: memref<2048xi32, #tpu.memory_space<vmem>>) attributes {dimension_semantics = [#tpu.dimension_semantics<core_parallel>, #tpu.dimension_semantics<subcore_parallel>], iteration_bounds = array<i64: 2, 16>, scalar_prefetch = 0 : i64, scratch_operands = 2 : i64, tpu.core_type = #tpu.core_type<sc_vector_subcore>, window_params = [{transform_indices = #map}, {transform_indices = #map1}]} {
    %eq3A = arith.constant 0 : i32
    %eq3A_0 = arith.cmpi eq, %arg0, %eq3A : i32
    %convert_element_type3A = arith.extui %eq3A_0 : i1 to i32
    %cond3A = arith.constant 0 : i32
    %cond3A_1 = arith.cmpi ne, %convert_element_type3A, %cond3A : i32
    scf.if %cond3A_1 {
      %div3A = arith.constant 8 : i32
      %div3A_2 = arith.divsi %arg1, %div3A : i32
      %rem3A = arith.constant 8 : i32
      %rem3A_3 = arith.remsi %arg1, %rem3A : i32
      "tpu.region"() ({
        %run_scoped3A = tpu.sem_alloc : memref<!tpu.dma_semaphore, #tpu.memory_space<semaphore_mem>>
        %dma_start3A = arith.constant 0 : i32
        %dma_start3A_22 = tpu.memref_slice %arg2[%div3A_2, %dma_start3A] : memref<2x2048xi32, #tpu.memory_space<hbm>> -> memref<1x2048xi32, #tpu.memory_space<hbm>>
        %dma_start3A_23 = tpu.memref_squeeze %dma_start3A_22 : memref<1x2048xi32, #tpu.memory_space<hbm>> -> memref<2048xi32, #tpu.memory_space<hbm>>
        %dma_start3A_24 = arith.constant 0 : i32
        %dma_start3A_25 = tpu.memref_slice %arg2[%div3A_2, %dma_start3A_24] : memref<2x2048xi32, #tpu.memory_space<hbm>> -> memref<1x2048xi32, #tpu.memory_space<hbm>>
        %dma_start3A_26 = tpu.memref_squeeze %dma_start3A_25 : memref<1x2048xi32, #tpu.memory_space<hbm>> -> memref<2048xi32, #tpu.memory_space<hbm>>
        tpu.enqueue_dma source(%dma_start3A_26 : memref<2048xi32, #tpu.memory_space<hbm>>) target(%arg4 : memref<2048xi32, #tpu.memory_space<vmem>>) target_semaphore(%run_scoped3A : memref<!tpu.dma_semaphore, #tpu.memory_space<semaphore_mem>>)
        %dma_wait3A = arith.constant 0 : i32
        %dma_wait3A_27 = tpu.memref_slice %arg2[%div3A_2, %dma_wait3A] : memref<2x2048xi32, #tpu.memory_space<hbm>> -> memref<1x2048xi32, #tpu.memory_space<hbm>>
        %dma_wait3A_28 = tpu.memref_squeeze %dma_wait3A_27 : memref<1x2048xi32, #tpu.memory_space<hbm>> -> memref<2048xi32, #tpu.memory_space<hbm>>
        %dma_wait3A_29 = arith.constant 0 : i32
        %dma_wait3A_30 = tpu.memref_slice %arg2[%div3A_2, %dma_wait3A_29] : memref<2x2048xi32, #tpu.memory_space<hbm>> -> memref<1x2048xi32, #tpu.memory_space<hbm>>
        %dma_wait3A_31 = tpu.memref_squeeze %dma_wait3A_30 : memref<1x2048xi32, #tpu.memory_space<hbm>> -> memref<2048xi32, #tpu.memory_space<hbm>>
        tpu.wait_dma2 semaphore(%run_scoped3A : memref<!tpu.dma_semaphore, #tpu.memory_space<semaphore_mem>>) src(%dma_wait3A_31 : memref<2048xi32, #tpu.memory_space<hbm>>) dst(%arg4 : memref<2048xi32, #tpu.memory_space<vmem>>)
        tpu.yield
      }) : () -> ()
      %iota3A = tpu.iota {dimensions = array<i32: 0>} : vector<16xi32>
      %mul3A = arith.constant 0 : i32
      %mul3A_4 = vector.broadcast %mul3A : i32 to vector<16xi32>
      %mul3A_5 = arith.muli %iota3A, %mul3A_4 : vector<16xi32>
      %add3A = arith.constant 15 : i32
      %add3A_6 = vector.broadcast %add3A : i32 to vector<16xi32>
      %add3A_7 = arith.addi %mul3A_5, %add3A_6 : vector<16xi32>
      %broadcast_in_dim3A = arith.constant 0 : i32
      %broadcast_in_dim3A_8 = vector.broadcast %broadcast_in_dim3A : i32 to vector<16xi32>
      %scan3A = arith.constant 0 : i32
      %scan3A_9 = arith.constant 128 : i32
      %scan3A_10 = arith.addi %scan3A, %scan3A_9 : i32
      %scan3A_11 = arith.constant 1 : i32
      %scan3A_12 = scf.for %scan3A_22 = %scan3A to %scan3A_10 step %scan3A_11 iter_args(%scan3A_23 = %broadcast_in_dim3A_8) -> (vector<16xi32>)  : i32 {
        %mul3A_24 = arith.constant 16 : i32
        %mul3A_25 = arith.muli %scan3A_22, %mul3A_24 : i32
        %get3A = arith.index_cast %mul3A_25 : i32 to index
        %get3A_26 = tpu.vector_load %arg4[%get3A] {strides = array<i32>} : memref<2048xi32, #tpu.memory_space<vmem>>, vector<16xi32>,
        %get3A_27 = vector.shape_cast %get3A_26 : vector<16xi32> to vector<16xi32>
        %and3A = arith.constant 7 : i32
        %and3A_28 = vector.broadcast %and3A : i32 to vector<16xi32>
        %and3A_29 = arith.andi %get3A_27, %and3A_28 : vector<16xi32>
        %eq3A_30 = vector.broadcast %rem3A_3 : i32 to vector<16xi32>
        %eq3A_31 = arith.cmpi eq, %and3A_29, %eq3A_30 : vector<16xi32>
        %jit3A = arith.constant 1 : i32
        %jit3A_32 = arith.constant 0 : i32
        %broadcast_in_dim3A_33 = vector.broadcast %jit3A : i32 to vector<16xi32>
        %broadcast_in_dim3A_34 = vector.broadcast %jit3A_32 : i32 to vector<16xi32>
        %select_n3A = arith.select %eq3A_31, %broadcast_in_dim3A_33, %broadcast_in_dim3A_34 : vector<16xi1>, vector<16xi32>
        %sub3A = arith.constant 1 : i32
        %sub3A_35 = vector.broadcast %sub3A : i32 to vector<16xi32>
        %sub3A_36 = arith.subi %iota3A, %sub3A_35 : vector<16xi32>
        %max3A = arith.constant 0 : i32
        %max3A_37 = vector.broadcast %max3A : i32 to vector<16xi32>
        %max3A_38 = arith.maxsi %sub3A_36, %max3A_37 : vector<16xi32>
        %lt3A = arith.constant 0 : i32
        %lt3A_39 = vector.broadcast %lt3A : i32 to vector<16xi32>
        %lt3A_40 = arith.cmpi slt, %max3A_38, %lt3A_39 : vector<16xi32>
        %add3A_41 = arith.constant 16 : i32
        %add3A_42 = vector.broadcast %add3A_41 : i32 to vector<16xi32>
        %add3A_43 = arith.addi %max3A_38, %add3A_42 : vector<16xi32>
        %select_n3A_44 = arith.select %lt3A_40, %add3A_43, %max3A_38 : vector<16xi1>, vector<16xi32>
        %broadcast_in_dim3A_45 = vector.shape_cast %select_n3A_44 : vector<16xi32> to vector<16x1xi32>
        %gather3A = vector.shape_cast %broadcast_in_dim3A_45 : vector<16x1xi32> to vector<16xi32>
        %gather3A_46 = tpu.dynamic_gather %select_n3A[%gather3A] in [0] : vector<16xi32>, vector<16xi32> -> vector<16xi32>
        %ge3A = arith.constant 1 : i32
        %ge3A_47 = vector.broadcast %ge3A : i32 to vector<16xi32>
        %ge3A_48 = arith.cmpi sge, %iota3A, %ge3A_47 : vector<16xi32>
        %jit3A_49 = arith.constant 0 : i32
        %broadcast_in_dim3A_50 = vector.broadcast %jit3A_49 : i32 to vector<16xi32>
        %select_n3A_51 = arith.select %ge3A_48, %gather3A_46, %broadcast_in_dim3A_50 : vector<16xi1>, vector<16xi32>
        %add3A_52 = arith.addi %select_n3A, %select_n3A_51 : vector<16xi32>
        %sub3A_53 = arith.constant 2 : i32
        %sub3A_54 = vector.broadcast %sub3A_53 : i32 to vector<16xi32>
        %sub3A_55 = arith.subi %iota3A, %sub3A_54 : vector<16xi32>
        %max3A_56 = arith.constant 0 : i32
        %max3A_57 = vector.broadcast %max3A_56 : i32 to vector<16xi32>
        %max3A_58 = arith.maxsi %sub3A_55, %max3A_57 : vector<16xi32>
        %lt3A_59 = arith.constant 0 : i32
        %lt3A_60 = vector.broadcast %lt3A_59 : i32 to vector<16xi32>
        %lt3A_61 = arith.cmpi slt, %max3A_58, %lt3A_60 : vector<16xi32>
        %add3A_62 = arith.constant 16 : i32
        %add3A_63 = vector.broadcast %add3A_62 : i32 to vector<16xi32>
        %add3A_64 = arith.addi %max3A_58, %add3A_63 : vector<16xi32>
        %select_n3A_65 = arith.select %lt3A_61, %add3A_64, %max3A_58 : vector<16xi1>, vector<16xi32>
        %broadcast_in_dim3A_66 = vector.shape_cast %select_n3A_65 : vector<16xi32> to vector<16x1xi32>
        %gather3A_67 = vector.shape_cast %broadcast_in_dim3A_66 : vector<16x1xi32> to vector<16xi32>
        %gather3A_68 = tpu.dynamic_gather %add3A_52[%gather3A_67] in [0] : vector<16xi32>, vector<16xi32> -> vector<16xi32>
        %ge3A_69 = arith.constant 2 : i32
        %ge3A_70 = vector.broadcast %ge3A_69 : i32 to vector<16xi32>
        %ge3A_71 = arith.cmpi sge, %iota3A, %ge3A_70 : vector<16xi32>
        %jit3A_72 = arith.constant 0 : i32
        %broadcast_in_dim3A_73 = vector.broadcast %jit3A_72 : i32 to vector<16xi32>
        %select_n3A_74 = arith.select %ge3A_71, %gather3A_68, %broadcast_in_dim3A_73 : vector<16xi1>, vector<16xi32>
        %add3A_75 = arith.addi %add3A_52, %select_n3A_74 : vector<16xi32>
        %sub3A_76 = arith.constant 4 : i32
        %sub3A_77 = vector.broadcast %sub3A_76 : i32 to vector<16xi32>
        %sub3A_78 = arith.subi %iota3A, %sub3A_77 : vector<16xi32>
        %max3A_79 = arith.constant 0 : i32
        %max3A_80 = vector.broadcast %max3A_79 : i32 to vector<16xi32>
        %max3A_81 = arith.maxsi %sub3A_78, %max3A_80 : vector<16xi32>
        %lt3A_82 = arith.constant 0 : i32
        %lt3A_83 = vector.broadcast %lt3A_82 : i32 to vector<16xi32>
        %lt3A_84 = arith.cmpi slt, %max3A_81, %lt3A_83 : vector<16xi32>
        %add3A_85 = arith.constant 16 : i32
        %add3A_86 = vector.broadcast %add3A_85 : i32 to vector<16xi32>
        %add3A_87 = arith.addi %max3A_81, %add3A_86 : vector<16xi32>
        %select_n3A_88 = arith.select %lt3A_84, %add3A_87, %max3A_81 : vector<16xi1>, vector<16xi32>
        %broadcast_in_dim3A_89 = vector.shape_cast %select_n3A_88 : vector<16xi32> to vector<16x1xi32>
        %gather3A_90 = vector.shape_cast %broadcast_in_dim3A_89 : vector<16x1xi32> to vector<16xi32>
        %gather3A_91 = tpu.dynamic_gather %add3A_75[%gather3A_90] in [0] : vector<16xi32>, vector<16xi32> -> vector<16xi32>
        %ge3A_92 = arith.constant 4 : i32
        %ge3A_93 = vector.broadcast %ge3A_92 : i32 to vector<16xi32>
        %ge3A_94 = arith.cmpi sge, %iota3A, %ge3A_93 : vector<16xi32>
        %jit3A_95 = arith.constant 0 : i32
        %broadcast_in_dim3A_96 = vector.broadcast %jit3A_95 : i32 to vector<16xi32>
        %select_n3A_97 = arith.select %ge3A_94, %gather3A_91, %broadcast_in_dim3A_96 : vector<16xi1>, vector<16xi32>
        %add3A_98 = arith.addi %add3A_75, %select_n3A_97 : vector<16xi32>
        %sub3A_99 = arith.constant 8 : i32
        %sub3A_100 = vector.broadcast %sub3A_99 : i32 to vector<16xi32>
        %sub3A_101 = arith.subi %iota3A, %sub3A_100 : vector<16xi32>
        %max3A_102 = arith.constant 0 : i32
        %max3A_103 = vector.broadcast %max3A_102 : i32 to vector<16xi32>
        %max3A_104 = arith.maxsi %sub3A_101, %max3A_103 : vector<16xi32>
        %lt3A_105 = arith.constant 0 : i32
        %lt3A_106 = vector.broadcast %lt3A_105 : i32 to vector<16xi32>
        %lt3A_107 = arith.cmpi slt, %max3A_104, %lt3A_106 : vector<16xi32>
        %add3A_108 = arith.constant 16 : i32
        %add3A_109 = vector.broadcast %add3A_108 : i32 to vector<16xi32>
        %add3A_110 = arith.addi %max3A_104, %add3A_109 : vector<16xi32>
        %select_n3A_111 = arith.select %lt3A_107, %add3A_110, %max3A_104 : vector<16xi1>, vector<16xi32>
        %broadcast_in_dim3A_112 = vector.shape_cast %select_n3A_111 : vector<16xi32> to vector<16x1xi32>
        %gather3A_113 = vector.shape_cast %broadcast_in_dim3A_112 : vector<16x1xi32> to vector<16xi32>
        %gather3A_114 = tpu.dynamic_gather %add3A_98[%gather3A_113] in [0] : vector<16xi32>, vector<16xi32> -> vector<16xi32>
        %ge3A_115 = arith.constant 8 : i32
        %ge3A_116 = vector.broadcast %ge3A_115 : i32 to vector<16xi32>
        %ge3A_117 = arith.cmpi sge, %iota3A, %ge3A_116 : vector<16xi32>
        %jit3A_118 = arith.constant 0 : i32
        %broadcast_in_dim3A_119 = vector.broadcast %jit3A_118 : i32 to vector<16xi32>
        %select_n3A_120 = arith.select %ge3A_117, %gather3A_114, %broadcast_in_dim3A_119 : vector<16xi1>, vector<16xi32>
        %add3A_121 = arith.addi %add3A_98, %select_n3A_120 : vector<16xi32>
        %add3A_122 = arith.addi %scan3A_23, %add3A_121 : vector<16xi32>
        %sub3A_123 = arith.subi %add3A_122, %select_n3A : vector<16xi32>
        %eq3A_124 = arith.constant 1 : i32
        %eq3A_125 = vector.broadcast %eq3A_124 : i32 to vector<16xi32>
        %eq3A_126 = arith.cmpi eq, %select_n3A, %eq3A_125 : vector<16xi32>
        %lt3A_127 = arith.constant 512 : i32
        %lt3A_128 = vector.broadcast %lt3A_127 : i32 to vector<16xi32>
        %lt3A_129 = arith.cmpi slt, %sub3A_123, %lt3A_128 : vector<16xi32>
        %and3A_130 = arith.andi %eq3A_126, %lt3A_129 : vector<16xi1>
        %jit3A_131 = arith.constant 1 : i32
        %jit3A_132 = arith.constant 0 : i32
        %broadcast_in_dim3A_133 = vector.broadcast %jit3A_131 : i32 to vector<16xi32>
        %broadcast_in_dim3A_134 = vector.broadcast %jit3A_132 : i32 to vector<16xi32>
        %select_n3A_135 = arith.select %and3A_130, %broadcast_in_dim3A_133, %broadcast_in_dim3A_134 : vector<16xi1>, vector<16xi32>
        %swap3A = arith.index_cast %mul3A_25 : i32 to index
        %swap3A_136 = tpu.vector_load %arg5[%swap3A] {strides = array<i32>} : memref<2048xi32, #tpu.memory_space<vmem>>, vector<16xi32>,
        %swap3A_137 = vector.shape_cast %swap3A_136 : vector<16xi32> to vector<16xi32>
        %swap3A_138 = vector.shape_cast %select_n3A_135 : vector<16xi32> to vector<16xi32>
        tpu.vector_store %arg5[%swap3A], %swap3A_138 {strides = array<i32>} : memref<2048xi32, #tpu.memory_space<vmem>>, vector<16xi32>,
        %lt3A_139 = arith.constant 0 : i32
        %lt3A_140 = vector.broadcast %lt3A_139 : i32 to vector<16xi32>
        %lt3A_141 = arith.cmpi slt, %add3A_7, %lt3A_140 : vector<16xi32>
        %add3A_142 = arith.constant 16 : i32
        %add3A_143 = vector.broadcast %add3A_142 : i32 to vector<16xi32>
        %add3A_144 = arith.addi %add3A_7, %add3A_143 : vector<16xi32>
        %select_n3A_145 = arith.select %lt3A_141, %add3A_144, %add3A_7 : vector<16xi1>, vector<16xi32>
        %broadcast_in_dim3A_146 = vector.shape_cast %select_n3A_145 : vector<16xi32> to vector<16x1xi32>
        %gather3A_147 = vector.shape_cast %broadcast_in_dim3A_146 : vector<16x1xi32> to vector<16xi32>
        %gather3A_148 = tpu.dynamic_gather %add3A_121[%gather3A_147] in [0] : vector<16xi32>, vector<16xi32> -> vector<16xi32>
        %add3A_149 = arith.addi %scan3A_23, %gather3A_148 : vector<16xi32>
        scf.yield %add3A_149 : vector<16xi32>
      }
      %scan3A_13 = arith.constant 128 : i32
      %min3A = arith.constant 512 : i32
      %min3A_14 = vector.broadcast %min3A : i32 to vector<16xi32>
      %min3A_15 = arith.minsi %scan3A_12, %min3A_14 : vector<16xi32>
      %scan3A_16 = arith.constant 0 : i32
      %scan3A_17 = arith.constant 128 : i32
      %scan3A_18 = arith.addi %scan3A_16, %scan3A_17 : i32
      %scan3A_19 = arith.constant 1 : i32
      %scan3A_20 = scf.for %scan3A_22 = %scan3A_16 to %scan3A_18 step %scan3A_19 iter_args(%scan3A_23 = %min3A_15) -> (vector<16xi32>)  : i32 {
        %mul3A_24 = arith.constant 16 : i32
        %mul3A_25 = arith.muli %scan3A_22, %mul3A_24 : i32
        %get3A = arith.index_cast %mul3A_25 : i32 to index
        %get3A_26 = tpu.vector_load %arg4[%get3A] {strides = array<i32>} : memref<2048xi32, #tpu.memory_space<vmem>>, vector<16xi32>,
        %get3A_27 = vector.shape_cast %get3A_26 : vector<16xi32> to vector<16xi32>
        %shift_right_logical3A = arith.constant 3 : i32
        %shift_right_logical3A_28 = vector.broadcast %shift_right_logical3A : i32 to vector<16xi32>
        %shift_right_logical3A_29 = arith.shrui %get3A_27, %shift_right_logical3A_28 : vector<16xi32>
        %and3A = arith.constant 7 : i32
        %and3A_30 = vector.broadcast %and3A : i32 to vector<16xi32>
        %and3A_31 = arith.andi %shift_right_logical3A_29, %and3A_30 : vector<16xi32>
        %eq3A_32 = vector.broadcast %rem3A_3 : i32 to vector<16xi32>
        %eq3A_33 = arith.cmpi eq, %and3A_31, %eq3A_32 : vector<16xi32>
        %jit3A = arith.constant 1 : i32
        %jit3A_34 = arith.constant 0 : i32
        %broadcast_in_dim3A_35 = vector.broadcast %jit3A : i32 to vector<16xi32>
        %broadcast_in_dim3A_36 = vector.broadcast %jit3A_34 : i32 to vector<16xi32>
        %select_n3A = arith.select %eq3A_33, %broadcast_in_dim3A_35, %broadcast_in_dim3A_36 : vector<16xi1>, vector<16xi32>
        %shift_right_logical3A_37 = arith.constant 6 : i32
        %shift_right_logical3A_38 = vector.broadcast %shift_right_logical3A_37 : i32 to vector<16xi32>
        %shift_right_logical3A_39 = arith.shrui %get3A_27, %shift_right_logical3A_38 : vector<16xi32>
        %and3A_40 = arith.constant 1 : i32
        %and3A_41 = vector.broadcast %and3A_40 : i32 to vector<16xi32>
        %and3A_42 = arith.andi %shift_right_logical3A_39, %and3A_41 : vector<16xi32>
        %mul3A_43 = arith.muli %select_n3A, %and3A_42 : vector<16xi32>
        %sub3A = arith.constant 1 : i32
        %sub3A_44 = vector.broadcast %sub3A : i32 to vector<16xi32>
        %sub3A_45 = arith.subi %iota3A, %sub3A_44 : vector<16xi32>
        %max3A = arith.constant 0 : i32
        %max3A_46 = vector.broadcast %max3A : i32 to vector<16xi32>
        %max3A_47 = arith.maxsi %sub3A_45, %max3A_46 : vector<16xi32>
        %lt3A = arith.constant 0 : i32
        %lt3A_48 = vector.broadcast %lt3A : i32 to vector<16xi32>
        %lt3A_49 = arith.cmpi slt, %max3A_47, %lt3A_48 : vector<16xi32>
        %add3A_50 = arith.constant 16 : i32
        %add3A_51 = vector.broadcast %add3A_50 : i32 to vector<16xi32>
        %add3A_52 = arith.addi %max3A_47, %add3A_51 : vector<16xi32>
        %select_n3A_53 = arith.select %lt3A_49, %add3A_52, %max3A_47 : vector<16xi1>, vector<16xi32>
        %broadcast_in_dim3A_54 = vector.shape_cast %select_n3A_53 : vector<16xi32> to vector<16x1xi32>
        %gather3A = vector.shape_cast %broadcast_in_dim3A_54 : vector<16x1xi32> to vector<16xi32>
        %gather3A_55 = tpu.dynamic_gather %mul3A_43[%gather3A] in [0] : vector<16xi32>, vector<16xi32> -> vector<16xi32>
        %ge3A = arith.constant 1 : i32
        %ge3A_56 = vector.broadcast %ge3A : i32 to vector<16xi32>
        %ge3A_57 = arith.cmpi sge, %iota3A, %ge3A_56 : vector<16xi32>
        %jit3A_58 = arith.constant 0 : i32
        %broadcast_in_dim3A_59 = vector.broadcast %jit3A_58 : i32 to vector<16xi32>
        %select_n3A_60 = arith.select %ge3A_57, %gather3A_55, %broadcast_in_dim3A_59 : vector<16xi1>, vector<16xi32>
        %add3A_61 = arith.addi %mul3A_43, %select_n3A_60 : vector<16xi32>
        %sub3A_62 = arith.constant 2 : i32
        %sub3A_63 = vector.broadcast %sub3A_62 : i32 to vector<16xi32>
        %sub3A_64 = arith.subi %iota3A, %sub3A_63 : vector<16xi32>
        %max3A_65 = arith.constant 0 : i32
        %max3A_66 = vector.broadcast %max3A_65 : i32 to vector<16xi32>
        %max3A_67 = arith.maxsi %sub3A_64, %max3A_66 : vector<16xi32>
        %lt3A_68 = arith.constant 0 : i32
        %lt3A_69 = vector.broadcast %lt3A_68 : i32 to vector<16xi32>
        %lt3A_70 = arith.cmpi slt, %max3A_67, %lt3A_69 : vector<16xi32>
        %add3A_71 = arith.constant 16 : i32
        %add3A_72 = vector.broadcast %add3A_71 : i32 to vector<16xi32>
        %add3A_73 = arith.addi %max3A_67, %add3A_72 : vector<16xi32>
        %select_n3A_74 = arith.select %lt3A_70, %add3A_73, %max3A_67 : vector<16xi1>, vector<16xi32>
        %broadcast_in_dim3A_75 = vector.shape_cast %select_n3A_74 : vector<16xi32> to vector<16x1xi32>
        %gather3A_76 = vector.shape_cast %broadcast_in_dim3A_75 : vector<16x1xi32> to vector<16xi32>
        %gather3A_77 = tpu.dynamic_gather %add3A_61[%gather3A_76] in [0] : vector<16xi32>, vector<16xi32> -> vector<16xi32>
        %ge3A_78 = arith.constant 2 : i32
        %ge3A_79 = vector.broadcast %ge3A_78 : i32 to vector<16xi32>
        %ge3A_80 = arith.cmpi sge, %iota3A, %ge3A_79 : vector<16xi32>
        %jit3A_81 = arith.constant 0 : i32
        %broadcast_in_dim3A_82 = vector.broadcast %jit3A_81 : i32 to vector<16xi32>
        %select_n3A_83 = arith.select %ge3A_80, %gather3A_77, %broadcast_in_dim3A_82 : vector<16xi1>, vector<16xi32>
        %add3A_84 = arith.addi %add3A_61, %select_n3A_83 : vector<16xi32>
        %sub3A_85 = arith.constant 4 : i32
        %sub3A_86 = vector.broadcast %sub3A_85 : i32 to vector<16xi32>
        %sub3A_87 = arith.subi %iota3A, %sub3A_86 : vector<16xi32>
        %max3A_88 = arith.constant 0 : i32
        %max3A_89 = vector.broadcast %max3A_88 : i32 to vector<16xi32>
        %max3A_90 = arith.maxsi %sub3A_87, %max3A_89 : vector<16xi32>
        %lt3A_91 = arith.constant 0 : i32
        %lt3A_92 = vector.broadcast %lt3A_91 : i32 to vector<16xi32>
        %lt3A_93 = arith.cmpi slt, %max3A_90, %lt3A_92 : vector<16xi32>
        %add3A_94 = arith.constant 16 : i32
        %add3A_95 = vector.broadcast %add3A_94 : i32 to vector<16xi32>
        %add3A_96 = arith.addi %max3A_90, %add3A_95 : vector<16xi32>
        %select_n3A_97 = arith.select %lt3A_93, %add3A_96, %max3A_90 : vector<16xi1>, vector<16xi32>
        %broadcast_in_dim3A_98 = vector.shape_cast %select_n3A_97 : vector<16xi32> to vector<16x1xi32>
        %gather3A_99 = vector.shape_cast %broadcast_in_dim3A_98 : vector<16x1xi32> to vector<16xi32>
        %gather3A_100 = tpu.dynamic_gather %add3A_84[%gather3A_99] in [0] : vector<16xi32>, vector<16xi32> -> vector<16xi32>
        %ge3A_101 = arith.constant 4 : i32
        %ge3A_102 = vector.broadcast %ge3A_101 : i32 to vector<16xi32>
        %ge3A_103 = arith.cmpi sge, %iota3A, %ge3A_102 : vector<16xi32>
        %jit3A_104 = arith.constant 0 : i32
        %broadcast_in_dim3A_105 = vector.broadcast %jit3A_104 : i32 to vector<16xi32>
        %select_n3A_106 = arith.select %ge3A_103, %gather3A_100, %broadcast_in_dim3A_105 : vector<16xi1>, vector<16xi32>
        %add3A_107 = arith.addi %add3A_84, %select_n3A_106 : vector<16xi32>
        %sub3A_108 = arith.constant 8 : i32
        %sub3A_109 = vector.broadcast %sub3A_108 : i32 to vector<16xi32>
        %sub3A_110 = arith.subi %iota3A, %sub3A_109 : vector<16xi32>
        %max3A_111 = arith.constant 0 : i32
        %max3A_112 = vector.broadcast %max3A_111 : i32 to vector<16xi32>
        %max3A_113 = arith.maxsi %sub3A_110, %max3A_112 : vector<16xi32>
        %lt3A_114 = arith.constant 0 : i32
        %lt3A_115 = vector.broadcast %lt3A_114 : i32 to vector<16xi32>
        %lt3A_116 = arith.cmpi slt, %max3A_113, %lt3A_115 : vector<16xi32>
        %add3A_117 = arith.constant 16 : i32
        %add3A_118 = vector.broadcast %add3A_117 : i32 to vector<16xi32>
        %add3A_119 = arith.addi %max3A_113, %add3A_118 : vector<16xi32>
        %select_n3A_120 = arith.select %lt3A_116, %add3A_119, %max3A_113 : vector<16xi1>, vector<16xi32>
        %broadcast_in_dim3A_121 = vector.shape_cast %select_n3A_120 : vector<16xi32> to vector<16x1xi32>
        %gather3A_122 = vector.shape_cast %broadcast_in_dim3A_121 : vector<16x1xi32> to vector<16xi32>
        %gather3A_123 = tpu.dynamic_gather %add3A_107[%gather3A_122] in [0] : vector<16xi32>, vector<16xi32> -> vector<16xi32>
        %ge3A_124 = arith.constant 8 : i32
        %ge3A_125 = vector.broadcast %ge3A_124 : i32 to vector<16xi32>
        %ge3A_126 = arith.cmpi sge, %iota3A, %ge3A_125 : vector<16xi32>
        %jit3A_127 = arith.constant 0 : i32
        %broadcast_in_dim3A_128 = vector.broadcast %jit3A_127 : i32 to vector<16xi32>
        %select_n3A_129 = arith.select %ge3A_126, %gather3A_123, %broadcast_in_dim3A_128 : vector<16xi1>, vector<16xi32>
        %add3A_130 = arith.addi %add3A_107, %select_n3A_129 : vector<16xi32>
        %add3A_131 = arith.addi %scan3A_23, %add3A_130 : vector<16xi32>
        %sub3A_132 = arith.subi %add3A_131, %mul3A_43 : vector<16xi32>
        %eq3A_133 = arith.constant 1 : i32
        %eq3A_134 = vector.broadcast %eq3A_133 : i32 to vector<16xi32>
        %eq3A_135 = arith.cmpi eq, %mul3A_43, %eq3A_134 : vector<16xi32>
        %lt3A_136 = arith.constant 512 : i32
        %lt3A_137 = vector.broadcast %lt3A_136 : i32 to vector<16xi32>
        %lt3A_138 = arith.cmpi slt, %sub3A_132, %lt3A_137 : vector<16xi32>
        %and3A_139 = arith.andi %eq3A_135, %lt3A_138 : vector<16xi1>
        %jit3A_140 = arith.constant 1 : i32
        %jit3A_141 = arith.constant 0 : i32
        %broadcast_in_dim3A_142 = vector.broadcast %jit3A_140 : i32 to vector<16xi32>
        %broadcast_in_dim3A_143 = vector.broadcast %jit3A_141 : i32 to vector<16xi32>
        %select_n3A_144 = arith.select %and3A_139, %broadcast_in_dim3A_142, %broadcast_in_dim3A_143 : vector<16xi1>, vector<16xi32>
        %get3A_145 = arith.index_cast %mul3A_25 : i32 to index
        %get3A_146 = tpu.vector_load %arg5[%get3A_145] {strides = array<i32>} : memref<2048xi32, #tpu.memory_space<vmem>>, vector<16xi32>,
        %get3A_147 = vector.shape_cast %get3A_146 : vector<16xi32> to vector<16xi32>
        %mul3A_148 = arith.constant 2 : i32
        %mul3A_149 = vector.broadcast %mul3A_148 : i32 to vector<16xi32>
        %mul3A_150 = arith.muli %mul3A_149, %select_n3A_144 : vector<16xi32>
        %add3A_151 = arith.addi %get3A_147, %mul3A_150 : vector<16xi32>
        %swap3A = arith.index_cast %mul3A_25 : i32 to index
        %swap3A_152 = tpu.vector_load %arg5[%swap3A] {strides = array<i32>} : memref<2048xi32, #tpu.memory_space<vmem>>, vector<16xi32>,
        %swap3A_153 = vector.shape_cast %swap3A_152 : vector<16xi32> to vector<16xi32>
        %swap3A_154 = vector.shape_cast %add3A_151 : vector<16xi32> to vector<16xi32>
        tpu.vector_store %arg5[%swap3A], %swap3A_154 {strides = array<i32>} : memref<2048xi32, #tpu.memory_space<vmem>>, vector<16xi32>,
        %lt3A_155 = arith.constant 0 : i32
        %lt3A_156 = vector.broadcast %lt3A_155 : i32 to vector<16xi32>
        %lt3A_157 = arith.cmpi slt, %add3A_7, %lt3A_156 : vector<16xi32>
        %add3A_158 = arith.constant 16 : i32
        %add3A_159 = vector.broadcast %add3A_158 : i32 to vector<16xi32>
        %add3A_160 = arith.addi %add3A_7, %add3A_159 : vector<16xi32>
        %select_n3A_161 = arith.select %lt3A_157, %add3A_160, %add3A_7 : vector<16xi1>, vector<16xi32>
        %broadcast_in_dim3A_162 = vector.shape_cast %select_n3A_161 : vector<16xi32> to vector<16x1xi32>
        %gather3A_163 = vector.shape_cast %broadcast_in_dim3A_162 : vector<16x1xi32> to vector<16xi32>
        %gather3A_164 = tpu.dynamic_gather %add3A_130[%gather3A_163] in [0] : vector<16xi32>, vector<16xi32> -> vector<16xi32>
        %add3A_165 = arith.addi %scan3A_23, %gather3A_164 : vector<16xi32>
        scf.yield %add3A_165 : vector<16xi32>
      }
      %scan3A_21 = arith.constant 128 : i32
      "tpu.region"() ({
        %run_scoped3A = tpu.sem_alloc : memref<!tpu.dma_semaphore, #tpu.memory_space<semaphore_mem>>
        %dma_start3A = arith.constant 0 : i32
        %dma_start3A_22 = tpu.memref_slice %arg3[%div3A_2, %rem3A_3, %dma_start3A] : memref<2x8x2048xi32, #tpu.memory_space<hbm>> -> memref<1x1x2048xi32, #tpu.memory_space<hbm>>
        %dma_start3A_23 = tpu.memref_squeeze %dma_start3A_22 : memref<1x1x2048xi32, #tpu.memory_space<hbm>> -> memref<2048xi32, #tpu.memory_space<hbm>>
        %dma_start3A_24 = arith.constant 0 : i32
        %dma_start3A_25 = tpu.memref_slice %arg3[%div3A_2, %rem3A_3, %dma_start3A_24] : memref<2x8x2048xi32, #tpu.memory_space<hbm>> -> memref<1x1x2048xi32, #tpu.memory_space<hbm>>
        %dma_start3A_26 = tpu.memref_squeeze %dma_start3A_25 : memref<1x1x2048xi32, #tpu.memory_space<hbm>> -> memref<2048xi32, #tpu.memory_space<hbm>>
        tpu.enqueue_dma source(%arg5 : memref<2048xi32, #tpu.memory_space<vmem>>) target(%dma_start3A_26 : memref<2048xi32, #tpu.memory_space<hbm>>) target_semaphore(%run_scoped3A : memref<!tpu.dma_semaphore, #tpu.memory_space<semaphore_mem>>)
        %dma_wait3A = arith.constant 0 : i32
        %dma_wait3A_27 = tpu.memref_slice %arg3[%div3A_2, %rem3A_3, %dma_wait3A] : memref<2x8x2048xi32, #tpu.memory_space<hbm>> -> memref<1x1x2048xi32, #tpu.memory_space<hbm>>
        %dma_wait3A_28 = tpu.memref_squeeze %dma_wait3A_27 : memref<1x1x2048xi32, #tpu.memory_space<hbm>> -> memref<2048xi32, #tpu.memory_space<hbm>>
        %dma_wait3A_29 = arith.constant 0 : i32
        %dma_wait3A_30 = tpu.memref_slice %arg3[%div3A_2, %rem3A_3, %dma_wait3A_29] : memref<2x8x2048xi32, #tpu.memory_space<hbm>> -> memref<1x1x2048xi32, #tpu.memory_space<hbm>>
        %dma_wait3A_31 = tpu.memref_squeeze %dma_wait3A_30 : memref<1x1x2048xi32, #tpu.memory_space<hbm>> -> memref<2048xi32, #tpu.memory_space<hbm>>
        tpu.wait_dma2 semaphore(%run_scoped3A : memref<!tpu.dma_semaphore, #tpu.memory_space<semaphore_mem>>) src(%arg5 : memref<2048xi32, #tpu.memory_space<vmem>>) dst(%dma_wait3A_31 : memref<2048xi32, #tpu.memory_space<hbm>>)
        tpu.yield
      }) : () -> ()
    } else {
    }
    return
  }
}

module attributes {stable_mosaic.version = 14 : i64} {
  func.func @_gating_body(%arg0: memref<2x2048x1024xf32, #tpu.memory_space<vmem>>, %arg1: memref<1024x128xf32, #tpu.memory_space<vmem>>, %arg2: memref<2048x2xf32, #tpu.memory_space<vmem>>, %arg3: memref<2048x2xi32, #tpu.memory_space<vmem>>, %arg4: memref<2048x8xf32, #tpu.memory_space<vmem>>, %arg5: memref<1x1xf32, #tpu.memory_space<vmem>>) attributes {dimension_semantics = [], scalar_prefetch = 0 : i64, scratch_operands = 0 : i64, tpu.core_type = #tpu.core_type<tc>} {
    %broadcast_in_dim3A = arith.constant 0.000000e+00 : f32
    %broadcast_in_dim3A_0 = vector.broadcast %broadcast_in_dim3A : f32 to vector<1x1xf32>
    %get3A = arith.constant 0 : index
    %get3A_1 = arith.constant 0 : index
    %get3A_2 = arith.constant 0 : index
    %get3A_3 = vector.load %arg0[%get3A, %get3A_1, %get3A_2] : memref<2x2048x1024xf32, #tpu.memory_space<vmem>>, vector<1x2048x1024xf32>
    %get3A_4 = vector.shape_cast %get3A_3 : vector<1x2048x1024xf32> to vector<2048x1024xf32>
    %get3A_5 = arith.constant 0 : index
    %get3A_6 = arith.constant 0 : index
    %get3A_7 = vector.load %arg1[%get3A_5, %get3A_6] : memref<1024x128xf32, #tpu.memory_space<vmem>>, vector<1024x128xf32>
    %dot_general3A = arith.constant dense<0.000000e+00> : vector<2048x128xf32>
    %dot_general3A_8 = tpu.matmul %get3A_4, %get3A_7, %dot_general3A {dimension_numbers = #tpu.dot_dimension_numbers<[1], [0], [0], [1], [0, 0, 1, 1], [], []>, transpose_lhs_hint = false} : vector<2048x1024xf32>, vector<1024x128xf32>, vector<2048x128xf32> -> vector<2048x128xf32>
    %iota3A = tpu.iota {dimensions = array<i32: 1>} : vector<2048x128xi32>
    %lt3A = arith.constant 8 : i32
    %lt3A_9 = vector.broadcast %lt3A : i32 to vector<2048x128xi32>
    %lt3A_10 = arith.cmpi slt, %iota3A, %lt3A_9 : vector<2048x128xi32>
    %jit3A = arith.constant -1.000000e+30 : f32
    %broadcast_in_dim3A_11 = vector.broadcast %jit3A : f32 to vector<2048x128xf32>
    %select_n3A = arith.select %lt3A_10, %dot_general3A_8, %broadcast_in_dim3A_11 : vector<2048x128xi1>, vector<2048x128xf32>
    %reduce_max3A = arith.constant dense<0xFF800000> : vector<2048xf32>
    %reduce_max3A_12 = vector.multi_reduction <maximumf>, %select_n3A, %reduce_max3A [1] : vector<2048x128xf32> to vector<2048xf32>
    %broadcast_in_dim3A_13 = vector.shape_cast %reduce_max3A_12 : vector<2048xf32> to vector<2048x1xf32>
    %sub3A = vector.broadcast %broadcast_in_dim3A_13 : vector<2048x1xf32> to vector<2048x128xf32>
    %sub3A_14 = arith.subf %select_n3A, %sub3A : vector<2048x128xf32>
    %exp3A = math.exp %sub3A_14 : vector<2048x128xf32>
    %reduce_sum3A = arith.constant dense<0.000000e+00> : vector<2048xf32>
    %reduce_sum3A_15 = vector.multi_reduction <add>, %exp3A, %reduce_sum3A [1] : vector<2048x128xf32> to vector<2048xf32>
    %broadcast_in_dim3A_16 = vector.shape_cast %reduce_sum3A_15 : vector<2048xf32> to vector<2048x1xf32>
    %div3A = vector.broadcast %broadcast_in_dim3A_16 : vector<2048x1xf32> to vector<2048x128xf32>
    %div3A_17 = arith.divf %exp3A, %div3A : vector<2048x128xf32>
    %reduce_max3A_18 = arith.constant dense<0xFF800000> : vector<2048xf32>
    %reduce_max3A_19 = vector.multi_reduction <maximumf>, %div3A_17, %reduce_max3A_18 [1] : vector<2048x128xf32> to vector<2048xf32>
    %broadcast_in_dim3A_20 = vector.shape_cast %reduce_max3A_19 : vector<2048xf32> to vector<2048x1xf32>
    %eq3A = vector.broadcast %broadcast_in_dim3A_20 : vector<2048x1xf32> to vector<2048x128xf32>
    %eq3A_21 = arith.cmpf oeq, %div3A_17, %eq3A : vector<2048x128xf32>
    %lt3A_22 = arith.constant 8 : i32
    %lt3A_23 = vector.broadcast %lt3A_22 : i32 to vector<2048x128xi32>
    %lt3A_24 = arith.cmpi slt, %iota3A, %lt3A_23 : vector<2048x128xi32>
    %and3A = arith.andi %eq3A_21, %lt3A_24 : vector<2048x128xi1>
    %jit3A_25 = arith.constant 128 : i32
    %broadcast_in_dim3A_26 = vector.broadcast %jit3A_25 : i32 to vector<2048x128xi32>
    %select_n3A_27 = arith.select %and3A, %iota3A, %broadcast_in_dim3A_26 : vector<2048x128xi1>, vector<2048x128xi32>
    %reduce_min3A = arith.constant dense<2147483647> : vector<2048xi32>
    %reduce_min3A_28 = vector.multi_reduction <minsi>, %select_n3A_27, %reduce_min3A [1] : vector<2048x128xi32> to vector<2048xi32>
    %broadcast_in_dim3A_29 = vector.shape_cast %reduce_min3A_28 : vector<2048xi32> to vector<2048x1xi32>
    %eq3A_30 = vector.broadcast %broadcast_in_dim3A_29 : vector<2048x1xi32> to vector<2048x128xi32>
    %eq3A_31 = arith.cmpi eq, %iota3A, %eq3A_30 : vector<2048x128xi32>
    %convert_element_type3A = arith.extui %eq3A_31 : vector<2048x128xi1> to vector<2048x128xi32>
    %convert_element_type3A_32 = arith.sitofp %convert_element_type3A : vector<2048x128xi32> to vector<2048x128xf32>
    %sub3A_33 = arith.constant 1.000000e+00 : f32
    %sub3A_34 = vector.broadcast %sub3A_33 : f32 to vector<2048x128xf32>
    %sub3A_35 = arith.subf %sub3A_34, %convert_element_type3A_32 : vector<2048x128xf32>
    %mul3A = arith.mulf %div3A_17, %sub3A_35 : vector<2048x128xf32>
    %reduce_max3A_36 = arith.constant dense<0xFF800000> : vector<2048xf32>
    %reduce_max3A_37 = vector.multi_reduction <maximumf>, %mul3A, %reduce_max3A_36 [1] : vector<2048x128xf32> to vector<2048xf32>
    %broadcast_in_dim3A_38 = vector.shape_cast %reduce_max3A_37 : vector<2048xf32> to vector<2048x1xf32>
    %eq3A_39 = vector.broadcast %broadcast_in_dim3A_38 : vector<2048x1xf32> to vector<2048x128xf32>
    %eq3A_40 = arith.cmpf oeq, %mul3A, %eq3A_39 : vector<2048x128xf32>
    %lt3A_41 = arith.constant 8 : i32
    %lt3A_42 = vector.broadcast %lt3A_41 : i32 to vector<2048x128xi32>
    %lt3A_43 = arith.cmpi slt, %iota3A, %lt3A_42 : vector<2048x128xi32>
    %and3A_44 = arith.andi %eq3A_40, %lt3A_43 : vector<2048x128xi1>
    %jit3A_45 = arith.constant 128 : i32
    %broadcast_in_dim3A_46 = vector.broadcast %jit3A_45 : i32 to vector<2048x128xi32>
    %select_n3A_47 = arith.select %and3A_44, %iota3A, %broadcast_in_dim3A_46 : vector<2048x128xi1>, vector<2048x128xi32>
    %reduce_min3A_48 = arith.constant dense<2147483647> : vector<2048xi32>
    %reduce_min3A_49 = vector.multi_reduction <minsi>, %select_n3A_47, %reduce_min3A_48 [1] : vector<2048x128xi32> to vector<2048xi32>
    %broadcast_in_dim3A_50 = vector.shape_cast %reduce_min3A_49 : vector<2048xi32> to vector<2048x1xi32>
    %add3A = arith.addf %broadcast_in_dim3A_20, %broadcast_in_dim3A_38 : vector<2048x1xf32>
    %add3A_51 = arith.constant 9.99999971E-10 : f32
    %add3A_52 = vector.broadcast %add3A_51 : f32 to vector<2048x1xf32>
    %add3A_53 = arith.addf %add3A, %add3A_52 : vector<2048x1xf32>
    %div3A_54 = arith.divf %broadcast_in_dim3A_20, %add3A_53 : vector<2048x1xf32>
    %div3A_55 = arith.divf %broadcast_in_dim3A_38, %add3A_53 : vector<2048x1xf32>
    %get3A_56 = arith.constant 0 : index
    %get3A_57 = arith.constant 0 : index
    %get3A_58 = vector.load %arg2[%get3A_56, %get3A_57] : memref<2048x2xf32, #tpu.memory_space<vmem>>, vector<2048x1xf32>
    %div3A_59 = arith.constant 2.000000e-01 : f32
    %div3A_60 = vector.broadcast %div3A_59 : f32 to vector<2048x1xf32>
    %div3A_61 = arith.divf %div3A_55, %div3A_60 : vector<2048x1xf32>
    %lt3A_62 = arith.cmpf olt, %get3A_58, %div3A_61 : vector<2048x1xf32>
    %jit3A_63 = arith.constant 1 : i32
    %jit3A_64 = arith.constant 0 : i32
    %broadcast_in_dim3A_65 = vector.broadcast %jit3A_63 : i32 to vector<2048x1xi32>
    %broadcast_in_dim3A_66 = vector.broadcast %jit3A_64 : i32 to vector<2048x1xi32>
    %select_n3A_67 = arith.select %lt3A_62, %broadcast_in_dim3A_65, %broadcast_in_dim3A_66 : vector<2048x1xi1>, vector<2048x1xi32>
    %reduce_sum3A_68 = arith.constant dense<0.000000e+00> : vector<128xf32>
    %reduce_sum3A_69 = vector.multi_reduction <add>, %div3A_17, %reduce_sum3A_68 [0] : vector<2048x128xf32> to vector<128xf32>
    %broadcast_in_dim3A_70 = vector.shape_cast %reduce_sum3A_69 : vector<128xf32> to vector<1x128xf32>
    %div3A_71 = arith.constant 2.048000e+03 : f32
    %div3A_72 = vector.broadcast %div3A_71 : f32 to vector<1x128xf32>
    %div3A_73 = arith.divf %broadcast_in_dim3A_70, %div3A_72 : vector<1x128xf32>
    %reduce_sum3A_74 = arith.constant dense<0.000000e+00> : vector<128xf32>
    %reduce_sum3A_75 = vector.multi_reduction <add>, %convert_element_type3A_32, %reduce_sum3A_74 [0] : vector<2048x128xf32> to vector<128xf32>
    %broadcast_in_dim3A_76 = vector.shape_cast %reduce_sum3A_75 : vector<128xf32> to vector<1x128xf32>
    %div3A_77 = arith.constant 2.048000e+03 : f32
    %div3A_78 = vector.broadcast %div3A_77 : f32 to vector<1x128xf32>
    %div3A_79 = arith.divf %broadcast_in_dim3A_76, %div3A_78 : vector<1x128xf32>
    %mul3A_80 = arith.mulf %div3A_73, %div3A_79 : vector<1x128xf32>
    %reduce_sum3A_81 = vector.shape_cast %mul3A_80 : vector<1x128xf32> to vector<1x1x128xf32>
    %reduce_sum3A_82 = arith.constant dense<0.000000e+00> : vector<1xf32>
    %reduce_sum3A_83 = vector.multi_reduction <add>, %reduce_sum3A_81, %reduce_sum3A_82 [1, 2] : vector<1x1x128xf32> to vector<1xf32>
    %reduce_sum3A_84 = vector.shape_cast %reduce_sum3A_83 : vector<1xf32> to vector<1x1x1xf32>
    %reduce_sum3A_85 = vector.extract %reduce_sum3A_84[0, 0, 0] : f32 from vector<1x1x1xf32>
    %broadcast_in_dim3A_86 = vector.broadcast %reduce_sum3A_85 : f32 to vector<1x1xf32>
    %add3A_87 = arith.addf %broadcast_in_dim3A_0, %broadcast_in_dim3A_86 : vector<1x1xf32>
    %mul3A_88 = arith.constant 8 : i32
    %mul3A_89 = vector.broadcast %mul3A_88 : i32 to vector<2048x1xi32>
    %mul3A_90 = arith.muli %mul3A_89, %broadcast_in_dim3A_50 : vector<2048x1xi32>
    %add3A_91 = arith.addi %broadcast_in_dim3A_29, %mul3A_90 : vector<2048x1xi32>
    %mul3A_92 = arith.constant 64 : i32
    %mul3A_93 = vector.broadcast %mul3A_92 : i32 to vector<2048x1xi32>
    %mul3A_94 = arith.muli %mul3A_93, %select_n3A_67 : vector<2048x1xi32>
    %add3A_95 = arith.addi %add3A_91, %mul3A_94 : vector<2048x1xi32>
    %swap3A = arith.constant 0 : index
    %swap3A_96 = arith.constant 0 : index
    %swap3A_97 = vector.load %arg3[%swap3A, %swap3A_96] : memref<2048x2xi32, #tpu.memory_space<vmem>>, vector<2048x1xi32>
    tpu.vector_store %arg3[%swap3A, %swap3A_96], %add3A_95 {strides = array<i32>} : memref<2048x2xi32, #tpu.memory_space<vmem>>, vector<2048x1xi32>,
    %convert_element_type3A_98 = arith.sitofp %broadcast_in_dim3A_29 : vector<2048x1xi32> to vector<2048x1xf32>
    %swap3A_99 = arith.constant 0 : index
    %swap3A_100 = arith.constant 0 : index
    %swap3A_101 = vector.load %arg4[%swap3A_99, %swap3A_100] : memref<2048x8xf32, #tpu.memory_space<vmem>>, vector<2048x1xf32>
    tpu.vector_store %arg4[%swap3A_99, %swap3A_100], %convert_element_type3A_98 {strides = array<i32>} : memref<2048x8xf32, #tpu.memory_space<vmem>>, vector<2048x1xf32>,
    %convert_element_type3A_102 = arith.sitofp %broadcast_in_dim3A_50 : vector<2048x1xi32> to vector<2048x1xf32>
    %swap3A_103 = arith.constant 0 : index
    %swap3A_104 = arith.constant 1 : index
    %swap3A_105 = vector.load %arg4[%swap3A_103, %swap3A_104] : memref<2048x8xf32, #tpu.memory_space<vmem>>, vector<2048x1xf32>
    tpu.vector_store %arg4[%swap3A_103, %swap3A_104], %convert_element_type3A_102 {strides = array<i32>} : memref<2048x8xf32, #tpu.memory_space<vmem>>, vector<2048x1xf32>,
    %swap3A_106 = arith.constant 0 : index
    %swap3A_107 = arith.constant 2 : index
    %swap3A_108 = vector.load %arg4[%swap3A_106, %swap3A_107] : memref<2048x8xf32, #tpu.memory_space<vmem>>, vector<2048x1xf32>
    tpu.vector_store %arg4[%swap3A_106, %swap3A_107], %div3A_54 {strides = array<i32>} : memref<2048x8xf32, #tpu.memory_space<vmem>>, vector<2048x1xf32>,
    %swap3A_109 = arith.constant 0 : index
    %swap3A_110 = arith.constant 3 : index
    %swap3A_111 = vector.load %arg4[%swap3A_109, %swap3A_110] : memref<2048x8xf32, #tpu.memory_space<vmem>>, vector<2048x1xf32>
    tpu.vector_store %arg4[%swap3A_109, %swap3A_110], %div3A_55 {strides = array<i32>} : memref<2048x8xf32, #tpu.memory_space<vmem>>, vector<2048x1xf32>,
    %get3A_112 = arith.constant 1 : index
    %get3A_113 = arith.constant 0 : index
    %get3A_114 = arith.constant 0 : index
    %get3A_115 = vector.load %arg0[%get3A_112, %get3A_113, %get3A_114] : memref<2x2048x1024xf32, #tpu.memory_space<vmem>>, vector<1x2048x1024xf32>
    %get3A_116 = vector.shape_cast %get3A_115 : vector<1x2048x1024xf32> to vector<2048x1024xf32>
    %get3A_117 = arith.constant 0 : index
    %get3A_118 = arith.constant 0 : index
    %get3A_119 = vector.load %arg1[%get3A_117, %get3A_118] : memref<1024x128xf32, #tpu.memory_space<vmem>>, vector<1024x128xf32>
    %dot_general3A_120 = arith.constant dense<0.000000e+00> : vector<2048x128xf32>
    %dot_general3A_121 = tpu.matmul %get3A_116, %get3A_119, %dot_general3A_120 {dimension_numbers = #tpu.dot_dimension_numbers<[1], [0], [0], [1], [0, 0, 1, 1], [], []>, transpose_lhs_hint = false} : vector<2048x1024xf32>, vector<1024x128xf32>, vector<2048x128xf32> -> vector<2048x128xf32>
    %iota3A_122 = tpu.iota {dimensions = array<i32: 1>} : vector<2048x128xi32>
    %lt3A_123 = arith.constant 8 : i32
    %lt3A_124 = vector.broadcast %lt3A_123 : i32 to vector<2048x128xi32>
    %lt3A_125 = arith.cmpi slt, %iota3A_122, %lt3A_124 : vector<2048x128xi32>
    %jit3A_126 = arith.constant -1.000000e+30 : f32
    %broadcast_in_dim3A_127 = vector.broadcast %jit3A_126 : f32 to vector<2048x128xf32>
    %select_n3A_128 = arith.select %lt3A_125, %dot_general3A_121, %broadcast_in_dim3A_127 : vector<2048x128xi1>, vector<2048x128xf32>
    %reduce_max3A_129 = arith.constant dense<0xFF800000> : vector<2048xf32>
    %reduce_max3A_130 = vector.multi_reduction <maximumf>, %select_n3A_128, %reduce_max3A_129 [1] : vector<2048x128xf32> to vector<2048xf32>
    %broadcast_in_dim3A_131 = vector.shape_cast %reduce_max3A_130 : vector<2048xf32> to vector<2048x1xf32>
    %sub3A_132 = vector.broadcast %broadcast_in_dim3A_131 : vector<2048x1xf32> to vector<2048x128xf32>
    %sub3A_133 = arith.subf %select_n3A_128, %sub3A_132 : vector<2048x128xf32>
    %exp3A_134 = math.exp %sub3A_133 : vector<2048x128xf32>
    %reduce_sum3A_135 = arith.constant dense<0.000000e+00> : vector<2048xf32>
    %reduce_sum3A_136 = vector.multi_reduction <add>, %exp3A_134, %reduce_sum3A_135 [1] : vector<2048x128xf32> to vector<2048xf32>
    %broadcast_in_dim3A_137 = vector.shape_cast %reduce_sum3A_136 : vector<2048xf32> to vector<2048x1xf32>
    %div3A_138 = vector.broadcast %broadcast_in_dim3A_137 : vector<2048x1xf32> to vector<2048x128xf32>
    %div3A_139 = arith.divf %exp3A_134, %div3A_138 : vector<2048x128xf32>
    %reduce_max3A_140 = arith.constant dense<0xFF800000> : vector<2048xf32>
    %reduce_max3A_141 = vector.multi_reduction <maximumf>, %div3A_139, %reduce_max3A_140 [1] : vector<2048x128xf32> to vector<2048xf32>
    %broadcast_in_dim3A_142 = vector.shape_cast %reduce_max3A_141 : vector<2048xf32> to vector<2048x1xf32>
    %eq3A_143 = vector.broadcast %broadcast_in_dim3A_142 : vector<2048x1xf32> to vector<2048x128xf32>
    %eq3A_144 = arith.cmpf oeq, %div3A_139, %eq3A_143 : vector<2048x128xf32>
    %lt3A_145 = arith.constant 8 : i32
    %lt3A_146 = vector.broadcast %lt3A_145 : i32 to vector<2048x128xi32>
    %lt3A_147 = arith.cmpi slt, %iota3A_122, %lt3A_146 : vector<2048x128xi32>
    %and3A_148 = arith.andi %eq3A_144, %lt3A_147 : vector<2048x128xi1>
    %jit3A_149 = arith.constant 128 : i32
    %broadcast_in_dim3A_150 = vector.broadcast %jit3A_149 : i32 to vector<2048x128xi32>
    %select_n3A_151 = arith.select %and3A_148, %iota3A_122, %broadcast_in_dim3A_150 : vector<2048x128xi1>, vector<2048x128xi32>
    %reduce_min3A_152 = arith.constant dense<2147483647> : vector<2048xi32>
    %reduce_min3A_153 = vector.multi_reduction <minsi>, %select_n3A_151, %reduce_min3A_152 [1] : vector<2048x128xi32> to vector<2048xi32>
    %broadcast_in_dim3A_154 = vector.shape_cast %reduce_min3A_153 : vector<2048xi32> to vector<2048x1xi32>
    %eq3A_155 = vector.broadcast %broadcast_in_dim3A_154 : vector<2048x1xi32> to vector<2048x128xi32>
    %eq3A_156 = arith.cmpi eq, %iota3A_122, %eq3A_155 : vector<2048x128xi32>
    %convert_element_type3A_157 = arith.extui %eq3A_156 : vector<2048x128xi1> to vector<2048x128xi32>
    %convert_element_type3A_158 = arith.sitofp %convert_element_type3A_157 : vector<2048x128xi32> to vector<2048x128xf32>
    %sub3A_159 = arith.constant 1.000000e+00 : f32
    %sub3A_160 = vector.broadcast %sub3A_159 : f32 to vector<2048x128xf32>
    %sub3A_161 = arith.subf %sub3A_160, %convert_element_type3A_158 : vector<2048x128xf32>
    %mul3A_162 = arith.mulf %div3A_139, %sub3A_161 : vector<2048x128xf32>
    %reduce_max3A_163 = arith.constant dense<0xFF800000> : vector<2048xf32>
    %reduce_max3A_164 = vector.multi_reduction <maximumf>, %mul3A_162, %reduce_max3A_163 [1] : vector<2048x128xf32> to vector<2048xf32>
    %broadcast_in_dim3A_165 = vector.shape_cast %reduce_max3A_164 : vector<2048xf32> to vector<2048x1xf32>
    %eq3A_166 = vector.broadcast %broadcast_in_dim3A_165 : vector<2048x1xf32> to vector<2048x128xf32>
    %eq3A_167 = arith.cmpf oeq, %mul3A_162, %eq3A_166 : vector<2048x128xf32>
    %lt3A_168 = arith.constant 8 : i32
    %lt3A_169 = vector.broadcast %lt3A_168 : i32 to vector<2048x128xi32>
    %lt3A_170 = arith.cmpi slt, %iota3A_122, %lt3A_169 : vector<2048x128xi32>
    %and3A_171 = arith.andi %eq3A_167, %lt3A_170 : vector<2048x128xi1>
    %jit3A_172 = arith.constant 128 : i32
    %broadcast_in_dim3A_173 = vector.broadcast %jit3A_172 : i32 to vector<2048x128xi32>
    %select_n3A_174 = arith.select %and3A_171, %iota3A_122, %broadcast_in_dim3A_173 : vector<2048x128xi1>, vector<2048x128xi32>
    %reduce_min3A_175 = arith.constant dense<2147483647> : vector<2048xi32>
    %reduce_min3A_176 = vector.multi_reduction <minsi>, %select_n3A_174, %reduce_min3A_175 [1] : vector<2048x128xi32> to vector<2048xi32>
    %broadcast_in_dim3A_177 = vector.shape_cast %reduce_min3A_176 : vector<2048xi32> to vector<2048x1xi32>
    %add3A_178 = arith.addf %broadcast_in_dim3A_142, %broadcast_in_dim3A_165 : vector<2048x1xf32>
    %add3A_179 = arith.constant 9.99999971E-10 : f32
    %add3A_180 = vector.broadcast %add3A_179 : f32 to vector<2048x1xf32>
    %add3A_181 = arith.addf %add3A_178, %add3A_180 : vector<2048x1xf32>
    %div3A_182 = arith.divf %broadcast_in_dim3A_142, %add3A_181 : vector<2048x1xf32>
    %div3A_183 = arith.divf %broadcast_in_dim3A_165, %add3A_181 : vector<2048x1xf32>
    %get3A_184 = arith.constant 0 : index
    %get3A_185 = arith.constant 1 : index
    %get3A_186 = vector.load %arg2[%get3A_184, %get3A_185] : memref<2048x2xf32, #tpu.memory_space<vmem>>, vector<2048x1xf32>
    %div3A_187 = arith.constant 2.000000e-01 : f32
    %div3A_188 = vector.broadcast %div3A_187 : f32 to vector<2048x1xf32>
    %div3A_189 = arith.divf %div3A_183, %div3A_188 : vector<2048x1xf32>
    %lt3A_190 = arith.cmpf olt, %get3A_186, %div3A_189 : vector<2048x1xf32>
    %jit3A_191 = arith.constant 1 : i32
    %jit3A_192 = arith.constant 0 : i32
    %broadcast_in_dim3A_193 = vector.broadcast %jit3A_191 : i32 to vector<2048x1xi32>
    %broadcast_in_dim3A_194 = vector.broadcast %jit3A_192 : i32 to vector<2048x1xi32>
    %select_n3A_195 = arith.select %lt3A_190, %broadcast_in_dim3A_193, %broadcast_in_dim3A_194 : vector<2048x1xi1>, vector<2048x1xi32>
    %reduce_sum3A_196 = arith.constant dense<0.000000e+00> : vector<128xf32>
    %reduce_sum3A_197 = vector.multi_reduction <add>, %div3A_139, %reduce_sum3A_196 [0] : vector<2048x128xf32> to vector<128xf32>
    %broadcast_in_dim3A_198 = vector.shape_cast %reduce_sum3A_197 : vector<128xf32> to vector<1x128xf32>
    %div3A_199 = arith.constant 2.048000e+03 : f32
    %div3A_200 = vector.broadcast %div3A_199 : f32 to vector<1x128xf32>
    %div3A_201 = arith.divf %broadcast_in_dim3A_198, %div3A_200 : vector<1x128xf32>
    %reduce_sum3A_202 = arith.constant dense<0.000000e+00> : vector<128xf32>
    %reduce_sum3A_203 = vector.multi_reduction <add>, %convert_element_type3A_158, %reduce_sum3A_202 [0] : vector<2048x128xf32> to vector<128xf32>
    %broadcast_in_dim3A_204 = vector.shape_cast %reduce_sum3A_203 : vector<128xf32> to vector<1x128xf32>
    %div3A_205 = arith.constant 2.048000e+03 : f32
    %div3A_206 = vector.broadcast %div3A_205 : f32 to vector<1x128xf32>
    %div3A_207 = arith.divf %broadcast_in_dim3A_204, %div3A_206 : vector<1x128xf32>
    %mul3A_208 = arith.mulf %div3A_201, %div3A_207 : vector<1x128xf32>
    %reduce_sum3A_209 = vector.shape_cast %mul3A_208 : vector<1x128xf32> to vector<1x1x128xf32>
    %reduce_sum3A_210 = arith.constant dense<0.000000e+00> : vector<1xf32>
    %reduce_sum3A_211 = vector.multi_reduction <add>, %reduce_sum3A_209, %reduce_sum3A_210 [1, 2] : vector<1x1x128xf32> to vector<1xf32>
    %reduce_sum3A_212 = vector.shape_cast %reduce_sum3A_211 : vector<1xf32> to vector<1x1x1xf32>
    %reduce_sum3A_213 = vector.extract %reduce_sum3A_212[0, 0, 0] : f32 from vector<1x1x1xf32>
    %broadcast_in_dim3A_214 = vector.broadcast %reduce_sum3A_213 : f32 to vector<1x1xf32>
    %add3A_215 = arith.addf %add3A_87, %broadcast_in_dim3A_214 : vector<1x1xf32>
    %mul3A_216 = arith.constant 8 : i32
    %mul3A_217 = vector.broadcast %mul3A_216 : i32 to vector<2048x1xi32>
    %mul3A_218 = arith.muli %mul3A_217, %broadcast_in_dim3A_177 : vector<2048x1xi32>
    %add3A_219 = arith.addi %broadcast_in_dim3A_154, %mul3A_218 : vector<2048x1xi32>
    %mul3A_220 = arith.constant 64 : i32
    %mul3A_221 = vector.broadcast %mul3A_220 : i32 to vector<2048x1xi32>
    %mul3A_222 = arith.muli %mul3A_221, %select_n3A_195 : vector<2048x1xi32>
    %add3A_223 = arith.addi %add3A_219, %mul3A_222 : vector<2048x1xi32>
    %swap3A_224 = arith.constant 0 : index
    %swap3A_225 = arith.constant 1 : index
    %swap3A_226 = vector.load %arg3[%swap3A_224, %swap3A_225] : memref<2048x2xi32, #tpu.memory_space<vmem>>, vector<2048x1xi32>
    tpu.vector_store %arg3[%swap3A_224, %swap3A_225], %add3A_223 {strides = array<i32>} : memref<2048x2xi32, #tpu.memory_space<vmem>>, vector<2048x1xi32>,
    %convert_element_type3A_227 = arith.sitofp %broadcast_in_dim3A_154 : vector<2048x1xi32> to vector<2048x1xf32>
    %swap3A_228 = arith.constant 0 : index
    %swap3A_229 = arith.constant 4 : index
    %swap3A_230 = vector.load %arg4[%swap3A_228, %swap3A_229] : memref<2048x8xf32, #tpu.memory_space<vmem>>, vector<2048x1xf32>
    tpu.vector_store %arg4[%swap3A_228, %swap3A_229], %convert_element_type3A_227 {strides = array<i32>} : memref<2048x8xf32, #tpu.memory_space<vmem>>, vector<2048x1xf32>,
    %convert_element_type3A_231 = arith.sitofp %broadcast_in_dim3A_177 : vector<2048x1xi32> to vector<2048x1xf32>
    %swap3A_232 = arith.constant 0 : index
    %swap3A_233 = arith.constant 5 : index
    %swap3A_234 = vector.load %arg4[%swap3A_232, %swap3A_233] : memref<2048x8xf32, #tpu.memory_space<vmem>>, vector<2048x1xf32>
    tpu.vector_store %arg4[%swap3A_232, %swap3A_233], %convert_element_type3A_231 {strides = array<i32>} : memref<2048x8xf32, #tpu.memory_space<vmem>>, vector<2048x1xf32>,
    %swap3A_235 = arith.constant 0 : index
    %swap3A_236 = arith.constant 6 : index
    %swap3A_237 = vector.load %arg4[%swap3A_235, %swap3A_236] : memref<2048x8xf32, #tpu.memory_space<vmem>>, vector<2048x1xf32>
    tpu.vector_store %arg4[%swap3A_235, %swap3A_236], %div3A_182 {strides = array<i32>} : memref<2048x8xf32, #tpu.memory_space<vmem>>, vector<2048x1xf32>,
    %swap3A_238 = arith.constant 0 : index
    %swap3A_239 = arith.constant 7 : index
    %swap3A_240 = vector.load %arg4[%swap3A_238, %swap3A_239] : memref<2048x8xf32, #tpu.memory_space<vmem>>, vector<2048x1xf32>
    tpu.vector_store %arg4[%swap3A_238, %swap3A_239], %div3A_183 {strides = array<i32>} : memref<2048x8xf32, #tpu.memory_space<vmem>>, vector<2048x1xf32>,
    %mul3A_241 = arith.constant 4.000000e+00 : f32
    %mul3A_242 = vector.broadcast %mul3A_241 : f32 to vector<1x1xf32>
    %mul3A_243 = arith.mulf %add3A_215, %mul3A_242 : vector<1x1xf32>
    %swap3A_244 = arith.constant 0 : index
    %swap3A_245 = arith.constant 0 : index
    %swap3A_246 = vector.load %arg5[%swap3A_244, %swap3A_245] : memref<1x1xf32, #tpu.memory_space<vmem>>, vector<1x1xf32>
    tpu.vector_store %arg5[%swap3A_244, %swap3A_245], %mul3A_243 {strides = array<i32>} : memref<1x1xf32, #tpu.memory_space<vmem>>, vector<1x1xf32>,
    return
  }
}

module attributes {stable_mosaic.version = 14 : i64} {
  func.func @_moe_attn_body(%arg0: memref<2x2048x1024xf32, #tpu.memory_space<vmem>>, %arg1: memref<2x1024xf32, #tpu.memory_space<vmem>>, %arg2: memref<8x1024xf32, #tpu.memory_space<vmem>>, %arg3: memref<2048x8xf32, #tpu.memory_space<vmem>>, %arg4: memref<8x1024x1024xf32, #tpu.memory_space<any>>, %arg5: memref<8x1024x1024xf32, #tpu.memory_space<any>>, %arg6: memref<8x1024x1024xf32, #tpu.memory_space<any>>, %arg7: memref<8x1024x1024xf32, #tpu.memory_space<any>>, %arg8: memref<2x8x1024xf32, #tpu.memory_space<vmem>>, %arg9: memref<6x1024x1024xf32, #tpu.memory_space<vmem>>, %arg10: memref<2x1024x128xf32, #tpu.memory_space<vmem>>, %arg11: memref<2x128x1024xf32, #tpu.memory_space<vmem>>, %arg12: memref<2x1024xf32, #tpu.memory_space<vmem>>, %arg13: memref<6x!tpu.dma_semaphore, #tpu.memory_space<semaphore_mem>>) attributes {dimension_semantics = [], scalar_prefetch = 0 : i64, scratch_operands = 5 : i64, tpu.core_type = #tpu.core_type<tc>} {
    %dma_start3A = arith.constant 0 : i32
    %dma_start3A_0 = arith.constant 0 : i32
    %dma_start3A_1 = arith.constant 0 : i32
    %dma_start3A_2 = tpu.memref_slice %arg13[%dma_start3A_1] : memref<6x!tpu.dma_semaphore, #tpu.memory_space<semaphore_mem>> -> memref<1x!tpu.dma_semaphore, #tpu.memory_space<semaphore_mem>>
    %dma_start3A_3 = tpu.memref_squeeze %dma_start3A_2 : memref<1x!tpu.dma_semaphore, #tpu.memory_space<semaphore_mem>> -> memref<!tpu.dma_semaphore, #tpu.memory_space<semaphore_mem>>
    %dma_start3A_4 = arith.constant 0 : i32
    %dma_start3A_5 = arith.constant 0 : i32
    %dma_start3A_6 = tpu.memref_slice %arg9[%dma_start3A_0, %dma_start3A_4, %dma_start3A_5] : memref<6x1024x1024xf32, #tpu.memory_space<vmem>> -> memref<1x1024x1024xf32, #tpu.memory_space<vmem>>
    %dma_start3A_7 = tpu.memref_squeeze %dma_start3A_6 : memref<1x1024x1024xf32, #tpu.memory_space<vmem>> -> memref<1024x1024xf32, #tpu.memory_space<vmem>>
    %dma_start3A_8 = arith.constant 0 : i32
    %dma_start3A_9 = arith.constant 0 : i32
    %dma_start3A_10 = tpu.memref_slice %arg4[%dma_start3A, %dma_start3A_8, %dma_start3A_9] : memref<8x1024x1024xf32, #tpu.memory_space<any>> -> memref<1x1024x1024xf32, #tpu.memory_space<any>>
    %dma_start3A_11 = tpu.memref_squeeze %dma_start3A_10 : memref<1x1024x1024xf32, #tpu.memory_space<any>> -> memref<1024x1024xf32, #tpu.memory_space<any>>
    tpu.enqueue_dma source(%dma_start3A_11 : memref<1024x1024xf32, #tpu.memory_space<any>>) target(%dma_start3A_7 : memref<1024x1024xf32, #tpu.memory_space<vmem>>) target_semaphore(%dma_start3A_3 : memref<!tpu.dma_semaphore, #tpu.memory_space<semaphore_mem>>)
    %dma_start3A_12 = arith.constant 0 : i32
    %dma_start3A_13 = arith.constant 1 : i32
    %dma_start3A_14 = arith.constant 1 : i32
    %dma_start3A_15 = tpu.memref_slice %arg13[%dma_start3A_14] : memref<6x!tpu.dma_semaphore, #tpu.memory_space<semaphore_mem>> -> memref<1x!tpu.dma_semaphore, #tpu.memory_space<semaphore_mem>>
    %dma_start3A_16 = tpu.memref_squeeze %dma_start3A_15 : memref<1x!tpu.dma_semaphore, #tpu.memory_space<semaphore_mem>> -> memref<!tpu.dma_semaphore, #tpu.memory_space<semaphore_mem>>
    %dma_start3A_17 = arith.constant 0 : i32
    %dma_start3A_18 = arith.constant 0 : i32
    %dma_start3A_19 = tpu.memref_slice %arg9[%dma_start3A_13, %dma_start3A_17, %dma_start3A_18] : memref<6x1024x1024xf32, #tpu.memory_space<vmem>> -> memref<1x1024x1024xf32, #tpu.memory_space<vmem>>
    %dma_start3A_20 = tpu.memref_squeeze %dma_start3A_19 : memref<1x1024x1024xf32, #tpu.memory_space<vmem>> -> memref<1024x1024xf32, #tpu.memory_space<vmem>>
    %dma_start3A_21 = arith.constant 0 : i32
    %dma_start3A_22 = arith.constant 0 : i32
    %dma_start3A_23 = tpu.memref_slice %arg5[%dma_start3A_12, %dma_start3A_21, %dma_start3A_22] : memref<8x1024x1024xf32, #tpu.memory_space<any>> -> memref<1x1024x1024xf32, #tpu.memory_space<any>>
    %dma_start3A_24 = tpu.memref_squeeze %dma_start3A_23 : memref<1x1024x1024xf32, #tpu.memory_space<any>> -> memref<1024x1024xf32, #tpu.memory_space<any>>
    tpu.enqueue_dma source(%dma_start3A_24 : memref<1024x1024xf32, #tpu.memory_space<any>>) target(%dma_start3A_20 : memref<1024x1024xf32, #tpu.memory_space<vmem>>) target_semaphore(%dma_start3A_16 : memref<!tpu.dma_semaphore, #tpu.memory_space<semaphore_mem>>)
    %dma_start3A_25 = arith.constant 1 : i32
    %dma_start3A_26 = arith.constant 2 : i32
    %dma_start3A_27 = arith.constant 2 : i32
    %dma_start3A_28 = tpu.memref_slice %arg13[%dma_start3A_27] : memref<6x!tpu.dma_semaphore, #tpu.memory_space<semaphore_mem>> -> memref<1x!tpu.dma_semaphore, #tpu.memory_space<semaphore_mem>>
    %dma_start3A_29 = tpu.memref_squeeze %dma_start3A_28 : memref<1x!tpu.dma_semaphore, #tpu.memory_space<semaphore_mem>> -> memref<!tpu.dma_semaphore, #tpu.memory_space<semaphore_mem>>
    %dma_start3A_30 = arith.constant 0 : i32
    %dma_start3A_31 = arith.constant 0 : i32
    %dma_start3A_32 = tpu.memref_slice %arg9[%dma_start3A_26, %dma_start3A_30, %dma_start3A_31] : memref<6x1024x1024xf32, #tpu.memory_space<vmem>> -> memref<1x1024x1024xf32, #tpu.memory_space<vmem>>
    %dma_start3A_33 = tpu.memref_squeeze %dma_start3A_32 : memref<1x1024x1024xf32, #tpu.memory_space<vmem>> -> memref<1024x1024xf32, #tpu.memory_space<vmem>>
    %dma_start3A_34 = arith.constant 0 : i32
    %dma_start3A_35 = arith.constant 0 : i32
    %dma_start3A_36 = tpu.memref_slice %arg4[%dma_start3A_25, %dma_start3A_34, %dma_start3A_35] : memref<8x1024x1024xf32, #tpu.memory_space<any>> -> memref<1x1024x1024xf32, #tpu.memory_space<any>>
    %dma_start3A_37 = tpu.memref_squeeze %dma_start3A_36 : memref<1x1024x1024xf32, #tpu.memory_space<any>> -> memref<1024x1024xf32, #tpu.memory_space<any>>
    tpu.enqueue_dma source(%dma_start3A_37 : memref<1024x1024xf32, #tpu.memory_space<any>>) target(%dma_start3A_33 : memref<1024x1024xf32, #tpu.memory_space<vmem>>) target_semaphore(%dma_start3A_29 : memref<!tpu.dma_semaphore, #tpu.memory_space<semaphore_mem>>)
    %dma_start3A_38 = arith.constant 1 : i32
    %dma_start3A_39 = arith.constant 3 : i32
    %dma_start3A_40 = arith.constant 3 : i32
    %dma_start3A_41 = tpu.memref_slice %arg13[%dma_start3A_40] : memref<6x!tpu.dma_semaphore, #tpu.memory_space<semaphore_mem>> -> memref<1x!tpu.dma_semaphore, #tpu.memory_space<semaphore_mem>>
    %dma_start3A_42 = tpu.memref_squeeze %dma_start3A_41 : memref<1x!tpu.dma_semaphore, #tpu.memory_space<semaphore_mem>> -> memref<!tpu.dma_semaphore, #tpu.memory_space<semaphore_mem>>
    %dma_start3A_43 = arith.constant 0 : i32
    %dma_start3A_44 = arith.constant 0 : i32
    %dma_start3A_45 = tpu.memref_slice %arg9[%dma_start3A_39, %dma_start3A_43, %dma_start3A_44] : memref<6x1024x1024xf32, #tpu.memory_space<vmem>> -> memref<1x1024x1024xf32, #tpu.memory_space<vmem>>
    %dma_start3A_46 = tpu.memref_squeeze %dma_start3A_45 : memref<1x1024x1024xf32, #tpu.memory_space<vmem>> -> memref<1024x1024xf32, #tpu.memory_space<vmem>>
    %dma_start3A_47 = arith.constant 0 : i32
    %dma_start3A_48 = arith.constant 0 : i32
    %dma_start3A_49 = tpu.memref_slice %arg5[%dma_start3A_38, %dma_start3A_47, %dma_start3A_48] : memref<8x1024x1024xf32, #tpu.memory_space<any>> -> memref<1x1024x1024xf32, #tpu.memory_space<any>>
    %dma_start3A_50 = tpu.memref_squeeze %dma_start3A_49 : memref<1x1024x1024xf32, #tpu.memory_space<any>> -> memref<1024x1024xf32, #tpu.memory_space<any>>
    tpu.enqueue_dma source(%dma_start3A_50 : memref<1024x1024xf32, #tpu.memory_space<any>>) target(%dma_start3A_46 : memref<1024x1024xf32, #tpu.memory_space<vmem>>) target_semaphore(%dma_start3A_42 : memref<!tpu.dma_semaphore, #tpu.memory_space<semaphore_mem>>)
    %dma_start3A_51 = arith.constant 2 : i32
    %dma_start3A_52 = arith.constant 4 : i32
    %dma_start3A_53 = arith.constant 4 : i32
    %dma_start3A_54 = tpu.memref_slice %arg13[%dma_start3A_53] : memref<6x!tpu.dma_semaphore, #tpu.memory_space<semaphore_mem>> -> memref<1x!tpu.dma_semaphore, #tpu.memory_space<semaphore_mem>>
    %dma_start3A_55 = tpu.memref_squeeze %dma_start3A_54 : memref<1x!tpu.dma_semaphore, #tpu.memory_space<semaphore_mem>> -> memref<!tpu.dma_semaphore, #tpu.memory_space<semaphore_mem>>
    %dma_start3A_56 = arith.constant 0 : i32
    %dma_start3A_57 = arith.constant 0 : i32
    %dma_start3A_58 = tpu.memref_slice %arg9[%dma_start3A_52, %dma_start3A_56, %dma_start3A_57] : memref<6x1024x1024xf32, #tpu.memory_space<vmem>> -> memref<1x1024x1024xf32, #tpu.memory_space<vmem>>
    %dma_start3A_59 = tpu.memref_squeeze %dma_start3A_58 : memref<1x1024x1024xf32, #tpu.memory_space<vmem>> -> memref<1024x1024xf32, #tpu.memory_space<vmem>>
    %dma_start3A_60 = arith.constant 0 : i32
    %dma_start3A_61 = arith.constant 0 : i32
    %dma_start3A_62 = tpu.memref_slice %arg4[%dma_start3A_51, %dma_start3A_60, %dma_start3A_61] : memref<8x1024x1024xf32, #tpu.memory_space<any>> -> memref<1x1024x1024xf32, #tpu.memory_space<any>>
    %dma_start3A_63 = tpu.memref_squeeze %dma_start3A_62 : memref<1x1024x1024xf32, #tpu.memory_space<any>> -> memref<1024x1024xf32, #tpu.memory_space<any>>
    tpu.enqueue_dma source(%dma_start3A_63 : memref<1024x1024xf32, #tpu.memory_space<any>>) target(%dma_start3A_59 : memref<1024x1024xf32, #tpu.memory_space<vmem>>) target_semaphore(%dma_start3A_55 : memref<!tpu.dma_semaphore, #tpu.memory_space<semaphore_mem>>)
    %dma_start3A_64 = arith.constant 2 : i32
    %dma_start3A_65 = arith.constant 5 : i32
    %dma_start3A_66 = arith.constant 5 : i32
    %dma_start3A_67 = tpu.memref_slice %arg13[%dma_start3A_66] : memref<6x!tpu.dma_semaphore, #tpu.memory_space<semaphore_mem>> -> memref<1x!tpu.dma_semaphore, #tpu.memory_space<semaphore_mem>>
    %dma_start3A_68 = tpu.memref_squeeze %dma_start3A_67 : memref<1x!tpu.dma_semaphore, #tpu.memory_space<semaphore_mem>> -> memref<!tpu.dma_semaphore, #tpu.memory_space<semaphore_mem>>
    %dma_start3A_69 = arith.constant 0 : i32
    %dma_start3A_70 = arith.constant 0 : i32
    %dma_start3A_71 = tpu.memref_slice %arg9[%dma_start3A_65, %dma_start3A_69, %dma_start3A_70] : memref<6x1024x1024xf32, #tpu.memory_space<vmem>> -> memref<1x1024x1024xf32, #tpu.memory_space<vmem>>
    %dma_start3A_72 = tpu.memref_squeeze %dma_start3A_71 : memref<1x1024x1024xf32, #tpu.memory_space<vmem>> -> memref<1024x1024xf32, #tpu.memory_space<vmem>>
    %dma_start3A_73 = arith.constant 0 : i32
    %dma_start3A_74 = arith.constant 0 : i32
    %dma_start3A_75 = tpu.memref_slice %arg5[%dma_start3A_64, %dma_start3A_73, %dma_start3A_74] : memref<8x1024x1024xf32, #tpu.memory_space<any>> -> memref<1x1024x1024xf32, #tpu.memory_space<any>>
    %dma_start3A_76 = tpu.memref_squeeze %dma_start3A_75 : memref<1x1024x1024xf32, #tpu.memory_space<any>> -> memref<1024x1024xf32, #tpu.memory_space<any>>
    tpu.enqueue_dma source(%dma_start3A_76 : memref<1024x1024xf32, #tpu.memory_space<any>>) target(%dma_start3A_72 : memref<1024x1024xf32, #tpu.memory_space<vmem>>) target_semaphore(%dma_start3A_68 : memref<!tpu.dma_semaphore, #tpu.memory_space<semaphore_mem>>)
    %dma_wait3A = arith.constant 0 : i32
    %dma_wait3A_77 = arith.constant 0 : i32
    %dma_wait3A_78 = arith.constant 0 : i32
    %dma_wait3A_79 = tpu.memref_slice %arg13[%dma_wait3A_78] : memref<6x!tpu.dma_semaphore, #tpu.memory_space<semaphore_mem>> -> memref<1x!tpu.dma_semaphore, #tpu.memory_space<semaphore_mem>>
    %dma_wait3A_80 = tpu.memref_squeeze %dma_wait3A_79 : memref<1x!tpu.dma_semaphore, #tpu.memory_space<semaphore_mem>> -> memref<!tpu.dma_semaphore, #tpu.memory_space<semaphore_mem>>
    %dma_wait3A_81 = arith.constant 0 : i32
    %dma_wait3A_82 = arith.constant 0 : i32
    %dma_wait3A_83 = tpu.memref_slice %arg9[%dma_wait3A_77, %dma_wait3A_81, %dma_wait3A_82] : memref<6x1024x1024xf32, #tpu.memory_space<vmem>> -> memref<1x1024x1024xf32, #tpu.memory_space<vmem>>
    %dma_wait3A_84 = tpu.memref_squeeze %dma_wait3A_83 : memref<1x1024x1024xf32, #tpu.memory_space<vmem>> -> memref<1024x1024xf32, #tpu.memory_space<vmem>>
    %dma_wait3A_85 = arith.constant 0 : i32
    %dma_wait3A_86 = arith.constant 0 : i32
    %dma_wait3A_87 = tpu.memref_slice %arg4[%dma_wait3A, %dma_wait3A_85, %dma_wait3A_86] : memref<8x1024x1024xf32, #tpu.memory_space<any>> -> memref<1x1024x1024xf32, #tpu.memory_space<any>>
    %dma_wait3A_88 = tpu.memref_squeeze %dma_wait3A_87 : memref<1x1024x1024xf32, #tpu.memory_space<any>> -> memref<1024x1024xf32, #tpu.memory_space<any>>
    tpu.wait_dma2 semaphore(%dma_wait3A_80 : memref<!tpu.dma_semaphore, #tpu.memory_space<semaphore_mem>>) src(%dma_wait3A_88 : memref<1024x1024xf32, #tpu.memory_space<any>>) dst(%dma_wait3A_84 : memref<1024x1024xf32, #tpu.memory_space<vmem>>)
    %dma_wait3A_89 = arith.constant 0 : i32
    %dma_wait3A_90 = arith.constant 1 : i32
    %dma_wait3A_91 = arith.constant 1 : i32
    %dma_wait3A_92 = tpu.memref_slice %arg13[%dma_wait3A_91] : memref<6x!tpu.dma_semaphore, #tpu.memory_space<semaphore_mem>> -> memref<1x!tpu.dma_semaphore, #tpu.memory_space<semaphore_mem>>
    %dma_wait3A_93 = tpu.memref_squeeze %dma_wait3A_92 : memref<1x!tpu.dma_semaphore, #tpu.memory_space<semaphore_mem>> -> memref<!tpu.dma_semaphore, #tpu.memory_space<semaphore_mem>>
    %dma_wait3A_94 = arith.constant 0 : i32
    %dma_wait3A_95 = arith.constant 0 : i32
    %dma_wait3A_96 = tpu.memref_slice %arg9[%dma_wait3A_90, %dma_wait3A_94, %dma_wait3A_95] : memref<6x1024x1024xf32, #tpu.memory_space<vmem>> -> memref<1x1024x1024xf32, #tpu.memory_space<vmem>>
    %dma_wait3A_97 = tpu.memref_squeeze %dma_wait3A_96 : memref<1x1024x1024xf32, #tpu.memory_space<vmem>> -> memref<1024x1024xf32, #tpu.memory_space<vmem>>
    %dma_wait3A_98 = arith.constant 0 : i32
    %dma_wait3A_99 = arith.constant 0 : i32
    %dma_wait3A_100 = tpu.memref_slice %arg5[%dma_wait3A_89, %dma_wait3A_98, %dma_wait3A_99] : memref<8x1024x1024xf32, #tpu.memory_space<any>> -> memref<1x1024x1024xf32, #tpu.memory_space<any>>
    %dma_wait3A_101 = tpu.memref_squeeze %dma_wait3A_100 : memref<1x1024x1024xf32, #tpu.memory_space<any>> -> memref<1024x1024xf32, #tpu.memory_space<any>>
    tpu.wait_dma2 semaphore(%dma_wait3A_93 : memref<!tpu.dma_semaphore, #tpu.memory_space<semaphore_mem>>) src(%dma_wait3A_101 : memref<1024x1024xf32, #tpu.memory_space<any>>) dst(%dma_wait3A_97 : memref<1024x1024xf32, #tpu.memory_space<vmem>>)
    %get3A = arith.constant 0 : index
    %get3A_102 = arith.constant 0 : index
    %get3A_103 = arith.constant 0 : index
    %get3A_104 = vector.load %arg9[%get3A, %get3A_102, %get3A_103] : memref<6x1024x1024xf32, #tpu.memory_space<vmem>>, vector<1x1024x1024xf32>
    %get3A_105 = vector.shape_cast %get3A_104 : vector<1x1024x1024xf32> to vector<1024x1024xf32>
    %get3A_106 = arith.constant 0 : index
    %get3A_107 = arith.constant 0 : index
    %get3A_108 = vector.load %arg1[%get3A_106, %get3A_107] : memref<2x1024xf32, #tpu.memory_space<vmem>>, vector<2x1024xf32>
    %dot_general3A = arith.constant dense<0.000000e+00> : vector<1024x2xf32>
    %dot_general3A_109 = tpu.matmul %get3A_105, %get3A_108, %dot_general3A {dimension_numbers = #tpu.dot_dimension_numbers<[0], [1], [1], [0], [0, 1, 1, 0], [], []>, transpose_lhs_hint = false} : vector<1024x1024xf32>, vector<2x1024xf32>, vector<1024x2xf32> -> vector<1024x2xf32>
    %iota3A = tpu.iota {dimensions = array<i32: 0>} : vector<1024x8xi32>
    %jit3A = arith.constant 128 : i32
    %div3A = vector.broadcast %jit3A : i32 to vector<1024x8xi32>
    %div3A_110 = arith.divsi %iota3A, %div3A : vector<1024x8xi32>
    %sign3A = arith.constant 0 : i32
    %sign3A_111 = vector.broadcast %sign3A : i32 to vector<1024x8xi32>
    %sign3A_112 = arith.cmpi sgt, %iota3A, %sign3A_111 : vector<1024x8xi32>
    %sign3A_113 = arith.extui %sign3A_112 : vector<1024x8xi1> to vector<1024x8xi32>
    %sign3A_114 = arith.constant 0 : i32
    %sign3A_115 = vector.broadcast %sign3A_114 : i32 to vector<1024x8xi32>
    %sign3A_116 = arith.cmpi slt, %iota3A, %sign3A_115 : vector<1024x8xi32>
    %sign3A_117 = arith.extui %sign3A_116 : vector<1024x8xi1> to vector<1024x8xi32>
    %sign3A_118 = arith.subi %sign3A_113, %sign3A_117 : vector<1024x8xi32>
    %sign3A_119 = arith.constant 0 : i32
    %sign3A_120 = arith.cmpi sgt, %jit3A, %sign3A_119 : i32
    %sign3A_121 = arith.extui %sign3A_120 : i1 to i32
    %sign3A_122 = arith.constant 0 : i32
    %sign3A_123 = arith.cmpi slt, %jit3A, %sign3A_122 : i32
    %sign3A_124 = arith.extui %sign3A_123 : i1 to i32
    %sign3A_125 = arith.subi %sign3A_121, %sign3A_124 : i32
    %ne3A = vector.broadcast %sign3A_125 : i32 to vector<1024x8xi32>
    %ne3A_126 = arith.cmpi ne, %sign3A_118, %ne3A : vector<1024x8xi32>
    %rem3A = vector.broadcast %jit3A : i32 to vector<1024x8xi32>
    %rem3A_127 = arith.remsi %iota3A, %rem3A : vector<1024x8xi32>
    %ne3A_128 = arith.constant 0 : i32
    %ne3A_129 = vector.broadcast %ne3A_128 : i32 to vector<1024x8xi32>
    %ne3A_130 = arith.cmpi ne, %rem3A_127, %ne3A_129 : vector<1024x8xi32>
    %and3A = arith.andi %ne3A_126, %ne3A_130 : vector<1024x8xi1>
    %sub3A = arith.constant 1 : i32
    %sub3A_131 = vector.broadcast %sub3A : i32 to vector<1024x8xi32>
    %sub3A_132 = arith.subi %div3A_110, %sub3A_131 : vector<1024x8xi32>
    %select_n3A = arith.select %and3A, %sub3A_132, %div3A_110 : vector<1024x8xi1>, vector<1024x8xi32>
    %iota3A_133 = tpu.iota {dimensions = array<i32: 1>} : vector<1024x8xi32>
    %eq3A = arith.cmpi eq, %select_n3A, %iota3A_133 : vector<1024x8xi32>
    %convert_element_type3A = arith.extui %eq3A : vector<1024x8xi1> to vector<1024x8xi32>
    %convert_element_type3A_134 = arith.sitofp %convert_element_type3A : vector<1024x8xi32> to vector<1024x8xf32>
    %mul3A = arith.constant 0.0883883461 : f32
    %mul3A_135 = vector.broadcast %mul3A : f32 to vector<1024x8xf32>
    %mul3A_136 = arith.mulf %convert_element_type3A_134, %mul3A_135 : vector<1024x8xf32>
    %slice3A = vector.extract_strided_slice %dot_general3A_109 {offsets = [0, 0], sizes = [1024, 1], strides = [1, 1]} : vector<1024x2xf32> to vector<1024x1xf32>
    %mul3A_137 = vector.broadcast %slice3A : vector<1024x1xf32> to vector<1024x8xf32>
    %mul3A_138 = arith.mulf %mul3A_137, %mul3A_136 : vector<1024x8xf32>
    %get3A_139 = arith.constant 1 : index
    %get3A_140 = arith.constant 0 : index
    %get3A_141 = arith.constant 0 : index
    %get3A_142 = vector.load %arg9[%get3A_139, %get3A_140, %get3A_141] : memref<6x1024x1024xf32, #tpu.memory_space<vmem>>, vector<1x1024x1024xf32>
    %get3A_143 = vector.shape_cast %get3A_142 : vector<1x1024x1024xf32> to vector<1024x1024xf32>
    %dot_general3A_144 = arith.constant dense<0.000000e+00> : vector<1024x8xf32>
    %dot_general3A_145 = tpu.matmul %get3A_143, %mul3A_138, %dot_general3A_144 {dimension_numbers = #tpu.dot_dimension_numbers<[1], [0], [0], [1], [0, 0, 1, 1], [], []>, transpose_lhs_hint = false} : vector<1024x1024xf32>, vector<1024x8xf32>, vector<1024x8xf32> -> vector<1024x8xf32>
    %swap3A = arith.constant 0 : index
    %swap3A_146 = arith.constant 0 : index
    %swap3A_147 = arith.constant 0 : index
    %swap3A_148 = vector.load %arg10[%swap3A, %swap3A_146, %swap3A_147] : memref<2x1024x128xf32, #tpu.memory_space<vmem>>, vector<1x1024x8xf32>
    %swap3A_149 = vector.shape_cast %swap3A_148 : vector<1x1024x8xf32> to vector<1024x8xf32>
    %swap3A_150 = vector.shape_cast %dot_general3A_145 : vector<1024x8xf32> to vector<1x1024x8xf32>
    tpu.vector_store %arg10[%swap3A, %swap3A_146, %swap3A_147], %swap3A_150 {strides = array<i32>} : memref<2x1024x128xf32, #tpu.memory_space<vmem>>, vector<1x1024x8xf32>,
    %slice3A_151 = vector.extract_strided_slice %dot_general3A_109 {offsets = [0, 1], sizes = [1024, 1], strides = [1, 1]} : vector<1024x2xf32> to vector<1024x1xf32>
    %mul3A_152 = vector.broadcast %slice3A_151 : vector<1024x1xf32> to vector<1024x8xf32>
    %mul3A_153 = arith.mulf %mul3A_152, %mul3A_136 : vector<1024x8xf32>
    %get3A_154 = arith.constant 1 : index
    %get3A_155 = arith.constant 0 : index
    %get3A_156 = arith.constant 0 : index
    %get3A_157 = vector.load %arg9[%get3A_154, %get3A_155, %get3A_156] : memref<6x1024x1024xf32, #tpu.memory_space<vmem>>, vector<1x1024x1024xf32>
    %get3A_158 = vector.shape_cast %get3A_157 : vector<1x1024x1024xf32> to vector<1024x1024xf32>
    %dot_general3A_159 = arith.constant dense<0.000000e+00> : vector<1024x8xf32>
    %dot_general3A_160 = tpu.matmul %get3A_158, %mul3A_153, %dot_general3A_159 {dimension_numbers = #tpu.dot_dimension_numbers<[1], [0], [0], [1], [0, 0, 1, 1], [], []>, transpose_lhs_hint = false} : vector<1024x1024xf32>, vector<1024x8xf32>, vector<1024x8xf32> -> vector<1024x8xf32>
    %swap3A_161 = arith.constant 1 : index
    %swap3A_162 = arith.constant 0 : index
    %swap3A_163 = arith.constant 0 : index
    %swap3A_164 = vector.load %arg10[%swap3A_161, %swap3A_162, %swap3A_163] : memref<2x1024x128xf32, #tpu.memory_space<vmem>>, vector<1x1024x8xf32>
    %swap3A_165 = vector.shape_cast %swap3A_164 : vector<1x1024x8xf32> to vector<1024x8xf32>
    %swap3A_166 = vector.shape_cast %dot_general3A_160 : vector<1024x8xf32> to vector<1x1024x8xf32>
    tpu.vector_store %arg10[%swap3A_161, %swap3A_162, %swap3A_163], %swap3A_166 {strides = array<i32>} : memref<2x1024x128xf32, #tpu.memory_space<vmem>>, vector<1x1024x8xf32>,
    %dma_start3A_167 = arith.constant 3 : i32
    %dma_start3A_168 = arith.constant 0 : i32
    %dma_start3A_169 = arith.constant 0 : i32
    %dma_start3A_170 = tpu.memref_slice %arg13[%dma_start3A_169] : memref<6x!tpu.dma_semaphore, #tpu.memory_space<semaphore_mem>> -> memref<1x!tpu.dma_semaphore, #tpu.memory_space<semaphore_mem>>
    %dma_start3A_171 = tpu.memref_squeeze %dma_start3A_170 : memref<1x!tpu.dma_semaphore, #tpu.memory_space<semaphore_mem>> -> memref<!tpu.dma_semaphore, #tpu.memory_space<semaphore_mem>>
    %dma_start3A_172 = arith.constant 0 : i32
    %dma_start3A_173 = arith.constant 0 : i32
    %dma_start3A_174 = tpu.memref_slice %arg9[%dma_start3A_168, %dma_start3A_172, %dma_start3A_173] : memref<6x1024x1024xf32, #tpu.memory_space<vmem>> -> memref<1x1024x1024xf32, #tpu.memory_space<vmem>>
    %dma_start3A_175 = tpu.memref_squeeze %dma_start3A_174 : memref<1x1024x1024xf32, #tpu.memory_space<vmem>> -> memref<1024x1024xf32, #tpu.memory_space<vmem>>
    %dma_start3A_176 = arith.constant 0 : i32
    %dma_start3A_177 = arith.constant 0 : i32
    %dma_start3A_178 = tpu.memref_slice %arg4[%dma_start3A_167, %dma_start3A_176, %dma_start3A_177] : memref<8x1024x1024xf32, #tpu.memory_space<any>> -> memref<1x1024x1024xf32, #tpu.memory_space<any>>
    %dma_start3A_179 = tpu.memref_squeeze %dma_start3A_178 : memref<1x1024x1024xf32, #tpu.memory_space<any>> -> memref<1024x1024xf32, #tpu.memory_space<any>>
    tpu.enqueue_dma source(%dma_start3A_179 : memref<1024x1024xf32, #tpu.memory_space<any>>) target(%dma_start3A_175 : memref<1024x1024xf32, #tpu.memory_space<vmem>>) target_semaphore(%dma_start3A_171 : memref<!tpu.dma_semaphore, #tpu.memory_space<semaphore_mem>>)
    %dma_start3A_180 = arith.constant 3 : i32
    %dma_start3A_181 = arith.constant 1 : i32
    %dma_start3A_182 = arith.constant 1 : i32
    %dma_start3A_183 = tpu.memref_slice %arg13[%dma_start3A_182] : memref<6x!tpu.dma_semaphore, #tpu.memory_space<semaphore_mem>> -> memref<1x!tpu.dma_semaphore, #tpu.memory_space<semaphore_mem>>
    %dma_start3A_184 = tpu.memref_squeeze %dma_start3A_183 : memref<1x!tpu.dma_semaphore, #tpu.memory_space<semaphore_mem>> -> memref<!tpu.dma_semaphore, #tpu.memory_space<semaphore_mem>>
    %dma_start3A_185 = arith.constant 0 : i32
    %dma_start3A_186 = arith.constant 0 : i32
    %dma_start3A_187 = tpu.memref_slice %arg9[%dma_start3A_181, %dma_start3A_185, %dma_start3A_186] : memref<6x1024x1024xf32, #tpu.memory_space<vmem>> -> memref<1x1024x1024xf32, #tpu.memory_space<vmem>>
    %dma_start3A_188 = tpu.memref_squeeze %dma_start3A_187 : memref<1x1024x1024xf32, #tpu.memory_space<vmem>> -> memref<1024x1024xf32, #tpu.memory_space<vmem>>
    %dma_start3A_189 = arith.constant 0 : i32
    %dma_start3A_190 = arith.constant 0 : i32
    %dma_start3A_191 = tpu.memref_slice %arg5[%dma_start3A_180, %dma_start3A_189, %dma_start3A_190] : memref<8x1024x1024xf32, #tpu.memory_space<any>> -> memref<1x1024x1024xf32, #tpu.memory_space<any>>
    %dma_start3A_192 = tpu.memref_squeeze %dma_start3A_191 : memref<1x1024x1024xf32, #tpu.memory_space<any>> -> memref<1024x1024xf32, #tpu.memory_space<any>>
    tpu.enqueue_dma source(%dma_start3A_192 : memref<1024x1024xf32, #tpu.memory_space<any>>) target(%dma_start3A_188 : memref<1024x1024xf32, #tpu.memory_space<vmem>>) target_semaphore(%dma_start3A_184 : memref<!tpu.dma_semaphore, #tpu.memory_space<semaphore_mem>>)
    %dma_wait3A_193 = arith.constant 1 : i32
    %dma_wait3A_194 = arith.constant 2 : i32
    %dma_wait3A_195 = arith.constant 2 : i32
    %dma_wait3A_196 = tpu.memref_slice %arg13[%dma_wait3A_195] : memref<6x!tpu.dma_semaphore, #tpu.memory_space<semaphore_mem>> -> memref<1x!tpu.dma_semaphore, #tpu.memory_space<semaphore_mem>>
    %dma_wait3A_197 = tpu.memref_squeeze %dma_wait3A_196 : memref<1x!tpu.dma_semaphore, #tpu.memory_space<semaphore_mem>> -> memref<!tpu.dma_semaphore, #tpu.memory_space<semaphore_mem>>
    %dma_wait3A_198 = arith.constant 0 : i32
    %dma_wait3A_199 = arith.constant 0 : i32
    %dma_wait3A_200 = tpu.memref_slice %arg9[%dma_wait3A_194, %dma_wait3A_198, %dma_wait3A_199] : memref<6x1024x1024xf32, #tpu.memory_space<vmem>> -> memref<1x1024x1024xf32, #tpu.memory_space<vmem>>
    %dma_wait3A_201 = tpu.memref_squeeze %dma_wait3A_200 : memref<1x1024x1024xf32, #tpu.memory_space<vmem>> -> memref<1024x1024xf32, #tpu.memory_space<vmem>>
    %dma_wait3A_202 = arith.constant 0 : i32
    %dma_wait3A_203 = arith.constant 0 : i32
    %dma_wait3A_204 = tpu.memref_slice %arg4[%dma_wait3A_193, %dma_wait3A_202, %dma_wait3A_203] : memref<8x1024x1024xf32, #tpu.memory_space<any>> -> memref<1x1024x1024xf32, #tpu.memory_space<any>>
    %dma_wait3A_205 = tpu.memref_squeeze %dma_wait3A_204 : memref<1x1024x1024xf32, #tpu.memory_space<any>> -> memref<1024x1024xf32, #tpu.memory_space<any>>
    tpu.wait_dma2 semaphore(%dma_wait3A_197 : memref<!tpu.dma_semaphore, #tpu.memory_space<semaphore_mem>>) src(%dma_wait3A_205 : memref<1024x1024xf32, #tpu.memory_space<any>>) dst(%dma_wait3A_201 : memref<1024x1024xf32, #tpu.memory_space<vmem>>)
    %dma_wait3A_206 = arith.constant 1 : i32
    %dma_wait3A_207 = arith.constant 3 : i32
    %dma_wait3A_208 = arith.constant 3 : i32
    %dma_wait3A_209 = tpu.memref_slice %arg13[%dma_wait3A_208] : memref<6x!tpu.dma_semaphore, #tpu.memory_space<semaphore_mem>> -> memref<1x!tpu.dma_semaphore, #tpu.memory_space<semaphore_mem>>
    %dma_wait3A_210 = tpu.memref_squeeze %dma_wait3A_209 : memref<1x!tpu.dma_semaphore, #tpu.memory_space<semaphore_mem>> -> memref<!tpu.dma_semaphore, #tpu.memory_space<semaphore_mem>>
    %dma_wait3A_211 = arith.constant 0 : i32
    %dma_wait3A_212 = arith.constant 0 : i32
    %dma_wait3A_213 = tpu.memref_slice %arg9[%dma_wait3A_207, %dma_wait3A_211, %dma_wait3A_212] : memref<6x1024x1024xf32, #tpu.memory_space<vmem>> -> memref<1x1024x1024xf32, #tpu.memory_space<vmem>>
    %dma_wait3A_214 = tpu.memref_squeeze %dma_wait3A_213 : memref<1x1024x1024xf32, #tpu.memory_space<vmem>> -> memref<1024x1024xf32, #tpu.memory_space<vmem>>
    %dma_wait3A_215 = arith.constant 0 : i32
    %dma_wait3A_216 = arith.constant 0 : i32
    %dma_wait3A_217 = tpu.memref_slice %arg5[%dma_wait3A_206, %dma_wait3A_215, %dma_wait3A_216] : memref<8x1024x1024xf32, #tpu.memory_space<any>> -> memref<1x1024x1024xf32, #tpu.memory_space<any>>
    %dma_wait3A_218 = tpu.memref_squeeze %dma_wait3A_217 : memref<1x1024x1024xf32, #tpu.memory_space<any>> -> memref<1024x1024xf32, #tpu.memory_space<any>>
    tpu.wait_dma2 semaphore(%dma_wait3A_210 : memref<!tpu.dma_semaphore, #tpu.memory_space<semaphore_mem>>) src(%dma_wait3A_218 : memref<1024x1024xf32, #tpu.memory_space<any>>) dst(%dma_wait3A_214 : memref<1024x1024xf32, #tpu.memory_space<vmem>>)
    %get3A_219 = arith.constant 2 : index
    %get3A_220 = arith.constant 0 : index
    %get3A_221 = arith.constant 0 : index
    %get3A_222 = vector.load %arg9[%get3A_219, %get3A_220, %get3A_221] : memref<6x1024x1024xf32, #tpu.memory_space<vmem>>, vector<1x1024x1024xf32>
    %get3A_223 = vector.shape_cast %get3A_222 : vector<1x1024x1024xf32> to vector<1024x1024xf32>
    %get3A_224 = arith.constant 0 : index
    %get3A_225 = arith.constant 0 : index
    %get3A_226 = vector.load %arg1[%get3A_224, %get3A_225] : memref<2x1024xf32, #tpu.memory_space<vmem>>, vector<2x1024xf32>
    %dot_general3A_227 = arith.constant dense<0.000000e+00> : vector<1024x2xf32>
    %dot_general3A_228 = tpu.matmul %get3A_223, %get3A_226, %dot_general3A_227 {dimension_numbers = #tpu.dot_dimension_numbers<[0], [1], [1], [0], [0, 1, 1, 0], [], []>, transpose_lhs_hint = false} : vector<1024x1024xf32>, vector<2x1024xf32>, vector<1024x2xf32> -> vector<1024x2xf32>
    %iota3A_229 = tpu.iota {dimensions = array<i32: 0>} : vector<1024x8xi32>
    %jit3A_230 = arith.constant 128 : i32
    %div3A_231 = vector.broadcast %jit3A_230 : i32 to vector<1024x8xi32>
    %div3A_232 = arith.divsi %iota3A_229, %div3A_231 : vector<1024x8xi32>
    %sign3A_233 = arith.constant 0 : i32
    %sign3A_234 = vector.broadcast %sign3A_233 : i32 to vector<1024x8xi32>
    %sign3A_235 = arith.cmpi sgt, %iota3A_229, %sign3A_234 : vector<1024x8xi32>
    %sign3A_236 = arith.extui %sign3A_235 : vector<1024x8xi1> to vector<1024x8xi32>
    %sign3A_237 = arith.constant 0 : i32
    %sign3A_238 = vector.broadcast %sign3A_237 : i32 to vector<1024x8xi32>
    %sign3A_239 = arith.cmpi slt, %iota3A_229, %sign3A_238 : vector<1024x8xi32>
    %sign3A_240 = arith.extui %sign3A_239 : vector<1024x8xi1> to vector<1024x8xi32>
    %sign3A_241 = arith.subi %sign3A_236, %sign3A_240 : vector<1024x8xi32>
    %sign3A_242 = arith.constant 0 : i32
    %sign3A_243 = arith.cmpi sgt, %jit3A_230, %sign3A_242 : i32
    %sign3A_244 = arith.extui %sign3A_243 : i1 to i32
    %sign3A_245 = arith.constant 0 : i32
    %sign3A_246 = arith.cmpi slt, %jit3A_230, %sign3A_245 : i32
    %sign3A_247 = arith.extui %sign3A_246 : i1 to i32
    %sign3A_248 = arith.subi %sign3A_244, %sign3A_247 : i32
    %ne3A_249 = vector.broadcast %sign3A_248 : i32 to vector<1024x8xi32>
    %ne3A_250 = arith.cmpi ne, %sign3A_241, %ne3A_249 : vector<1024x8xi32>
    %rem3A_251 = vector.broadcast %jit3A_230 : i32 to vector<1024x8xi32>
    %rem3A_252 = arith.remsi %iota3A_229, %rem3A_251 : vector<1024x8xi32>
    %ne3A_253 = arith.constant 0 : i32
    %ne3A_254 = vector.broadcast %ne3A_253 : i32 to vector<1024x8xi32>
    %ne3A_255 = arith.cmpi ne, %rem3A_252, %ne3A_254 : vector<1024x8xi32>
    %and3A_256 = arith.andi %ne3A_250, %ne3A_255 : vector<1024x8xi1>
    %sub3A_257 = arith.constant 1 : i32
    %sub3A_258 = vector.broadcast %sub3A_257 : i32 to vector<1024x8xi32>
    %sub3A_259 = arith.subi %div3A_232, %sub3A_258 : vector<1024x8xi32>
    %select_n3A_260 = arith.select %and3A_256, %sub3A_259, %div3A_232 : vector<1024x8xi1>, vector<1024x8xi32>
    %iota3A_261 = tpu.iota {dimensions = array<i32: 1>} : vector<1024x8xi32>
    %eq3A_262 = arith.cmpi eq, %select_n3A_260, %iota3A_261 : vector<1024x8xi32>
    %convert_element_type3A_263 = arith.extui %eq3A_262 : vector<1024x8xi1> to vector<1024x8xi32>
    %convert_element_type3A_264 = arith.sitofp %convert_element_type3A_263 : vector<1024x8xi32> to vector<1024x8xf32>
    %mul3A_265 = arith.constant 0.0883883461 : f32
    %mul3A_266 = vector.broadcast %mul3A_265 : f32 to vector<1024x8xf32>
    %mul3A_267 = arith.mulf %convert_element_type3A_264, %mul3A_266 : vector<1024x8xf32>
    %slice3A_268 = vector.extract_strided_slice %dot_general3A_228 {offsets = [0, 0], sizes = [1024, 1], strides = [1, 1]} : vector<1024x2xf32> to vector<1024x1xf32>
    %mul3A_269 = vector.broadcast %slice3A_268 : vector<1024x1xf32> to vector<1024x8xf32>
    %mul3A_270 = arith.mulf %mul3A_269, %mul3A_267 : vector<1024x8xf32>
    %get3A_271 = arith.constant 3 : index
    %get3A_272 = arith.constant 0 : index
    %get3A_273 = arith.constant 0 : index
    %get3A_274 = vector.load %arg9[%get3A_271, %get3A_272, %get3A_273] : memref<6x1024x1024xf32, #tpu.memory_space<vmem>>, vector<1x1024x1024xf32>
    %get3A_275 = vector.shape_cast %get3A_274 : vector<1x1024x1024xf32> to vector<1024x1024xf32>
    %dot_general3A_276 = arith.constant dense<0.000000e+00> : vector<1024x8xf32>
    %dot_general3A_277 = tpu.matmul %get3A_275, %mul3A_270, %dot_general3A_276 {dimension_numbers = #tpu.dot_dimension_numbers<[1], [0], [0], [1], [0, 0, 1, 1], [], []>, transpose_lhs_hint = false} : vector<1024x1024xf32>, vector<1024x8xf32>, vector<1024x8xf32> -> vector<1024x8xf32>
    %swap3A_278 = arith.constant 0 : index
    %swap3A_279 = arith.constant 0 : index
    %swap3A_280 = arith.constant 8 : index
    %swap3A_281 = vector.load %arg10[%swap3A_278, %swap3A_279, %swap3A_280] : memref<2x1024x128xf32, #tpu.memory_space<vmem>>, vector<1x1024x8xf32>
    %swap3A_282 = vector.shape_cast %swap3A_281 : vector<1x1024x8xf32> to vector<1024x8xf32>
    %swap3A_283 = vector.shape_cast %dot_general3A_277 : vector<1024x8xf32> to vector<1x1024x8xf32>
    tpu.vector_store %arg10[%swap3A_278, %swap3A_279, %swap3A_280], %swap3A_283 {strides = array<i32>} : memref<2x1024x128xf32, #tpu.memory_space<vmem>>, vector<1x1024x8xf32>,
    %slice3A_284 = vector.extract_strided_slice %dot_general3A_228 {offsets = [0, 1], sizes = [1024, 1], strides = [1, 1]} : vector<1024x2xf32> to vector<1024x1xf32>
    %mul3A_285 = vector.broadcast %slice3A_284 : vector<1024x1xf32> to vector<1024x8xf32>
    %mul3A_286 = arith.mulf %mul3A_285, %mul3A_267 : vector<1024x8xf32>
    %get3A_287 = arith.constant 3 : index
    %get3A_288 = arith.constant 0 : index
    %get3A_289 = arith.constant 0 : index
    %get3A_290 = vector.load %arg9[%get3A_287, %get3A_288, %get3A_289] : memref<6x1024x1024xf32, #tpu.memory_space<vmem>>, vector<1x1024x1024xf32>
    %get3A_291 = vector.shape_cast %get3A_290 : vector<1x1024x1024xf32> to vector<1024x1024xf32>
    %dot_general3A_292 = arith.constant dense<0.000000e+00> : vector<1024x8xf32>
    %dot_general3A_293 = tpu.matmul %get3A_291, %mul3A_286, %dot_general3A_292 {dimension_numbers = #tpu.dot_dimension_numbers<[1], [0], [0], [1], [0, 0, 1, 1], [], []>, transpose_lhs_hint = false} : vector<1024x1024xf32>, vector<1024x8xf32>, vector<1024x8xf32> -> vector<1024x8xf32>
    %swap3A_294 = arith.constant 1 : index
    %swap3A_295 = arith.constant 0 : index
    %swap3A_296 = arith.constant 8 : index
    %swap3A_297 = vector.load %arg10[%swap3A_294, %swap3A_295, %swap3A_296] : memref<2x1024x128xf32, #tpu.memory_space<vmem>>, vector<1x1024x8xf32>
    %swap3A_298 = vector.shape_cast %swap3A_297 : vector<1x1024x8xf32> to vector<1024x8xf32>
    %swap3A_299 = vector.shape_cast %dot_general3A_293 : vector<1024x8xf32> to vector<1x1024x8xf32>
    tpu.vector_store %arg10[%swap3A_294, %swap3A_295, %swap3A_296], %swap3A_299 {strides = array<i32>} : memref<2x1024x128xf32, #tpu.memory_space<vmem>>, vector<1x1024x8xf32>,
    %dma_start3A_300 = arith.constant 4 : i32
    %dma_start3A_301 = arith.constant 2 : i32
    %dma_start3A_302 = arith.constant 2 : i32
    %dma_start3A_303 = tpu.memref_slice %arg13[%dma_start3A_302] : memref<6x!tpu.dma_semaphore, #tpu.memory_space<semaphore_mem>> -> memref<1x!tpu.dma_semaphore, #tpu.memory_space<semaphore_mem>>
    %dma_start3A_304 = tpu.memref_squeeze %dma_start3A_303 : memref<1x!tpu.dma_semaphore, #tpu.memory_space<semaphore_mem>> -> memref<!tpu.dma_semaphore, #tpu.memory_space<semaphore_mem>>
    %dma_start3A_305 = arith.constant 0 : i32
    %dma_start3A_306 = arith.constant 0 : i32
    %dma_start3A_307 = tpu.memref_slice %arg9[%dma_start3A_301, %dma_start3A_305, %dma_start3A_306] : memref<6x1024x1024xf32, #tpu.memory_space<vmem>> -> memref<1x1024x1024xf32, #tpu.memory_space<vmem>>
    %dma_start3A_308 = tpu.memref_squeeze %dma_start3A_307 : memref<1x1024x1024xf32, #tpu.memory_space<vmem>> -> memref<1024x1024xf32, #tpu.memory_space<vmem>>
    %dma_start3A_309 = arith.constant 0 : i32
    %dma_start3A_310 = arith.constant 0 : i32
    %dma_start3A_311 = tpu.memref_slice %arg4[%dma_start3A_300, %dma_start3A_309, %dma_start3A_310] : memref<8x1024x1024xf32, #tpu.memory_space<any>> -> memref<1x1024x1024xf32, #tpu.memory_space<any>>
    %dma_start3A_312 = tpu.memref_squeeze %dma_start3A_311 : memref<1x1024x1024xf32, #tpu.memory_space<any>> -> memref<1024x1024xf32, #tpu.memory_space<any>>
    tpu.enqueue_dma source(%dma_start3A_312 : memref<1024x1024xf32, #tpu.memory_space<any>>) target(%dma_start3A_308 : memref<1024x1024xf32, #tpu.memory_space<vmem>>) target_semaphore(%dma_start3A_304 : memref<!tpu.dma_semaphore, #tpu.memory_space<semaphore_mem>>)
    %dma_start3A_313 = arith.constant 4 : i32
    %dma_start3A_314 = arith.constant 3 : i32
    %dma_start3A_315 = arith.constant 3 : i32
    %dma_start3A_316 = tpu.memref_slice %arg13[%dma_start3A_315] : memref<6x!tpu.dma_semaphore, #tpu.memory_space<semaphore_mem>> -> memref<1x!tpu.dma_semaphore, #tpu.memory_space<semaphore_mem>>
    %dma_start3A_317 = tpu.memref_squeeze %dma_start3A_316 : memref<1x!tpu.dma_semaphore, #tpu.memory_space<semaphore_mem>> -> memref<!tpu.dma_semaphore, #tpu.memory_space<semaphore_mem>>
    %dma_start3A_318 = arith.constant 0 : i32
    %dma_start3A_319 = arith.constant 0 : i32
    %dma_start3A_320 = tpu.memref_slice %arg9[%dma_start3A_314, %dma_start3A_318, %dma_start3A_319] : memref<6x1024x1024xf32, #tpu.memory_space<vmem>> -> memref<1x1024x1024xf32, #tpu.memory_space<vmem>>
    %dma_start3A_321 = tpu.memref_squeeze %dma_start3A_320 : memref<1x1024x1024xf32, #tpu.memory_space<vmem>> -> memref<1024x1024xf32, #tpu.memory_space<vmem>>
    %dma_start3A_322 = arith.constant 0 : i32
    %dma_start3A_323 = arith.constant 0 : i32
    %dma_start3A_324 = tpu.memref_slice %arg5[%dma_start3A_313, %dma_start3A_322, %dma_start3A_323] : memref<8x1024x1024xf32, #tpu.memory_space<any>> -> memref<1x1024x1024xf32, #tpu.memory_space<any>>
    %dma_start3A_325 = tpu.memref_squeeze %dma_start3A_324 : memref<1x1024x1024xf32, #tpu.memory_space<any>> -> memref<1024x1024xf32, #tpu.memory_space<any>>
    tpu.enqueue_dma source(%dma_start3A_325 : memref<1024x1024xf32, #tpu.memory_space<any>>) target(%dma_start3A_321 : memref<1024x1024xf32, #tpu.memory_space<vmem>>) target_semaphore(%dma_start3A_317 : memref<!tpu.dma_semaphore, #tpu.memory_space<semaphore_mem>>)
    %dma_wait3A_326 = arith.constant 2 : i32
    %dma_wait3A_327 = arith.constant 4 : i32
    %dma_wait3A_328 = arith.constant 4 : i32
    %dma_wait3A_329 = tpu.memref_slice %arg13[%dma_wait3A_328] : memref<6x!tpu.dma_semaphore, #tpu.memory_space<semaphore_mem>> -> memref<1x!tpu.dma_semaphore, #tpu.memory_space<semaphore_mem>>
    %dma_wait3A_330 = tpu.memref_squeeze %dma_wait3A_329 : memref<1x!tpu.dma_semaphore, #tpu.memory_space<semaphore_mem>> -> memref<!tpu.dma_semaphore, #tpu.memory_space<semaphore_mem>>
    %dma_wait3A_331 = arith.constant 0 : i32
    %dma_wait3A_332 = arith.constant 0 : i32
    %dma_wait3A_333 = tpu.memref_slice %arg9[%dma_wait3A_327, %dma_wait3A_331, %dma_wait3A_332] : memref<6x1024x1024xf32, #tpu.memory_space<vmem>> -> memref<1x1024x1024xf32, #tpu.memory_space<vmem>>
    %dma_wait3A_334 = tpu.memref_squeeze %dma_wait3A_333 : memref<1x1024x1024xf32, #tpu.memory_space<vmem>> -> memref<1024x1024xf32, #tpu.memory_space<vmem>>
    %dma_wait3A_335 = arith.constant 0 : i32
    %dma_wait3A_336 = arith.constant 0 : i32
    %dma_wait3A_337 = tpu.memref_slice %arg4[%dma_wait3A_326, %dma_wait3A_335, %dma_wait3A_336] : memref<8x1024x1024xf32, #tpu.memory_space<any>> -> memref<1x1024x1024xf32, #tpu.memory_space<any>>
    %dma_wait3A_338 = tpu.memref_squeeze %dma_wait3A_337 : memref<1x1024x1024xf32, #tpu.memory_space<any>> -> memref<1024x1024xf32, #tpu.memory_space<any>>
    tpu.wait_dma2 semaphore(%dma_wait3A_330 : memref<!tpu.dma_semaphore, #tpu.memory_space<semaphore_mem>>) src(%dma_wait3A_338 : memref<1024x1024xf32, #tpu.memory_space<any>>) dst(%dma_wait3A_334 : memref<1024x1024xf32, #tpu.memory_space<vmem>>)
    %dma_wait3A_339 = arith.constant 2 : i32
    %dma_wait3A_340 = arith.constant 5 : i32
    %dma_wait3A_341 = arith.constant 5 : i32
    %dma_wait3A_342 = tpu.memref_slice %arg13[%dma_wait3A_341] : memref<6x!tpu.dma_semaphore, #tpu.memory_space<semaphore_mem>> -> memref<1x!tpu.dma_semaphore, #tpu.memory_space<semaphore_mem>>
    %dma_wait3A_343 = tpu.memref_squeeze %dma_wait3A_342 : memref<1x!tpu.dma_semaphore, #tpu.memory_space<semaphore_mem>> -> memref<!tpu.dma_semaphore, #tpu.memory_space<semaphore_mem>>
    %dma_wait3A_344 = arith.constant 0 : i32
    %dma_wait3A_345 = arith.constant 0 : i32
    %dma_wait3A_346 = tpu.memref_slice %arg9[%dma_wait3A_340, %dma_wait3A_344, %dma_wait3A_345] : memref<6x1024x1024xf32, #tpu.memory_space<vmem>> -> memref<1x1024x1024xf32, #tpu.memory_space<vmem>>
    %dma_wait3A_347 = tpu.memref_squeeze %dma_wait3A_346 : memref<1x1024x1024xf32, #tpu.memory_space<vmem>> -> memref<1024x1024xf32, #tpu.memory_space<vmem>>
    %dma_wait3A_348 = arith.constant 0 : i32
    %dma_wait3A_349 = arith.constant 0 : i32
    %dma_wait3A_350 = tpu.memref_slice %arg5[%dma_wait3A_339, %dma_wait3A_348, %dma_wait3A_349] : memref<8x1024x1024xf32, #tpu.memory_space<any>> -> memref<1x1024x1024xf32, #tpu.memory_space<any>>
    %dma_wait3A_351 = tpu.memref_squeeze %dma_wait3A_350 : memref<1x1024x1024xf32, #tpu.memory_space<any>> -> memref<1024x1024xf32, #tpu.memory_space<any>>
    tpu.wait_dma2 semaphore(%dma_wait3A_343 : memref<!tpu.dma_semaphore, #tpu.memory_space<semaphore_mem>>) src(%dma_wait3A_351 : memref<1024x1024xf32, #tpu.memory_space<any>>) dst(%dma_wait3A_347 : memref<1024x1024xf32, #tpu.memory_space<vmem>>)
    %get3A_352 = arith.constant 4 : index
    %get3A_353 = arith.constant 0 : index
    %get3A_354 = arith.constant 0 : index
    %get3A_355 = vector.load %arg9[%get3A_352, %get3A_353, %get3A_354] : memref<6x1024x1024xf32, #tpu.memory_space<vmem>>, vector<1x1024x1024xf32>
    %get3A_356 = vector.shape_cast %get3A_355 : vector<1x1024x1024xf32> to vector<1024x1024xf32>
    %get3A_357 = arith.constant 0 : index
    %get3A_358 = arith.constant 0 : index
    %get3A_359 = vector.load %arg1[%get3A_357, %get3A_358] : memref<2x1024xf32, #tpu.memory_space<vmem>>, vector<2x1024xf32>
    %dot_general3A_360 = arith.constant dense<0.000000e+00> : vector<1024x2xf32>
    %dot_general3A_361 = tpu.matmul %get3A_356, %get3A_359, %dot_general3A_360 {dimension_numbers = #tpu.dot_dimension_numbers<[0], [1], [1], [0], [0, 1, 1, 0], [], []>, transpose_lhs_hint = false} : vector<1024x1024xf32>, vector<2x1024xf32>, vector<1024x2xf32> -> vector<1024x2xf32>
    %iota3A_362 = tpu.iota {dimensions = array<i32: 0>} : vector<1024x8xi32>
    %jit3A_363 = arith.constant 128 : i32
    %div3A_364 = vector.broadcast %jit3A_363 : i32 to vector<1024x8xi32>
    %div3A_365 = arith.divsi %iota3A_362, %div3A_364 : vector<1024x8xi32>
    %sign3A_366 = arith.constant 0 : i32
    %sign3A_367 = vector.broadcast %sign3A_366 : i32 to vector<1024x8xi32>
    %sign3A_368 = arith.cmpi sgt, %iota3A_362, %sign3A_367 : vector<1024x8xi32>
    %sign3A_369 = arith.extui %sign3A_368 : vector<1024x8xi1> to vector<1024x8xi32>
    %sign3A_370 = arith.constant 0 : i32
    %sign3A_371 = vector.broadcast %sign3A_370 : i32 to vector<1024x8xi32>
    %sign3A_372 = arith.cmpi slt, %iota3A_362, %sign3A_371 : vector<1024x8xi32>
    %sign3A_373 = arith.extui %sign3A_372 : vector<1024x8xi1> to vector<1024x8xi32>
    %sign3A_374 = arith.subi %sign3A_369, %sign3A_373 : vector<1024x8xi32>
    %sign3A_375 = arith.constant 0 : i32
    %sign3A_376 = arith.cmpi sgt, %jit3A_363, %sign3A_375 : i32
    %sign3A_377 = arith.extui %sign3A_376 : i1 to i32
    %sign3A_378 = arith.constant 0 : i32
    %sign3A_379 = arith.cmpi slt, %jit3A_363, %sign3A_378 : i32
    %sign3A_380 = arith.extui %sign3A_379 : i1 to i32
    %sign3A_381 = arith.subi %sign3A_377, %sign3A_380 : i32
    %ne3A_382 = vector.broadcast %sign3A_381 : i32 to vector<1024x8xi32>
    %ne3A_383 = arith.cmpi ne, %sign3A_374, %ne3A_382 : vector<1024x8xi32>
    %rem3A_384 = vector.broadcast %jit3A_363 : i32 to vector<1024x8xi32>
    %rem3A_385 = arith.remsi %iota3A_362, %rem3A_384 : vector<1024x8xi32>
    %ne3A_386 = arith.constant 0 : i32
    %ne3A_387 = vector.broadcast %ne3A_386 : i32 to vector<1024x8xi32>
    %ne3A_388 = arith.cmpi ne, %rem3A_385, %ne3A_387 : vector<1024x8xi32>
    %and3A_389 = arith.andi %ne3A_383, %ne3A_388 : vector<1024x8xi1>
    %sub3A_390 = arith.constant 1 : i32
    %sub3A_391 = vector.broadcast %sub3A_390 : i32 to vector<1024x8xi32>
    %sub3A_392 = arith.subi %div3A_365, %sub3A_391 : vector<1024x8xi32>
    %select_n3A_393 = arith.select %and3A_389, %sub3A_392, %div3A_365 : vector<1024x8xi1>, vector<1024x8xi32>
    %iota3A_394 = tpu.iota {dimensions = array<i32: 1>} : vector<1024x8xi32>
    %eq3A_395 = arith.cmpi eq, %select_n3A_393, %iota3A_394 : vector<1024x8xi32>
    %convert_element_type3A_396 = arith.extui %eq3A_395 : vector<1024x8xi1> to vector<1024x8xi32>
    %convert_element_type3A_397 = arith.sitofp %convert_element_type3A_396 : vector<1024x8xi32> to vector<1024x8xf32>
    %mul3A_398 = arith.constant 0.0883883461 : f32
    %mul3A_399 = vector.broadcast %mul3A_398 : f32 to vector<1024x8xf32>
    %mul3A_400 = arith.mulf %convert_element_type3A_397, %mul3A_399 : vector<1024x8xf32>
    %slice3A_401 = vector.extract_strided_slice %dot_general3A_361 {offsets = [0, 0], sizes = [1024, 1], strides = [1, 1]} : vector<1024x2xf32> to vector<1024x1xf32>
    %mul3A_402 = vector.broadcast %slice3A_401 : vector<1024x1xf32> to vector<1024x8xf32>
    %mul3A_403 = arith.mulf %mul3A_402, %mul3A_400 : vector<1024x8xf32>
    %get3A_404 = arith.constant 5 : index
    %get3A_405 = arith.constant 0 : index
    %get3A_406 = arith.constant 0 : index
    %get3A_407 = vector.load %arg9[%get3A_404, %get3A_405, %get3A_406] : memref<6x1024x1024xf32, #tpu.memory_space<vmem>>, vector<1x1024x1024xf32>
    %get3A_408 = vector.shape_cast %get3A_407 : vector<1x1024x1024xf32> to vector<1024x1024xf32>
    %dot_general3A_409 = arith.constant dense<0.000000e+00> : vector<1024x8xf32>
    %dot_general3A_410 = tpu.matmul %get3A_408, %mul3A_403, %dot_general3A_409 {dimension_numbers = #tpu.dot_dimension_numbers<[1], [0], [0], [1], [0, 0, 1, 1], [], []>, transpose_lhs_hint = false} : vector<1024x1024xf32>, vector<1024x8xf32>, vector<1024x8xf32> -> vector<1024x8xf32>
    %swap3A_411 = arith.constant 0 : index
    %swap3A_412 = arith.constant 0 : index
    %swap3A_413 = arith.constant 16 : index
    %swap3A_414 = vector.load %arg10[%swap3A_411, %swap3A_412, %swap3A_413] : memref<2x1024x128xf32, #tpu.memory_space<vmem>>, vector<1x1024x8xf32>
    %swap3A_415 = vector.shape_cast %swap3A_414 : vector<1x1024x8xf32> to vector<1024x8xf32>
    %swap3A_416 = vector.shape_cast %dot_general3A_410 : vector<1024x8xf32> to vector<1x1024x8xf32>
    tpu.vector_store %arg10[%swap3A_411, %swap3A_412, %swap3A_413], %swap3A_416 {strides = array<i32>} : memref<2x1024x128xf32, #tpu.memory_space<vmem>>, vector<1x1024x8xf32>,
    %slice3A_417 = vector.extract_strided_slice %dot_general3A_361 {offsets = [0, 1], sizes = [1024, 1], strides = [1, 1]} : vector<1024x2xf32> to vector<1024x1xf32>
    %mul3A_418 = vector.broadcast %slice3A_417 : vector<1024x1xf32> to vector<1024x8xf32>
    %mul3A_419 = arith.mulf %mul3A_418, %mul3A_400 : vector<1024x8xf32>
    %get3A_420 = arith.constant 5 : index
    %get3A_421 = arith.constant 0 : index
    %get3A_422 = arith.constant 0 : index
    %get3A_423 = vector.load %arg9[%get3A_420, %get3A_421, %get3A_422] : memref<6x1024x1024xf32, #tpu.memory_space<vmem>>, vector<1x1024x1024xf32>
    %get3A_424 = vector.shape_cast %get3A_423 : vector<1x1024x1024xf32> to vector<1024x1024xf32>
    %dot_general3A_425 = arith.constant dense<0.000000e+00> : vector<1024x8xf32>
    %dot_general3A_426 = tpu.matmul %get3A_424, %mul3A_419, %dot_general3A_425 {dimension_numbers = #tpu.dot_dimension_numbers<[1], [0], [0], [1], [0, 0, 1, 1], [], []>, transpose_lhs_hint = false} : vector<1024x1024xf32>, vector<1024x8xf32>, vector<1024x8xf32> -> vector<1024x8xf32>
    %swap3A_427 = arith.constant 1 : index
    %swap3A_428 = arith.constant 0 : index
    %swap3A_429 = arith.constant 16 : index
    %swap3A_430 = vector.load %arg10[%swap3A_427, %swap3A_428, %swap3A_429] : memref<2x1024x128xf32, #tpu.memory_space<vmem>>, vector<1x1024x8xf32>
    %swap3A_431 = vector.shape_cast %swap3A_430 : vector<1x1024x8xf32> to vector<1024x8xf32>
    %swap3A_432 = vector.shape_cast %dot_general3A_426 : vector<1024x8xf32> to vector<1x1024x8xf32>
    tpu.vector_store %arg10[%swap3A_427, %swap3A_428, %swap3A_429], %swap3A_432 {strides = array<i32>} : memref<2x1024x128xf32, #tpu.memory_space<vmem>>, vector<1x1024x8xf32>,
    %dma_start3A_433 = arith.constant 5 : i32
    %dma_start3A_434 = arith.constant 4 : i32
    %dma_start3A_435 = arith.constant 4 : i32
    %dma_start3A_436 = tpu.memref_slice %arg13[%dma_start3A_435] : memref<6x!tpu.dma_semaphore, #tpu.memory_space<semaphore_mem>> -> memref<1x!tpu.dma_semaphore, #tpu.memory_space<semaphore_mem>>
    %dma_start3A_437 = tpu.memref_squeeze %dma_start3A_436 : memref<1x!tpu.dma_semaphore, #tpu.memory_space<semaphore_mem>> -> memref<!tpu.dma_semaphore, #tpu.memory_space<semaphore_mem>>
    %dma_start3A_438 = arith.constant 0 : i32
    %dma_start3A_439 = arith.constant 0 : i32
    %dma_start3A_440 = tpu.memref_slice %arg9[%dma_start3A_434, %dma_start3A_438, %dma_start3A_439] : memref<6x1024x1024xf32, #tpu.memory_space<vmem>> -> memref<1x1024x1024xf32, #tpu.memory_space<vmem>>
    %dma_start3A_441 = tpu.memref_squeeze %dma_start3A_440 : memref<1x1024x1024xf32, #tpu.memory_space<vmem>> -> memref<1024x1024xf32, #tpu.memory_space<vmem>>
    %dma_start3A_442 = arith.constant 0 : i32
    %dma_start3A_443 = arith.constant 0 : i32
    %dma_start3A_444 = tpu.memref_slice %arg4[%dma_start3A_433, %dma_start3A_442, %dma_start3A_443] : memref<8x1024x1024xf32, #tpu.memory_space<any>> -> memref<1x1024x1024xf32, #tpu.memory_space<any>>
    %dma_start3A_445 = tpu.memref_squeeze %dma_start3A_444 : memref<1x1024x1024xf32, #tpu.memory_space<any>> -> memref<1024x1024xf32, #tpu.memory_space<any>>
    tpu.enqueue_dma source(%dma_start3A_445 : memref<1024x1024xf32, #tpu.memory_space<any>>) target(%dma_start3A_441 : memref<1024x1024xf32, #tpu.memory_space<vmem>>) target_semaphore(%dma_start3A_437 : memref<!tpu.dma_semaphore, #tpu.memory_space<semaphore_mem>>)
    %dma_start3A_446 = arith.constant 5 : i32
    %dma_start3A_447 = arith.constant 5 : i32
    %dma_start3A_448 = arith.constant 5 : i32
    %dma_start3A_449 = tpu.memref_slice %arg13[%dma_start3A_448] : memref<6x!tpu.dma_semaphore, #tpu.memory_space<semaphore_mem>> -> memref<1x!tpu.dma_semaphore, #tpu.memory_space<semaphore_mem>>
    %dma_start3A_450 = tpu.memref_squeeze %dma_start3A_449 : memref<1x!tpu.dma_semaphore, #tpu.memory_space<semaphore_mem>> -> memref<!tpu.dma_semaphore, #tpu.memory_space<semaphore_mem>>
    %dma_start3A_451 = arith.constant 0 : i32
    %dma_start3A_452 = arith.constant 0 : i32
    %dma_start3A_453 = tpu.memref_slice %arg9[%dma_start3A_447, %dma_start3A_451, %dma_start3A_452] : memref<6x1024x1024xf32, #tpu.memory_space<vmem>> -> memref<1x1024x1024xf32, #tpu.memory_space<vmem>>
    %dma_start3A_454 = tpu.memref_squeeze %dma_start3A_453 : memref<1x1024x1024xf32, #tpu.memory_space<vmem>> -> memref<1024x1024xf32, #tpu.memory_space<vmem>>
    %dma_start3A_455 = arith.constant 0 : i32
    %dma_start3A_456 = arith.constant 0 : i32
    %dma_start3A_457 = tpu.memref_slice %arg5[%dma_start3A_446, %dma_start3A_455, %dma_start3A_456] : memref<8x1024x1024xf32, #tpu.memory_space<any>> -> memref<1x1024x1024xf32, #tpu.memory_space<any>>
    %dma_start3A_458 = tpu.memref_squeeze %dma_start3A_457 : memref<1x1024x1024xf32, #tpu.memory_space<any>> -> memref<1024x1024xf32, #tpu.memory_space<any>>
    tpu.enqueue_dma source(%dma_start3A_458 : memref<1024x1024xf32, #tpu.memory_space<any>>) target(%dma_start3A_454 : memref<1024x1024xf32, #tpu.memory_space<vmem>>) target_semaphore(%dma_start3A_450 : memref<!tpu.dma_semaphore, #tpu.memory_space<semaphore_mem>>)
    %dma_wait3A_459 = arith.constant 3 : i32
    %dma_wait3A_460 = arith.constant 0 : i32
    %dma_wait3A_461 = arith.constant 0 : i32
    %dma_wait3A_462 = tpu.memref_slice %arg13[%dma_wait3A_461] : memref<6x!tpu.dma_semaphore, #tpu.memory_space<semaphore_mem>> -> memref<1x!tpu.dma_semaphore, #tpu.memory_space<semaphore_mem>>
    %dma_wait3A_463 = tpu.memref_squeeze %dma_wait3A_462 : memref<1x!tpu.dma_semaphore, #tpu.memory_space<semaphore_mem>> -> memref<!tpu.dma_semaphore, #tpu.memory_space<semaphore_mem>>
    %dma_wait3A_464 = arith.constant 0 : i32
    %dma_wait3A_465 = arith.constant 0 : i32
    %dma_wait3A_466 = tpu.memref_slice %arg9[%dma_wait3A_460, %dma_wait3A_464, %dma_wait3A_465] : memref<6x1024x1024xf32, #tpu.memory_space<vmem>> -> memref<1x1024x1024xf32, #tpu.memory_space<vmem>>
    %dma_wait3A_467 = tpu.memref_squeeze %dma_wait3A_466 : memref<1x1024x1024xf32, #tpu.memory_space<vmem>> -> memref<1024x1024xf32, #tpu.memory_space<vmem>>
    %dma_wait3A_468 = arith.constant 0 : i32
    %dma_wait3A_469 = arith.constant 0 : i32
    %dma_wait3A_470 = tpu.memref_slice %arg4[%dma_wait3A_459, %dma_wait3A_468, %dma_wait3A_469] : memref<8x1024x1024xf32, #tpu.memory_space<any>> -> memref<1x1024x1024xf32, #tpu.memory_space<any>>
    %dma_wait3A_471 = tpu.memref_squeeze %dma_wait3A_470 : memref<1x1024x1024xf32, #tpu.memory_space<any>> -> memref<1024x1024xf32, #tpu.memory_space<any>>
    tpu.wait_dma2 semaphore(%dma_wait3A_463 : memref<!tpu.dma_semaphore, #tpu.memory_space<semaphore_mem>>) src(%dma_wait3A_471 : memref<1024x1024xf32, #tpu.memory_space<any>>) dst(%dma_wait3A_467 : memref<1024x1024xf32, #tpu.memory_space<vmem>>)
    %dma_wait3A_472 = arith.constant 3 : i32
    %dma_wait3A_473 = arith.constant 1 : i32
    %dma_wait3A_474 = arith.constant 1 : i32
    %dma_wait3A_475 = tpu.memref_slice %arg13[%dma_wait3A_474] : memref<6x!tpu.dma_semaphore, #tpu.memory_space<semaphore_mem>> -> memref<1x!tpu.dma_semaphore, #tpu.memory_space<semaphore_mem>>
    %dma_wait3A_476 = tpu.memref_squeeze %dma_wait3A_475 : memref<1x!tpu.dma_semaphore, #tpu.memory_space<semaphore_mem>> -> memref<!tpu.dma_semaphore, #tpu.memory_space<semaphore_mem>>
    %dma_wait3A_477 = arith.constant 0 : i32
    %dma_wait3A_478 = arith.constant 0 : i32
    %dma_wait3A_479 = tpu.memref_slice %arg9[%dma_wait3A_473, %dma_wait3A_477, %dma_wait3A_478] : memref<6x1024x1024xf32, #tpu.memory_space<vmem>> -> memref<1x1024x1024xf32, #tpu.memory_space<vmem>>
    %dma_wait3A_480 = tpu.memref_squeeze %dma_wait3A_479 : memref<1x1024x1024xf32, #tpu.memory_space<vmem>> -> memref<1024x1024xf32, #tpu.memory_space<vmem>>
    %dma_wait3A_481 = arith.constant 0 : i32
    %dma_wait3A_482 = arith.constant 0 : i32
    %dma_wait3A_483 = tpu.memref_slice %arg5[%dma_wait3A_472, %dma_wait3A_481, %dma_wait3A_482] : memref<8x1024x1024xf32, #tpu.memory_space<any>> -> memref<1x1024x1024xf32, #tpu.memory_space<any>>
    %dma_wait3A_484 = tpu.memref_squeeze %dma_wait3A_483 : memref<1x1024x1024xf32, #tpu.memory_space<any>> -> memref<1024x1024xf32, #tpu.memory_space<any>>
    tpu.wait_dma2 semaphore(%dma_wait3A_476 : memref<!tpu.dma_semaphore, #tpu.memory_space<semaphore_mem>>) src(%dma_wait3A_484 : memref<1024x1024xf32, #tpu.memory_space<any>>) dst(%dma_wait3A_480 : memref<1024x1024xf32, #tpu.memory_space<vmem>>)
    %get3A_485 = arith.constant 0 : index
    %get3A_486 = arith.constant 0 : index
    %get3A_487 = arith.constant 0 : index
    %get3A_488 = vector.load %arg9[%get3A_485, %get3A_486, %get3A_487] : memref<6x1024x1024xf32, #tpu.memory_space<vmem>>, vector<1x1024x1024xf32>
    %get3A_489 = vector.shape_cast %get3A_488 : vector<1x1024x1024xf32> to vector<1024x1024xf32>
    %get3A_490 = arith.constant 0 : index
    %get3A_491 = arith.constant 0 : index
    %get3A_492 = vector.load %arg1[%get3A_490, %get3A_491] : memref<2x1024xf32, #tpu.memory_space<vmem>>, vector<2x1024xf32>
    %dot_general3A_493 = arith.constant dense<0.000000e+00> : vector<1024x2xf32>
    %dot_general3A_494 = tpu.matmul %get3A_489, %get3A_492, %dot_general3A_493 {dimension_numbers = #tpu.dot_dimension_numbers<[0], [1], [1], [0], [0, 1, 1, 0], [], []>, transpose_lhs_hint = false} : vector<1024x1024xf32>, vector<2x1024xf32>, vector<1024x2xf32> -> vector<1024x2xf32>
    %iota3A_495 = tpu.iota {dimensions = array<i32: 0>} : vector<1024x8xi32>
    %jit3A_496 = arith.constant 128 : i32
    %div3A_497 = vector.broadcast %jit3A_496 : i32 to vector<1024x8xi32>
    %div3A_498 = arith.divsi %iota3A_495, %div3A_497 : vector<1024x8xi32>
    %sign3A_499 = arith.constant 0 : i32
    %sign3A_500 = vector.broadcast %sign3A_499 : i32 to vector<1024x8xi32>
    %sign3A_501 = arith.cmpi sgt, %iota3A_495, %sign3A_500 : vector<1024x8xi32>
    %sign3A_502 = arith.extui %sign3A_501 : vector<1024x8xi1> to vector<1024x8xi32>
    %sign3A_503 = arith.constant 0 : i32
    %sign3A_504 = vector.broadcast %sign3A_503 : i32 to vector<1024x8xi32>
    %sign3A_505 = arith.cmpi slt, %iota3A_495, %sign3A_504 : vector<1024x8xi32>
    %sign3A_506 = arith.extui %sign3A_505 : vector<1024x8xi1> to vector<1024x8xi32>
    %sign3A_507 = arith.subi %sign3A_502, %sign3A_506 : vector<1024x8xi32>
    %sign3A_508 = arith.constant 0 : i32
    %sign3A_509 = arith.cmpi sgt, %jit3A_496, %sign3A_508 : i32
    %sign3A_510 = arith.extui %sign3A_509 : i1 to i32
    %sign3A_511 = arith.constant 0 : i32
    %sign3A_512 = arith.cmpi slt, %jit3A_496, %sign3A_511 : i32
    %sign3A_513 = arith.extui %sign3A_512 : i1 to i32
    %sign3A_514 = arith.subi %sign3A_510, %sign3A_513 : i32
    %ne3A_515 = vector.broadcast %sign3A_514 : i32 to vector<1024x8xi32>
    %ne3A_516 = arith.cmpi ne, %sign3A_507, %ne3A_515 : vector<1024x8xi32>
    %rem3A_517 = vector.broadcast %jit3A_496 : i32 to vector<1024x8xi32>
    %rem3A_518 = arith.remsi %iota3A_495, %rem3A_517 : vector<1024x8xi32>
    %ne3A_519 = arith.constant 0 : i32
    %ne3A_520 = vector.broadcast %ne3A_519 : i32 to vector<1024x8xi32>
    %ne3A_521 = arith.cmpi ne, %rem3A_518, %ne3A_520 : vector<1024x8xi32>
    %and3A_522 = arith.andi %ne3A_516, %ne3A_521 : vector<1024x8xi1>
    %sub3A_523 = arith.constant 1 : i32
    %sub3A_524 = vector.broadcast %sub3A_523 : i32 to vector<1024x8xi32>
    %sub3A_525 = arith.subi %div3A_498, %sub3A_524 : vector<1024x8xi32>
    %select_n3A_526 = arith.select %and3A_522, %sub3A_525, %div3A_498 : vector<1024x8xi1>, vector<1024x8xi32>
    %iota3A_527 = tpu.iota {dimensions = array<i32: 1>} : vector<1024x8xi32>
    %eq3A_528 = arith.cmpi eq, %select_n3A_526, %iota3A_527 : vector<1024x8xi32>
    %convert_element_type3A_529 = arith.extui %eq3A_528 : vector<1024x8xi1> to vector<1024x8xi32>
    %convert_element_type3A_530 = arith.sitofp %convert_element_type3A_529 : vector<1024x8xi32> to vector<1024x8xf32>
    %mul3A_531 = arith.constant 0.0883883461 : f32
    %mul3A_532 = vector.broadcast %mul3A_531 : f32 to vector<1024x8xf32>
    %mul3A_533 = arith.mulf %convert_element_type3A_530, %mul3A_532 : vector<1024x8xf32>
    %slice3A_534 = vector.extract_strided_slice %dot_general3A_494 {offsets = [0, 0], sizes = [1024, 1], strides = [1, 1]} : vector<1024x2xf32> to vector<1024x1xf32>
    %mul3A_535 = vector.broadcast %slice3A_534 : vector<1024x1xf32> to vector<1024x8xf32>
    %mul3A_536 = arith.mulf %mul3A_535, %mul3A_533 : vector<1024x8xf32>
    %get3A_537 = arith.constant 1 : index
    %get3A_538 = arith.constant 0 : index
    %get3A_539 = arith.constant 0 : index
    %get3A_540 = vector.load %arg9[%get3A_537, %get3A_538, %get3A_539] : memref<6x1024x1024xf32, #tpu.memory_space<vmem>>, vector<1x1024x1024xf32>
    %get3A_541 = vector.shape_cast %get3A_540 : vector<1x1024x1024xf32> to vector<1024x1024xf32>
    %dot_general3A_542 = arith.constant dense<0.000000e+00> : vector<1024x8xf32>
    %dot_general3A_543 = tpu.matmul %get3A_541, %mul3A_536, %dot_general3A_542 {dimension_numbers = #tpu.dot_dimension_numbers<[1], [0], [0], [1], [0, 0, 1, 1], [], []>, transpose_lhs_hint = false} : vector<1024x1024xf32>, vector<1024x8xf32>, vector<1024x8xf32> -> vector<1024x8xf32>
    %swap3A_544 = arith.constant 0 : index
    %swap3A_545 = arith.constant 0 : index
    %swap3A_546 = arith.constant 24 : index
    %swap3A_547 = vector.load %arg10[%swap3A_544, %swap3A_545, %swap3A_546] : memref<2x1024x128xf32, #tpu.memory_space<vmem>>, vector<1x1024x8xf32>
    %swap3A_548 = vector.shape_cast %swap3A_547 : vector<1x1024x8xf32> to vector<1024x8xf32>
    %swap3A_549 = vector.shape_cast %dot_general3A_543 : vector<1024x8xf32> to vector<1x1024x8xf32>
    tpu.vector_store %arg10[%swap3A_544, %swap3A_545, %swap3A_546], %swap3A_549 {strides = array<i32>} : memref<2x1024x128xf32, #tpu.memory_space<vmem>>, vector<1x1024x8xf32>,
    %slice3A_550 = vector.extract_strided_slice %dot_general3A_494 {offsets = [0, 1], sizes = [1024, 1], strides = [1, 1]} : vector<1024x2xf32> to vector<1024x1xf32>
    %mul3A_551 = vector.broadcast %slice3A_550 : vector<1024x1xf32> to vector<1024x8xf32>
    %mul3A_552 = arith.mulf %mul3A_551, %mul3A_533 : vector<1024x8xf32>
    %get3A_553 = arith.constant 1 : index
    %get3A_554 = arith.constant 0 : index
    %get3A_555 = arith.constant 0 : index
    %get3A_556 = vector.load %arg9[%get3A_553, %get3A_554, %get3A_555] : memref<6x1024x1024xf32, #tpu.memory_space<vmem>>, vector<1x1024x1024xf32>
    %get3A_557 = vector.shape_cast %get3A_556 : vector<1x1024x1024xf32> to vector<1024x1024xf32>
    %dot_general3A_558 = arith.constant dense<0.000000e+00> : vector<1024x8xf32>
    %dot_general3A_559 = tpu.matmul %get3A_557, %mul3A_552, %dot_general3A_558 {dimension_numbers = #tpu.dot_dimension_numbers<[1], [0], [0], [1], [0, 0, 1, 1], [], []>, transpose_lhs_hint = false} : vector<1024x1024xf32>, vector<1024x8xf32>, vector<1024x8xf32> -> vector<1024x8xf32>
    %swap3A_560 = arith.constant 1 : index
    %swap3A_561 = arith.constant 0 : index
    %swap3A_562 = arith.constant 24 : index
    %swap3A_563 = vector.load %arg10[%swap3A_560, %swap3A_561, %swap3A_562] : memref<2x1024x128xf32, #tpu.memory_space<vmem>>, vector<1x1024x8xf32>
    %swap3A_564 = vector.shape_cast %swap3A_563 : vector<1x1024x8xf32> to vector<1024x8xf32>
    %swap3A_565 = vector.shape_cast %dot_general3A_559 : vector<1024x8xf32> to vector<1x1024x8xf32>
    tpu.vector_store %arg10[%swap3A_560, %swap3A_561, %swap3A_562], %swap3A_565 {strides = array<i32>} : memref<2x1024x128xf32, #tpu.memory_space<vmem>>, vector<1x1024x8xf32>,
    %dma_start3A_566 = arith.constant 6 : i32
    %dma_start3A_567 = arith.constant 0 : i32
    %dma_start3A_568 = arith.constant 0 : i32
    %dma_start3A_569 = tpu.memref_slice %arg13[%dma_start3A_568] : memref<6x!tpu.dma_semaphore, #tpu.memory_space<semaphore_mem>> -> memref<1x!tpu.dma_semaphore, #tpu.memory_space<semaphore_mem>>
    %dma_start3A_570 = tpu.memref_squeeze %dma_start3A_569 : memref<1x!tpu.dma_semaphore, #tpu.memory_space<semaphore_mem>> -> memref<!tpu.dma_semaphore, #tpu.memory_space<semaphore_mem>>
    %dma_start3A_571 = arith.constant 0 : i32
    %dma_start3A_572 = arith.constant 0 : i32
    %dma_start3A_573 = tpu.memref_slice %arg9[%dma_start3A_567, %dma_start3A_571, %dma_start3A_572] : memref<6x1024x1024xf32, #tpu.memory_space<vmem>> -> memref<1x1024x1024xf32, #tpu.memory_space<vmem>>
    %dma_start3A_574 = tpu.memref_squeeze %dma_start3A_573 : memref<1x1024x1024xf32, #tpu.memory_space<vmem>> -> memref<1024x1024xf32, #tpu.memory_space<vmem>>
    %dma_start3A_575 = arith.constant 0 : i32
    %dma_start3A_576 = arith.constant 0 : i32
    %dma_start3A_577 = tpu.memref_slice %arg4[%dma_start3A_566, %dma_start3A_575, %dma_start3A_576] : memref<8x1024x1024xf32, #tpu.memory_space<any>> -> memref<1x1024x1024xf32, #tpu.memory_space<any>>
    %dma_start3A_578 = tpu.memref_squeeze %dma_start3A_577 : memref<1x1024x1024xf32, #tpu.memory_space<any>> -> memref<1024x1024xf32, #tpu.memory_space<any>>
    tpu.enqueue_dma source(%dma_start3A_578 : memref<1024x1024xf32, #tpu.memory_space<any>>) target(%dma_start3A_574 : memref<1024x1024xf32, #tpu.memory_space<vmem>>) target_semaphore(%dma_start3A_570 : memref<!tpu.dma_semaphore, #tpu.memory_space<semaphore_mem>>)
    %dma_start3A_579 = arith.constant 6 : i32
    %dma_start3A_580 = arith.constant 1 : i32
    %dma_start3A_581 = arith.constant 1 : i32
    %dma_start3A_582 = tpu.memref_slice %arg13[%dma_start3A_581] : memref<6x!tpu.dma_semaphore, #tpu.memory_space<semaphore_mem>> -> memref<1x!tpu.dma_semaphore, #tpu.memory_space<semaphore_mem>>
    %dma_start3A_583 = tpu.memref_squeeze %dma_start3A_582 : memref<1x!tpu.dma_semaphore, #tpu.memory_space<semaphore_mem>> -> memref<!tpu.dma_semaphore, #tpu.memory_space<semaphore_mem>>
    %dma_start3A_584 = arith.constant 0 : i32
    %dma_start3A_585 = arith.constant 0 : i32
    %dma_start3A_586 = tpu.memref_slice %arg9[%dma_start3A_580, %dma_start3A_584, %dma_start3A_585] : memref<6x1024x1024xf32, #tpu.memory_space<vmem>> -> memref<1x1024x1024xf32, #tpu.memory_space<vmem>>
    %dma_start3A_587 = tpu.memref_squeeze %dma_start3A_586 : memref<1x1024x1024xf32, #tpu.memory_space<vmem>> -> memref<1024x1024xf32, #tpu.memory_space<vmem>>
    %dma_start3A_588 = arith.constant 0 : i32
    %dma_start3A_589 = arith.constant 0 : i32
    %dma_start3A_590 = tpu.memref_slice %arg5[%dma_start3A_579, %dma_start3A_588, %dma_start3A_589] : memref<8x1024x1024xf32, #tpu.memory_space<any>> -> memref<1x1024x1024xf32, #tpu.memory_space<any>>
    %dma_start3A_591 = tpu.memref_squeeze %dma_start3A_590 : memref<1x1024x1024xf32, #tpu.memory_space<any>> -> memref<1024x1024xf32, #tpu.memory_space<any>>
    tpu.enqueue_dma source(%dma_start3A_591 : memref<1024x1024xf32, #tpu.memory_space<any>>) target(%dma_start3A_587 : memref<1024x1024xf32, #tpu.memory_space<vmem>>) target_semaphore(%dma_start3A_583 : memref<!tpu.dma_semaphore, #tpu.memory_space<semaphore_mem>>)
    %dma_wait3A_592 = arith.constant 4 : i32
    %dma_wait3A_593 = arith.constant 2 : i32
    %dma_wait3A_594 = arith.constant 2 : i32
    %dma_wait3A_595 = tpu.memref_slice %arg13[%dma_wait3A_594] : memref<6x!tpu.dma_semaphore, #tpu.memory_space<semaphore_mem>> -> memref<1x!tpu.dma_semaphore, #tpu.memory_space<semaphore_mem>>
    %dma_wait3A_596 = tpu.memref_squeeze %dma_wait3A_595 : memref<1x!tpu.dma_semaphore, #tpu.memory_space<semaphore_mem>> -> memref<!tpu.dma_semaphore, #tpu.memory_space<semaphore_mem>>
    %dma_wait3A_597 = arith.constant 0 : i32
    %dma_wait3A_598 = arith.constant 0 : i32
    %dma_wait3A_599 = tpu.memref_slice %arg9[%dma_wait3A_593, %dma_wait3A_597, %dma_wait3A_598] : memref<6x1024x1024xf32, #tpu.memory_space<vmem>> -> memref<1x1024x1024xf32, #tpu.memory_space<vmem>>
    %dma_wait3A_600 = tpu.memref_squeeze %dma_wait3A_599 : memref<1x1024x1024xf32, #tpu.memory_space<vmem>> -> memref<1024x1024xf32, #tpu.memory_space<vmem>>
    %dma_wait3A_601 = arith.constant 0 : i32
    %dma_wait3A_602 = arith.constant 0 : i32
    %dma_wait3A_603 = tpu.memref_slice %arg4[%dma_wait3A_592, %dma_wait3A_601, %dma_wait3A_602] : memref<8x1024x1024xf32, #tpu.memory_space<any>> -> memref<1x1024x1024xf32, #tpu.memory_space<any>>
    %dma_wait3A_604 = tpu.memref_squeeze %dma_wait3A_603 : memref<1x1024x1024xf32, #tpu.memory_space<any>> -> memref<1024x1024xf32, #tpu.memory_space<any>>
    tpu.wait_dma2 semaphore(%dma_wait3A_596 : memref<!tpu.dma_semaphore, #tpu.memory_space<semaphore_mem>>) src(%dma_wait3A_604 : memref<1024x1024xf32, #tpu.memory_space<any>>) dst(%dma_wait3A_600 : memref<1024x1024xf32, #tpu.memory_space<vmem>>)
    %dma_wait3A_605 = arith.constant 4 : i32
    %dma_wait3A_606 = arith.constant 3 : i32
    %dma_wait3A_607 = arith.constant 3 : i32
    %dma_wait3A_608 = tpu.memref_slice %arg13[%dma_wait3A_607] : memref<6x!tpu.dma_semaphore, #tpu.memory_space<semaphore_mem>> -> memref<1x!tpu.dma_semaphore, #tpu.memory_space<semaphore_mem>>
    %dma_wait3A_609 = tpu.memref_squeeze %dma_wait3A_608 : memref<1x!tpu.dma_semaphore, #tpu.memory_space<semaphore_mem>> -> memref<!tpu.dma_semaphore, #tpu.memory_space<semaphore_mem>>
    %dma_wait3A_610 = arith.constant 0 : i32
    %dma_wait3A_611 = arith.constant 0 : i32
    %dma_wait3A_612 = tpu.memref_slice %arg9[%dma_wait3A_606, %dma_wait3A_610, %dma_wait3A_611] : memref<6x1024x1024xf32, #tpu.memory_space<vmem>> -> memref<1x1024x1024xf32, #tpu.memory_space<vmem>>
    %dma_wait3A_613 = tpu.memref_squeeze %dma_wait3A_612 : memref<1x1024x1024xf32, #tpu.memory_space<vmem>> -> memref<1024x1024xf32, #tpu.memory_space<vmem>>
    %dma_wait3A_614 = arith.constant 0 : i32
    %dma_wait3A_615 = arith.constant 0 : i32
    %dma_wait3A_616 = tpu.memref_slice %arg5[%dma_wait3A_605, %dma_wait3A_614, %dma_wait3A_615] : memref<8x1024x1024xf32, #tpu.memory_space<any>> -> memref<1x1024x1024xf32, #tpu.memory_space<any>>
    %dma_wait3A_617 = tpu.memref_squeeze %dma_wait3A_616 : memref<1x1024x1024xf32, #tpu.memory_space<any>> -> memref<1024x1024xf32, #tpu.memory_space<any>>
    tpu.wait_dma2 semaphore(%dma_wait3A_609 : memref<!tpu.dma_semaphore, #tpu.memory_space<semaphore_mem>>) src(%dma_wait3A_617 : memref<1024x1024xf32, #tpu.memory_space<any>>) dst(%dma_wait3A_613 : memref<1024x1024xf32, #tpu.memory_space<vmem>>)
    %get3A_618 = arith.constant 2 : index
    %get3A_619 = arith.constant 0 : index
    %get3A_620 = arith.constant 0 : index
    %get3A_621 = vector.load %arg9[%get3A_618, %get3A_619, %get3A_620] : memref<6x1024x1024xf32, #tpu.memory_space<vmem>>, vector<1x1024x1024xf32>
    %get3A_622 = vector.shape_cast %get3A_621 : vector<1x1024x1024xf32> to vector<1024x1024xf32>
    %get3A_623 = arith.constant 0 : index
    %get3A_624 = arith.constant 0 : index
    %get3A_625 = vector.load %arg1[%get3A_623, %get3A_624] : memref<2x1024xf32, #tpu.memory_space<vmem>>, vector<2x1024xf32>
    %dot_general3A_626 = arith.constant dense<0.000000e+00> : vector<1024x2xf32>
    %dot_general3A_627 = tpu.matmul %get3A_622, %get3A_625, %dot_general3A_626 {dimension_numbers = #tpu.dot_dimension_numbers<[0], [1], [1], [0], [0, 1, 1, 0], [], []>, transpose_lhs_hint = false} : vector<1024x1024xf32>, vector<2x1024xf32>, vector<1024x2xf32> -> vector<1024x2xf32>
    %iota3A_628 = tpu.iota {dimensions = array<i32: 0>} : vector<1024x8xi32>
    %jit3A_629 = arith.constant 128 : i32
    %div3A_630 = vector.broadcast %jit3A_629 : i32 to vector<1024x8xi32>
    %div3A_631 = arith.divsi %iota3A_628, %div3A_630 : vector<1024x8xi32>
    %sign3A_632 = arith.constant 0 : i32
    %sign3A_633 = vector.broadcast %sign3A_632 : i32 to vector<1024x8xi32>
    %sign3A_634 = arith.cmpi sgt, %iota3A_628, %sign3A_633 : vector<1024x8xi32>
    %sign3A_635 = arith.extui %sign3A_634 : vector<1024x8xi1> to vector<1024x8xi32>
    %sign3A_636 = arith.constant 0 : i32
    %sign3A_637 = vector.broadcast %sign3A_636 : i32 to vector<1024x8xi32>
    %sign3A_638 = arith.cmpi slt, %iota3A_628, %sign3A_637 : vector<1024x8xi32>
    %sign3A_639 = arith.extui %sign3A_638 : vector<1024x8xi1> to vector<1024x8xi32>
    %sign3A_640 = arith.subi %sign3A_635, %sign3A_639 : vector<1024x8xi32>
    %sign3A_641 = arith.constant 0 : i32
    %sign3A_642 = arith.cmpi sgt, %jit3A_629, %sign3A_641 : i32
    %sign3A_643 = arith.extui %sign3A_642 : i1 to i32
    %sign3A_644 = arith.constant 0 : i32
    %sign3A_645 = arith.cmpi slt, %jit3A_629, %sign3A_644 : i32
    %sign3A_646 = arith.extui %sign3A_645 : i1 to i32
    %sign3A_647 = arith.subi %sign3A_643, %sign3A_646 : i32
    %ne3A_648 = vector.broadcast %sign3A_647 : i32 to vector<1024x8xi32>
    %ne3A_649 = arith.cmpi ne, %sign3A_640, %ne3A_648 : vector<1024x8xi32>
    %rem3A_650 = vector.broadcast %jit3A_629 : i32 to vector<1024x8xi32>
    %rem3A_651 = arith.remsi %iota3A_628, %rem3A_650 : vector<1024x8xi32>
    %ne3A_652 = arith.constant 0 : i32
    %ne3A_653 = vector.broadcast %ne3A_652 : i32 to vector<1024x8xi32>
    %ne3A_654 = arith.cmpi ne, %rem3A_651, %ne3A_653 : vector<1024x8xi32>
    %and3A_655 = arith.andi %ne3A_649, %ne3A_654 : vector<1024x8xi1>
    %sub3A_656 = arith.constant 1 : i32
    %sub3A_657 = vector.broadcast %sub3A_656 : i32 to vector<1024x8xi32>
    %sub3A_658 = arith.subi %div3A_631, %sub3A_657 : vector<1024x8xi32>
    %select_n3A_659 = arith.select %and3A_655, %sub3A_658, %div3A_631 : vector<1024x8xi1>, vector<1024x8xi32>
    %iota3A_660 = tpu.iota {dimensions = array<i32: 1>} : vector<1024x8xi32>
    %eq3A_661 = arith.cmpi eq, %select_n3A_659, %iota3A_660 : vector<1024x8xi32>
    %convert_element_type3A_662 = arith.extui %eq3A_661 : vector<1024x8xi1> to vector<1024x8xi32>
    %convert_element_type3A_663 = arith.sitofp %convert_element_type3A_662 : vector<1024x8xi32> to vector<1024x8xf32>
    %mul3A_664 = arith.constant 0.0883883461 : f32
    %mul3A_665 = vector.broadcast %mul3A_664 : f32 to vector<1024x8xf32>
    %mul3A_666 = arith.mulf %convert_element_type3A_663, %mul3A_665 : vector<1024x8xf32>
    %slice3A_667 = vector.extract_strided_slice %dot_general3A_627 {offsets = [0, 0], sizes = [1024, 1], strides = [1, 1]} : vector<1024x2xf32> to vector<1024x1xf32>
    %mul3A_668 = vector.broadcast %slice3A_667 : vector<1024x1xf32> to vector<1024x8xf32>
    %mul3A_669 = arith.mulf %mul3A_668, %mul3A_666 : vector<1024x8xf32>
    %get3A_670 = arith.constant 3 : index
    %get3A_671 = arith.constant 0 : index
    %get3A_672 = arith.constant 0 : index
    %get3A_673 = vector.load %arg9[%get3A_670, %get3A_671, %get3A_672] : memref<6x1024x1024xf32, #tpu.memory_space<vmem>>, vector<1x1024x1024xf32>
    %get3A_674 = vector.shape_cast %get3A_673 : vector<1x1024x1024xf32> to vector<1024x1024xf32>
    %dot_general3A_675 = arith.constant dense<0.000000e+00> : vector<1024x8xf32>
    %dot_general3A_676 = tpu.matmul %get3A_674, %mul3A_669, %dot_general3A_675 {dimension_numbers = #tpu.dot_dimension_numbers<[1], [0], [0], [1], [0, 0, 1, 1], [], []>, transpose_lhs_hint = false} : vector<1024x1024xf32>, vector<1024x8xf32>, vector<1024x8xf32> -> vector<1024x8xf32>
    %swap3A_677 = arith.constant 0 : index
    %swap3A_678 = arith.constant 0 : index
    %swap3A_679 = arith.constant 32 : index
    %swap3A_680 = vector.load %arg10[%swap3A_677, %swap3A_678, %swap3A_679] : memref<2x1024x128xf32, #tpu.memory_space<vmem>>, vector<1x1024x8xf32>
    %swap3A_681 = vector.shape_cast %swap3A_680 : vector<1x1024x8xf32> to vector<1024x8xf32>
    %swap3A_682 = vector.shape_cast %dot_general3A_676 : vector<1024x8xf32> to vector<1x1024x8xf32>
    tpu.vector_store %arg10[%swap3A_677, %swap3A_678, %swap3A_679], %swap3A_682 {strides = array<i32>} : memref<2x1024x128xf32, #tpu.memory_space<vmem>>, vector<1x1024x8xf32>,
    %slice3A_683 = vector.extract_strided_slice %dot_general3A_627 {offsets = [0, 1], sizes = [1024, 1], strides = [1, 1]} : vector<1024x2xf32> to vector<1024x1xf32>
    %mul3A_684 = vector.broadcast %slice3A_683 : vector<1024x1xf32> to vector<1024x8xf32>
    %mul3A_685 = arith.mulf %mul3A_684, %mul3A_666 : vector<1024x8xf32>
    %get3A_686 = arith.constant 3 : index
    %get3A_687 = arith.constant 0 : index
    %get3A_688 = arith.constant 0 : index
    %get3A_689 = vector.load %arg9[%get3A_686, %get3A_687, %get3A_688] : memref<6x1024x1024xf32, #tpu.memory_space<vmem>>, vector<1x1024x1024xf32>
    %get3A_690 = vector.shape_cast %get3A_689 : vector<1x1024x1024xf32> to vector<1024x1024xf32>
    %dot_general3A_691 = arith.constant dense<0.000000e+00> : vector<1024x8xf32>
    %dot_general3A_692 = tpu.matmul %get3A_690, %mul3A_685, %dot_general3A_691 {dimension_numbers = #tpu.dot_dimension_numbers<[1], [0], [0], [1], [0, 0, 1, 1], [], []>, transpose_lhs_hint = false} : vector<1024x1024xf32>, vector<1024x8xf32>, vector<1024x8xf32> -> vector<1024x8xf32>
    %swap3A_693 = arith.constant 1 : index
    %swap3A_694 = arith.constant 0 : index
    %swap3A_695 = arith.constant 32 : index
    %swap3A_696 = vector.load %arg10[%swap3A_693, %swap3A_694, %swap3A_695] : memref<2x1024x128xf32, #tpu.memory_space<vmem>>, vector<1x1024x8xf32>
    %swap3A_697 = vector.shape_cast %swap3A_696 : vector<1x1024x8xf32> to vector<1024x8xf32>
    %swap3A_698 = vector.shape_cast %dot_general3A_692 : vector<1024x8xf32> to vector<1x1024x8xf32>
    tpu.vector_store %arg10[%swap3A_693, %swap3A_694, %swap3A_695], %swap3A_698 {strides = array<i32>} : memref<2x1024x128xf32, #tpu.memory_space<vmem>>, vector<1x1024x8xf32>,
    %dma_start3A_699 = arith.constant 7 : i32
    %dma_start3A_700 = arith.constant 2 : i32
    %dma_start3A_701 = arith.constant 2 : i32
    %dma_start3A_702 = tpu.memref_slice %arg13[%dma_start3A_701] : memref<6x!tpu.dma_semaphore, #tpu.memory_space<semaphore_mem>> -> memref<1x!tpu.dma_semaphore, #tpu.memory_space<semaphore_mem>>
    %dma_start3A_703 = tpu.memref_squeeze %dma_start3A_702 : memref<1x!tpu.dma_semaphore, #tpu.memory_space<semaphore_mem>> -> memref<!tpu.dma_semaphore, #tpu.memory_space<semaphore_mem>>
    %dma_start3A_704 = arith.constant 0 : i32
    %dma_start3A_705 = arith.constant 0 : i32
    %dma_start3A_706 = tpu.memref_slice %arg9[%dma_start3A_700, %dma_start3A_704, %dma_start3A_705] : memref<6x1024x1024xf32, #tpu.memory_space<vmem>> -> memref<1x1024x1024xf32, #tpu.memory_space<vmem>>
    %dma_start3A_707 = tpu.memref_squeeze %dma_start3A_706 : memref<1x1024x1024xf32, #tpu.memory_space<vmem>> -> memref<1024x1024xf32, #tpu.memory_space<vmem>>
    %dma_start3A_708 = arith.constant 0 : i32
    %dma_start3A_709 = arith.constant 0 : i32
    %dma_start3A_710 = tpu.memref_slice %arg4[%dma_start3A_699, %dma_start3A_708, %dma_start3A_709] : memref<8x1024x1024xf32, #tpu.memory_space<any>> -> memref<1x1024x1024xf32, #tpu.memory_space<any>>
    %dma_start3A_711 = tpu.memref_squeeze %dma_start3A_710 : memref<1x1024x1024xf32, #tpu.memory_space<any>> -> memref<1024x1024xf32, #tpu.memory_space<any>>
    tpu.enqueue_dma source(%dma_start3A_711 : memref<1024x1024xf32, #tpu.memory_space<any>>) target(%dma_start3A_707 : memref<1024x1024xf32, #tpu.memory_space<vmem>>) target_semaphore(%dma_start3A_703 : memref<!tpu.dma_semaphore, #tpu.memory_space<semaphore_mem>>)
    %dma_start3A_712 = arith.constant 7 : i32
    %dma_start3A_713 = arith.constant 3 : i32
    %dma_start3A_714 = arith.constant 3 : i32
    %dma_start3A_715 = tpu.memref_slice %arg13[%dma_start3A_714] : memref<6x!tpu.dma_semaphore, #tpu.memory_space<semaphore_mem>> -> memref<1x!tpu.dma_semaphore, #tpu.memory_space<semaphore_mem>>
    %dma_start3A_716 = tpu.memref_squeeze %dma_start3A_715 : memref<1x!tpu.dma_semaphore, #tpu.memory_space<semaphore_mem>> -> memref<!tpu.dma_semaphore, #tpu.memory_space<semaphore_mem>>
    %dma_start3A_717 = arith.constant 0 : i32
    %dma_start3A_718 = arith.constant 0 : i32
    %dma_start3A_719 = tpu.memref_slice %arg9[%dma_start3A_713, %dma_start3A_717, %dma_start3A_718] : memref<6x1024x1024xf32, #tpu.memory_space<vmem>> -> memref<1x1024x1024xf32, #tpu.memory_space<vmem>>
    %dma_start3A_720 = tpu.memref_squeeze %dma_start3A_719 : memref<1x1024x1024xf32, #tpu.memory_space<vmem>> -> memref<1024x1024xf32, #tpu.memory_space<vmem>>
    %dma_start3A_721 = arith.constant 0 : i32
    %dma_start3A_722 = arith.constant 0 : i32
    %dma_start3A_723 = tpu.memref_slice %arg5[%dma_start3A_712, %dma_start3A_721, %dma_start3A_722] : memref<8x1024x1024xf32, #tpu.memory_space<any>> -> memref<1x1024x1024xf32, #tpu.memory_space<any>>
    %dma_start3A_724 = tpu.memref_squeeze %dma_start3A_723 : memref<1x1024x1024xf32, #tpu.memory_space<any>> -> memref<1024x1024xf32, #tpu.memory_space<any>>
    tpu.enqueue_dma source(%dma_start3A_724 : memref<1024x1024xf32, #tpu.memory_space<any>>) target(%dma_start3A_720 : memref<1024x1024xf32, #tpu.memory_space<vmem>>) target_semaphore(%dma_start3A_716 : memref<!tpu.dma_semaphore, #tpu.memory_space<semaphore_mem>>)
    %dma_wait3A_725 = arith.constant 5 : i32
    %dma_wait3A_726 = arith.constant 4 : i32
    %dma_wait3A_727 = arith.constant 4 : i32
    %dma_wait3A_728 = tpu.memref_slice %arg13[%dma_wait3A_727] : memref<6x!tpu.dma_semaphore, #tpu.memory_space<semaphore_mem>> -> memref<1x!tpu.dma_semaphore, #tpu.memory_space<semaphore_mem>>
    %dma_wait3A_729 = tpu.memref_squeeze %dma_wait3A_728 : memref<1x!tpu.dma_semaphore, #tpu.memory_space<semaphore_mem>> -> memref<!tpu.dma_semaphore, #tpu.memory_space<semaphore_mem>>
    %dma_wait3A_730 = arith.constant 0 : i32
    %dma_wait3A_731 = arith.constant 0 : i32
    %dma_wait3A_732 = tpu.memref_slice %arg9[%dma_wait3A_726, %dma_wait3A_730, %dma_wait3A_731] : memref<6x1024x1024xf32, #tpu.memory_space<vmem>> -> memref<1x1024x1024xf32, #tpu.memory_space<vmem>>
    %dma_wait3A_733 = tpu.memref_squeeze %dma_wait3A_732 : memref<1x1024x1024xf32, #tpu.memory_space<vmem>> -> memref<1024x1024xf32, #tpu.memory_space<vmem>>
    %dma_wait3A_734 = arith.constant 0 : i32
    %dma_wait3A_735 = arith.constant 0 : i32
    %dma_wait3A_736 = tpu.memref_slice %arg4[%dma_wait3A_725, %dma_wait3A_734, %dma_wait3A_735] : memref<8x1024x1024xf32, #tpu.memory_space<any>> -> memref<1x1024x1024xf32, #tpu.memory_space<any>>
    %dma_wait3A_737 = tpu.memref_squeeze %dma_wait3A_736 : memref<1x1024x1024xf32, #tpu.memory_space<any>> -> memref<1024x1024xf32, #tpu.memory_space<any>>
    tpu.wait_dma2 semaphore(%dma_wait3A_729 : memref<!tpu.dma_semaphore, #tpu.memory_space<semaphore_mem>>) src(%dma_wait3A_737 : memref<1024x1024xf32, #tpu.memory_space<any>>) dst(%dma_wait3A_733 : memref<1024x1024xf32, #tpu.memory_space<vmem>>)
    %dma_wait3A_738 = arith.constant 5 : i32
    %dma_wait3A_739 = arith.constant 5 : i32
    %dma_wait3A_740 = arith.constant 5 : i32
    %dma_wait3A_741 = tpu.memref_slice %arg13[%dma_wait3A_740] : memref<6x!tpu.dma_semaphore, #tpu.memory_space<semaphore_mem>> -> memref<1x!tpu.dma_semaphore, #tpu.memory_space<semaphore_mem>>
    %dma_wait3A_742 = tpu.memref_squeeze %dma_wait3A_741 : memref<1x!tpu.dma_semaphore, #tpu.memory_space<semaphore_mem>> -> memref<!tpu.dma_semaphore, #tpu.memory_space<semaphore_mem>>
    %dma_wait3A_743 = arith.constant 0 : i32
    %dma_wait3A_744 = arith.constant 0 : i32
    %dma_wait3A_745 = tpu.memref_slice %arg9[%dma_wait3A_739, %dma_wait3A_743, %dma_wait3A_744] : memref<6x1024x1024xf32, #tpu.memory_space<vmem>> -> memref<1x1024x1024xf32, #tpu.memory_space<vmem>>
    %dma_wait3A_746 = tpu.memref_squeeze %dma_wait3A_745 : memref<1x1024x1024xf32, #tpu.memory_space<vmem>> -> memref<1024x1024xf32, #tpu.memory_space<vmem>>
    %dma_wait3A_747 = arith.constant 0 : i32
    %dma_wait3A_748 = arith.constant 0 : i32
    %dma_wait3A_749 = tpu.memref_slice %arg5[%dma_wait3A_738, %dma_wait3A_747, %dma_wait3A_748] : memref<8x1024x1024xf32, #tpu.memory_space<any>> -> memref<1x1024x1024xf32, #tpu.memory_space<any>>
    %dma_wait3A_750 = tpu.memref_squeeze %dma_wait3A_749 : memref<1x1024x1024xf32, #tpu.memory_space<any>> -> memref<1024x1024xf32, #tpu.memory_space<any>>
    tpu.wait_dma2 semaphore(%dma_wait3A_742 : memref<!tpu.dma_semaphore, #tpu.memory_space<semaphore_mem>>) src(%dma_wait3A_750 : memref<1024x1024xf32, #tpu.memory_space<any>>) dst(%dma_wait3A_746 : memref<1024x1024xf32, #tpu.memory_space<vmem>>)
    %get3A_751 = arith.constant 4 : index
    %get3A_752 = arith.constant 0 : index
    %get3A_753 = arith.constant 0 : index
    %get3A_754 = vector.load %arg9[%get3A_751, %get3A_752, %get3A_753] : memref<6x1024x1024xf32, #tpu.memory_space<vmem>>, vector<1x1024x1024xf32>
    %get3A_755 = vector.shape_cast %get3A_754 : vector<1x1024x1024xf32> to vector<1024x1024xf32>
    %get3A_756 = arith.constant 0 : index
    %get3A_757 = arith.constant 0 : index
    %get3A_758 = vector.load %arg1[%get3A_756, %get3A_757] : memref<2x1024xf32, #tpu.memory_space<vmem>>, vector<2x1024xf32>
    %dot_general3A_759 = arith.constant dense<0.000000e+00> : vector<1024x2xf32>
    %dot_general3A_760 = tpu.matmul %get3A_755, %get3A_758, %dot_general3A_759 {dimension_numbers = #tpu.dot_dimension_numbers<[0], [1], [1], [0], [0, 1, 1, 0], [], []>, transpose_lhs_hint = false} : vector<1024x1024xf32>, vector<2x1024xf32>, vector<1024x2xf32> -> vector<1024x2xf32>
    %iota3A_761 = tpu.iota {dimensions = array<i32: 0>} : vector<1024x8xi32>
    %jit3A_762 = arith.constant 128 : i32
    %div3A_763 = vector.broadcast %jit3A_762 : i32 to vector<1024x8xi32>
    %div3A_764 = arith.divsi %iota3A_761, %div3A_763 : vector<1024x8xi32>
    %sign3A_765 = arith.constant 0 : i32
    %sign3A_766 = vector.broadcast %sign3A_765 : i32 to vector<1024x8xi32>
    %sign3A_767 = arith.cmpi sgt, %iota3A_761, %sign3A_766 : vector<1024x8xi32>
    %sign3A_768 = arith.extui %sign3A_767 : vector<1024x8xi1> to vector<1024x8xi32>
    %sign3A_769 = arith.constant 0 : i32
    %sign3A_770 = vector.broadcast %sign3A_769 : i32 to vector<1024x8xi32>
    %sign3A_771 = arith.cmpi slt, %iota3A_761, %sign3A_770 : vector<1024x8xi32>
    %sign3A_772 = arith.extui %sign3A_771 : vector<1024x8xi1> to vector<1024x8xi32>
    %sign3A_773 = arith.subi %sign3A_768, %sign3A_772 : vector<1024x8xi32>
    %sign3A_774 = arith.constant 0 : i32
    %sign3A_775 = arith.cmpi sgt, %jit3A_762, %sign3A_774 : i32
    %sign3A_776 = arith.extui %sign3A_775 : i1 to i32
    %sign3A_777 = arith.constant 0 : i32
    %sign3A_778 = arith.cmpi slt, %jit3A_762, %sign3A_777 : i32
    %sign3A_779 = arith.extui %sign3A_778 : i1 to i32
    %sign3A_780 = arith.subi %sign3A_776, %sign3A_779 : i32
    %ne3A_781 = vector.broadcast %sign3A_780 : i32 to vector<1024x8xi32>
    %ne3A_782 = arith.cmpi ne, %sign3A_773, %ne3A_781 : vector<1024x8xi32>
    %rem3A_783 = vector.broadcast %jit3A_762 : i32 to vector<1024x8xi32>
    %rem3A_784 = arith.remsi %iota3A_761, %rem3A_783 : vector<1024x8xi32>
    %ne3A_785 = arith.constant 0 : i32
    %ne3A_786 = vector.broadcast %ne3A_785 : i32 to vector<1024x8xi32>
    %ne3A_787 = arith.cmpi ne, %rem3A_784, %ne3A_786 : vector<1024x8xi32>
    %and3A_788 = arith.andi %ne3A_782, %ne3A_787 : vector<1024x8xi1>
    %sub3A_789 = arith.constant 1 : i32
    %sub3A_790 = vector.broadcast %sub3A_789 : i32 to vector<1024x8xi32>
    %sub3A_791 = arith.subi %div3A_764, %sub3A_790 : vector<1024x8xi32>
    %select_n3A_792 = arith.select %and3A_788, %sub3A_791, %div3A_764 : vector<1024x8xi1>, vector<1024x8xi32>
    %iota3A_793 = tpu.iota {dimensions = array<i32: 1>} : vector<1024x8xi32>
    %eq3A_794 = arith.cmpi eq, %select_n3A_792, %iota3A_793 : vector<1024x8xi32>
    %convert_element_type3A_795 = arith.extui %eq3A_794 : vector<1024x8xi1> to vector<1024x8xi32>
    %convert_element_type3A_796 = arith.sitofp %convert_element_type3A_795 : vector<1024x8xi32> to vector<1024x8xf32>
    %mul3A_797 = arith.constant 0.0883883461 : f32
    %mul3A_798 = vector.broadcast %mul3A_797 : f32 to vector<1024x8xf32>
    %mul3A_799 = arith.mulf %convert_element_type3A_796, %mul3A_798 : vector<1024x8xf32>
    %slice3A_800 = vector.extract_strided_slice %dot_general3A_760 {offsets = [0, 0], sizes = [1024, 1], strides = [1, 1]} : vector<1024x2xf32> to vector<1024x1xf32>
    %mul3A_801 = vector.broadcast %slice3A_800 : vector<1024x1xf32> to vector<1024x8xf32>
    %mul3A_802 = arith.mulf %mul3A_801, %mul3A_799 : vector<1024x8xf32>
    %get3A_803 = arith.constant 5 : index
    %get3A_804 = arith.constant 0 : index
    %get3A_805 = arith.constant 0 : index
    %get3A_806 = vector.load %arg9[%get3A_803, %get3A_804, %get3A_805] : memref<6x1024x1024xf32, #tpu.memory_space<vmem>>, vector<1x1024x1024xf32>
    %get3A_807 = vector.shape_cast %get3A_806 : vector<1x1024x1024xf32> to vector<1024x1024xf32>
    %dot_general3A_808 = arith.constant dense<0.000000e+00> : vector<1024x8xf32>
    %dot_general3A_809 = tpu.matmul %get3A_807, %mul3A_802, %dot_general3A_808 {dimension_numbers = #tpu.dot_dimension_numbers<[1], [0], [0], [1], [0, 0, 1, 1], [], []>, transpose_lhs_hint = false} : vector<1024x1024xf32>, vector<1024x8xf32>, vector<1024x8xf32> -> vector<1024x8xf32>
    %swap3A_810 = arith.constant 0 : index
    %swap3A_811 = arith.constant 0 : index
    %swap3A_812 = arith.constant 40 : index
    %swap3A_813 = vector.load %arg10[%swap3A_810, %swap3A_811, %swap3A_812] : memref<2x1024x128xf32, #tpu.memory_space<vmem>>, vector<1x1024x8xf32>
    %swap3A_814 = vector.shape_cast %swap3A_813 : vector<1x1024x8xf32> to vector<1024x8xf32>
    %swap3A_815 = vector.shape_cast %dot_general3A_809 : vector<1024x8xf32> to vector<1x1024x8xf32>
    tpu.vector_store %arg10[%swap3A_810, %swap3A_811, %swap3A_812], %swap3A_815 {strides = array<i32>} : memref<2x1024x128xf32, #tpu.memory_space<vmem>>, vector<1x1024x8xf32>,
    %slice3A_816 = vector.extract_strided_slice %dot_general3A_760 {offsets = [0, 1], sizes = [1024, 1], strides = [1, 1]} : vector<1024x2xf32> to vector<1024x1xf32>
    %mul3A_817 = vector.broadcast %slice3A_816 : vector<1024x1xf32> to vector<1024x8xf32>
    %mul3A_818 = arith.mulf %mul3A_817, %mul3A_799 : vector<1024x8xf32>
    %get3A_819 = arith.constant 5 : index
    %get3A_820 = arith.constant 0 : index
    %get3A_821 = arith.constant 0 : index
    %get3A_822 = vector.load %arg9[%get3A_819, %get3A_820, %get3A_821] : memref<6x1024x1024xf32, #tpu.memory_space<vmem>>, vector<1x1024x1024xf32>
    %get3A_823 = vector.shape_cast %get3A_822 : vector<1x1024x1024xf32> to vector<1024x1024xf32>
    %dot_general3A_824 = arith.constant dense<0.000000e+00> : vector<1024x8xf32>
    %dot_general3A_825 = tpu.matmul %get3A_823, %mul3A_818, %dot_general3A_824 {dimension_numbers = #tpu.dot_dimension_numbers<[1], [0], [0], [1], [0, 0, 1, 1], [], []>, transpose_lhs_hint = false} : vector<1024x1024xf32>, vector<1024x8xf32>, vector<1024x8xf32> -> vector<1024x8xf32>
    %swap3A_826 = arith.constant 1 : index
    %swap3A_827 = arith.constant 0 : index
    %swap3A_828 = arith.constant 40 : index
    %swap3A_829 = vector.load %arg10[%swap3A_826, %swap3A_827, %swap3A_828] : memref<2x1024x128xf32, #tpu.memory_space<vmem>>, vector<1x1024x8xf32>
    %swap3A_830 = vector.shape_cast %swap3A_829 : vector<1x1024x8xf32> to vector<1024x8xf32>
    %swap3A_831 = vector.shape_cast %dot_general3A_825 : vector<1024x8xf32> to vector<1x1024x8xf32>
    tpu.vector_store %arg10[%swap3A_826, %swap3A_827, %swap3A_828], %swap3A_831 {strides = array<i32>} : memref<2x1024x128xf32, #tpu.memory_space<vmem>>, vector<1x1024x8xf32>,
    %dma_start3A_832 = arith.constant 0 : i32
    %dma_start3A_833 = arith.constant 4 : i32
    %dma_start3A_834 = arith.constant 4 : i32
    %dma_start3A_835 = tpu.memref_slice %arg13[%dma_start3A_834] : memref<6x!tpu.dma_semaphore, #tpu.memory_space<semaphore_mem>> -> memref<1x!tpu.dma_semaphore, #tpu.memory_space<semaphore_mem>>
    %dma_start3A_836 = tpu.memref_squeeze %dma_start3A_835 : memref<1x!tpu.dma_semaphore, #tpu.memory_space<semaphore_mem>> -> memref<!tpu.dma_semaphore, #tpu.memory_space<semaphore_mem>>
    %dma_start3A_837 = arith.constant 0 : i32
    %dma_start3A_838 = arith.constant 0 : i32
    %dma_start3A_839 = tpu.memref_slice %arg9[%dma_start3A_833, %dma_start3A_837, %dma_start3A_838] : memref<6x1024x1024xf32, #tpu.memory_space<vmem>> -> memref<1x1024x1024xf32, #tpu.memory_space<vmem>>
    %dma_start3A_840 = tpu.memref_squeeze %dma_start3A_839 : memref<1x1024x1024xf32, #tpu.memory_space<vmem>> -> memref<1024x1024xf32, #tpu.memory_space<vmem>>
    %dma_start3A_841 = arith.constant 0 : i32
    %dma_start3A_842 = arith.constant 0 : i32
    %dma_start3A_843 = tpu.memref_slice %arg6[%dma_start3A_832, %dma_start3A_841, %dma_start3A_842] : memref<8x1024x1024xf32, #tpu.memory_space<any>> -> memref<1x1024x1024xf32, #tpu.memory_space<any>>
    %dma_start3A_844 = tpu.memref_squeeze %dma_start3A_843 : memref<1x1024x1024xf32, #tpu.memory_space<any>> -> memref<1024x1024xf32, #tpu.memory_space<any>>
    tpu.enqueue_dma source(%dma_start3A_844 : memref<1024x1024xf32, #tpu.memory_space<any>>) target(%dma_start3A_840 : memref<1024x1024xf32, #tpu.memory_space<vmem>>) target_semaphore(%dma_start3A_836 : memref<!tpu.dma_semaphore, #tpu.memory_space<semaphore_mem>>)
    %dma_start3A_845 = arith.constant 0 : i32
    %dma_start3A_846 = arith.constant 5 : i32
    %dma_start3A_847 = arith.constant 5 : i32
    %dma_start3A_848 = tpu.memref_slice %arg13[%dma_start3A_847] : memref<6x!tpu.dma_semaphore, #tpu.memory_space<semaphore_mem>> -> memref<1x!tpu.dma_semaphore, #tpu.memory_space<semaphore_mem>>
    %dma_start3A_849 = tpu.memref_squeeze %dma_start3A_848 : memref<1x!tpu.dma_semaphore, #tpu.memory_space<semaphore_mem>> -> memref<!tpu.dma_semaphore, #tpu.memory_space<semaphore_mem>>
    %dma_start3A_850 = arith.constant 0 : i32
    %dma_start3A_851 = arith.constant 0 : i32
    %dma_start3A_852 = tpu.memref_slice %arg9[%dma_start3A_846, %dma_start3A_850, %dma_start3A_851] : memref<6x1024x1024xf32, #tpu.memory_space<vmem>> -> memref<1x1024x1024xf32, #tpu.memory_space<vmem>>
    %dma_start3A_853 = tpu.memref_squeeze %dma_start3A_852 : memref<1x1024x1024xf32, #tpu.memory_space<vmem>> -> memref<1024x1024xf32, #tpu.memory_space<vmem>>
    %dma_start3A_854 = arith.constant 0 : i32
    %dma_start3A_855 = arith.constant 0 : i32
    %dma_start3A_856 = tpu.memref_slice %arg7[%dma_start3A_845, %dma_start3A_854, %dma_start3A_855] : memref<8x1024x1024xf32, #tpu.memory_space<any>> -> memref<1x1024x1024xf32, #tpu.memory_space<any>>
    %dma_start3A_857 = tpu.memref_squeeze %dma_start3A_856 : memref<1x1024x1024xf32, #tpu.memory_space<any>> -> memref<1024x1024xf32, #tpu.memory_space<any>>
    tpu.enqueue_dma source(%dma_start3A_857 : memref<1024x1024xf32, #tpu.memory_space<any>>) target(%dma_start3A_853 : memref<1024x1024xf32, #tpu.memory_space<vmem>>) target_semaphore(%dma_start3A_849 : memref<!tpu.dma_semaphore, #tpu.memory_space<semaphore_mem>>)
    %dma_wait3A_858 = arith.constant 6 : i32
    %dma_wait3A_859 = arith.constant 0 : i32
    %dma_wait3A_860 = arith.constant 0 : i32
    %dma_wait3A_861 = tpu.memref_slice %arg13[%dma_wait3A_860] : memref<6x!tpu.dma_semaphore, #tpu.memory_space<semaphore_mem>> -> memref<1x!tpu.dma_semaphore, #tpu.memory_space<semaphore_mem>>
    %dma_wait3A_862 = tpu.memref_squeeze %dma_wait3A_861 : memref<1x!tpu.dma_semaphore, #tpu.memory_space<semaphore_mem>> -> memref<!tpu.dma_semaphore, #tpu.memory_space<semaphore_mem>>
    %dma_wait3A_863 = arith.constant 0 : i32
    %dma_wait3A_864 = arith.constant 0 : i32
    %dma_wait3A_865 = tpu.memref_slice %arg9[%dma_wait3A_859, %dma_wait3A_863, %dma_wait3A_864] : memref<6x1024x1024xf32, #tpu.memory_space<vmem>> -> memref<1x1024x1024xf32, #tpu.memory_space<vmem>>
    %dma_wait3A_866 = tpu.memref_squeeze %dma_wait3A_865 : memref<1x1024x1024xf32, #tpu.memory_space<vmem>> -> memref<1024x1024xf32, #tpu.memory_space<vmem>>
    %dma_wait3A_867 = arith.constant 0 : i32
    %dma_wait3A_868 = arith.constant 0 : i32
    %dma_wait3A_869 = tpu.memref_slice %arg4[%dma_wait3A_858, %dma_wait3A_867, %dma_wait3A_868] : memref<8x1024x1024xf32, #tpu.memory_space<any>> -> memref<1x1024x1024xf32, #tpu.memory_space<any>>
    %dma_wait3A_870 = tpu.memref_squeeze %dma_wait3A_869 : memref<1x1024x1024xf32, #tpu.memory_space<any>> -> memref<1024x1024xf32, #tpu.memory_space<any>>
    tpu.wait_dma2 semaphore(%dma_wait3A_862 : memref<!tpu.dma_semaphore, #tpu.memory_space<semaphore_mem>>) src(%dma_wait3A_870 : memref<1024x1024xf32, #tpu.memory_space<any>>) dst(%dma_wait3A_866 : memref<1024x1024xf32, #tpu.memory_space<vmem>>)
    %dma_wait3A_871 = arith.constant 6 : i32
    %dma_wait3A_872 = arith.constant 1 : i32
    %dma_wait3A_873 = arith.constant 1 : i32
    %dma_wait3A_874 = tpu.memref_slice %arg13[%dma_wait3A_873] : memref<6x!tpu.dma_semaphore, #tpu.memory_space<semaphore_mem>> -> memref<1x!tpu.dma_semaphore, #tpu.memory_space<semaphore_mem>>
    %dma_wait3A_875 = tpu.memref_squeeze %dma_wait3A_874 : memref<1x!tpu.dma_semaphore, #tpu.memory_space<semaphore_mem>> -> memref<!tpu.dma_semaphore, #tpu.memory_space<semaphore_mem>>
    %dma_wait3A_876 = arith.constant 0 : i32
    %dma_wait3A_877 = arith.constant 0 : i32
    %dma_wait3A_878 = tpu.memref_slice %arg9[%dma_wait3A_872, %dma_wait3A_876, %dma_wait3A_877] : memref<6x1024x1024xf32, #tpu.memory_space<vmem>> -> memref<1x1024x1024xf32, #tpu.memory_space<vmem>>
    %dma_wait3A_879 = tpu.memref_squeeze %dma_wait3A_878 : memref<1x1024x1024xf32, #tpu.memory_space<vmem>> -> memref<1024x1024xf32, #tpu.memory_space<vmem>>
    %dma_wait3A_880 = arith.constant 0 : i32
    %dma_wait3A_881 = arith.constant 0 : i32
    %dma_wait3A_882 = tpu.memref_slice %arg5[%dma_wait3A_871, %dma_wait3A_880, %dma_wait3A_881] : memref<8x1024x1024xf32, #tpu.memory_space<any>> -> memref<1x1024x1024xf32, #tpu.memory_space<any>>
    %dma_wait3A_883 = tpu.memref_squeeze %dma_wait3A_882 : memref<1x1024x1024xf32, #tpu.memory_space<any>> -> memref<1024x1024xf32, #tpu.memory_space<any>>
    tpu.wait_dma2 semaphore(%dma_wait3A_875 : memref<!tpu.dma_semaphore, #tpu.memory_space<semaphore_mem>>) src(%dma_wait3A_883 : memref<1024x1024xf32, #tpu.memory_space<any>>) dst(%dma_wait3A_879 : memref<1024x1024xf32, #tpu.memory_space<vmem>>)
    %get3A_884 = arith.constant 0 : index
    %get3A_885 = arith.constant 0 : index
    %get3A_886 = arith.constant 0 : index
    %get3A_887 = vector.load %arg9[%get3A_884, %get3A_885, %get3A_886] : memref<6x1024x1024xf32, #tpu.memory_space<vmem>>, vector<1x1024x1024xf32>
    %get3A_888 = vector.shape_cast %get3A_887 : vector<1x1024x1024xf32> to vector<1024x1024xf32>
    %get3A_889 = arith.constant 0 : index
    %get3A_890 = arith.constant 0 : index
    %get3A_891 = vector.load %arg1[%get3A_889, %get3A_890] : memref<2x1024xf32, #tpu.memory_space<vmem>>, vector<2x1024xf32>
    %dot_general3A_892 = arith.constant dense<0.000000e+00> : vector<1024x2xf32>
    %dot_general3A_893 = tpu.matmul %get3A_888, %get3A_891, %dot_general3A_892 {dimension_numbers = #tpu.dot_dimension_numbers<[0], [1], [1], [0], [0, 1, 1, 0], [], []>, transpose_lhs_hint = false} : vector<1024x1024xf32>, vector<2x1024xf32>, vector<1024x2xf32> -> vector<1024x2xf32>
    %iota3A_894 = tpu.iota {dimensions = array<i32: 0>} : vector<1024x8xi32>
    %jit3A_895 = arith.constant 128 : i32
    %div3A_896 = vector.broadcast %jit3A_895 : i32 to vector<1024x8xi32>
    %div3A_897 = arith.divsi %iota3A_894, %div3A_896 : vector<1024x8xi32>
    %sign3A_898 = arith.constant 0 : i32
    %sign3A_899 = vector.broadcast %sign3A_898 : i32 to vector<1024x8xi32>
    %sign3A_900 = arith.cmpi sgt, %iota3A_894, %sign3A_899 : vector<1024x8xi32>
    %sign3A_901 = arith.extui %sign3A_900 : vector<1024x8xi1> to vector<1024x8xi32>
    %sign3A_902 = arith.constant 0 : i32
    %sign3A_903 = vector.broadcast %sign3A_902 : i32 to vector<1024x8xi32>
    %sign3A_904 = arith.cmpi slt, %iota3A_894, %sign3A_903 : vector<1024x8xi32>
    %sign3A_905 = arith.extui %sign3A_904 : vector<1024x8xi1> to vector<1024x8xi32>
    %sign3A_906 = arith.subi %sign3A_901, %sign3A_905 : vector<1024x8xi32>
    %sign3A_907 = arith.constant 0 : i32
    %sign3A_908 = arith.cmpi sgt, %jit3A_895, %sign3A_907 : i32
    %sign3A_909 = arith.extui %sign3A_908 : i1 to i32
    %sign3A_910 = arith.constant 0 : i32
    %sign3A_911 = arith.cmpi slt, %jit3A_895, %sign3A_910 : i32
    %sign3A_912 = arith.extui %sign3A_911 : i1 to i32
    %sign3A_913 = arith.subi %sign3A_909, %sign3A_912 : i32
    %ne3A_914 = vector.broadcast %sign3A_913 : i32 to vector<1024x8xi32>
    %ne3A_915 = arith.cmpi ne, %sign3A_906, %ne3A_914 : vector<1024x8xi32>
    %rem3A_916 = vector.broadcast %jit3A_895 : i32 to vector<1024x8xi32>
    %rem3A_917 = arith.remsi %iota3A_894, %rem3A_916 : vector<1024x8xi32>
    %ne3A_918 = arith.constant 0 : i32
    %ne3A_919 = vector.broadcast %ne3A_918 : i32 to vector<1024x8xi32>
    %ne3A_920 = arith.cmpi ne, %rem3A_917, %ne3A_919 : vector<1024x8xi32>
    %and3A_921 = arith.andi %ne3A_915, %ne3A_920 : vector<1024x8xi1>
    %sub3A_922 = arith.constant 1 : i32
    %sub3A_923 = vector.broadcast %sub3A_922 : i32 to vector<1024x8xi32>
    %sub3A_924 = arith.subi %div3A_897, %sub3A_923 : vector<1024x8xi32>
    %select_n3A_925 = arith.select %and3A_921, %sub3A_924, %div3A_897 : vector<1024x8xi1>, vector<1024x8xi32>
    %iota3A_926 = tpu.iota {dimensions = array<i32: 1>} : vector<1024x8xi32>
    %eq3A_927 = arith.cmpi eq, %select_n3A_925, %iota3A_926 : vector<1024x8xi32>
    %convert_element_type3A_928 = arith.extui %eq3A_927 : vector<1024x8xi1> to vector<1024x8xi32>
    %convert_element_type3A_929 = arith.sitofp %convert_element_type3A_928 : vector<1024x8xi32> to vector<1024x8xf32>
    %mul3A_930 = arith.constant 0.0883883461 : f32
    %mul3A_931 = vector.broadcast %mul3A_930 : f32 to vector<1024x8xf32>
    %mul3A_932 = arith.mulf %convert_element_type3A_929, %mul3A_931 : vector<1024x8xf32>
    %slice3A_933 = vector.extract_strided_slice %dot_general3A_893 {offsets = [0, 0], sizes = [1024, 1], strides = [1, 1]} : vector<1024x2xf32> to vector<1024x1xf32>
    %mul3A_934 = vector.broadcast %slice3A_933 : vector<1024x1xf32> to vector<1024x8xf32>
    %mul3A_935 = arith.mulf %mul3A_934, %mul3A_932 : vector<1024x8xf32>
    %get3A_936 = arith.constant 1 : index
    %get3A_937 = arith.constant 0 : index
    %get3A_938 = arith.constant 0 : index
    %get3A_939 = vector.load %arg9[%get3A_936, %get3A_937, %get3A_938] : memref<6x1024x1024xf32, #tpu.memory_space<vmem>>, vector<1x1024x1024xf32>
    %get3A_940 = vector.shape_cast %get3A_939 : vector<1x1024x1024xf32> to vector<1024x1024xf32>
    %dot_general3A_941 = arith.constant dense<0.000000e+00> : vector<1024x8xf32>
    %dot_general3A_942 = tpu.matmul %get3A_940, %mul3A_935, %dot_general3A_941 {dimension_numbers = #tpu.dot_dimension_numbers<[1], [0], [0], [1], [0, 0, 1, 1], [], []>, transpose_lhs_hint = false} : vector<1024x1024xf32>, vector<1024x8xf32>, vector<1024x8xf32> -> vector<1024x8xf32>
    %swap3A_943 = arith.constant 0 : index
    %swap3A_944 = arith.constant 0 : index
    %swap3A_945 = arith.constant 48 : index
    %swap3A_946 = vector.load %arg10[%swap3A_943, %swap3A_944, %swap3A_945] : memref<2x1024x128xf32, #tpu.memory_space<vmem>>, vector<1x1024x8xf32>
    %swap3A_947 = vector.shape_cast %swap3A_946 : vector<1x1024x8xf32> to vector<1024x8xf32>
    %swap3A_948 = vector.shape_cast %dot_general3A_942 : vector<1024x8xf32> to vector<1x1024x8xf32>
    tpu.vector_store %arg10[%swap3A_943, %swap3A_944, %swap3A_945], %swap3A_948 {strides = array<i32>} : memref<2x1024x128xf32, #tpu.memory_space<vmem>>, vector<1x1024x8xf32>,
    %slice3A_949 = vector.extract_strided_slice %dot_general3A_893 {offsets = [0, 1], sizes = [1024, 1], strides = [1, 1]} : vector<1024x2xf32> to vector<1024x1xf32>
    %mul3A_950 = vector.broadcast %slice3A_949 : vector<1024x1xf32> to vector<1024x8xf32>
    %mul3A_951 = arith.mulf %mul3A_950, %mul3A_932 : vector<1024x8xf32>
    %get3A_952 = arith.constant 1 : index
    %get3A_953 = arith.constant 0 : index
    %get3A_954 = arith.constant 0 : index
    %get3A_955 = vector.load %arg9[%get3A_952, %get3A_953, %get3A_954] : memref<6x1024x1024xf32, #tpu.memory_space<vmem>>, vector<1x1024x1024xf32>
    %get3A_956 = vector.shape_cast %get3A_955 : vector<1x1024x1024xf32> to vector<1024x1024xf32>
    %dot_general3A_957 = arith.constant dense<0.000000e+00> : vector<1024x8xf32>
    %dot_general3A_958 = tpu.matmul %get3A_956, %mul3A_951, %dot_general3A_957 {dimension_numbers = #tpu.dot_dimension_numbers<[1], [0], [0], [1], [0, 0, 1, 1], [], []>, transpose_lhs_hint = false} : vector<1024x1024xf32>, vector<1024x8xf32>, vector<1024x8xf32> -> vector<1024x8xf32>
    %swap3A_959 = arith.constant 1 : index
    %swap3A_960 = arith.constant 0 : index
    %swap3A_961 = arith.constant 48 : index
    %swap3A_962 = vector.load %arg10[%swap3A_959, %swap3A_960, %swap3A_961] : memref<2x1024x128xf32, #tpu.memory_space<vmem>>, vector<1x1024x8xf32>
    %swap3A_963 = vector.shape_cast %swap3A_962 : vector<1x1024x8xf32> to vector<1024x8xf32>
    %swap3A_964 = vector.shape_cast %dot_general3A_958 : vector<1024x8xf32> to vector<1x1024x8xf32>
    tpu.vector_store %arg10[%swap3A_959, %swap3A_960, %swap3A_961], %swap3A_964 {strides = array<i32>} : memref<2x1024x128xf32, #tpu.memory_space<vmem>>, vector<1x1024x8xf32>,
    %dma_start3A_965 = arith.constant 1 : i32
    %dma_start3A_966 = arith.constant 0 : i32
    %dma_start3A_967 = arith.constant 0 : i32
    %dma_start3A_968 = tpu.memref_slice %arg13[%dma_start3A_967] : memref<6x!tpu.dma_semaphore, #tpu.memory_space<semaphore_mem>> -> memref<1x!tpu.dma_semaphore, #tpu.memory_space<semaphore_mem>>
    %dma_start3A_969 = tpu.memref_squeeze %dma_start3A_968 : memref<1x!tpu.dma_semaphore, #tpu.memory_space<semaphore_mem>> -> memref<!tpu.dma_semaphore, #tpu.memory_space<semaphore_mem>>
    %dma_start3A_970 = arith.constant 0 : i32
    %dma_start3A_971 = arith.constant 0 : i32
    %dma_start3A_972 = tpu.memref_slice %arg9[%dma_start3A_966, %dma_start3A_970, %dma_start3A_971] : memref<6x1024x1024xf32, #tpu.memory_space<vmem>> -> memref<1x1024x1024xf32, #tpu.memory_space<vmem>>
    %dma_start3A_973 = tpu.memref_squeeze %dma_start3A_972 : memref<1x1024x1024xf32, #tpu.memory_space<vmem>> -> memref<1024x1024xf32, #tpu.memory_space<vmem>>
    %dma_start3A_974 = arith.constant 0 : i32
    %dma_start3A_975 = arith.constant 0 : i32
    %dma_start3A_976 = tpu.memref_slice %arg6[%dma_start3A_965, %dma_start3A_974, %dma_start3A_975] : memref<8x1024x1024xf32, #tpu.memory_space<any>> -> memref<1x1024x1024xf32, #tpu.memory_space<any>>
    %dma_start3A_977 = tpu.memref_squeeze %dma_start3A_976 : memref<1x1024x1024xf32, #tpu.memory_space<any>> -> memref<1024x1024xf32, #tpu.memory_space<any>>
    tpu.enqueue_dma source(%dma_start3A_977 : memref<1024x1024xf32, #tpu.memory_space<any>>) target(%dma_start3A_973 : memref<1024x1024xf32, #tpu.memory_space<vmem>>) target_semaphore(%dma_start3A_969 : memref<!tpu.dma_semaphore, #tpu.memory_space<semaphore_mem>>)
    %dma_start3A_978 = arith.constant 1 : i32
    %dma_start3A_979 = arith.constant 1 : i32
    %dma_start3A_980 = arith.constant 1 : i32
    %dma_start3A_981 = tpu.memref_slice %arg13[%dma_start3A_980] : memref<6x!tpu.dma_semaphore, #tpu.memory_space<semaphore_mem>> -> memref<1x!tpu.dma_semaphore, #tpu.memory_space<semaphore_mem>>
    %dma_start3A_982 = tpu.memref_squeeze %dma_start3A_981 : memref<1x!tpu.dma_semaphore, #tpu.memory_space<semaphore_mem>> -> memref<!tpu.dma_semaphore, #tpu.memory_space<semaphore_mem>>
    %dma_start3A_983 = arith.constant 0 : i32
    %dma_start3A_984 = arith.constant 0 : i32
    %dma_start3A_985 = tpu.memref_slice %arg9[%dma_start3A_979, %dma_start3A_983, %dma_start3A_984] : memref<6x1024x1024xf32, #tpu.memory_space<vmem>> -> memref<1x1024x1024xf32, #tpu.memory_space<vmem>>
    %dma_start3A_986 = tpu.memref_squeeze %dma_start3A_985 : memref<1x1024x1024xf32, #tpu.memory_space<vmem>> -> memref<1024x1024xf32, #tpu.memory_space<vmem>>
    %dma_start3A_987 = arith.constant 0 : i32
    %dma_start3A_988 = arith.constant 0 : i32
    %dma_start3A_989 = tpu.memref_slice %arg7[%dma_start3A_978, %dma_start3A_987, %dma_start3A_988] : memref<8x1024x1024xf32, #tpu.memory_space<any>> -> memref<1x1024x1024xf32, #tpu.memory_space<any>>
    %dma_start3A_990 = tpu.memref_squeeze %dma_start3A_989 : memref<1x1024x1024xf32, #tpu.memory_space<any>> -> memref<1024x1024xf32, #tpu.memory_space<any>>
    tpu.enqueue_dma source(%dma_start3A_990 : memref<1024x1024xf32, #tpu.memory_space<any>>) target(%dma_start3A_986 : memref<1024x1024xf32, #tpu.memory_space<vmem>>) target_semaphore(%dma_start3A_982 : memref<!tpu.dma_semaphore, #tpu.memory_space<semaphore_mem>>)
    %dma_wait3A_991 = arith.constant 7 : i32
    %dma_wait3A_992 = arith.constant 2 : i32
    %dma_wait3A_993 = arith.constant 2 : i32
    %dma_wait3A_994 = tpu.memref_slice %arg13[%dma_wait3A_993] : memref<6x!tpu.dma_semaphore, #tpu.memory_space<semaphore_mem>> -> memref<1x!tpu.dma_semaphore, #tpu.memory_space<semaphore_mem>>
    %dma_wait3A_995 = tpu.memref_squeeze %dma_wait3A_994 : memref<1x!tpu.dma_semaphore, #tpu.memory_space<semaphore_mem>> -> memref<!tpu.dma_semaphore, #tpu.memory_space<semaphore_mem>>
    %dma_wait3A_996 = arith.constant 0 : i32
    %dma_wait3A_997 = arith.constant 0 : i32
    %dma_wait3A_998 = tpu.memref_slice %arg9[%dma_wait3A_992, %dma_wait3A_996, %dma_wait3A_997] : memref<6x1024x1024xf32, #tpu.memory_space<vmem>> -> memref<1x1024x1024xf32, #tpu.memory_space<vmem>>
    %dma_wait3A_999 = tpu.memref_squeeze %dma_wait3A_998 : memref<1x1024x1024xf32, #tpu.memory_space<vmem>> -> memref<1024x1024xf32, #tpu.memory_space<vmem>>
    %dma_wait3A_1000 = arith.constant 0 : i32
    %dma_wait3A_1001 = arith.constant 0 : i32
    %dma_wait3A_1002 = tpu.memref_slice %arg4[%dma_wait3A_991, %dma_wait3A_1000, %dma_wait3A_1001] : memref<8x1024x1024xf32, #tpu.memory_space<any>> -> memref<1x1024x1024xf32, #tpu.memory_space<any>>
    %dma_wait3A_1003 = tpu.memref_squeeze %dma_wait3A_1002 : memref<1x1024x1024xf32, #tpu.memory_space<any>> -> memref<1024x1024xf32, #tpu.memory_space<any>>
    tpu.wait_dma2 semaphore(%dma_wait3A_995 : memref<!tpu.dma_semaphore, #tpu.memory_space<semaphore_mem>>) src(%dma_wait3A_1003 : memref<1024x1024xf32, #tpu.memory_space<any>>) dst(%dma_wait3A_999 : memref<1024x1024xf32, #tpu.memory_space<vmem>>)
    %dma_wait3A_1004 = arith.constant 7 : i32
    %dma_wait3A_1005 = arith.constant 3 : i32
    %dma_wait3A_1006 = arith.constant 3 : i32
    %dma_wait3A_1007 = tpu.memref_slice %arg13[%dma_wait3A_1006] : memref<6x!tpu.dma_semaphore, #tpu.memory_space<semaphore_mem>> -> memref<1x!tpu.dma_semaphore, #tpu.memory_space<semaphore_mem>>
    %dma_wait3A_1008 = tpu.memref_squeeze %dma_wait3A_1007 : memref<1x!tpu.dma_semaphore, #tpu.memory_space<semaphore_mem>> -> memref<!tpu.dma_semaphore, #tpu.memory_space<semaphore_mem>>
    %dma_wait3A_1009 = arith.constant 0 : i32
    %dma_wait3A_1010 = arith.constant 0 : i32
    %dma_wait3A_1011 = tpu.memref_slice %arg9[%dma_wait3A_1005, %dma_wait3A_1009, %dma_wait3A_1010] : memref<6x1024x1024xf32, #tpu.memory_space<vmem>> -> memref<1x1024x1024xf32, #tpu.memory_space<vmem>>
    %dma_wait3A_1012 = tpu.memref_squeeze %dma_wait3A_1011 : memref<1x1024x1024xf32, #tpu.memory_space<vmem>> -> memref<1024x1024xf32, #tpu.memory_space<vmem>>
    %dma_wait3A_1013 = arith.constant 0 : i32
    %dma_wait3A_1014 = arith.constant 0 : i32
    %dma_wait3A_1015 = tpu.memref_slice %arg5[%dma_wait3A_1004, %dma_wait3A_1013, %dma_wait3A_1014] : memref<8x1024x1024xf32, #tpu.memory_space<any>> -> memref<1x1024x1024xf32, #tpu.memory_space<any>>
    %dma_wait3A_1016 = tpu.memref_squeeze %dma_wait3A_1015 : memref<1x1024x1024xf32, #tpu.memory_space<any>> -> memref<1024x1024xf32, #tpu.memory_space<any>>
    tpu.wait_dma2 semaphore(%dma_wait3A_1008 : memref<!tpu.dma_semaphore, #tpu.memory_space<semaphore_mem>>) src(%dma_wait3A_1016 : memref<1024x1024xf32, #tpu.memory_space<any>>) dst(%dma_wait3A_1012 : memref<1024x1024xf32, #tpu.memory_space<vmem>>)
    %get3A_1017 = arith.constant 2 : index
    %get3A_1018 = arith.constant 0 : index
    %get3A_1019 = arith.constant 0 : index
    %get3A_1020 = vector.load %arg9[%get3A_1017, %get3A_1018, %get3A_1019] : memref<6x1024x1024xf32, #tpu.memory_space<vmem>>, vector<1x1024x1024xf32>
    %get3A_1021 = vector.shape_cast %get3A_1020 : vector<1x1024x1024xf32> to vector<1024x1024xf32>
    %get3A_1022 = arith.constant 0 : index
    %get3A_1023 = arith.constant 0 : index
    %get3A_1024 = vector.load %arg1[%get3A_1022, %get3A_1023] : memref<2x1024xf32, #tpu.memory_space<vmem>>, vector<2x1024xf32>
    %dot_general3A_1025 = arith.constant dense<0.000000e+00> : vector<1024x2xf32>
    %dot_general3A_1026 = tpu.matmul %get3A_1021, %get3A_1024, %dot_general3A_1025 {dimension_numbers = #tpu.dot_dimension_numbers<[0], [1], [1], [0], [0, 1, 1, 0], [], []>, transpose_lhs_hint = false} : vector<1024x1024xf32>, vector<2x1024xf32>, vector<1024x2xf32> -> vector<1024x2xf32>
    %iota3A_1027 = tpu.iota {dimensions = array<i32: 0>} : vector<1024x8xi32>
    %jit3A_1028 = arith.constant 128 : i32
    %div3A_1029 = vector.broadcast %jit3A_1028 : i32 to vector<1024x8xi32>
    %div3A_1030 = arith.divsi %iota3A_1027, %div3A_1029 : vector<1024x8xi32>
    %sign3A_1031 = arith.constant 0 : i32
    %sign3A_1032 = vector.broadcast %sign3A_1031 : i32 to vector<1024x8xi32>
    %sign3A_1033 = arith.cmpi sgt, %iota3A_1027, %sign3A_1032 : vector<1024x8xi32>
    %sign3A_1034 = arith.extui %sign3A_1033 : vector<1024x8xi1> to vector<1024x8xi32>
    %sign3A_1035 = arith.constant 0 : i32
    %sign3A_1036 = vector.broadcast %sign3A_1035 : i32 to vector<1024x8xi32>
    %sign3A_1037 = arith.cmpi slt, %iota3A_1027, %sign3A_1036 : vector<1024x8xi32>
    %sign3A_1038 = arith.extui %sign3A_1037 : vector<1024x8xi1> to vector<1024x8xi32>
    %sign3A_1039 = arith.subi %sign3A_1034, %sign3A_1038 : vector<1024x8xi32>
    %sign3A_1040 = arith.constant 0 : i32
    %sign3A_1041 = arith.cmpi sgt, %jit3A_1028, %sign3A_1040 : i32
    %sign3A_1042 = arith.extui %sign3A_1041 : i1 to i32
    %sign3A_1043 = arith.constant 0 : i32
    %sign3A_1044 = arith.cmpi slt, %jit3A_1028, %sign3A_1043 : i32
    %sign3A_1045 = arith.extui %sign3A_1044 : i1 to i32
    %sign3A_1046 = arith.subi %sign3A_1042, %sign3A_1045 : i32
    %ne3A_1047 = vector.broadcast %sign3A_1046 : i32 to vector<1024x8xi32>
    %ne3A_1048 = arith.cmpi ne, %sign3A_1039, %ne3A_1047 : vector<1024x8xi32>
    %rem3A_1049 = vector.broadcast %jit3A_1028 : i32 to vector<1024x8xi32>
    %rem3A_1050 = arith.remsi %iota3A_1027, %rem3A_1049 : vector<1024x8xi32>
    %ne3A_1051 = arith.constant 0 : i32
    %ne3A_1052 = vector.broadcast %ne3A_1051 : i32 to vector<1024x8xi32>
    %ne3A_1053 = arith.cmpi ne, %rem3A_1050, %ne3A_1052 : vector<1024x8xi32>
    %and3A_1054 = arith.andi %ne3A_1048, %ne3A_1053 : vector<1024x8xi1>
    %sub3A_1055 = arith.constant 1 : i32
    %sub3A_1056 = vector.broadcast %sub3A_1055 : i32 to vector<1024x8xi32>
    %sub3A_1057 = arith.subi %div3A_1030, %sub3A_1056 : vector<1024x8xi32>
    %select_n3A_1058 = arith.select %and3A_1054, %sub3A_1057, %div3A_1030 : vector<1024x8xi1>, vector<1024x8xi32>
    %iota3A_1059 = tpu.iota {dimensions = array<i32: 1>} : vector<1024x8xi32>
    %eq3A_1060 = arith.cmpi eq, %select_n3A_1058, %iota3A_1059 : vector<1024x8xi32>
    %convert_element_type3A_1061 = arith.extui %eq3A_1060 : vector<1024x8xi1> to vector<1024x8xi32>
    %convert_element_type3A_1062 = arith.sitofp %convert_element_type3A_1061 : vector<1024x8xi32> to vector<1024x8xf32>
    %mul3A_1063 = arith.constant 0.0883883461 : f32
    %mul3A_1064 = vector.broadcast %mul3A_1063 : f32 to vector<1024x8xf32>
    %mul3A_1065 = arith.mulf %convert_element_type3A_1062, %mul3A_1064 : vector<1024x8xf32>
    %slice3A_1066 = vector.extract_strided_slice %dot_general3A_1026 {offsets = [0, 0], sizes = [1024, 1], strides = [1, 1]} : vector<1024x2xf32> to vector<1024x1xf32>
    %mul3A_1067 = vector.broadcast %slice3A_1066 : vector<1024x1xf32> to vector<1024x8xf32>
    %mul3A_1068 = arith.mulf %mul3A_1067, %mul3A_1065 : vector<1024x8xf32>
    %get3A_1069 = arith.constant 3 : index
    %get3A_1070 = arith.constant 0 : index
    %get3A_1071 = arith.constant 0 : index
    %get3A_1072 = vector.load %arg9[%get3A_1069, %get3A_1070, %get3A_1071] : memref<6x1024x1024xf32, #tpu.memory_space<vmem>>, vector<1x1024x1024xf32>
    %get3A_1073 = vector.shape_cast %get3A_1072 : vector<1x1024x1024xf32> to vector<1024x1024xf32>
    %dot_general3A_1074 = arith.constant dense<0.000000e+00> : vector<1024x8xf32>
    %dot_general3A_1075 = tpu.matmul %get3A_1073, %mul3A_1068, %dot_general3A_1074 {dimension_numbers = #tpu.dot_dimension_numbers<[1], [0], [0], [1], [0, 0, 1, 1], [], []>, transpose_lhs_hint = false} : vector<1024x1024xf32>, vector<1024x8xf32>, vector<1024x8xf32> -> vector<1024x8xf32>
    %swap3A_1076 = arith.constant 0 : index
    %swap3A_1077 = arith.constant 0 : index
    %swap3A_1078 = arith.constant 56 : index
    %swap3A_1079 = vector.load %arg10[%swap3A_1076, %swap3A_1077, %swap3A_1078] : memref<2x1024x128xf32, #tpu.memory_space<vmem>>, vector<1x1024x8xf32>
    %swap3A_1080 = vector.shape_cast %swap3A_1079 : vector<1x1024x8xf32> to vector<1024x8xf32>
    %swap3A_1081 = vector.shape_cast %dot_general3A_1075 : vector<1024x8xf32> to vector<1x1024x8xf32>
    tpu.vector_store %arg10[%swap3A_1076, %swap3A_1077, %swap3A_1078], %swap3A_1081 {strides = array<i32>} : memref<2x1024x128xf32, #tpu.memory_space<vmem>>, vector<1x1024x8xf32>,
    %slice3A_1082 = vector.extract_strided_slice %dot_general3A_1026 {offsets = [0, 1], sizes = [1024, 1], strides = [1, 1]} : vector<1024x2xf32> to vector<1024x1xf32>
    %mul3A_1083 = vector.broadcast %slice3A_1082 : vector<1024x1xf32> to vector<1024x8xf32>
    %mul3A_1084 = arith.mulf %mul3A_1083, %mul3A_1065 : vector<1024x8xf32>
    %get3A_1085 = arith.constant 3 : index
    %get3A_1086 = arith.constant 0 : index
    %get3A_1087 = arith.constant 0 : index
    %get3A_1088 = vector.load %arg9[%get3A_1085, %get3A_1086, %get3A_1087] : memref<6x1024x1024xf32, #tpu.memory_space<vmem>>, vector<1x1024x1024xf32>
    %get3A_1089 = vector.shape_cast %get3A_1088 : vector<1x1024x1024xf32> to vector<1024x1024xf32>
    %dot_general3A_1090 = arith.constant dense<0.000000e+00> : vector<1024x8xf32>
    %dot_general3A_1091 = tpu.matmul %get3A_1089, %mul3A_1084, %dot_general3A_1090 {dimension_numbers = #tpu.dot_dimension_numbers<[1], [0], [0], [1], [0, 0, 1, 1], [], []>, transpose_lhs_hint = false} : vector<1024x1024xf32>, vector<1024x8xf32>, vector<1024x8xf32> -> vector<1024x8xf32>
    %swap3A_1092 = arith.constant 1 : index
    %swap3A_1093 = arith.constant 0 : index
    %swap3A_1094 = arith.constant 56 : index
    %swap3A_1095 = vector.load %arg10[%swap3A_1092, %swap3A_1093, %swap3A_1094] : memref<2x1024x128xf32, #tpu.memory_space<vmem>>, vector<1x1024x8xf32>
    %swap3A_1096 = vector.shape_cast %swap3A_1095 : vector<1x1024x8xf32> to vector<1024x8xf32>
    %swap3A_1097 = vector.shape_cast %dot_general3A_1091 : vector<1024x8xf32> to vector<1x1024x8xf32>
    tpu.vector_store %arg10[%swap3A_1092, %swap3A_1093, %swap3A_1094], %swap3A_1097 {strides = array<i32>} : memref<2x1024x128xf32, #tpu.memory_space<vmem>>, vector<1x1024x8xf32>,
    %dma_start3A_1098 = arith.constant 2 : i32
    %dma_start3A_1099 = arith.constant 2 : i32
    %dma_start3A_1100 = arith.constant 2 : i32
    %dma_start3A_1101 = tpu.memref_slice %arg13[%dma_start3A_1100] : memref<6x!tpu.dma_semaphore, #tpu.memory_space<semaphore_mem>> -> memref<1x!tpu.dma_semaphore, #tpu.memory_space<semaphore_mem>>
    %dma_start3A_1102 = tpu.memref_squeeze %dma_start3A_1101 : memref<1x!tpu.dma_semaphore, #tpu.memory_space<semaphore_mem>> -> memref<!tpu.dma_semaphore, #tpu.memory_space<semaphore_mem>>
    %dma_start3A_1103 = arith.constant 0 : i32
    %dma_start3A_1104 = arith.constant 0 : i32
    %dma_start3A_1105 = tpu.memref_slice %arg9[%dma_start3A_1099, %dma_start3A_1103, %dma_start3A_1104] : memref<6x1024x1024xf32, #tpu.memory_space<vmem>> -> memref<1x1024x1024xf32, #tpu.memory_space<vmem>>
    %dma_start3A_1106 = tpu.memref_squeeze %dma_start3A_1105 : memref<1x1024x1024xf32, #tpu.memory_space<vmem>> -> memref<1024x1024xf32, #tpu.memory_space<vmem>>
    %dma_start3A_1107 = arith.constant 0 : i32
    %dma_start3A_1108 = arith.constant 0 : i32
    %dma_start3A_1109 = tpu.memref_slice %arg6[%dma_start3A_1098, %dma_start3A_1107, %dma_start3A_1108] : memref<8x1024x1024xf32, #tpu.memory_space<any>> -> memref<1x1024x1024xf32, #tpu.memory_space<any>>
    %dma_start3A_1110 = tpu.memref_squeeze %dma_start3A_1109 : memref<1x1024x1024xf32, #tpu.memory_space<any>> -> memref<1024x1024xf32, #tpu.memory_space<any>>
    tpu.enqueue_dma source(%dma_start3A_1110 : memref<1024x1024xf32, #tpu.memory_space<any>>) target(%dma_start3A_1106 : memref<1024x1024xf32, #tpu.memory_space<vmem>>) target_semaphore(%dma_start3A_1102 : memref<!tpu.dma_semaphore, #tpu.memory_space<semaphore_mem>>)
    %dma_start3A_1111 = arith.constant 2 : i32
    %dma_start3A_1112 = arith.constant 3 : i32
    %dma_start3A_1113 = arith.constant 3 : i32
    %dma_start3A_1114 = tpu.memref_slice %arg13[%dma_start3A_1113] : memref<6x!tpu.dma_semaphore, #tpu.memory_space<semaphore_mem>> -> memref<1x!tpu.dma_semaphore, #tpu.memory_space<semaphore_mem>>
    %dma_start3A_1115 = tpu.memref_squeeze %dma_start3A_1114 : memref<1x!tpu.dma_semaphore, #tpu.memory_space<semaphore_mem>> -> memref<!tpu.dma_semaphore, #tpu.memory_space<semaphore_mem>>
    %dma_start3A_1116 = arith.constant 0 : i32
    %dma_start3A_1117 = arith.constant 0 : i32
    %dma_start3A_1118 = tpu.memref_slice %arg9[%dma_start3A_1112, %dma_start3A_1116, %dma_start3A_1117] : memref<6x1024x1024xf32, #tpu.memory_space<vmem>> -> memref<1x1024x1024xf32, #tpu.memory_space<vmem>>
    %dma_start3A_1119 = tpu.memref_squeeze %dma_start3A_1118 : memref<1x1024x1024xf32, #tpu.memory_space<vmem>> -> memref<1024x1024xf32, #tpu.memory_space<vmem>>
    %dma_start3A_1120 = arith.constant 0 : i32
    %dma_start3A_1121 = arith.constant 0 : i32
    %dma_start3A_1122 = tpu.memref_slice %arg7[%dma_start3A_1111, %dma_start3A_1120, %dma_start3A_1121] : memref<8x1024x1024xf32, #tpu.memory_space<any>> -> memref<1x1024x1024xf32, #tpu.memory_space<any>>
    %dma_start3A_1123 = tpu.memref_squeeze %dma_start3A_1122 : memref<1x1024x1024xf32, #tpu.memory_space<any>> -> memref<1024x1024xf32, #tpu.memory_space<any>>
    tpu.enqueue_dma source(%dma_start3A_1123 : memref<1024x1024xf32, #tpu.memory_space<any>>) target(%dma_start3A_1119 : memref<1024x1024xf32, #tpu.memory_space<vmem>>) target_semaphore(%dma_start3A_1115 : memref<!tpu.dma_semaphore, #tpu.memory_space<semaphore_mem>>)
    %iota3A_1124 = tpu.iota {dimensions = array<i32: 1>} : vector<2048x128xi32>
    %shift_right_logical3A = arith.constant 3 : i32
    %shift_right_logical3A_1125 = vector.broadcast %shift_right_logical3A : i32 to vector<2048x128xi32>
    %shift_right_logical3A_1126 = arith.shrui %iota3A_1124, %shift_right_logical3A_1125 : vector<2048x128xi32>
    %convert_element_type3A_1127 = arith.sitofp %shift_right_logical3A_1126 : vector<2048x128xi32> to vector<2048x128xf32>
    %lt3A = arith.constant 64 : i32
    %lt3A_1128 = vector.broadcast %lt3A : i32 to vector<2048x128xi32>
    %lt3A_1129 = arith.cmpi slt, %iota3A_1124, %lt3A_1128 : vector<2048x128xi32>
    %get3A_1130 = arith.constant 0 : index
    %get3A_1131 = arith.constant 0 : index
    %get3A_1132 = arith.constant 0 : index
    %get3A_1133 = vector.load %arg0[%get3A_1130, %get3A_1131, %get3A_1132] : memref<2x2048x1024xf32, #tpu.memory_space<vmem>>, vector<1x2048x1024xf32>
    %get3A_1134 = vector.shape_cast %get3A_1133 : vector<1x2048x1024xf32> to vector<2048x1024xf32>
    %get3A_1135 = arith.constant 0 : index
    %get3A_1136 = arith.constant 0 : index
    %get3A_1137 = arith.constant 0 : index
    %get3A_1138 = vector.load %arg10[%get3A_1135, %get3A_1136, %get3A_1137] : memref<2x1024x128xf32, #tpu.memory_space<vmem>>, vector<1x1024x128xf32>
    %get3A_1139 = vector.shape_cast %get3A_1138 : vector<1x1024x128xf32> to vector<1024x128xf32>
    %dot_general3A_1140 = arith.constant dense<0.000000e+00> : vector<2048x128xf32>
    %dot_general3A_1141 = tpu.matmul %get3A_1134, %get3A_1139, %dot_general3A_1140 {dimension_numbers = #tpu.dot_dimension_numbers<[1], [0], [0], [1], [0, 0, 1, 1], [], []>, transpose_lhs_hint = false} : vector<2048x1024xf32>, vector<1024x128xf32>, vector<2048x128xf32> -> vector<2048x128xf32>
    %get3A_1142 = arith.constant 0 : index
    %get3A_1143 = arith.constant 0 : index
    %get3A_1144 = vector.load %arg3[%get3A_1142, %get3A_1143] : memref<2048x8xf32, #tpu.memory_space<vmem>>, vector<2048x4xf32>
    %slice3A_1145 = vector.extract_strided_slice %get3A_1144 {offsets = [0, 2], sizes = [2048, 1], strides = [1, 1]} : vector<2048x4xf32> to vector<2048x1xf32>
    %gt3A = arith.constant 0.000000e+00 : f32
    %gt3A_1146 = vector.broadcast %gt3A : f32 to vector<2048x1xf32>
    %gt3A_1147 = arith.cmpf ogt, %slice3A_1145, %gt3A_1146 : vector<2048x1xf32>
    %slice3A_1148 = vector.extract_strided_slice %get3A_1144 {offsets = [0, 0], sizes = [2048, 1], strides = [1, 1]} : vector<2048x4xf32> to vector<2048x1xf32>
    %eq3A_1149 = vector.broadcast %slice3A_1148 : vector<2048x1xf32> to vector<2048x128xf32>
    %eq3A_1150 = arith.cmpf oeq, %eq3A_1149, %convert_element_type3A_1127 : vector<2048x128xf32>
    %and3A_1151 = vector.broadcast %gt3A_1147 : vector<2048x1xi1> to vector<2048x128xi1>
    %and3A_1152 = arith.andi %and3A_1151, %eq3A_1150 : vector<2048x128xi1>
    %slice3A_1153 = vector.extract_strided_slice %get3A_1144 {offsets = [0, 3], sizes = [2048, 1], strides = [1, 1]} : vector<2048x4xf32> to vector<2048x1xf32>
    %gt3A_1154 = arith.constant 0.000000e+00 : f32
    %gt3A_1155 = vector.broadcast %gt3A_1154 : f32 to vector<2048x1xf32>
    %gt3A_1156 = arith.cmpf ogt, %slice3A_1153, %gt3A_1155 : vector<2048x1xf32>
    %slice3A_1157 = vector.extract_strided_slice %get3A_1144 {offsets = [0, 1], sizes = [2048, 1], strides = [1, 1]} : vector<2048x4xf32> to vector<2048x1xf32>
    %eq3A_1158 = vector.broadcast %slice3A_1157 : vector<2048x1xf32> to vector<2048x128xf32>
    %eq3A_1159 = arith.cmpf oeq, %eq3A_1158, %convert_element_type3A_1127 : vector<2048x128xf32>
    %and3A_1160 = vector.broadcast %gt3A_1156 : vector<2048x1xi1> to vector<2048x128xi1>
    %and3A_1161 = arith.andi %and3A_1160, %eq3A_1159 : vector<2048x128xi1>
    %or3A = arith.ori %and3A_1152, %and3A_1161 : vector<2048x128xi1>
    %and3A_1162 = arith.andi %or3A, %lt3A_1129 : vector<2048x128xi1>
    %convert_element_type3A_1163 = arith.extui %and3A_1162 : vector<2048x128xi1> to vector<2048x128xi32>
    %convert_element_type3A_1164 = arith.sitofp %convert_element_type3A_1163 : vector<2048x128xi32> to vector<2048x128xf32>
    %reduce_sum3A = arith.constant dense<0.000000e+00> : vector<128xf32>
    %reduce_sum3A_1165 = vector.multi_reduction <add>, %convert_element_type3A_1164, %reduce_sum3A [0] : vector<2048x128xf32> to vector<128xf32>
    %broadcast_in_dim3A = vector.shape_cast %reduce_sum3A_1165 : vector<128xf32> to vector<1x128xf32>
    %jit3A_1166 = arith.constant -1.000000e+30 : f32
    %broadcast_in_dim3A_1167 = vector.broadcast %jit3A_1166 : f32 to vector<2048x128xf32>
    %select_n3A_1168 = arith.select %and3A_1162, %dot_general3A_1141, %broadcast_in_dim3A_1167 : vector<2048x128xi1>, vector<2048x128xf32>
    %reduce_max3A = arith.constant dense<0xFF800000> : vector<128xf32>
    %reduce_max3A_1169 = vector.multi_reduction <maximumf>, %select_n3A_1168, %reduce_max3A [0] : vector<2048x128xf32> to vector<128xf32>
    %broadcast_in_dim3A_1170 = vector.shape_cast %reduce_max3A_1169 : vector<128xf32> to vector<1x128xf32>
    %max3A = arith.constant 0.000000e+00 : f32
    %max3A_1171 = vector.broadcast %max3A : f32 to vector<1x128xf32>
    %max3A_1172 = arith.maximumf %broadcast_in_dim3A_1170, %max3A_1171 : vector<1x128xf32>
    %sub3A_1173 = vector.broadcast %max3A_1172 : vector<1x128xf32> to vector<2048x128xf32>
    %sub3A_1174 = arith.subf %dot_general3A_1141, %sub3A_1173 : vector<2048x128xf32>
    %exp3A = math.exp %sub3A_1174 : vector<2048x128xf32>
    %jit3A_1175 = arith.constant 0.000000e+00 : f32
    %broadcast_in_dim3A_1176 = vector.broadcast %jit3A_1175 : f32 to vector<2048x128xf32>
    %select_n3A_1177 = arith.select %and3A_1162, %exp3A, %broadcast_in_dim3A_1176 : vector<2048x128xi1>, vector<2048x128xf32>
    %reduce_sum3A_1178 = arith.constant dense<0.000000e+00> : vector<128xf32>
    %reduce_sum3A_1179 = vector.multi_reduction <add>, %select_n3A_1177, %reduce_sum3A_1178 [0] : vector<2048x128xf32> to vector<128xf32>
    %broadcast_in_dim3A_1180 = vector.shape_cast %reduce_sum3A_1179 : vector<128xf32> to vector<1x128xf32>
    %sub3A_1181 = arith.constant 5.120000e+02 : f32
    %sub3A_1182 = vector.broadcast %sub3A_1181 : f32 to vector<1x128xf32>
    %sub3A_1183 = arith.subf %sub3A_1182, %broadcast_in_dim3A : vector<1x128xf32>
    %neg3A = arith.constant 0.000000e+00 : f32
    %neg3A_1184 = vector.broadcast %neg3A : f32 to vector<1x128xf32>
    %neg3A_1185 = arith.subf %neg3A_1184, %max3A_1172 : vector<1x128xf32>
    %exp3A_1186 = math.exp %neg3A_1185 : vector<1x128xf32>
    %mul3A_1187 = arith.mulf %sub3A_1183, %exp3A_1186 : vector<1x128xf32>
    %add3A = arith.addf %broadcast_in_dim3A_1180, %mul3A_1187 : vector<1x128xf32>
    %div3A_1188 = vector.broadcast %add3A : vector<1x128xf32> to vector<2048x128xf32>
    %div3A_1189 = arith.divf %select_n3A_1177, %div3A_1188 : vector<2048x128xf32>
    %get3A_1190 = arith.constant 0 : index
    %get3A_1191 = arith.constant 0 : index
    %get3A_1192 = arith.constant 0 : index
    %get3A_1193 = vector.load %arg0[%get3A_1190, %get3A_1191, %get3A_1192] : memref<2x2048x1024xf32, #tpu.memory_space<vmem>>, vector<1x2048x1024xf32>
    %get3A_1194 = vector.shape_cast %get3A_1193 : vector<1x2048x1024xf32> to vector<2048x1024xf32>
    %dot_general3A_1195 = arith.constant dense<0.000000e+00> : vector<128x1024xf32>
    %dot_general3A_1196 = tpu.matmul %div3A_1189, %get3A_1194, %dot_general3A_1195 {dimension_numbers = #tpu.dot_dimension_numbers<[0], [0], [1], [1], [0, 1, 1, 1], [], []>, transpose_lhs_hint = false} : vector<2048x128xf32>, vector<2048x1024xf32>, vector<128x1024xf32> -> vector<128x1024xf32>
    %swap3A_1197 = arith.constant 0 : index
    %swap3A_1198 = arith.constant 0 : index
    %swap3A_1199 = arith.constant 0 : index
    %swap3A_1200 = vector.load %arg11[%swap3A_1197, %swap3A_1198, %swap3A_1199] : memref<2x128x1024xf32, #tpu.memory_space<vmem>>, vector<1x128x1024xf32>
    %swap3A_1201 = vector.shape_cast %swap3A_1200 : vector<1x128x1024xf32> to vector<128x1024xf32>
    %swap3A_1202 = vector.shape_cast %dot_general3A_1196 : vector<128x1024xf32> to vector<1x128x1024xf32>
    tpu.vector_store %arg11[%swap3A_1197, %swap3A_1198, %swap3A_1199], %swap3A_1202 {strides = array<i32>} : memref<2x128x1024xf32, #tpu.memory_space<vmem>>, vector<1x128x1024xf32>,
    %get3A_1203 = arith.constant 1 : index
    %get3A_1204 = arith.constant 0 : index
    %get3A_1205 = arith.constant 0 : index
    %get3A_1206 = vector.load %arg0[%get3A_1203, %get3A_1204, %get3A_1205] : memref<2x2048x1024xf32, #tpu.memory_space<vmem>>, vector<1x2048x1024xf32>
    %get3A_1207 = vector.shape_cast %get3A_1206 : vector<1x2048x1024xf32> to vector<2048x1024xf32>
    %get3A_1208 = arith.constant 1 : index
    %get3A_1209 = arith.constant 0 : index
    %get3A_1210 = arith.constant 0 : index
    %get3A_1211 = vector.load %arg10[%get3A_1208, %get3A_1209, %get3A_1210] : memref<2x1024x128xf32, #tpu.memory_space<vmem>>, vector<1x1024x128xf32>
    %get3A_1212 = vector.shape_cast %get3A_1211 : vector<1x1024x128xf32> to vector<1024x128xf32>
    %dot_general3A_1213 = arith.constant dense<0.000000e+00> : vector<2048x128xf32>
    %dot_general3A_1214 = tpu.matmul %get3A_1207, %get3A_1212, %dot_general3A_1213 {dimension_numbers = #tpu.dot_dimension_numbers<[1], [0], [0], [1], [0, 0, 1, 1], [], []>, transpose_lhs_hint = false} : vector<2048x1024xf32>, vector<1024x128xf32>, vector<2048x128xf32> -> vector<2048x128xf32>
    %get3A_1215 = arith.constant 0 : index
    %get3A_1216 = arith.constant 4 : index
    %get3A_1217 = vector.load %arg3[%get3A_1215, %get3A_1216] : memref<2048x8xf32, #tpu.memory_space<vmem>>, vector<2048x4xf32>
    %slice3A_1218 = vector.extract_strided_slice %get3A_1217 {offsets = [0, 2], sizes = [2048, 1], strides = [1, 1]} : vector<2048x4xf32> to vector<2048x1xf32>
    %gt3A_1219 = arith.constant 0.000000e+00 : f32
    %gt3A_1220 = vector.broadcast %gt3A_1219 : f32 to vector<2048x1xf32>
    %gt3A_1221 = arith.cmpf ogt, %slice3A_1218, %gt3A_1220 : vector<2048x1xf32>
    %slice3A_1222 = vector.extract_strided_slice %get3A_1217 {offsets = [0, 0], sizes = [2048, 1], strides = [1, 1]} : vector<2048x4xf32> to vector<2048x1xf32>
    %eq3A_1223 = vector.broadcast %slice3A_1222 : vector<2048x1xf32> to vector<2048x128xf32>
    %eq3A_1224 = arith.cmpf oeq, %eq3A_1223, %convert_element_type3A_1127 : vector<2048x128xf32>
    %and3A_1225 = vector.broadcast %gt3A_1221 : vector<2048x1xi1> to vector<2048x128xi1>
    %and3A_1226 = arith.andi %and3A_1225, %eq3A_1224 : vector<2048x128xi1>
    %slice3A_1227 = vector.extract_strided_slice %get3A_1217 {offsets = [0, 3], sizes = [2048, 1], strides = [1, 1]} : vector<2048x4xf32> to vector<2048x1xf32>
    %gt3A_1228 = arith.constant 0.000000e+00 : f32
    %gt3A_1229 = vector.broadcast %gt3A_1228 : f32 to vector<2048x1xf32>
    %gt3A_1230 = arith.cmpf ogt, %slice3A_1227, %gt3A_1229 : vector<2048x1xf32>
    %slice3A_1231 = vector.extract_strided_slice %get3A_1217 {offsets = [0, 1], sizes = [2048, 1], strides = [1, 1]} : vector<2048x4xf32> to vector<2048x1xf32>
    %eq3A_1232 = vector.broadcast %slice3A_1231 : vector<2048x1xf32> to vector<2048x128xf32>
    %eq3A_1233 = arith.cmpf oeq, %eq3A_1232, %convert_element_type3A_1127 : vector<2048x128xf32>
    %and3A_1234 = vector.broadcast %gt3A_1230 : vector<2048x1xi1> to vector<2048x128xi1>
    %and3A_1235 = arith.andi %and3A_1234, %eq3A_1233 : vector<2048x128xi1>
    %or3A_1236 = arith.ori %and3A_1226, %and3A_1235 : vector<2048x128xi1>
    %and3A_1237 = arith.andi %or3A_1236, %lt3A_1129 : vector<2048x128xi1>
    %convert_element_type3A_1238 = arith.extui %and3A_1237 : vector<2048x128xi1> to vector<2048x128xi32>
    %convert_element_type3A_1239 = arith.sitofp %convert_element_type3A_1238 : vector<2048x128xi32> to vector<2048x128xf32>
    %reduce_sum3A_1240 = arith.constant dense<0.000000e+00> : vector<128xf32>
    %reduce_sum3A_1241 = vector.multi_reduction <add>, %convert_element_type3A_1239, %reduce_sum3A_1240 [0] : vector<2048x128xf32> to vector<128xf32>
    %broadcast_in_dim3A_1242 = vector.shape_cast %reduce_sum3A_1241 : vector<128xf32> to vector<1x128xf32>
    %jit3A_1243 = arith.constant -1.000000e+30 : f32
    %broadcast_in_dim3A_1244 = vector.broadcast %jit3A_1243 : f32 to vector<2048x128xf32>
    %select_n3A_1245 = arith.select %and3A_1237, %dot_general3A_1214, %broadcast_in_dim3A_1244 : vector<2048x128xi1>, vector<2048x128xf32>
    %reduce_max3A_1246 = arith.constant dense<0xFF800000> : vector<128xf32>
    %reduce_max3A_1247 = vector.multi_reduction <maximumf>, %select_n3A_1245, %reduce_max3A_1246 [0] : vector<2048x128xf32> to vector<128xf32>
    %broadcast_in_dim3A_1248 = vector.shape_cast %reduce_max3A_1247 : vector<128xf32> to vector<1x128xf32>
    %max3A_1249 = arith.constant 0.000000e+00 : f32
    %max3A_1250 = vector.broadcast %max3A_1249 : f32 to vector<1x128xf32>
    %max3A_1251 = arith.maximumf %broadcast_in_dim3A_1248, %max3A_1250 : vector<1x128xf32>
    %sub3A_1252 = vector.broadcast %max3A_1251 : vector<1x128xf32> to vector<2048x128xf32>
    %sub3A_1253 = arith.subf %dot_general3A_1214, %sub3A_1252 : vector<2048x128xf32>
    %exp3A_1254 = math.exp %sub3A_1253 : vector<2048x128xf32>
    %jit3A_1255 = arith.constant 0.000000e+00 : f32
    %broadcast_in_dim3A_1256 = vector.broadcast %jit3A_1255 : f32 to vector<2048x128xf32>
    %select_n3A_1257 = arith.select %and3A_1237, %exp3A_1254, %broadcast_in_dim3A_1256 : vector<2048x128xi1>, vector<2048x128xf32>
    %reduce_sum3A_1258 = arith.constant dense<0.000000e+00> : vector<128xf32>
    %reduce_sum3A_1259 = vector.multi_reduction <add>, %select_n3A_1257, %reduce_sum3A_1258 [0] : vector<2048x128xf32> to vector<128xf32>
    %broadcast_in_dim3A_1260 = vector.shape_cast %reduce_sum3A_1259 : vector<128xf32> to vector<1x128xf32>
    %sub3A_1261 = arith.constant 5.120000e+02 : f32
    %sub3A_1262 = vector.broadcast %sub3A_1261 : f32 to vector<1x128xf32>
    %sub3A_1263 = arith.subf %sub3A_1262, %broadcast_in_dim3A_1242 : vector<1x128xf32>
    %neg3A_1264 = arith.constant 0.000000e+00 : f32
    %neg3A_1265 = vector.broadcast %neg3A_1264 : f32 to vector<1x128xf32>
    %neg3A_1266 = arith.subf %neg3A_1265, %max3A_1251 : vector<1x128xf32>
    %exp3A_1267 = math.exp %neg3A_1266 : vector<1x128xf32>
    %mul3A_1268 = arith.mulf %sub3A_1263, %exp3A_1267 : vector<1x128xf32>
    %add3A_1269 = arith.addf %broadcast_in_dim3A_1260, %mul3A_1268 : vector<1x128xf32>
    %div3A_1270 = vector.broadcast %add3A_1269 : vector<1x128xf32> to vector<2048x128xf32>
    %div3A_1271 = arith.divf %select_n3A_1257, %div3A_1270 : vector<2048x128xf32>
    %get3A_1272 = arith.constant 1 : index
    %get3A_1273 = arith.constant 0 : index
    %get3A_1274 = arith.constant 0 : index
    %get3A_1275 = vector.load %arg0[%get3A_1272, %get3A_1273, %get3A_1274] : memref<2x2048x1024xf32, #tpu.memory_space<vmem>>, vector<1x2048x1024xf32>
    %get3A_1276 = vector.shape_cast %get3A_1275 : vector<1x2048x1024xf32> to vector<2048x1024xf32>
    %dot_general3A_1277 = arith.constant dense<0.000000e+00> : vector<128x1024xf32>
    %dot_general3A_1278 = tpu.matmul %div3A_1271, %get3A_1276, %dot_general3A_1277 {dimension_numbers = #tpu.dot_dimension_numbers<[0], [0], [1], [1], [0, 1, 1, 1], [], []>, transpose_lhs_hint = false} : vector<2048x128xf32>, vector<2048x1024xf32>, vector<128x1024xf32> -> vector<128x1024xf32>
    %swap3A_1279 = arith.constant 1 : index
    %swap3A_1280 = arith.constant 0 : index
    %swap3A_1281 = arith.constant 0 : index
    %swap3A_1282 = vector.load %arg11[%swap3A_1279, %swap3A_1280, %swap3A_1281] : memref<2x128x1024xf32, #tpu.memory_space<vmem>>, vector<1x128x1024xf32>
    %swap3A_1283 = vector.shape_cast %swap3A_1282 : vector<1x128x1024xf32> to vector<128x1024xf32>
    %swap3A_1284 = vector.shape_cast %dot_general3A_1278 : vector<128x1024xf32> to vector<1x128x1024xf32>
    tpu.vector_store %arg11[%swap3A_1279, %swap3A_1280, %swap3A_1281], %swap3A_1284 {strides = array<i32>} : memref<2x128x1024xf32, #tpu.memory_space<vmem>>, vector<1x128x1024xf32>,
    %dma_wait3A_1285 = arith.constant 0 : i32
    %dma_wait3A_1286 = arith.constant 4 : i32
    %dma_wait3A_1287 = arith.constant 4 : i32
    %dma_wait3A_1288 = tpu.memref_slice %arg13[%dma_wait3A_1287] : memref<6x!tpu.dma_semaphore, #tpu.memory_space<semaphore_mem>> -> memref<1x!tpu.dma_semaphore, #tpu.memory_space<semaphore_mem>>
    %dma_wait3A_1289 = tpu.memref_squeeze %dma_wait3A_1288 : memref<1x!tpu.dma_semaphore, #tpu.memory_space<semaphore_mem>> -> memref<!tpu.dma_semaphore, #tpu.memory_space<semaphore_mem>>
    %dma_wait3A_1290 = arith.constant 0 : i32
    %dma_wait3A_1291 = arith.constant 0 : i32
    %dma_wait3A_1292 = tpu.memref_slice %arg9[%dma_wait3A_1286, %dma_wait3A_1290, %dma_wait3A_1291] : memref<6x1024x1024xf32, #tpu.memory_space<vmem>> -> memref<1x1024x1024xf32, #tpu.memory_space<vmem>>
    %dma_wait3A_1293 = tpu.memref_squeeze %dma_wait3A_1292 : memref<1x1024x1024xf32, #tpu.memory_space<vmem>> -> memref<1024x1024xf32, #tpu.memory_space<vmem>>
    %dma_wait3A_1294 = arith.constant 0 : i32
    %dma_wait3A_1295 = arith.constant 0 : i32
    %dma_wait3A_1296 = tpu.memref_slice %arg6[%dma_wait3A_1285, %dma_wait3A_1294, %dma_wait3A_1295] : memref<8x1024x1024xf32, #tpu.memory_space<any>> -> memref<1x1024x1024xf32, #tpu.memory_space<any>>
    %dma_wait3A_1297 = tpu.memref_squeeze %dma_wait3A_1296 : memref<1x1024x1024xf32, #tpu.memory_space<any>> -> memref<1024x1024xf32, #tpu.memory_space<any>>
    tpu.wait_dma2 semaphore(%dma_wait3A_1289 : memref<!tpu.dma_semaphore, #tpu.memory_space<semaphore_mem>>) src(%dma_wait3A_1297 : memref<1024x1024xf32, #tpu.memory_space<any>>) dst(%dma_wait3A_1293 : memref<1024x1024xf32, #tpu.memory_space<vmem>>)
    %dma_wait3A_1298 = arith.constant 0 : i32
    %dma_wait3A_1299 = arith.constant 5 : i32
    %dma_wait3A_1300 = arith.constant 5 : i32
    %dma_wait3A_1301 = tpu.memref_slice %arg13[%dma_wait3A_1300] : memref<6x!tpu.dma_semaphore, #tpu.memory_space<semaphore_mem>> -> memref<1x!tpu.dma_semaphore, #tpu.memory_space<semaphore_mem>>
    %dma_wait3A_1302 = tpu.memref_squeeze %dma_wait3A_1301 : memref<1x!tpu.dma_semaphore, #tpu.memory_space<semaphore_mem>> -> memref<!tpu.dma_semaphore, #tpu.memory_space<semaphore_mem>>
    %dma_wait3A_1303 = arith.constant 0 : i32
    %dma_wait3A_1304 = arith.constant 0 : i32
    %dma_wait3A_1305 = tpu.memref_slice %arg9[%dma_wait3A_1299, %dma_wait3A_1303, %dma_wait3A_1304] : memref<6x1024x1024xf32, #tpu.memory_space<vmem>> -> memref<1x1024x1024xf32, #tpu.memory_space<vmem>>
    %dma_wait3A_1306 = tpu.memref_squeeze %dma_wait3A_1305 : memref<1x1024x1024xf32, #tpu.memory_space<vmem>> -> memref<1024x1024xf32, #tpu.memory_space<vmem>>
    %dma_wait3A_1307 = arith.constant 0 : i32
    %dma_wait3A_1308 = arith.constant 0 : i32
    %dma_wait3A_1309 = tpu.memref_slice %arg7[%dma_wait3A_1298, %dma_wait3A_1307, %dma_wait3A_1308] : memref<8x1024x1024xf32, #tpu.memory_space<any>> -> memref<1x1024x1024xf32, #tpu.memory_space<any>>
    %dma_wait3A_1310 = tpu.memref_squeeze %dma_wait3A_1309 : memref<1x1024x1024xf32, #tpu.memory_space<any>> -> memref<1024x1024xf32, #tpu.memory_space<any>>
    tpu.wait_dma2 semaphore(%dma_wait3A_1302 : memref<!tpu.dma_semaphore, #tpu.memory_space<semaphore_mem>>) src(%dma_wait3A_1310 : memref<1024x1024xf32, #tpu.memory_space<any>>) dst(%dma_wait3A_1306 : memref<1024x1024xf32, #tpu.memory_space<vmem>>)
    %iota3A_1311 = tpu.iota {dimensions = array<i32: 0>} : vector<8x1024xi32>
    %iota3A_1312 = tpu.iota {dimensions = array<i32: 1>} : vector<8x1024xi32>
    %jit3A_1313 = arith.constant 128 : i32
    %div3A_1314 = vector.broadcast %jit3A_1313 : i32 to vector<8x1024xi32>
    %div3A_1315 = arith.divsi %iota3A_1312, %div3A_1314 : vector<8x1024xi32>
    %sign3A_1316 = arith.constant 0 : i32
    %sign3A_1317 = vector.broadcast %sign3A_1316 : i32 to vector<8x1024xi32>
    %sign3A_1318 = arith.cmpi sgt, %iota3A_1312, %sign3A_1317 : vector<8x1024xi32>
    %sign3A_1319 = arith.extui %sign3A_1318 : vector<8x1024xi1> to vector<8x1024xi32>
    %sign3A_1320 = arith.constant 0 : i32
    %sign3A_1321 = vector.broadcast %sign3A_1320 : i32 to vector<8x1024xi32>
    %sign3A_1322 = arith.cmpi slt, %iota3A_1312, %sign3A_1321 : vector<8x1024xi32>
    %sign3A_1323 = arith.extui %sign3A_1322 : vector<8x1024xi1> to vector<8x1024xi32>
    %sign3A_1324 = arith.subi %sign3A_1319, %sign3A_1323 : vector<8x1024xi32>
    %sign3A_1325 = arith.constant 0 : i32
    %sign3A_1326 = arith.cmpi sgt, %jit3A_1313, %sign3A_1325 : i32
    %sign3A_1327 = arith.extui %sign3A_1326 : i1 to i32
    %sign3A_1328 = arith.constant 0 : i32
    %sign3A_1329 = arith.cmpi slt, %jit3A_1313, %sign3A_1328 : i32
    %sign3A_1330 = arith.extui %sign3A_1329 : i1 to i32
    %sign3A_1331 = arith.subi %sign3A_1327, %sign3A_1330 : i32
    %ne3A_1332 = vector.broadcast %sign3A_1331 : i32 to vector<8x1024xi32>
    %ne3A_1333 = arith.cmpi ne, %sign3A_1324, %ne3A_1332 : vector<8x1024xi32>
    %rem3A_1334 = vector.broadcast %jit3A_1313 : i32 to vector<8x1024xi32>
    %rem3A_1335 = arith.remsi %iota3A_1312, %rem3A_1334 : vector<8x1024xi32>
    %ne3A_1336 = arith.constant 0 : i32
    %ne3A_1337 = vector.broadcast %ne3A_1336 : i32 to vector<8x1024xi32>
    %ne3A_1338 = arith.cmpi ne, %rem3A_1335, %ne3A_1337 : vector<8x1024xi32>
    %and3A_1339 = arith.andi %ne3A_1333, %ne3A_1338 : vector<8x1024xi1>
    %sub3A_1340 = arith.constant 1 : i32
    %sub3A_1341 = vector.broadcast %sub3A_1340 : i32 to vector<8x1024xi32>
    %sub3A_1342 = arith.subi %div3A_1315, %sub3A_1341 : vector<8x1024xi32>
    %select_n3A_1343 = arith.select %and3A_1339, %sub3A_1342, %div3A_1315 : vector<8x1024xi1>, vector<8x1024xi32>
    %eq3A_1344 = arith.cmpi eq, %iota3A_1311, %select_n3A_1343 : vector<8x1024xi32>
    %convert_element_type3A_1345 = arith.extui %eq3A_1344 : vector<8x1024xi1> to vector<8x1024xi32>
    %convert_element_type3A_1346 = arith.sitofp %convert_element_type3A_1345 : vector<8x1024xi32> to vector<8x1024xf32>
    %get3A_1347 = arith.constant 0 : index
    %get3A_1348 = arith.constant 0 : index
    %get3A_1349 = arith.constant 0 : index
    %get3A_1350 = vector.load %arg11[%get3A_1347, %get3A_1348, %get3A_1349] : memref<2x128x1024xf32, #tpu.memory_space<vmem>>, vector<1x8x1024xf32>
    %get3A_1351 = vector.shape_cast %get3A_1350 : vector<1x8x1024xf32> to vector<8x1024xf32>
    %get3A_1352 = arith.constant 4 : index
    %get3A_1353 = arith.constant 0 : index
    %get3A_1354 = arith.constant 0 : index
    %get3A_1355 = vector.load %arg9[%get3A_1352, %get3A_1353, %get3A_1354] : memref<6x1024x1024xf32, #tpu.memory_space<vmem>>, vector<1x1024x1024xf32>
    %get3A_1356 = vector.shape_cast %get3A_1355 : vector<1x1024x1024xf32> to vector<1024x1024xf32>
    %dot_general3A_1357 = arith.constant dense<0.000000e+00> : vector<8x1024xf32>
    %dot_general3A_1358 = tpu.matmul %get3A_1351, %get3A_1356, %dot_general3A_1357 {dimension_numbers = #tpu.dot_dimension_numbers<[1], [0], [0], [1], [0, 0, 1, 1], [], []>, transpose_lhs_hint = false} : vector<8x1024xf32>, vector<1024x1024xf32>, vector<8x1024xf32> -> vector<8x1024xf32>
    %mul3A_1359 = arith.mulf %dot_general3A_1358, %convert_element_type3A_1346 : vector<8x1024xf32>
    %reduce_sum3A_1360 = arith.constant dense<0.000000e+00> : vector<1024xf32>
    %reduce_sum3A_1361 = vector.multi_reduction <add>, %mul3A_1359, %reduce_sum3A_1360 [0] : vector<8x1024xf32> to vector<1024xf32>
    %broadcast_in_dim3A_1362 = vector.shape_cast %reduce_sum3A_1361 : vector<1024xf32> to vector<1x1024xf32>
    %swap3A_1363 = arith.constant 0 : index
    %swap3A_1364 = arith.constant 0 : index
    %swap3A_1365 = vector.load %arg12[%swap3A_1363, %swap3A_1364] : memref<2x1024xf32, #tpu.memory_space<vmem>>, vector<1x1024xf32>
    tpu.vector_store %arg12[%swap3A_1363, %swap3A_1364], %broadcast_in_dim3A_1362 {strides = array<i32>} : memref<2x1024xf32, #tpu.memory_space<vmem>>, vector<1x1024xf32>,
    %get3A_1366 = arith.constant 1 : index
    %get3A_1367 = arith.constant 0 : index
    %get3A_1368 = arith.constant 0 : index
    %get3A_1369 = vector.load %arg11[%get3A_1366, %get3A_1367, %get3A_1368] : memref<2x128x1024xf32, #tpu.memory_space<vmem>>, vector<1x8x1024xf32>
    %get3A_1370 = vector.shape_cast %get3A_1369 : vector<1x8x1024xf32> to vector<8x1024xf32>
    %get3A_1371 = arith.constant 4 : index
    %get3A_1372 = arith.constant 0 : index
    %get3A_1373 = arith.constant 0 : index
    %get3A_1374 = vector.load %arg9[%get3A_1371, %get3A_1372, %get3A_1373] : memref<6x1024x1024xf32, #tpu.memory_space<vmem>>, vector<1x1024x1024xf32>
    %get3A_1375 = vector.shape_cast %get3A_1374 : vector<1x1024x1024xf32> to vector<1024x1024xf32>
    %dot_general3A_1376 = arith.constant dense<0.000000e+00> : vector<8x1024xf32>
    %dot_general3A_1377 = tpu.matmul %get3A_1370, %get3A_1375, %dot_general3A_1376 {dimension_numbers = #tpu.dot_dimension_numbers<[1], [0], [0], [1], [0, 0, 1, 1], [], []>, transpose_lhs_hint = false} : vector<8x1024xf32>, vector<1024x1024xf32>, vector<8x1024xf32> -> vector<8x1024xf32>
    %mul3A_1378 = arith.mulf %dot_general3A_1377, %convert_element_type3A_1346 : vector<8x1024xf32>
    %reduce_sum3A_1379 = arith.constant dense<0.000000e+00> : vector<1024xf32>
    %reduce_sum3A_1380 = vector.multi_reduction <add>, %mul3A_1378, %reduce_sum3A_1379 [0] : vector<8x1024xf32> to vector<1024xf32>
    %broadcast_in_dim3A_1381 = vector.shape_cast %reduce_sum3A_1380 : vector<1024xf32> to vector<1x1024xf32>
    %swap3A_1382 = arith.constant 1 : index
    %swap3A_1383 = arith.constant 0 : index
    %swap3A_1384 = vector.load %arg12[%swap3A_1382, %swap3A_1383] : memref<2x1024xf32, #tpu.memory_space<vmem>>, vector<1x1024xf32>
    tpu.vector_store %arg12[%swap3A_1382, %swap3A_1383], %broadcast_in_dim3A_1381 {strides = array<i32>} : memref<2x1024xf32, #tpu.memory_space<vmem>>, vector<1x1024xf32>,
    %get3A_1385 = arith.constant 0 : index
    %get3A_1386 = arith.constant 0 : index
    %get3A_1387 = vector.load %arg12[%get3A_1385, %get3A_1386] : memref<2x1024xf32, #tpu.memory_space<vmem>>, vector<2x1024xf32>
    %get3A_1388 = arith.constant 5 : index
    %get3A_1389 = arith.constant 0 : index
    %get3A_1390 = arith.constant 0 : index
    %get3A_1391 = vector.load %arg9[%get3A_1388, %get3A_1389, %get3A_1390] : memref<6x1024x1024xf32, #tpu.memory_space<vmem>>, vector<1x1024x1024xf32>
    %get3A_1392 = vector.shape_cast %get3A_1391 : vector<1x1024x1024xf32> to vector<1024x1024xf32>
    %dot_general3A_1393 = arith.constant dense<0.000000e+00> : vector<2x1024xf32>
    %dot_general3A_1394 = tpu.matmul %get3A_1387, %get3A_1392, %dot_general3A_1393 {dimension_numbers = #tpu.dot_dimension_numbers<[1], [0], [0], [1], [0, 0, 1, 1], [], []>, transpose_lhs_hint = false} : vector<2x1024xf32>, vector<1024x1024xf32>, vector<2x1024xf32> -> vector<2x1024xf32>
    %get3A_1395 = arith.constant 0 : index
    %get3A_1396 = arith.constant 0 : index
    %get3A_1397 = vector.load %arg2[%get3A_1395, %get3A_1396] : memref<8x1024xf32, #tpu.memory_space<vmem>>, vector<1x1024xf32>
    %add3A_1398 = vector.broadcast %get3A_1397 : vector<1x1024xf32> to vector<2x1024xf32>
    %add3A_1399 = arith.addf %dot_general3A_1394, %add3A_1398 : vector<2x1024xf32>
    %neg3A_1400 = arith.constant 0.000000e+00 : f32
    %neg3A_1401 = vector.broadcast %neg3A_1400 : f32 to vector<2x1024xf32>
    %neg3A_1402 = arith.subf %neg3A_1401, %add3A_1399 : vector<2x1024xf32>
    %exp3A_1403 = math.exp %neg3A_1402 : vector<2x1024xf32>
    %add3A_1404 = arith.constant 1.000000e+00 : f32
    %add3A_1405 = vector.broadcast %add3A_1404 : f32 to vector<2x1024xf32>
    %add3A_1406 = arith.addf %add3A_1405, %exp3A_1403 : vector<2x1024xf32>
    %div3A_1407 = arith.constant 1.000000e+00 : f32
    %div3A_1408 = vector.broadcast %div3A_1407 : f32 to vector<2x1024xf32>
    %div3A_1409 = arith.divf %div3A_1408, %add3A_1406 : vector<2x1024xf32>
    %swap3A_1410 = arith.constant 0 : index
    %swap3A_1411 = arith.constant 0 : index
    %swap3A_1412 = arith.constant 0 : index
    %swap3A_1413 = vector.load %arg8[%swap3A_1410, %swap3A_1411, %swap3A_1412] : memref<2x8x1024xf32, #tpu.memory_space<vmem>>, vector<2x1x1024xf32>
    %swap3A_1414 = vector.shape_cast %swap3A_1413 : vector<2x1x1024xf32> to vector<2x1024xf32>
    %swap3A_1415 = vector.shape_cast %div3A_1409 : vector<2x1024xf32> to vector<2x1x1024xf32>
    tpu.vector_store %arg8[%swap3A_1410, %swap3A_1411, %swap3A_1412], %swap3A_1415 {strides = array<i32>} : memref<2x8x1024xf32, #tpu.memory_space<vmem>>, vector<2x1x1024xf32>,
    %dma_start3A_1416 = arith.constant 3 : i32
    %dma_start3A_1417 = arith.constant 4 : i32
    %dma_start3A_1418 = arith.constant 4 : i32
    %dma_start3A_1419 = tpu.memref_slice %arg13[%dma_start3A_1418] : memref<6x!tpu.dma_semaphore, #tpu.memory_space<semaphore_mem>> -> memref<1x!tpu.dma_semaphore, #tpu.memory_space<semaphore_mem>>
    %dma_start3A_1420 = tpu.memref_squeeze %dma_start3A_1419 : memref<1x!tpu.dma_semaphore, #tpu.memory_space<semaphore_mem>> -> memref<!tpu.dma_semaphore, #tpu.memory_space<semaphore_mem>>
    %dma_start3A_1421 = arith.constant 0 : i32
    %dma_start3A_1422 = arith.constant 0 : i32
    %dma_start3A_1423 = tpu.memref_slice %arg9[%dma_start3A_1417, %dma_start3A_1421, %dma_start3A_1422] : memref<6x1024x1024xf32, #tpu.memory_space<vmem>> -> memref<1x1024x1024xf32, #tpu.memory_space<vmem>>
    %dma_start3A_1424 = tpu.memref_squeeze %dma_start3A_1423 : memref<1x1024x1024xf32, #tpu.memory_space<vmem>> -> memref<1024x1024xf32, #tpu.memory_space<vmem>>
    %dma_start3A_1425 = arith.constant 0 : i32
    %dma_start3A_1426 = arith.constant 0 : i32
    %dma_start3A_1427 = tpu.memref_slice %arg6[%dma_start3A_1416, %dma_start3A_1425, %dma_start3A_1426] : memref<8x1024x1024xf32, #tpu.memory_space<any>> -> memref<1x1024x1024xf32, #tpu.memory_space<any>>
    %dma_start3A_1428 = tpu.memref_squeeze %dma_start3A_1427 : memref<1x1024x1024xf32, #tpu.memory_space<any>> -> memref<1024x1024xf32, #tpu.memory_space<any>>
    tpu.enqueue_dma source(%dma_start3A_1428 : memref<1024x1024xf32, #tpu.memory_space<any>>) target(%dma_start3A_1424 : memref<1024x1024xf32, #tpu.memory_space<vmem>>) target_semaphore(%dma_start3A_1420 : memref<!tpu.dma_semaphore, #tpu.memory_space<semaphore_mem>>)
    %dma_start3A_1429 = arith.constant 3 : i32
    %dma_start3A_1430 = arith.constant 5 : i32
    %dma_start3A_1431 = arith.constant 5 : i32
    %dma_start3A_1432 = tpu.memref_slice %arg13[%dma_start3A_1431] : memref<6x!tpu.dma_semaphore, #tpu.memory_space<semaphore_mem>> -> memref<1x!tpu.dma_semaphore, #tpu.memory_space<semaphore_mem>>
    %dma_start3A_1433 = tpu.memref_squeeze %dma_start3A_1432 : memref<1x!tpu.dma_semaphore, #tpu.memory_space<semaphore_mem>> -> memref<!tpu.dma_semaphore, #tpu.memory_space<semaphore_mem>>
    %dma_start3A_1434 = arith.constant 0 : i32
    %dma_start3A_1435 = arith.constant 0 : i32
    %dma_start3A_1436 = tpu.memref_slice %arg9[%dma_start3A_1430, %dma_start3A_1434, %dma_start3A_1435] : memref<6x1024x1024xf32, #tpu.memory_space<vmem>> -> memref<1x1024x1024xf32, #tpu.memory_space<vmem>>
    %dma_start3A_1437 = tpu.memref_squeeze %dma_start3A_1436 : memref<1x1024x1024xf32, #tpu.memory_space<vmem>> -> memref<1024x1024xf32, #tpu.memory_space<vmem>>
    %dma_start3A_1438 = arith.constant 0 : i32
    %dma_start3A_1439 = arith.constant 0 : i32
    %dma_start3A_1440 = tpu.memref_slice %arg7[%dma_start3A_1429, %dma_start3A_1438, %dma_start3A_1439] : memref<8x1024x1024xf32, #tpu.memory_space<any>> -> memref<1x1024x1024xf32, #tpu.memory_space<any>>
    %dma_start3A_1441 = tpu.memref_squeeze %dma_start3A_1440 : memref<1x1024x1024xf32, #tpu.memory_space<any>> -> memref<1024x1024xf32, #tpu.memory_space<any>>
    tpu.enqueue_dma source(%dma_start3A_1441 : memref<1024x1024xf32, #tpu.memory_space<any>>) target(%dma_start3A_1437 : memref<1024x1024xf32, #tpu.memory_space<vmem>>) target_semaphore(%dma_start3A_1433 : memref<!tpu.dma_semaphore, #tpu.memory_space<semaphore_mem>>)
    %dma_wait3A_1442 = arith.constant 1 : i32
    %dma_wait3A_1443 = arith.constant 0 : i32
    %dma_wait3A_1444 = arith.constant 0 : i32
    %dma_wait3A_1445 = tpu.memref_slice %arg13[%dma_wait3A_1444] : memref<6x!tpu.dma_semaphore, #tpu.memory_space<semaphore_mem>> -> memref<1x!tpu.dma_semaphore, #tpu.memory_space<semaphore_mem>>
    %dma_wait3A_1446 = tpu.memref_squeeze %dma_wait3A_1445 : memref<1x!tpu.dma_semaphore, #tpu.memory_space<semaphore_mem>> -> memref<!tpu.dma_semaphore, #tpu.memory_space<semaphore_mem>>
    %dma_wait3A_1447 = arith.constant 0 : i32
    %dma_wait3A_1448 = arith.constant 0 : i32
    %dma_wait3A_1449 = tpu.memref_slice %arg9[%dma_wait3A_1443, %dma_wait3A_1447, %dma_wait3A_1448] : memref<6x1024x1024xf32, #tpu.memory_space<vmem>> -> memref<1x1024x1024xf32, #tpu.memory_space<vmem>>
    %dma_wait3A_1450 = tpu.memref_squeeze %dma_wait3A_1449 : memref<1x1024x1024xf32, #tpu.memory_space<vmem>> -> memref<1024x1024xf32, #tpu.memory_space<vmem>>
    %dma_wait3A_1451 = arith.constant 0 : i32
    %dma_wait3A_1452 = arith.constant 0 : i32
    %dma_wait3A_1453 = tpu.memref_slice %arg6[%dma_wait3A_1442, %dma_wait3A_1451, %dma_wait3A_1452] : memref<8x1024x1024xf32, #tpu.memory_space<any>> -> memref<1x1024x1024xf32, #tpu.memory_space<any>>
    %dma_wait3A_1454 = tpu.memref_squeeze %dma_wait3A_1453 : memref<1x1024x1024xf32, #tpu.memory_space<any>> -> memref<1024x1024xf32, #tpu.memory_space<any>>
    tpu.wait_dma2 semaphore(%dma_wait3A_1446 : memref<!tpu.dma_semaphore, #tpu.memory_space<semaphore_mem>>) src(%dma_wait3A_1454 : memref<1024x1024xf32, #tpu.memory_space<any>>) dst(%dma_wait3A_1450 : memref<1024x1024xf32, #tpu.memory_space<vmem>>)
    %dma_wait3A_1455 = arith.constant 1 : i32
    %dma_wait3A_1456 = arith.constant 1 : i32
    %dma_wait3A_1457 = arith.constant 1 : i32
    %dma_wait3A_1458 = tpu.memref_slice %arg13[%dma_wait3A_1457] : memref<6x!tpu.dma_semaphore, #tpu.memory_space<semaphore_mem>> -> memref<1x!tpu.dma_semaphore, #tpu.memory_space<semaphore_mem>>
    %dma_wait3A_1459 = tpu.memref_squeeze %dma_wait3A_1458 : memref<1x!tpu.dma_semaphore, #tpu.memory_space<semaphore_mem>> -> memref<!tpu.dma_semaphore, #tpu.memory_space<semaphore_mem>>
    %dma_wait3A_1460 = arith.constant 0 : i32
    %dma_wait3A_1461 = arith.constant 0 : i32
    %dma_wait3A_1462 = tpu.memref_slice %arg9[%dma_wait3A_1456, %dma_wait3A_1460, %dma_wait3A_1461] : memref<6x1024x1024xf32, #tpu.memory_space<vmem>> -> memref<1x1024x1024xf32, #tpu.memory_space<vmem>>
    %dma_wait3A_1463 = tpu.memref_squeeze %dma_wait3A_1462 : memref<1x1024x1024xf32, #tpu.memory_space<vmem>> -> memref<1024x1024xf32, #tpu.memory_space<vmem>>
    %dma_wait3A_1464 = arith.constant 0 : i32
    %dma_wait3A_1465 = arith.constant 0 : i32
    %dma_wait3A_1466 = tpu.memref_slice %arg7[%dma_wait3A_1455, %dma_wait3A_1464, %dma_wait3A_1465] : memref<8x1024x1024xf32, #tpu.memory_space<any>> -> memref<1x1024x1024xf32, #tpu.memory_space<any>>
    %dma_wait3A_1467 = tpu.memref_squeeze %dma_wait3A_1466 : memref<1x1024x1024xf32, #tpu.memory_space<any>> -> memref<1024x1024xf32, #tpu.memory_space<any>>
    tpu.wait_dma2 semaphore(%dma_wait3A_1459 : memref<!tpu.dma_semaphore, #tpu.memory_space<semaphore_mem>>) src(%dma_wait3A_1467 : memref<1024x1024xf32, #tpu.memory_space<any>>) dst(%dma_wait3A_1463 : memref<1024x1024xf32, #tpu.memory_space<vmem>>)
    %iota3A_1468 = tpu.iota {dimensions = array<i32: 0>} : vector<8x1024xi32>
    %iota3A_1469 = tpu.iota {dimensions = array<i32: 1>} : vector<8x1024xi32>
    %jit3A_1470 = arith.constant 128 : i32
    %div3A_1471 = vector.broadcast %jit3A_1470 : i32 to vector<8x1024xi32>
    %div3A_1472 = arith.divsi %iota3A_1469, %div3A_1471 : vector<8x1024xi32>
    %sign3A_1473 = arith.constant 0 : i32
    %sign3A_1474 = vector.broadcast %sign3A_1473 : i32 to vector<8x1024xi32>
    %sign3A_1475 = arith.cmpi sgt, %iota3A_1469, %sign3A_1474 : vector<8x1024xi32>
    %sign3A_1476 = arith.extui %sign3A_1475 : vector<8x1024xi1> to vector<8x1024xi32>
    %sign3A_1477 = arith.constant 0 : i32
    %sign3A_1478 = vector.broadcast %sign3A_1477 : i32 to vector<8x1024xi32>
    %sign3A_1479 = arith.cmpi slt, %iota3A_1469, %sign3A_1478 : vector<8x1024xi32>
    %sign3A_1480 = arith.extui %sign3A_1479 : vector<8x1024xi1> to vector<8x1024xi32>
    %sign3A_1481 = arith.subi %sign3A_1476, %sign3A_1480 : vector<8x1024xi32>
    %sign3A_1482 = arith.constant 0 : i32
    %sign3A_1483 = arith.cmpi sgt, %jit3A_1470, %sign3A_1482 : i32
    %sign3A_1484 = arith.extui %sign3A_1483 : i1 to i32
    %sign3A_1485 = arith.constant 0 : i32
    %sign3A_1486 = arith.cmpi slt, %jit3A_1470, %sign3A_1485 : i32
    %sign3A_1487 = arith.extui %sign3A_1486 : i1 to i32
    %sign3A_1488 = arith.subi %sign3A_1484, %sign3A_1487 : i32
    %ne3A_1489 = vector.broadcast %sign3A_1488 : i32 to vector<8x1024xi32>
    %ne3A_1490 = arith.cmpi ne, %sign3A_1481, %ne3A_1489 : vector<8x1024xi32>
    %rem3A_1491 = vector.broadcast %jit3A_1470 : i32 to vector<8x1024xi32>
    %rem3A_1492 = arith.remsi %iota3A_1469, %rem3A_1491 : vector<8x1024xi32>
    %ne3A_1493 = arith.constant 0 : i32
    %ne3A_1494 = vector.broadcast %ne3A_1493 : i32 to vector<8x1024xi32>
    %ne3A_1495 = arith.cmpi ne, %rem3A_1492, %ne3A_1494 : vector<8x1024xi32>
    %and3A_1496 = arith.andi %ne3A_1490, %ne3A_1495 : vector<8x1024xi1>
    %sub3A_1497 = arith.constant 1 : i32
    %sub3A_1498 = vector.broadcast %sub3A_1497 : i32 to vector<8x1024xi32>
    %sub3A_1499 = arith.subi %div3A_1472, %sub3A_1498 : vector<8x1024xi32>
    %select_n3A_1500 = arith.select %and3A_1496, %sub3A_1499, %div3A_1472 : vector<8x1024xi1>, vector<8x1024xi32>
    %eq3A_1501 = arith.cmpi eq, %iota3A_1468, %select_n3A_1500 : vector<8x1024xi32>
    %convert_element_type3A_1502 = arith.extui %eq3A_1501 : vector<8x1024xi1> to vector<8x1024xi32>
    %convert_element_type3A_1503 = arith.sitofp %convert_element_type3A_1502 : vector<8x1024xi32> to vector<8x1024xf32>
    %get3A_1504 = arith.constant 0 : index
    %get3A_1505 = arith.constant 8 : index
    %get3A_1506 = arith.constant 0 : index
    %get3A_1507 = vector.load %arg11[%get3A_1504, %get3A_1505, %get3A_1506] : memref<2x128x1024xf32, #tpu.memory_space<vmem>>, vector<1x8x1024xf32>
    %get3A_1508 = vector.shape_cast %get3A_1507 : vector<1x8x1024xf32> to vector<8x1024xf32>
    %get3A_1509 = arith.constant 0 : index
    %get3A_1510 = arith.constant 0 : index
    %get3A_1511 = arith.constant 0 : index
    %get3A_1512 = vector.load %arg9[%get3A_1509, %get3A_1510, %get3A_1511] : memref<6x1024x1024xf32, #tpu.memory_space<vmem>>, vector<1x1024x1024xf32>
    %get3A_1513 = vector.shape_cast %get3A_1512 : vector<1x1024x1024xf32> to vector<1024x1024xf32>
    %dot_general3A_1514 = arith.constant dense<0.000000e+00> : vector<8x1024xf32>
    %dot_general3A_1515 = tpu.matmul %get3A_1508, %get3A_1513, %dot_general3A_1514 {dimension_numbers = #tpu.dot_dimension_numbers<[1], [0], [0], [1], [0, 0, 1, 1], [], []>, transpose_lhs_hint = false} : vector<8x1024xf32>, vector<1024x1024xf32>, vector<8x1024xf32> -> vector<8x1024xf32>
    %mul3A_1516 = arith.mulf %dot_general3A_1515, %convert_element_type3A_1503 : vector<8x1024xf32>
    %reduce_sum3A_1517 = arith.constant dense<0.000000e+00> : vector<1024xf32>
    %reduce_sum3A_1518 = vector.multi_reduction <add>, %mul3A_1516, %reduce_sum3A_1517 [0] : vector<8x1024xf32> to vector<1024xf32>
    %broadcast_in_dim3A_1519 = vector.shape_cast %reduce_sum3A_1518 : vector<1024xf32> to vector<1x1024xf32>
    %swap3A_1520 = arith.constant 0 : index
    %swap3A_1521 = arith.constant 0 : index
    %swap3A_1522 = vector.load %arg12[%swap3A_1520, %swap3A_1521] : memref<2x1024xf32, #tpu.memory_space<vmem>>, vector<1x1024xf32>
    tpu.vector_store %arg12[%swap3A_1520, %swap3A_1521], %broadcast_in_dim3A_1519 {strides = array<i32>} : memref<2x1024xf32, #tpu.memory_space<vmem>>, vector<1x1024xf32>,
    %get3A_1523 = arith.constant 1 : index
    %get3A_1524 = arith.constant 8 : index
    %get3A_1525 = arith.constant 0 : index
    %get3A_1526 = vector.load %arg11[%get3A_1523, %get3A_1524, %get3A_1525] : memref<2x128x1024xf32, #tpu.memory_space<vmem>>, vector<1x8x1024xf32>
    %get3A_1527 = vector.shape_cast %get3A_1526 : vector<1x8x1024xf32> to vector<8x1024xf32>
    %get3A_1528 = arith.constant 0 : index
    %get3A_1529 = arith.constant 0 : index
    %get3A_1530 = arith.constant 0 : index
    %get3A_1531 = vector.load %arg9[%get3A_1528, %get3A_1529, %get3A_1530] : memref<6x1024x1024xf32, #tpu.memory_space<vmem>>, vector<1x1024x1024xf32>
    %get3A_1532 = vector.shape_cast %get3A_1531 : vector<1x1024x1024xf32> to vector<1024x1024xf32>
    %dot_general3A_1533 = arith.constant dense<0.000000e+00> : vector<8x1024xf32>
    %dot_general3A_1534 = tpu.matmul %get3A_1527, %get3A_1532, %dot_general3A_1533 {dimension_numbers = #tpu.dot_dimension_numbers<[1], [0], [0], [1], [0, 0, 1, 1], [], []>, transpose_lhs_hint = false} : vector<8x1024xf32>, vector<1024x1024xf32>, vector<8x1024xf32> -> vector<8x1024xf32>
    %mul3A_1535 = arith.mulf %dot_general3A_1534, %convert_element_type3A_1503 : vector<8x1024xf32>
    %reduce_sum3A_1536 = arith.constant dense<0.000000e+00> : vector<1024xf32>
    %reduce_sum3A_1537 = vector.multi_reduction <add>, %mul3A_1535, %reduce_sum3A_1536 [0] : vector<8x1024xf32> to vector<1024xf32>
    %broadcast_in_dim3A_1538 = vector.shape_cast %reduce_sum3A_1537 : vector<1024xf32> to vector<1x1024xf32>
    %swap3A_1539 = arith.constant 1 : index
    %swap3A_1540 = arith.constant 0 : index
    %swap3A_1541 = vector.load %arg12[%swap3A_1539, %swap3A_1540] : memref<2x1024xf32, #tpu.memory_space<vmem>>, vector<1x1024xf32>
    tpu.vector_store %arg12[%swap3A_1539, %swap3A_1540], %broadcast_in_dim3A_1538 {strides = array<i32>} : memref<2x1024xf32, #tpu.memory_space<vmem>>, vector<1x1024xf32>,
    %get3A_1542 = arith.constant 0 : index
    %get3A_1543 = arith.constant 0 : index
    %get3A_1544 = vector.load %arg12[%get3A_1542, %get3A_1543] : memref<2x1024xf32, #tpu.memory_space<vmem>>, vector<2x1024xf32>
    %get3A_1545 = arith.constant 1 : index
    %get3A_1546 = arith.constant 0 : index
    %get3A_1547 = arith.constant 0 : index
    %get3A_1548 = vector.load %arg9[%get3A_1545, %get3A_1546, %get3A_1547] : memref<6x1024x1024xf32, #tpu.memory_space<vmem>>, vector<1x1024x1024xf32>
    %get3A_1549 = vector.shape_cast %get3A_1548 : vector<1x1024x1024xf32> to vector<1024x1024xf32>
    %dot_general3A_1550 = arith.constant dense<0.000000e+00> : vector<2x1024xf32>
    %dot_general3A_1551 = tpu.matmul %get3A_1544, %get3A_1549, %dot_general3A_1550 {dimension_numbers = #tpu.dot_dimension_numbers<[1], [0], [0], [1], [0, 0, 1, 1], [], []>, transpose_lhs_hint = false} : vector<2x1024xf32>, vector<1024x1024xf32>, vector<2x1024xf32> -> vector<2x1024xf32>
    %get3A_1552 = arith.constant 1 : index
    %get3A_1553 = arith.constant 0 : index
    %get3A_1554 = vector.load %arg2[%get3A_1552, %get3A_1553] : memref<8x1024xf32, #tpu.memory_space<vmem>>, vector<1x1024xf32>
    %add3A_1555 = vector.broadcast %get3A_1554 : vector<1x1024xf32> to vector<2x1024xf32>
    %add3A_1556 = arith.addf %dot_general3A_1551, %add3A_1555 : vector<2x1024xf32>
    %neg3A_1557 = arith.constant 0.000000e+00 : f32
    %neg3A_1558 = vector.broadcast %neg3A_1557 : f32 to vector<2x1024xf32>
    %neg3A_1559 = arith.subf %neg3A_1558, %add3A_1556 : vector<2x1024xf32>
    %exp3A_1560 = math.exp %neg3A_1559 : vector<2x1024xf32>
    %add3A_1561 = arith.constant 1.000000e+00 : f32
    %add3A_1562 = vector.broadcast %add3A_1561 : f32 to vector<2x1024xf32>
    %add3A_1563 = arith.addf %add3A_1562, %exp3A_1560 : vector<2x1024xf32>
    %div3A_1564 = arith.constant 1.000000e+00 : f32
    %div3A_1565 = vector.broadcast %div3A_1564 : f32 to vector<2x1024xf32>
    %div3A_1566 = arith.divf %div3A_1565, %add3A_1563 : vector<2x1024xf32>
    %swap3A_1567 = arith.constant 0 : index
    %swap3A_1568 = arith.constant 1 : index
    %swap3A_1569 = arith.constant 0 : index
    %swap3A_1570 = vector.load %arg8[%swap3A_1567, %swap3A_1568, %swap3A_1569] : memref<2x8x1024xf32, #tpu.memory_space<vmem>>, vector<2x1x1024xf32>
    %swap3A_1571 = vector.shape_cast %swap3A_1570 : vector<2x1x1024xf32> to vector<2x1024xf32>
    %swap3A_1572 = vector.shape_cast %div3A_1566 : vector<2x1024xf32> to vector<2x1x1024xf32>
    tpu.vector_store %arg8[%swap3A_1567, %swap3A_1568, %swap3A_1569], %swap3A_1572 {strides = array<i32>} : memref<2x8x1024xf32, #tpu.memory_space<vmem>>, vector<2x1x1024xf32>,
    %dma_start3A_1573 = arith.constant 4 : i32
    %dma_start3A_1574 = arith.constant 0 : i32
    %dma_start3A_1575 = arith.constant 0 : i32
    %dma_start3A_1576 = tpu.memref_slice %arg13[%dma_start3A_1575] : memref<6x!tpu.dma_semaphore, #tpu.memory_space<semaphore_mem>> -> memref<1x!tpu.dma_semaphore, #tpu.memory_space<semaphore_mem>>
    %dma_start3A_1577 = tpu.memref_squeeze %dma_start3A_1576 : memref<1x!tpu.dma_semaphore, #tpu.memory_space<semaphore_mem>> -> memref<!tpu.dma_semaphore, #tpu.memory_space<semaphore_mem>>
    %dma_start3A_1578 = arith.constant 0 : i32
    %dma_start3A_1579 = arith.constant 0 : i32
    %dma_start3A_1580 = tpu.memref_slice %arg9[%dma_start3A_1574, %dma_start3A_1578, %dma_start3A_1579] : memref<6x1024x1024xf32, #tpu.memory_space<vmem>> -> memref<1x1024x1024xf32, #tpu.memory_space<vmem>>
    %dma_start3A_1581 = tpu.memref_squeeze %dma_start3A_1580 : memref<1x1024x1024xf32, #tpu.memory_space<vmem>> -> memref<1024x1024xf32, #tpu.memory_space<vmem>>
    %dma_start3A_1582 = arith.constant 0 : i32
    %dma_start3A_1583 = arith.constant 0 : i32
    %dma_start3A_1584 = tpu.memref_slice %arg6[%dma_start3A_1573, %dma_start3A_1582, %dma_start3A_1583] : memref<8x1024x1024xf32, #tpu.memory_space<any>> -> memref<1x1024x1024xf32, #tpu.memory_space<any>>
    %dma_start3A_1585 = tpu.memref_squeeze %dma_start3A_1584 : memref<1x1024x1024xf32, #tpu.memory_space<any>> -> memref<1024x1024xf32, #tpu.memory_space<any>>
    tpu.enqueue_dma source(%dma_start3A_1585 : memref<1024x1024xf32, #tpu.memory_space<any>>) target(%dma_start3A_1581 : memref<1024x1024xf32, #tpu.memory_space<vmem>>) target_semaphore(%dma_start3A_1577 : memref<!tpu.dma_semaphore, #tpu.memory_space<semaphore_mem>>)
    %dma_start3A_1586 = arith.constant 4 : i32
    %dma_start3A_1587 = arith.constant 1 : i32
    %dma_start3A_1588 = arith.constant 1 : i32
    %dma_start3A_1589 = tpu.memref_slice %arg13[%dma_start3A_1588] : memref<6x!tpu.dma_semaphore, #tpu.memory_space<semaphore_mem>> -> memref<1x!tpu.dma_semaphore, #tpu.memory_space<semaphore_mem>>
    %dma_start3A_1590 = tpu.memref_squeeze %dma_start3A_1589 : memref<1x!tpu.dma_semaphore, #tpu.memory_space<semaphore_mem>> -> memref<!tpu.dma_semaphore, #tpu.memory_space<semaphore_mem>>
    %dma_start3A_1591 = arith.constant 0 : i32
    %dma_start3A_1592 = arith.constant 0 : i32
    %dma_start3A_1593 = tpu.memref_slice %arg9[%dma_start3A_1587, %dma_start3A_1591, %dma_start3A_1592] : memref<6x1024x1024xf32, #tpu.memory_space<vmem>> -> memref<1x1024x1024xf32, #tpu.memory_space<vmem>>
    %dma_start3A_1594 = tpu.memref_squeeze %dma_start3A_1593 : memref<1x1024x1024xf32, #tpu.memory_space<vmem>> -> memref<1024x1024xf32, #tpu.memory_space<vmem>>
    %dma_start3A_1595 = arith.constant 0 : i32
    %dma_start3A_1596 = arith.constant 0 : i32
    %dma_start3A_1597 = tpu.memref_slice %arg7[%dma_start3A_1586, %dma_start3A_1595, %dma_start3A_1596] : memref<8x1024x1024xf32, #tpu.memory_space<any>> -> memref<1x1024x1024xf32, #tpu.memory_space<any>>
    %dma_start3A_1598 = tpu.memref_squeeze %dma_start3A_1597 : memref<1x1024x1024xf32, #tpu.memory_space<any>> -> memref<1024x1024xf32, #tpu.memory_space<any>>
    tpu.enqueue_dma source(%dma_start3A_1598 : memref<1024x1024xf32, #tpu.memory_space<any>>) target(%dma_start3A_1594 : memref<1024x1024xf32, #tpu.memory_space<vmem>>) target_semaphore(%dma_start3A_1590 : memref<!tpu.dma_semaphore, #tpu.memory_space<semaphore_mem>>)
    %dma_wait3A_1599 = arith.constant 2 : i32
    %dma_wait3A_1600 = arith.constant 2 : i32
    %dma_wait3A_1601 = arith.constant 2 : i32
    %dma_wait3A_1602 = tpu.memref_slice %arg13[%dma_wait3A_1601] : memref<6x!tpu.dma_semaphore, #tpu.memory_space<semaphore_mem>> -> memref<1x!tpu.dma_semaphore, #tpu.memory_space<semaphore_mem>>
    %dma_wait3A_1603 = tpu.memref_squeeze %dma_wait3A_1602 : memref<1x!tpu.dma_semaphore, #tpu.memory_space<semaphore_mem>> -> memref<!tpu.dma_semaphore, #tpu.memory_space<semaphore_mem>>
    %dma_wait3A_1604 = arith.constant 0 : i32
    %dma_wait3A_1605 = arith.constant 0 : i32
    %dma_wait3A_1606 = tpu.memref_slice %arg9[%dma_wait3A_1600, %dma_wait3A_1604, %dma_wait3A_1605] : memref<6x1024x1024xf32, #tpu.memory_space<vmem>> -> memref<1x1024x1024xf32, #tpu.memory_space<vmem>>
    %dma_wait3A_1607 = tpu.memref_squeeze %dma_wait3A_1606 : memref<1x1024x1024xf32, #tpu.memory_space<vmem>> -> memref<1024x1024xf32, #tpu.memory_space<vmem>>
    %dma_wait3A_1608 = arith.constant 0 : i32
    %dma_wait3A_1609 = arith.constant 0 : i32
    %dma_wait3A_1610 = tpu.memref_slice %arg6[%dma_wait3A_1599, %dma_wait3A_1608, %dma_wait3A_1609] : memref<8x1024x1024xf32, #tpu.memory_space<any>> -> memref<1x1024x1024xf32, #tpu.memory_space<any>>
    %dma_wait3A_1611 = tpu.memref_squeeze %dma_wait3A_1610 : memref<1x1024x1024xf32, #tpu.memory_space<any>> -> memref<1024x1024xf32, #tpu.memory_space<any>>
    tpu.wait_dma2 semaphore(%dma_wait3A_1603 : memref<!tpu.dma_semaphore, #tpu.memory_space<semaphore_mem>>) src(%dma_wait3A_1611 : memref<1024x1024xf32, #tpu.memory_space<any>>) dst(%dma_wait3A_1607 : memref<1024x1024xf32, #tpu.memory_space<vmem>>)
    %dma_wait3A_1612 = arith.constant 2 : i32
    %dma_wait3A_1613 = arith.constant 3 : i32
    %dma_wait3A_1614 = arith.constant 3 : i32
    %dma_wait3A_1615 = tpu.memref_slice %arg13[%dma_wait3A_1614] : memref<6x!tpu.dma_semaphore, #tpu.memory_space<semaphore_mem>> -> memref<1x!tpu.dma_semaphore, #tpu.memory_space<semaphore_mem>>
    %dma_wait3A_1616 = tpu.memref_squeeze %dma_wait3A_1615 : memref<1x!tpu.dma_semaphore, #tpu.memory_space<semaphore_mem>> -> memref<!tpu.dma_semaphore, #tpu.memory_space<semaphore_mem>>
    %dma_wait3A_1617 = arith.constant 0 : i32
    %dma_wait3A_1618 = arith.constant 0 : i32
    %dma_wait3A_1619 = tpu.memref_slice %arg9[%dma_wait3A_1613, %dma_wait3A_1617, %dma_wait3A_1618] : memref<6x1024x1024xf32, #tpu.memory_space<vmem>> -> memref<1x1024x1024xf32, #tpu.memory_space<vmem>>
    %dma_wait3A_1620 = tpu.memref_squeeze %dma_wait3A_1619 : memref<1x1024x1024xf32, #tpu.memory_space<vmem>> -> memref<1024x1024xf32, #tpu.memory_space<vmem>>
    %dma_wait3A_1621 = arith.constant 0 : i32
    %dma_wait3A_1622 = arith.constant 0 : i32
    %dma_wait3A_1623 = tpu.memref_slice %arg7[%dma_wait3A_1612, %dma_wait3A_1621, %dma_wait3A_1622] : memref<8x1024x1024xf32, #tpu.memory_space<any>> -> memref<1x1024x1024xf32, #tpu.memory_space<any>>
    %dma_wait3A_1624 = tpu.memref_squeeze %dma_wait3A_1623 : memref<1x1024x1024xf32, #tpu.memory_space<any>> -> memref<1024x1024xf32, #tpu.memory_space<any>>
    tpu.wait_dma2 semaphore(%dma_wait3A_1616 : memref<!tpu.dma_semaphore, #tpu.memory_space<semaphore_mem>>) src(%dma_wait3A_1624 : memref<1024x1024xf32, #tpu.memory_space<any>>) dst(%dma_wait3A_1620 : memref<1024x1024xf32, #tpu.memory_space<vmem>>)
    %iota3A_1625 = tpu.iota {dimensions = array<i32: 0>} : vector<8x1024xi32>
    %iota3A_1626 = tpu.iota {dimensions = array<i32: 1>} : vector<8x1024xi32>
    %jit3A_1627 = arith.constant 128 : i32
    %div3A_1628 = vector.broadcast %jit3A_1627 : i32 to vector<8x1024xi32>
    %div3A_1629 = arith.divsi %iota3A_1626, %div3A_1628 : vector<8x1024xi32>
    %sign3A_1630 = arith.constant 0 : i32
    %sign3A_1631 = vector.broadcast %sign3A_1630 : i32 to vector<8x1024xi32>
    %sign3A_1632 = arith.cmpi sgt, %iota3A_1626, %sign3A_1631 : vector<8x1024xi32>
    %sign3A_1633 = arith.extui %sign3A_1632 : vector<8x1024xi1> to vector<8x1024xi32>
    %sign3A_1634 = arith.constant 0 : i32
    %sign3A_1635 = vector.broadcast %sign3A_1634 : i32 to vector<8x1024xi32>
    %sign3A_1636 = arith.cmpi slt, %iota3A_1626, %sign3A_1635 : vector<8x1024xi32>
    %sign3A_1637 = arith.extui %sign3A_1636 : vector<8x1024xi1> to vector<8x1024xi32>
    %sign3A_1638 = arith.subi %sign3A_1633, %sign3A_1637 : vector<8x1024xi32>
    %sign3A_1639 = arith.constant 0 : i32
    %sign3A_1640 = arith.cmpi sgt, %jit3A_1627, %sign3A_1639 : i32
    %sign3A_1641 = arith.extui %sign3A_1640 : i1 to i32
    %sign3A_1642 = arith.constant 0 : i32
    %sign3A_1643 = arith.cmpi slt, %jit3A_1627, %sign3A_1642 : i32
    %sign3A_1644 = arith.extui %sign3A_1643 : i1 to i32
    %sign3A_1645 = arith.subi %sign3A_1641, %sign3A_1644 : i32
    %ne3A_1646 = vector.broadcast %sign3A_1645 : i32 to vector<8x1024xi32>
    %ne3A_1647 = arith.cmpi ne, %sign3A_1638, %ne3A_1646 : vector<8x1024xi32>
    %rem3A_1648 = vector.broadcast %jit3A_1627 : i32 to vector<8x1024xi32>
    %rem3A_1649 = arith.remsi %iota3A_1626, %rem3A_1648 : vector<8x1024xi32>
    %ne3A_1650 = arith.constant 0 : i32
    %ne3A_1651 = vector.broadcast %ne3A_1650 : i32 to vector<8x1024xi32>
    %ne3A_1652 = arith.cmpi ne, %rem3A_1649, %ne3A_1651 : vector<8x1024xi32>
    %and3A_1653 = arith.andi %ne3A_1647, %ne3A_1652 : vector<8x1024xi1>
    %sub3A_1654 = arith.constant 1 : i32
    %sub3A_1655 = vector.broadcast %sub3A_1654 : i32 to vector<8x1024xi32>
    %sub3A_1656 = arith.subi %div3A_1629, %sub3A_1655 : vector<8x1024xi32>
    %select_n3A_1657 = arith.select %and3A_1653, %sub3A_1656, %div3A_1629 : vector<8x1024xi1>, vector<8x1024xi32>
    %eq3A_1658 = arith.cmpi eq, %iota3A_1625, %select_n3A_1657 : vector<8x1024xi32>
    %convert_element_type3A_1659 = arith.extui %eq3A_1658 : vector<8x1024xi1> to vector<8x1024xi32>
    %convert_element_type3A_1660 = arith.sitofp %convert_element_type3A_1659 : vector<8x1024xi32> to vector<8x1024xf32>
    %get3A_1661 = arith.constant 0 : index
    %get3A_1662 = arith.constant 16 : index
    %get3A_1663 = arith.constant 0 : index
    %get3A_1664 = vector.load %arg11[%get3A_1661, %get3A_1662, %get3A_1663] : memref<2x128x1024xf32, #tpu.memory_space<vmem>>, vector<1x8x1024xf32>
    %get3A_1665 = vector.shape_cast %get3A_1664 : vector<1x8x1024xf32> to vector<8x1024xf32>
    %get3A_1666 = arith.constant 2 : index
    %get3A_1667 = arith.constant 0 : index
    %get3A_1668 = arith.constant 0 : index
    %get3A_1669 = vector.load %arg9[%get3A_1666, %get3A_1667, %get3A_1668] : memref<6x1024x1024xf32, #tpu.memory_space<vmem>>, vector<1x1024x1024xf32>
    %get3A_1670 = vector.shape_cast %get3A_1669 : vector<1x1024x1024xf32> to vector<1024x1024xf32>
    %dot_general3A_1671 = arith.constant dense<0.000000e+00> : vector<8x1024xf32>
    %dot_general3A_1672 = tpu.matmul %get3A_1665, %get3A_1670, %dot_general3A_1671 {dimension_numbers = #tpu.dot_dimension_numbers<[1], [0], [0], [1], [0, 0, 1, 1], [], []>, transpose_lhs_hint = false} : vector<8x1024xf32>, vector<1024x1024xf32>, vector<8x1024xf32> -> vector<8x1024xf32>
    %mul3A_1673 = arith.mulf %dot_general3A_1672, %convert_element_type3A_1660 : vector<8x1024xf32>
    %reduce_sum3A_1674 = arith.constant dense<0.000000e+00> : vector<1024xf32>
    %reduce_sum3A_1675 = vector.multi_reduction <add>, %mul3A_1673, %reduce_sum3A_1674 [0] : vector<8x1024xf32> to vector<1024xf32>
    %broadcast_in_dim3A_1676 = vector.shape_cast %reduce_sum3A_1675 : vector<1024xf32> to vector<1x1024xf32>
    %swap3A_1677 = arith.constant 0 : index
    %swap3A_1678 = arith.constant 0 : index
    %swap3A_1679 = vector.load %arg12[%swap3A_1677, %swap3A_1678] : memref<2x1024xf32, #tpu.memory_space<vmem>>, vector<1x1024xf32>
    tpu.vector_store %arg12[%swap3A_1677, %swap3A_1678], %broadcast_in_dim3A_1676 {strides = array<i32>} : memref<2x1024xf32, #tpu.memory_space<vmem>>, vector<1x1024xf32>,
    %get3A_1680 = arith.constant 1 : index
    %get3A_1681 = arith.constant 16 : index
    %get3A_1682 = arith.constant 0 : index
    %get3A_1683 = vector.load %arg11[%get3A_1680, %get3A_1681, %get3A_1682] : memref<2x128x1024xf32, #tpu.memory_space<vmem>>, vector<1x8x1024xf32>
    %get3A_1684 = vector.shape_cast %get3A_1683 : vector<1x8x1024xf32> to vector<8x1024xf32>
    %get3A_1685 = arith.constant 2 : index
    %get3A_1686 = arith.constant 0 : index
    %get3A_1687 = arith.constant 0 : index
    %get3A_1688 = vector.load %arg9[%get3A_1685, %get3A_1686, %get3A_1687] : memref<6x1024x1024xf32, #tpu.memory_space<vmem>>, vector<1x1024x1024xf32>
    %get3A_1689 = vector.shape_cast %get3A_1688 : vector<1x1024x1024xf32> to vector<1024x1024xf32>
    %dot_general3A_1690 = arith.constant dense<0.000000e+00> : vector<8x1024xf32>
    %dot_general3A_1691 = tpu.matmul %get3A_1684, %get3A_1689, %dot_general3A_1690 {dimension_numbers = #tpu.dot_dimension_numbers<[1], [0], [0], [1], [0, 0, 1, 1], [], []>, transpose_lhs_hint = false} : vector<8x1024xf32>, vector<1024x1024xf32>, vector<8x1024xf32> -> vector<8x1024xf32>
    %mul3A_1692 = arith.mulf %dot_general3A_1691, %convert_element_type3A_1660 : vector<8x1024xf32>
    %reduce_sum3A_1693 = arith.constant dense<0.000000e+00> : vector<1024xf32>
    %reduce_sum3A_1694 = vector.multi_reduction <add>, %mul3A_1692, %reduce_sum3A_1693 [0] : vector<8x1024xf32> to vector<1024xf32>
    %broadcast_in_dim3A_1695 = vector.shape_cast %reduce_sum3A_1694 : vector<1024xf32> to vector<1x1024xf32>
    %swap3A_1696 = arith.constant 1 : index
    %swap3A_1697 = arith.constant 0 : index
    %swap3A_1698 = vector.load %arg12[%swap3A_1696, %swap3A_1697] : memref<2x1024xf32, #tpu.memory_space<vmem>>, vector<1x1024xf32>
    tpu.vector_store %arg12[%swap3A_1696, %swap3A_1697], %broadcast_in_dim3A_1695 {strides = array<i32>} : memref<2x1024xf32, #tpu.memory_space<vmem>>, vector<1x1024xf32>,
    %get3A_1699 = arith.constant 0 : index
    %get3A_1700 = arith.constant 0 : index
    %get3A_1701 = vector.load %arg12[%get3A_1699, %get3A_1700] : memref<2x1024xf32, #tpu.memory_space<vmem>>, vector<2x1024xf32>
    %get3A_1702 = arith.constant 3 : index
    %get3A_1703 = arith.constant 0 : index
    %get3A_1704 = arith.constant 0 : index
    %get3A_1705 = vector.load %arg9[%get3A_1702, %get3A_1703, %get3A_1704] : memref<6x1024x1024xf32, #tpu.memory_space<vmem>>, vector<1x1024x1024xf32>
    %get3A_1706 = vector.shape_cast %get3A_1705 : vector<1x1024x1024xf32> to vector<1024x1024xf32>
    %dot_general3A_1707 = arith.constant dense<0.000000e+00> : vector<2x1024xf32>
    %dot_general3A_1708 = tpu.matmul %get3A_1701, %get3A_1706, %dot_general3A_1707 {dimension_numbers = #tpu.dot_dimension_numbers<[1], [0], [0], [1], [0, 0, 1, 1], [], []>, transpose_lhs_hint = false} : vector<2x1024xf32>, vector<1024x1024xf32>, vector<2x1024xf32> -> vector<2x1024xf32>
    %get3A_1709 = arith.constant 2 : index
    %get3A_1710 = arith.constant 0 : index
    %get3A_1711 = vector.load %arg2[%get3A_1709, %get3A_1710] : memref<8x1024xf32, #tpu.memory_space<vmem>>, vector<1x1024xf32>
    %add3A_1712 = vector.broadcast %get3A_1711 : vector<1x1024xf32> to vector<2x1024xf32>
    %add3A_1713 = arith.addf %dot_general3A_1708, %add3A_1712 : vector<2x1024xf32>
    %neg3A_1714 = arith.constant 0.000000e+00 : f32
    %neg3A_1715 = vector.broadcast %neg3A_1714 : f32 to vector<2x1024xf32>
    %neg3A_1716 = arith.subf %neg3A_1715, %add3A_1713 : vector<2x1024xf32>
    %exp3A_1717 = math.exp %neg3A_1716 : vector<2x1024xf32>
    %add3A_1718 = arith.constant 1.000000e+00 : f32
    %add3A_1719 = vector.broadcast %add3A_1718 : f32 to vector<2x1024xf32>
    %add3A_1720 = arith.addf %add3A_1719, %exp3A_1717 : vector<2x1024xf32>
    %div3A_1721 = arith.constant 1.000000e+00 : f32
    %div3A_1722 = vector.broadcast %div3A_1721 : f32 to vector<2x1024xf32>
    %div3A_1723 = arith.divf %div3A_1722, %add3A_1720 : vector<2x1024xf32>
    %swap3A_1724 = arith.constant 0 : index
    %swap3A_1725 = arith.constant 2 : index
    %swap3A_1726 = arith.constant 0 : index
    %swap3A_1727 = vector.load %arg8[%swap3A_1724, %swap3A_1725, %swap3A_1726] : memref<2x8x1024xf32, #tpu.memory_space<vmem>>, vector<2x1x1024xf32>
    %swap3A_1728 = vector.shape_cast %swap3A_1727 : vector<2x1x1024xf32> to vector<2x1024xf32>
    %swap3A_1729 = vector.shape_cast %div3A_1723 : vector<2x1024xf32> to vector<2x1x1024xf32>
    tpu.vector_store %arg8[%swap3A_1724, %swap3A_1725, %swap3A_1726], %swap3A_1729 {strides = array<i32>} : memref<2x8x1024xf32, #tpu.memory_space<vmem>>, vector<2x1x1024xf32>,
    %dma_start3A_1730 = arith.constant 5 : i32
    %dma_start3A_1731 = arith.constant 2 : i32
    %dma_start3A_1732 = arith.constant 2 : i32
    %dma_start3A_1733 = tpu.memref_slice %arg13[%dma_start3A_1732] : memref<6x!tpu.dma_semaphore, #tpu.memory_space<semaphore_mem>> -> memref<1x!tpu.dma_semaphore, #tpu.memory_space<semaphore_mem>>
    %dma_start3A_1734 = tpu.memref_squeeze %dma_start3A_1733 : memref<1x!tpu.dma_semaphore, #tpu.memory_space<semaphore_mem>> -> memref<!tpu.dma_semaphore, #tpu.memory_space<semaphore_mem>>
    %dma_start3A_1735 = arith.constant 0 : i32
    %dma_start3A_1736 = arith.constant 0 : i32
    %dma_start3A_1737 = tpu.memref_slice %arg9[%dma_start3A_1731, %dma_start3A_1735, %dma_start3A_1736] : memref<6x1024x1024xf32, #tpu.memory_space<vmem>> -> memref<1x1024x1024xf32, #tpu.memory_space<vmem>>
    %dma_start3A_1738 = tpu.memref_squeeze %dma_start3A_1737 : memref<1x1024x1024xf32, #tpu.memory_space<vmem>> -> memref<1024x1024xf32, #tpu.memory_space<vmem>>
    %dma_start3A_1739 = arith.constant 0 : i32
    %dma_start3A_1740 = arith.constant 0 : i32
    %dma_start3A_1741 = tpu.memref_slice %arg6[%dma_start3A_1730, %dma_start3A_1739, %dma_start3A_1740] : memref<8x1024x1024xf32, #tpu.memory_space<any>> -> memref<1x1024x1024xf32, #tpu.memory_space<any>>
    %dma_start3A_1742 = tpu.memref_squeeze %dma_start3A_1741 : memref<1x1024x1024xf32, #tpu.memory_space<any>> -> memref<1024x1024xf32, #tpu.memory_space<any>>
    tpu.enqueue_dma source(%dma_start3A_1742 : memref<1024x1024xf32, #tpu.memory_space<any>>) target(%dma_start3A_1738 : memref<1024x1024xf32, #tpu.memory_space<vmem>>) target_semaphore(%dma_start3A_1734 : memref<!tpu.dma_semaphore, #tpu.memory_space<semaphore_mem>>)
    %dma_start3A_1743 = arith.constant 5 : i32
    %dma_start3A_1744 = arith.constant 3 : i32
    %dma_start3A_1745 = arith.constant 3 : i32
    %dma_start3A_1746 = tpu.memref_slice %arg13[%dma_start3A_1745] : memref<6x!tpu.dma_semaphore, #tpu.memory_space<semaphore_mem>> -> memref<1x!tpu.dma_semaphore, #tpu.memory_space<semaphore_mem>>
    %dma_start3A_1747 = tpu.memref_squeeze %dma_start3A_1746 : memref<1x!tpu.dma_semaphore, #tpu.memory_space<semaphore_mem>> -> memref<!tpu.dma_semaphore, #tpu.memory_space<semaphore_mem>>
    %dma_start3A_1748 = arith.constant 0 : i32
    %dma_start3A_1749 = arith.constant 0 : i32
    %dma_start3A_1750 = tpu.memref_slice %arg9[%dma_start3A_1744, %dma_start3A_1748, %dma_start3A_1749] : memref<6x1024x1024xf32, #tpu.memory_space<vmem>> -> memref<1x1024x1024xf32, #tpu.memory_space<vmem>>
    %dma_start3A_1751 = tpu.memref_squeeze %dma_start3A_1750 : memref<1x1024x1024xf32, #tpu.memory_space<vmem>> -> memref<1024x1024xf32, #tpu.memory_space<vmem>>
    %dma_start3A_1752 = arith.constant 0 : i32
    %dma_start3A_1753 = arith.constant 0 : i32
    %dma_start3A_1754 = tpu.memref_slice %arg7[%dma_start3A_1743, %dma_start3A_1752, %dma_start3A_1753] : memref<8x1024x1024xf32, #tpu.memory_space<any>> -> memref<1x1024x1024xf32, #tpu.memory_space<any>>
    %dma_start3A_1755 = tpu.memref_squeeze %dma_start3A_1754 : memref<1x1024x1024xf32, #tpu.memory_space<any>> -> memref<1024x1024xf32, #tpu.memory_space<any>>
    tpu.enqueue_dma source(%dma_start3A_1755 : memref<1024x1024xf32, #tpu.memory_space<any>>) target(%dma_start3A_1751 : memref<1024x1024xf32, #tpu.memory_space<vmem>>) target_semaphore(%dma_start3A_1747 : memref<!tpu.dma_semaphore, #tpu.memory_space<semaphore_mem>>)
    %dma_wait3A_1756 = arith.constant 3 : i32
    %dma_wait3A_1757 = arith.constant 4 : i32
    %dma_wait3A_1758 = arith.constant 4 : i32
    %dma_wait3A_1759 = tpu.memref_slice %arg13[%dma_wait3A_1758] : memref<6x!tpu.dma_semaphore, #tpu.memory_space<semaphore_mem>> -> memref<1x!tpu.dma_semaphore, #tpu.memory_space<semaphore_mem>>
    %dma_wait3A_1760 = tpu.memref_squeeze %dma_wait3A_1759 : memref<1x!tpu.dma_semaphore, #tpu.memory_space<semaphore_mem>> -> memref<!tpu.dma_semaphore, #tpu.memory_space<semaphore_mem>>
    %dma_wait3A_1761 = arith.constant 0 : i32
    %dma_wait3A_1762 = arith.constant 0 : i32
    %dma_wait3A_1763 = tpu.memref_slice %arg9[%dma_wait3A_1757, %dma_wait3A_1761, %dma_wait3A_1762] : memref<6x1024x1024xf32, #tpu.memory_space<vmem>> -> memref<1x1024x1024xf32, #tpu.memory_space<vmem>>
    %dma_wait3A_1764 = tpu.memref_squeeze %dma_wait3A_1763 : memref<1x1024x1024xf32, #tpu.memory_space<vmem>> -> memref<1024x1024xf32, #tpu.memory_space<vmem>>
    %dma_wait3A_1765 = arith.constant 0 : i32
    %dma_wait3A_1766 = arith.constant 0 : i32
    %dma_wait3A_1767 = tpu.memref_slice %arg6[%dma_wait3A_1756, %dma_wait3A_1765, %dma_wait3A_1766] : memref<8x1024x1024xf32, #tpu.memory_space<any>> -> memref<1x1024x1024xf32, #tpu.memory_space<any>>
    %dma_wait3A_1768 = tpu.memref_squeeze %dma_wait3A_1767 : memref<1x1024x1024xf32, #tpu.memory_space<any>> -> memref<1024x1024xf32, #tpu.memory_space<any>>
    tpu.wait_dma2 semaphore(%dma_wait3A_1760 : memref<!tpu.dma_semaphore, #tpu.memory_space<semaphore_mem>>) src(%dma_wait3A_1768 : memref<1024x1024xf32, #tpu.memory_space<any>>) dst(%dma_wait3A_1764 : memref<1024x1024xf32, #tpu.memory_space<vmem>>)
    %dma_wait3A_1769 = arith.constant 3 : i32
    %dma_wait3A_1770 = arith.constant 5 : i32
    %dma_wait3A_1771 = arith.constant 5 : i32
    %dma_wait3A_1772 = tpu.memref_slice %arg13[%dma_wait3A_1771] : memref<6x!tpu.dma_semaphore, #tpu.memory_space<semaphore_mem>> -> memref<1x!tpu.dma_semaphore, #tpu.memory_space<semaphore_mem>>
    %dma_wait3A_1773 = tpu.memref_squeeze %dma_wait3A_1772 : memref<1x!tpu.dma_semaphore, #tpu.memory_space<semaphore_mem>> -> memref<!tpu.dma_semaphore, #tpu.memory_space<semaphore_mem>>
    %dma_wait3A_1774 = arith.constant 0 : i32
    %dma_wait3A_1775 = arith.constant 0 : i32
    %dma_wait3A_1776 = tpu.memref_slice %arg9[%dma_wait3A_1770, %dma_wait3A_1774, %dma_wait3A_1775] : memref<6x1024x1024xf32, #tpu.memory_space<vmem>> -> memref<1x1024x1024xf32, #tpu.memory_space<vmem>>
    %dma_wait3A_1777 = tpu.memref_squeeze %dma_wait3A_1776 : memref<1x1024x1024xf32, #tpu.memory_space<vmem>> -> memref<1024x1024xf32, #tpu.memory_space<vmem>>
    %dma_wait3A_1778 = arith.constant 0 : i32
    %dma_wait3A_1779 = arith.constant 0 : i32
    %dma_wait3A_1780 = tpu.memref_slice %arg7[%dma_wait3A_1769, %dma_wait3A_1778, %dma_wait3A_1779] : memref<8x1024x1024xf32, #tpu.memory_space<any>> -> memref<1x1024x1024xf32, #tpu.memory_space<any>>
    %dma_wait3A_1781 = tpu.memref_squeeze %dma_wait3A_1780 : memref<1x1024x1024xf32, #tpu.memory_space<any>> -> memref<1024x1024xf32, #tpu.memory_space<any>>
    tpu.wait_dma2 semaphore(%dma_wait3A_1773 : memref<!tpu.dma_semaphore, #tpu.memory_space<semaphore_mem>>) src(%dma_wait3A_1781 : memref<1024x1024xf32, #tpu.memory_space<any>>) dst(%dma_wait3A_1777 : memref<1024x1024xf32, #tpu.memory_space<vmem>>)
    %iota3A_1782 = tpu.iota {dimensions = array<i32: 0>} : vector<8x1024xi32>
    %iota3A_1783 = tpu.iota {dimensions = array<i32: 1>} : vector<8x1024xi32>
    %jit3A_1784 = arith.constant 128 : i32
    %div3A_1785 = vector.broadcast %jit3A_1784 : i32 to vector<8x1024xi32>
    %div3A_1786 = arith.divsi %iota3A_1783, %div3A_1785 : vector<8x1024xi32>
    %sign3A_1787 = arith.constant 0 : i32
    %sign3A_1788 = vector.broadcast %sign3A_1787 : i32 to vector<8x1024xi32>
    %sign3A_1789 = arith.cmpi sgt, %iota3A_1783, %sign3A_1788 : vector<8x1024xi32>
    %sign3A_1790 = arith.extui %sign3A_1789 : vector<8x1024xi1> to vector<8x1024xi32>
    %sign3A_1791 = arith.constant 0 : i32
    %sign3A_1792 = vector.broadcast %sign3A_1791 : i32 to vector<8x1024xi32>
    %sign3A_1793 = arith.cmpi slt, %iota3A_1783, %sign3A_1792 : vector<8x1024xi32>
    %sign3A_1794 = arith.extui %sign3A_1793 : vector<8x1024xi1> to vector<8x1024xi32>
    %sign3A_1795 = arith.subi %sign3A_1790, %sign3A_1794 : vector<8x1024xi32>
    %sign3A_1796 = arith.constant 0 : i32
    %sign3A_1797 = arith.cmpi sgt, %jit3A_1784, %sign3A_1796 : i32
    %sign3A_1798 = arith.extui %sign3A_1797 : i1 to i32
    %sign3A_1799 = arith.constant 0 : i32
    %sign3A_1800 = arith.cmpi slt, %jit3A_1784, %sign3A_1799 : i32
    %sign3A_1801 = arith.extui %sign3A_1800 : i1 to i32
    %sign3A_1802 = arith.subi %sign3A_1798, %sign3A_1801 : i32
    %ne3A_1803 = vector.broadcast %sign3A_1802 : i32 to vector<8x1024xi32>
    %ne3A_1804 = arith.cmpi ne, %sign3A_1795, %ne3A_1803 : vector<8x1024xi32>
    %rem3A_1805 = vector.broadcast %jit3A_1784 : i32 to vector<8x1024xi32>
    %rem3A_1806 = arith.remsi %iota3A_1783, %rem3A_1805 : vector<8x1024xi32>
    %ne3A_1807 = arith.constant 0 : i32
    %ne3A_1808 = vector.broadcast %ne3A_1807 : i32 to vector<8x1024xi32>
    %ne3A_1809 = arith.cmpi ne, %rem3A_1806, %ne3A_1808 : vector<8x1024xi32>
    %and3A_1810 = arith.andi %ne3A_1804, %ne3A_1809 : vector<8x1024xi1>
    %sub3A_1811 = arith.constant 1 : i32
    %sub3A_1812 = vector.broadcast %sub3A_1811 : i32 to vector<8x1024xi32>
    %sub3A_1813 = arith.subi %div3A_1786, %sub3A_1812 : vector<8x1024xi32>
    %select_n3A_1814 = arith.select %and3A_1810, %sub3A_1813, %div3A_1786 : vector<8x1024xi1>, vector<8x1024xi32>
    %eq3A_1815 = arith.cmpi eq, %iota3A_1782, %select_n3A_1814 : vector<8x1024xi32>
    %convert_element_type3A_1816 = arith.extui %eq3A_1815 : vector<8x1024xi1> to vector<8x1024xi32>
    %convert_element_type3A_1817 = arith.sitofp %convert_element_type3A_1816 : vector<8x1024xi32> to vector<8x1024xf32>
    %get3A_1818 = arith.constant 0 : index
    %get3A_1819 = arith.constant 24 : index
    %get3A_1820 = arith.constant 0 : index
    %get3A_1821 = vector.load %arg11[%get3A_1818, %get3A_1819, %get3A_1820] : memref<2x128x1024xf32, #tpu.memory_space<vmem>>, vector<1x8x1024xf32>
    %get3A_1822 = vector.shape_cast %get3A_1821 : vector<1x8x1024xf32> to vector<8x1024xf32>
    %get3A_1823 = arith.constant 4 : index
    %get3A_1824 = arith.constant 0 : index
    %get3A_1825 = arith.constant 0 : index
    %get3A_1826 = vector.load %arg9[%get3A_1823, %get3A_1824, %get3A_1825] : memref<6x1024x1024xf32, #tpu.memory_space<vmem>>, vector<1x1024x1024xf32>
    %get3A_1827 = vector.shape_cast %get3A_1826 : vector<1x1024x1024xf32> to vector<1024x1024xf32>
    %dot_general3A_1828 = arith.constant dense<0.000000e+00> : vector<8x1024xf32>
    %dot_general3A_1829 = tpu.matmul %get3A_1822, %get3A_1827, %dot_general3A_1828 {dimension_numbers = #tpu.dot_dimension_numbers<[1], [0], [0], [1], [0, 0, 1, 1], [], []>, transpose_lhs_hint = false} : vector<8x1024xf32>, vector<1024x1024xf32>, vector<8x1024xf32> -> vector<8x1024xf32>
    %mul3A_1830 = arith.mulf %dot_general3A_1829, %convert_element_type3A_1817 : vector<8x1024xf32>
    %reduce_sum3A_1831 = arith.constant dense<0.000000e+00> : vector<1024xf32>
    %reduce_sum3A_1832 = vector.multi_reduction <add>, %mul3A_1830, %reduce_sum3A_1831 [0] : vector<8x1024xf32> to vector<1024xf32>
    %broadcast_in_dim3A_1833 = vector.shape_cast %reduce_sum3A_1832 : vector<1024xf32> to vector<1x1024xf32>
    %swap3A_1834 = arith.constant 0 : index
    %swap3A_1835 = arith.constant 0 : index
    %swap3A_1836 = vector.load %arg12[%swap3A_1834, %swap3A_1835] : memref<2x1024xf32, #tpu.memory_space<vmem>>, vector<1x1024xf32>
    tpu.vector_store %arg12[%swap3A_1834, %swap3A_1835], %broadcast_in_dim3A_1833 {strides = array<i32>} : memref<2x1024xf32, #tpu.memory_space<vmem>>, vector<1x1024xf32>,
    %get3A_1837 = arith.constant 1 : index
    %get3A_1838 = arith.constant 24 : index
    %get3A_1839 = arith.constant 0 : index
    %get3A_1840 = vector.load %arg11[%get3A_1837, %get3A_1838, %get3A_1839] : memref<2x128x1024xf32, #tpu.memory_space<vmem>>, vector<1x8x1024xf32>
    %get3A_1841 = vector.shape_cast %get3A_1840 : vector<1x8x1024xf32> to vector<8x1024xf32>
    %get3A_1842 = arith.constant 4 : index
    %get3A_1843 = arith.constant 0 : index
    %get3A_1844 = arith.constant 0 : index
    %get3A_1845 = vector.load %arg9[%get3A_1842, %get3A_1843, %get3A_1844] : memref<6x1024x1024xf32, #tpu.memory_space<vmem>>, vector<1x1024x1024xf32>
    %get3A_1846 = vector.shape_cast %get3A_1845 : vector<1x1024x1024xf32> to vector<1024x1024xf32>
    %dot_general3A_1847 = arith.constant dense<0.000000e+00> : vector<8x1024xf32>
    %dot_general3A_1848 = tpu.matmul %get3A_1841, %get3A_1846, %dot_general3A_1847 {dimension_numbers = #tpu.dot_dimension_numbers<[1], [0], [0], [1], [0, 0, 1, 1], [], []>, transpose_lhs_hint = false} : vector<8x1024xf32>, vector<1024x1024xf32>, vector<8x1024xf32> -> vector<8x1024xf32>
    %mul3A_1849 = arith.mulf %dot_general3A_1848, %convert_element_type3A_1817 : vector<8x1024xf32>
    %reduce_sum3A_1850 = arith.constant dense<0.000000e+00> : vector<1024xf32>
    %reduce_sum3A_1851 = vector.multi_reduction <add>, %mul3A_1849, %reduce_sum3A_1850 [0] : vector<8x1024xf32> to vector<1024xf32>
    %broadcast_in_dim3A_1852 = vector.shape_cast %reduce_sum3A_1851 : vector<1024xf32> to vector<1x1024xf32>
    %swap3A_1853 = arith.constant 1 : index
    %swap3A_1854 = arith.constant 0 : index
    %swap3A_1855 = vector.load %arg12[%swap3A_1853, %swap3A_1854] : memref<2x1024xf32, #tpu.memory_space<vmem>>, vector<1x1024xf32>
    tpu.vector_store %arg12[%swap3A_1853, %swap3A_1854], %broadcast_in_dim3A_1852 {strides = array<i32>} : memref<2x1024xf32, #tpu.memory_space<vmem>>, vector<1x1024xf32>,
    %get3A_1856 = arith.constant 0 : index
    %get3A_1857 = arith.constant 0 : index
    %get3A_1858 = vector.load %arg12[%get3A_1856, %get3A_1857] : memref<2x1024xf32, #tpu.memory_space<vmem>>, vector<2x1024xf32>
    %get3A_1859 = arith.constant 5 : index
    %get3A_1860 = arith.constant 0 : index
    %get3A_1861 = arith.constant 0 : index
    %get3A_1862 = vector.load %arg9[%get3A_1859, %get3A_1860, %get3A_1861] : memref<6x1024x1024xf32, #tpu.memory_space<vmem>>, vector<1x1024x1024xf32>
    %get3A_1863 = vector.shape_cast %get3A_1862 : vector<1x1024x1024xf32> to vector<1024x1024xf32>
    %dot_general3A_1864 = arith.constant dense<0.000000e+00> : vector<2x1024xf32>
    %dot_general3A_1865 = tpu.matmul %get3A_1858, %get3A_1863, %dot_general3A_1864 {dimension_numbers = #tpu.dot_dimension_numbers<[1], [0], [0], [1], [0, 0, 1, 1], [], []>, transpose_lhs_hint = false} : vector<2x1024xf32>, vector<1024x1024xf32>, vector<2x1024xf32> -> vector<2x1024xf32>
    %get3A_1866 = arith.constant 3 : index
    %get3A_1867 = arith.constant 0 : index
    %get3A_1868 = vector.load %arg2[%get3A_1866, %get3A_1867] : memref<8x1024xf32, #tpu.memory_space<vmem>>, vector<1x1024xf32>
    %add3A_1869 = vector.broadcast %get3A_1868 : vector<1x1024xf32> to vector<2x1024xf32>
    %add3A_1870 = arith.addf %dot_general3A_1865, %add3A_1869 : vector<2x1024xf32>
    %neg3A_1871 = arith.constant 0.000000e+00 : f32
    %neg3A_1872 = vector.broadcast %neg3A_1871 : f32 to vector<2x1024xf32>
    %neg3A_1873 = arith.subf %neg3A_1872, %add3A_1870 : vector<2x1024xf32>
    %exp3A_1874 = math.exp %neg3A_1873 : vector<2x1024xf32>
    %add3A_1875 = arith.constant 1.000000e+00 : f32
    %add3A_1876 = vector.broadcast %add3A_1875 : f32 to vector<2x1024xf32>
    %add3A_1877 = arith.addf %add3A_1876, %exp3A_1874 : vector<2x1024xf32>
    %div3A_1878 = arith.constant 1.000000e+00 : f32
    %div3A_1879 = vector.broadcast %div3A_1878 : f32 to vector<2x1024xf32>
    %div3A_1880 = arith.divf %div3A_1879, %add3A_1877 : vector<2x1024xf32>
    %swap3A_1881 = arith.constant 0 : index
    %swap3A_1882 = arith.constant 3 : index
    %swap3A_1883 = arith.constant 0 : index
    %swap3A_1884 = vector.load %arg8[%swap3A_1881, %swap3A_1882, %swap3A_1883] : memref<2x8x1024xf32, #tpu.memory_space<vmem>>, vector<2x1x1024xf32>
    %swap3A_1885 = vector.shape_cast %swap3A_1884 : vector<2x1x1024xf32> to vector<2x1024xf32>
    %swap3A_1886 = vector.shape_cast %div3A_1880 : vector<2x1024xf32> to vector<2x1x1024xf32>
    tpu.vector_store %arg8[%swap3A_1881, %swap3A_1882, %swap3A_1883], %swap3A_1886 {strides = array<i32>} : memref<2x8x1024xf32, #tpu.memory_space<vmem>>, vector<2x1x1024xf32>,
    %dma_start3A_1887 = arith.constant 6 : i32
    %dma_start3A_1888 = arith.constant 4 : i32
    %dma_start3A_1889 = arith.constant 4 : i32
    %dma_start3A_1890 = tpu.memref_slice %arg13[%dma_start3A_1889] : memref<6x!tpu.dma_semaphore, #tpu.memory_space<semaphore_mem>> -> memref<1x!tpu.dma_semaphore, #tpu.memory_space<semaphore_mem>>
    %dma_start3A_1891 = tpu.memref_squeeze %dma_start3A_1890 : memref<1x!tpu.dma_semaphore, #tpu.memory_space<semaphore_mem>> -> memref<!tpu.dma_semaphore, #tpu.memory_space<semaphore_mem>>
    %dma_start3A_1892 = arith.constant 0 : i32
    %dma_start3A_1893 = arith.constant 0 : i32
    %dma_start3A_1894 = tpu.memref_slice %arg9[%dma_start3A_1888, %dma_start3A_1892, %dma_start3A_1893] : memref<6x1024x1024xf32, #tpu.memory_space<vmem>> -> memref<1x1024x1024xf32, #tpu.memory_space<vmem>>
    %dma_start3A_1895 = tpu.memref_squeeze %dma_start3A_1894 : memref<1x1024x1024xf32, #tpu.memory_space<vmem>> -> memref<1024x1024xf32, #tpu.memory_space<vmem>>
    %dma_start3A_1896 = arith.constant 0 : i32
    %dma_start3A_1897 = arith.constant 0 : i32
    %dma_start3A_1898 = tpu.memref_slice %arg6[%dma_start3A_1887, %dma_start3A_1896, %dma_start3A_1897] : memref<8x1024x1024xf32, #tpu.memory_space<any>> -> memref<1x1024x1024xf32, #tpu.memory_space<any>>
    %dma_start3A_1899 = tpu.memref_squeeze %dma_start3A_1898 : memref<1x1024x1024xf32, #tpu.memory_space<any>> -> memref<1024x1024xf32, #tpu.memory_space<any>>
    tpu.enqueue_dma source(%dma_start3A_1899 : memref<1024x1024xf32, #tpu.memory_space<any>>) target(%dma_start3A_1895 : memref<1024x1024xf32, #tpu.memory_space<vmem>>) target_semaphore(%dma_start3A_1891 : memref<!tpu.dma_semaphore, #tpu.memory_space<semaphore_mem>>)
    %dma_start3A_1900 = arith.constant 6 : i32
    %dma_start3A_1901 = arith.constant 5 : i32
    %dma_start3A_1902 = arith.constant 5 : i32
    %dma_start3A_1903 = tpu.memref_slice %arg13[%dma_start3A_1902] : memref<6x!tpu.dma_semaphore, #tpu.memory_space<semaphore_mem>> -> memref<1x!tpu.dma_semaphore, #tpu.memory_space<semaphore_mem>>
    %dma_start3A_1904 = tpu.memref_squeeze %dma_start3A_1903 : memref<1x!tpu.dma_semaphore, #tpu.memory_space<semaphore_mem>> -> memref<!tpu.dma_semaphore, #tpu.memory_space<semaphore_mem>>
    %dma_start3A_1905 = arith.constant 0 : i32
    %dma_start3A_1906 = arith.constant 0 : i32
    %dma_start3A_1907 = tpu.memref_slice %arg9[%dma_start3A_1901, %dma_start3A_1905, %dma_start3A_1906] : memref<6x1024x1024xf32, #tpu.memory_space<vmem>> -> memref<1x1024x1024xf32, #tpu.memory_space<vmem>>
    %dma_start3A_1908 = tpu.memref_squeeze %dma_start3A_1907 : memref<1x1024x1024xf32, #tpu.memory_space<vmem>> -> memref<1024x1024xf32, #tpu.memory_space<vmem>>
    %dma_start3A_1909 = arith.constant 0 : i32
    %dma_start3A_1910 = arith.constant 0 : i32
    %dma_start3A_1911 = tpu.memref_slice %arg7[%dma_start3A_1900, %dma_start3A_1909, %dma_start3A_1910] : memref<8x1024x1024xf32, #tpu.memory_space<any>> -> memref<1x1024x1024xf32, #tpu.memory_space<any>>
    %dma_start3A_1912 = tpu.memref_squeeze %dma_start3A_1911 : memref<1x1024x1024xf32, #tpu.memory_space<any>> -> memref<1024x1024xf32, #tpu.memory_space<any>>
    tpu.enqueue_dma source(%dma_start3A_1912 : memref<1024x1024xf32, #tpu.memory_space<any>>) target(%dma_start3A_1908 : memref<1024x1024xf32, #tpu.memory_space<vmem>>) target_semaphore(%dma_start3A_1904 : memref<!tpu.dma_semaphore, #tpu.memory_space<semaphore_mem>>)
    %dma_wait3A_1913 = arith.constant 4 : i32
    %dma_wait3A_1914 = arith.constant 0 : i32
    %dma_wait3A_1915 = arith.constant 0 : i32
    %dma_wait3A_1916 = tpu.memref_slice %arg13[%dma_wait3A_1915] : memref<6x!tpu.dma_semaphore, #tpu.memory_space<semaphore_mem>> -> memref<1x!tpu.dma_semaphore, #tpu.memory_space<semaphore_mem>>
    %dma_wait3A_1917 = tpu.memref_squeeze %dma_wait3A_1916 : memref<1x!tpu.dma_semaphore, #tpu.memory_space<semaphore_mem>> -> memref<!tpu.dma_semaphore, #tpu.memory_space<semaphore_mem>>
    %dma_wait3A_1918 = arith.constant 0 : i32
    %dma_wait3A_1919 = arith.constant 0 : i32
    %dma_wait3A_1920 = tpu.memref_slice %arg9[%dma_wait3A_1914, %dma_wait3A_1918, %dma_wait3A_1919] : memref<6x1024x1024xf32, #tpu.memory_space<vmem>> -> memref<1x1024x1024xf32, #tpu.memory_space<vmem>>
    %dma_wait3A_1921 = tpu.memref_squeeze %dma_wait3A_1920 : memref<1x1024x1024xf32, #tpu.memory_space<vmem>> -> memref<1024x1024xf32, #tpu.memory_space<vmem>>
    %dma_wait3A_1922 = arith.constant 0 : i32
    %dma_wait3A_1923 = arith.constant 0 : i32
    %dma_wait3A_1924 = tpu.memref_slice %arg6[%dma_wait3A_1913, %dma_wait3A_1922, %dma_wait3A_1923] : memref<8x1024x1024xf32, #tpu.memory_space<any>> -> memref<1x1024x1024xf32, #tpu.memory_space<any>>
    %dma_wait3A_1925 = tpu.memref_squeeze %dma_wait3A_1924 : memref<1x1024x1024xf32, #tpu.memory_space<any>> -> memref<1024x1024xf32, #tpu.memory_space<any>>
    tpu.wait_dma2 semaphore(%dma_wait3A_1917 : memref<!tpu.dma_semaphore, #tpu.memory_space<semaphore_mem>>) src(%dma_wait3A_1925 : memref<1024x1024xf32, #tpu.memory_space<any>>) dst(%dma_wait3A_1921 : memref<1024x1024xf32, #tpu.memory_space<vmem>>)
    %dma_wait3A_1926 = arith.constant 4 : i32
    %dma_wait3A_1927 = arith.constant 1 : i32
    %dma_wait3A_1928 = arith.constant 1 : i32
    %dma_wait3A_1929 = tpu.memref_slice %arg13[%dma_wait3A_1928] : memref<6x!tpu.dma_semaphore, #tpu.memory_space<semaphore_mem>> -> memref<1x!tpu.dma_semaphore, #tpu.memory_space<semaphore_mem>>
    %dma_wait3A_1930 = tpu.memref_squeeze %dma_wait3A_1929 : memref<1x!tpu.dma_semaphore, #tpu.memory_space<semaphore_mem>> -> memref<!tpu.dma_semaphore, #tpu.memory_space<semaphore_mem>>
    %dma_wait3A_1931 = arith.constant 0 : i32
    %dma_wait3A_1932 = arith.constant 0 : i32
    %dma_wait3A_1933 = tpu.memref_slice %arg9[%dma_wait3A_1927, %dma_wait3A_1931, %dma_wait3A_1932] : memref<6x1024x1024xf32, #tpu.memory_space<vmem>> -> memref<1x1024x1024xf32, #tpu.memory_space<vmem>>
    %dma_wait3A_1934 = tpu.memref_squeeze %dma_wait3A_1933 : memref<1x1024x1024xf32, #tpu.memory_space<vmem>> -> memref<1024x1024xf32, #tpu.memory_space<vmem>>
    %dma_wait3A_1935 = arith.constant 0 : i32
    %dma_wait3A_1936 = arith.constant 0 : i32
    %dma_wait3A_1937 = tpu.memref_slice %arg7[%dma_wait3A_1926, %dma_wait3A_1935, %dma_wait3A_1936] : memref<8x1024x1024xf32, #tpu.memory_space<any>> -> memref<1x1024x1024xf32, #tpu.memory_space<any>>
    %dma_wait3A_1938 = tpu.memref_squeeze %dma_wait3A_1937 : memref<1x1024x1024xf32, #tpu.memory_space<any>> -> memref<1024x1024xf32, #tpu.memory_space<any>>
    tpu.wait_dma2 semaphore(%dma_wait3A_1930 : memref<!tpu.dma_semaphore, #tpu.memory_space<semaphore_mem>>) src(%dma_wait3A_1938 : memref<1024x1024xf32, #tpu.memory_space<any>>) dst(%dma_wait3A_1934 : memref<1024x1024xf32, #tpu.memory_space<vmem>>)
    %iota3A_1939 = tpu.iota {dimensions = array<i32: 0>} : vector<8x1024xi32>
    %iota3A_1940 = tpu.iota {dimensions = array<i32: 1>} : vector<8x1024xi32>
    %jit3A_1941 = arith.constant 128 : i32
    %div3A_1942 = vector.broadcast %jit3A_1941 : i32 to vector<8x1024xi32>
    %div3A_1943 = arith.divsi %iota3A_1940, %div3A_1942 : vector<8x1024xi32>
    %sign3A_1944 = arith.constant 0 : i32
    %sign3A_1945 = vector.broadcast %sign3A_1944 : i32 to vector<8x1024xi32>
    %sign3A_1946 = arith.cmpi sgt, %iota3A_1940, %sign3A_1945 : vector<8x1024xi32>
    %sign3A_1947 = arith.extui %sign3A_1946 : vector<8x1024xi1> to vector<8x1024xi32>
    %sign3A_1948 = arith.constant 0 : i32
    %sign3A_1949 = vector.broadcast %sign3A_1948 : i32 to vector<8x1024xi32>
    %sign3A_1950 = arith.cmpi slt, %iota3A_1940, %sign3A_1949 : vector<8x1024xi32>
    %sign3A_1951 = arith.extui %sign3A_1950 : vector<8x1024xi1> to vector<8x1024xi32>
    %sign3A_1952 = arith.subi %sign3A_1947, %sign3A_1951 : vector<8x1024xi32>
    %sign3A_1953 = arith.constant 0 : i32
    %sign3A_1954 = arith.cmpi sgt, %jit3A_1941, %sign3A_1953 : i32
    %sign3A_1955 = arith.extui %sign3A_1954 : i1 to i32
    %sign3A_1956 = arith.constant 0 : i32
    %sign3A_1957 = arith.cmpi slt, %jit3A_1941, %sign3A_1956 : i32
    %sign3A_1958 = arith.extui %sign3A_1957 : i1 to i32
    %sign3A_1959 = arith.subi %sign3A_1955, %sign3A_1958 : i32
    %ne3A_1960 = vector.broadcast %sign3A_1959 : i32 to vector<8x1024xi32>
    %ne3A_1961 = arith.cmpi ne, %sign3A_1952, %ne3A_1960 : vector<8x1024xi32>
    %rem3A_1962 = vector.broadcast %jit3A_1941 : i32 to vector<8x1024xi32>
    %rem3A_1963 = arith.remsi %iota3A_1940, %rem3A_1962 : vector<8x1024xi32>
    %ne3A_1964 = arith.constant 0 : i32
    %ne3A_1965 = vector.broadcast %ne3A_1964 : i32 to vector<8x1024xi32>
    %ne3A_1966 = arith.cmpi ne, %rem3A_1963, %ne3A_1965 : vector<8x1024xi32>
    %and3A_1967 = arith.andi %ne3A_1961, %ne3A_1966 : vector<8x1024xi1>
    %sub3A_1968 = arith.constant 1 : i32
    %sub3A_1969 = vector.broadcast %sub3A_1968 : i32 to vector<8x1024xi32>
    %sub3A_1970 = arith.subi %div3A_1943, %sub3A_1969 : vector<8x1024xi32>
    %select_n3A_1971 = arith.select %and3A_1967, %sub3A_1970, %div3A_1943 : vector<8x1024xi1>, vector<8x1024xi32>
    %eq3A_1972 = arith.cmpi eq, %iota3A_1939, %select_n3A_1971 : vector<8x1024xi32>
    %convert_element_type3A_1973 = arith.extui %eq3A_1972 : vector<8x1024xi1> to vector<8x1024xi32>
    %convert_element_type3A_1974 = arith.sitofp %convert_element_type3A_1973 : vector<8x1024xi32> to vector<8x1024xf32>
    %get3A_1975 = arith.constant 0 : index
    %get3A_1976 = arith.constant 32 : index
    %get3A_1977 = arith.constant 0 : index
    %get3A_1978 = vector.load %arg11[%get3A_1975, %get3A_1976, %get3A_1977] : memref<2x128x1024xf32, #tpu.memory_space<vmem>>, vector<1x8x1024xf32>
    %get3A_1979 = vector.shape_cast %get3A_1978 : vector<1x8x1024xf32> to vector<8x1024xf32>
    %get3A_1980 = arith.constant 0 : index
    %get3A_1981 = arith.constant 0 : index
    %get3A_1982 = arith.constant 0 : index
    %get3A_1983 = vector.load %arg9[%get3A_1980, %get3A_1981, %get3A_1982] : memref<6x1024x1024xf32, #tpu.memory_space<vmem>>, vector<1x1024x1024xf32>
    %get3A_1984 = vector.shape_cast %get3A_1983 : vector<1x1024x1024xf32> to vector<1024x1024xf32>
    %dot_general3A_1985 = arith.constant dense<0.000000e+00> : vector<8x1024xf32>
    %dot_general3A_1986 = tpu.matmul %get3A_1979, %get3A_1984, %dot_general3A_1985 {dimension_numbers = #tpu.dot_dimension_numbers<[1], [0], [0], [1], [0, 0, 1, 1], [], []>, transpose_lhs_hint = false} : vector<8x1024xf32>, vector<1024x1024xf32>, vector<8x1024xf32> -> vector<8x1024xf32>
    %mul3A_1987 = arith.mulf %dot_general3A_1986, %convert_element_type3A_1974 : vector<8x1024xf32>
    %reduce_sum3A_1988 = arith.constant dense<0.000000e+00> : vector<1024xf32>
    %reduce_sum3A_1989 = vector.multi_reduction <add>, %mul3A_1987, %reduce_sum3A_1988 [0] : vector<8x1024xf32> to vector<1024xf32>
    %broadcast_in_dim3A_1990 = vector.shape_cast %reduce_sum3A_1989 : vector<1024xf32> to vector<1x1024xf32>
    %swap3A_1991 = arith.constant 0 : index
    %swap3A_1992 = arith.constant 0 : index
    %swap3A_1993 = vector.load %arg12[%swap3A_1991, %swap3A_1992] : memref<2x1024xf32, #tpu.memory_space<vmem>>, vector<1x1024xf32>
    tpu.vector_store %arg12[%swap3A_1991, %swap3A_1992], %broadcast_in_dim3A_1990 {strides = array<i32>} : memref<2x1024xf32, #tpu.memory_space<vmem>>, vector<1x1024xf32>,
    %get3A_1994 = arith.constant 1 : index
    %get3A_1995 = arith.constant 32 : index
    %get3A_1996 = arith.constant 0 : index
    %get3A_1997 = vector.load %arg11[%get3A_1994, %get3A_1995, %get3A_1996] : memref<2x128x1024xf32, #tpu.memory_space<vmem>>, vector<1x8x1024xf32>
    %get3A_1998 = vector.shape_cast %get3A_1997 : vector<1x8x1024xf32> to vector<8x1024xf32>
    %get3A_1999 = arith.constant 0 : index
    %get3A_2000 = arith.constant 0 : index
    %get3A_2001 = arith.constant 0 : index
    %get3A_2002 = vector.load %arg9[%get3A_1999, %get3A_2000, %get3A_2001] : memref<6x1024x1024xf32, #tpu.memory_space<vmem>>, vector<1x1024x1024xf32>
    %get3A_2003 = vector.shape_cast %get3A_2002 : vector<1x1024x1024xf32> to vector<1024x1024xf32>
    %dot_general3A_2004 = arith.constant dense<0.000000e+00> : vector<8x1024xf32>
    %dot_general3A_2005 = tpu.matmul %get3A_1998, %get3A_2003, %dot_general3A_2004 {dimension_numbers = #tpu.dot_dimension_numbers<[1], [0], [0], [1], [0, 0, 1, 1], [], []>, transpose_lhs_hint = false} : vector<8x1024xf32>, vector<1024x1024xf32>, vector<8x1024xf32> -> vector<8x1024xf32>
    %mul3A_2006 = arith.mulf %dot_general3A_2005, %convert_element_type3A_1974 : vector<8x1024xf32>
    %reduce_sum3A_2007 = arith.constant dense<0.000000e+00> : vector<1024xf32>
    %reduce_sum3A_2008 = vector.multi_reduction <add>, %mul3A_2006, %reduce_sum3A_2007 [0] : vector<8x1024xf32> to vector<1024xf32>
    %broadcast_in_dim3A_2009 = vector.shape_cast %reduce_sum3A_2008 : vector<1024xf32> to vector<1x1024xf32>
    %swap3A_2010 = arith.constant 1 : index
    %swap3A_2011 = arith.constant 0 : index
    %swap3A_2012 = vector.load %arg12[%swap3A_2010, %swap3A_2011] : memref<2x1024xf32, #tpu.memory_space<vmem>>, vector<1x1024xf32>
    tpu.vector_store %arg12[%swap3A_2010, %swap3A_2011], %broadcast_in_dim3A_2009 {strides = array<i32>} : memref<2x1024xf32, #tpu.memory_space<vmem>>, vector<1x1024xf32>,
    %get3A_2013 = arith.constant 0 : index
    %get3A_2014 = arith.constant 0 : index
    %get3A_2015 = vector.load %arg12[%get3A_2013, %get3A_2014] : memref<2x1024xf32, #tpu.memory_space<vmem>>, vector<2x1024xf32>
    %get3A_2016 = arith.constant 1 : index
    %get3A_2017 = arith.constant 0 : index
    %get3A_2018 = arith.constant 0 : index
    %get3A_2019 = vector.load %arg9[%get3A_2016, %get3A_2017, %get3A_2018] : memref<6x1024x1024xf32, #tpu.memory_space<vmem>>, vector<1x1024x1024xf32>
    %get3A_2020 = vector.shape_cast %get3A_2019 : vector<1x1024x1024xf32> to vector<1024x1024xf32>
    %dot_general3A_2021 = arith.constant dense<0.000000e+00> : vector<2x1024xf32>
    %dot_general3A_2022 = tpu.matmul %get3A_2015, %get3A_2020, %dot_general3A_2021 {dimension_numbers = #tpu.dot_dimension_numbers<[1], [0], [0], [1], [0, 0, 1, 1], [], []>, transpose_lhs_hint = false} : vector<2x1024xf32>, vector<1024x1024xf32>, vector<2x1024xf32> -> vector<2x1024xf32>
    %get3A_2023 = arith.constant 4 : index
    %get3A_2024 = arith.constant 0 : index
    %get3A_2025 = vector.load %arg2[%get3A_2023, %get3A_2024] : memref<8x1024xf32, #tpu.memory_space<vmem>>, vector<1x1024xf32>
    %add3A_2026 = vector.broadcast %get3A_2025 : vector<1x1024xf32> to vector<2x1024xf32>
    %add3A_2027 = arith.addf %dot_general3A_2022, %add3A_2026 : vector<2x1024xf32>
    %neg3A_2028 = arith.constant 0.000000e+00 : f32
    %neg3A_2029 = vector.broadcast %neg3A_2028 : f32 to vector<2x1024xf32>
    %neg3A_2030 = arith.subf %neg3A_2029, %add3A_2027 : vector<2x1024xf32>
    %exp3A_2031 = math.exp %neg3A_2030 : vector<2x1024xf32>
    %add3A_2032 = arith.constant 1.000000e+00 : f32
    %add3A_2033 = vector.broadcast %add3A_2032 : f32 to vector<2x1024xf32>
    %add3A_2034 = arith.addf %add3A_2033, %exp3A_2031 : vector<2x1024xf32>
    %div3A_2035 = arith.constant 1.000000e+00 : f32
    %div3A_2036 = vector.broadcast %div3A_2035 : f32 to vector<2x1024xf32>
    %div3A_2037 = arith.divf %div3A_2036, %add3A_2034 : vector<2x1024xf32>
    %swap3A_2038 = arith.constant 0 : index
    %swap3A_2039 = arith.constant 4 : index
    %swap3A_2040 = arith.constant 0 : index
    %swap3A_2041 = vector.load %arg8[%swap3A_2038, %swap3A_2039, %swap3A_2040] : memref<2x8x1024xf32, #tpu.memory_space<vmem>>, vector<2x1x1024xf32>
    %swap3A_2042 = vector.shape_cast %swap3A_2041 : vector<2x1x1024xf32> to vector<2x1024xf32>
    %swap3A_2043 = vector.shape_cast %div3A_2037 : vector<2x1024xf32> to vector<2x1x1024xf32>
    tpu.vector_store %arg8[%swap3A_2038, %swap3A_2039, %swap3A_2040], %swap3A_2043 {strides = array<i32>} : memref<2x8x1024xf32, #tpu.memory_space<vmem>>, vector<2x1x1024xf32>,
    %dma_start3A_2044 = arith.constant 7 : i32
    %dma_start3A_2045 = arith.constant 0 : i32
    %dma_start3A_2046 = arith.constant 0 : i32
    %dma_start3A_2047 = tpu.memref_slice %arg13[%dma_start3A_2046] : memref<6x!tpu.dma_semaphore, #tpu.memory_space<semaphore_mem>> -> memref<1x!tpu.dma_semaphore, #tpu.memory_space<semaphore_mem>>
    %dma_start3A_2048 = tpu.memref_squeeze %dma_start3A_2047 : memref<1x!tpu.dma_semaphore, #tpu.memory_space<semaphore_mem>> -> memref<!tpu.dma_semaphore, #tpu.memory_space<semaphore_mem>>
    %dma_start3A_2049 = arith.constant 0 : i32
    %dma_start3A_2050 = arith.constant 0 : i32
    %dma_start3A_2051 = tpu.memref_slice %arg9[%dma_start3A_2045, %dma_start3A_2049, %dma_start3A_2050] : memref<6x1024x1024xf32, #tpu.memory_space<vmem>> -> memref<1x1024x1024xf32, #tpu.memory_space<vmem>>
    %dma_start3A_2052 = tpu.memref_squeeze %dma_start3A_2051 : memref<1x1024x1024xf32, #tpu.memory_space<vmem>> -> memref<1024x1024xf32, #tpu.memory_space<vmem>>
    %dma_start3A_2053 = arith.constant 0 : i32
    %dma_start3A_2054 = arith.constant 0 : i32
    %dma_start3A_2055 = tpu.memref_slice %arg6[%dma_start3A_2044, %dma_start3A_2053, %dma_start3A_2054] : memref<8x1024x1024xf32, #tpu.memory_space<any>> -> memref<1x1024x1024xf32, #tpu.memory_space<any>>
    %dma_start3A_2056 = tpu.memref_squeeze %dma_start3A_2055 : memref<1x1024x1024xf32, #tpu.memory_space<any>> -> memref<1024x1024xf32, #tpu.memory_space<any>>
    tpu.enqueue_dma source(%dma_start3A_2056 : memref<1024x1024xf32, #tpu.memory_space<any>>) target(%dma_start3A_2052 : memref<1024x1024xf32, #tpu.memory_space<vmem>>) target_semaphore(%dma_start3A_2048 : memref<!tpu.dma_semaphore, #tpu.memory_space<semaphore_mem>>)
    %dma_start3A_2057 = arith.constant 7 : i32
    %dma_start3A_2058 = arith.constant 1 : i32
    %dma_start3A_2059 = arith.constant 1 : i32
    %dma_start3A_2060 = tpu.memref_slice %arg13[%dma_start3A_2059] : memref<6x!tpu.dma_semaphore, #tpu.memory_space<semaphore_mem>> -> memref<1x!tpu.dma_semaphore, #tpu.memory_space<semaphore_mem>>
    %dma_start3A_2061 = tpu.memref_squeeze %dma_start3A_2060 : memref<1x!tpu.dma_semaphore, #tpu.memory_space<semaphore_mem>> -> memref<!tpu.dma_semaphore, #tpu.memory_space<semaphore_mem>>
    %dma_start3A_2062 = arith.constant 0 : i32
    %dma_start3A_2063 = arith.constant 0 : i32
    %dma_start3A_2064 = tpu.memref_slice %arg9[%dma_start3A_2058, %dma_start3A_2062, %dma_start3A_2063] : memref<6x1024x1024xf32, #tpu.memory_space<vmem>> -> memref<1x1024x1024xf32, #tpu.memory_space<vmem>>
    %dma_start3A_2065 = tpu.memref_squeeze %dma_start3A_2064 : memref<1x1024x1024xf32, #tpu.memory_space<vmem>> -> memref<1024x1024xf32, #tpu.memory_space<vmem>>
    %dma_start3A_2066 = arith.constant 0 : i32
    %dma_start3A_2067 = arith.constant 0 : i32
    %dma_start3A_2068 = tpu.memref_slice %arg7[%dma_start3A_2057, %dma_start3A_2066, %dma_start3A_2067] : memref<8x1024x1024xf32, #tpu.memory_space<any>> -> memref<1x1024x1024xf32, #tpu.memory_space<any>>
    %dma_start3A_2069 = tpu.memref_squeeze %dma_start3A_2068 : memref<1x1024x1024xf32, #tpu.memory_space<any>> -> memref<1024x1024xf32, #tpu.memory_space<any>>
    tpu.enqueue_dma source(%dma_start3A_2069 : memref<1024x1024xf32, #tpu.memory_space<any>>) target(%dma_start3A_2065 : memref<1024x1024xf32, #tpu.memory_space<vmem>>) target_semaphore(%dma_start3A_2061 : memref<!tpu.dma_semaphore, #tpu.memory_space<semaphore_mem>>)
    %dma_wait3A_2070 = arith.constant 5 : i32
    %dma_wait3A_2071 = arith.constant 2 : i32
    %dma_wait3A_2072 = arith.constant 2 : i32
    %dma_wait3A_2073 = tpu.memref_slice %arg13[%dma_wait3A_2072] : memref<6x!tpu.dma_semaphore, #tpu.memory_space<semaphore_mem>> -> memref<1x!tpu.dma_semaphore, #tpu.memory_space<semaphore_mem>>
    %dma_wait3A_2074 = tpu.memref_squeeze %dma_wait3A_2073 : memref<1x!tpu.dma_semaphore, #tpu.memory_space<semaphore_mem>> -> memref<!tpu.dma_semaphore, #tpu.memory_space<semaphore_mem>>
    %dma_wait3A_2075 = arith.constant 0 : i32
    %dma_wait3A_2076 = arith.constant 0 : i32
    %dma_wait3A_2077 = tpu.memref_slice %arg9[%dma_wait3A_2071, %dma_wait3A_2075, %dma_wait3A_2076] : memref<6x1024x1024xf32, #tpu.memory_space<vmem>> -> memref<1x1024x1024xf32, #tpu.memory_space<vmem>>
    %dma_wait3A_2078 = tpu.memref_squeeze %dma_wait3A_2077 : memref<1x1024x1024xf32, #tpu.memory_space<vmem>> -> memref<1024x1024xf32, #tpu.memory_space<vmem>>
    %dma_wait3A_2079 = arith.constant 0 : i32
    %dma_wait3A_2080 = arith.constant 0 : i32
    %dma_wait3A_2081 = tpu.memref_slice %arg6[%dma_wait3A_2070, %dma_wait3A_2079, %dma_wait3A_2080] : memref<8x1024x1024xf32, #tpu.memory_space<any>> -> memref<1x1024x1024xf32, #tpu.memory_space<any>>
    %dma_wait3A_2082 = tpu.memref_squeeze %dma_wait3A_2081 : memref<1x1024x1024xf32, #tpu.memory_space<any>> -> memref<1024x1024xf32, #tpu.memory_space<any>>
    tpu.wait_dma2 semaphore(%dma_wait3A_2074 : memref<!tpu.dma_semaphore, #tpu.memory_space<semaphore_mem>>) src(%dma_wait3A_2082 : memref<1024x1024xf32, #tpu.memory_space<any>>) dst(%dma_wait3A_2078 : memref<1024x1024xf32, #tpu.memory_space<vmem>>)
    %dma_wait3A_2083 = arith.constant 5 : i32
    %dma_wait3A_2084 = arith.constant 3 : i32
    %dma_wait3A_2085 = arith.constant 3 : i32
    %dma_wait3A_2086 = tpu.memref_slice %arg13[%dma_wait3A_2085] : memref<6x!tpu.dma_semaphore, #tpu.memory_space<semaphore_mem>> -> memref<1x!tpu.dma_semaphore, #tpu.memory_space<semaphore_mem>>
    %dma_wait3A_2087 = tpu.memref_squeeze %dma_wait3A_2086 : memref<1x!tpu.dma_semaphore, #tpu.memory_space<semaphore_mem>> -> memref<!tpu.dma_semaphore, #tpu.memory_space<semaphore_mem>>
    %dma_wait3A_2088 = arith.constant 0 : i32
    %dma_wait3A_2089 = arith.constant 0 : i32
    %dma_wait3A_2090 = tpu.memref_slice %arg9[%dma_wait3A_2084, %dma_wait3A_2088, %dma_wait3A_2089] : memref<6x1024x1024xf32, #tpu.memory_space<vmem>> -> memref<1x1024x1024xf32, #tpu.memory_space<vmem>>
    %dma_wait3A_2091 = tpu.memref_squeeze %dma_wait3A_2090 : memref<1x1024x1024xf32, #tpu.memory_space<vmem>> -> memref<1024x1024xf32, #tpu.memory_space<vmem>>
    %dma_wait3A_2092 = arith.constant 0 : i32
    %dma_wait3A_2093 = arith.constant 0 : i32
    %dma_wait3A_2094 = tpu.memref_slice %arg7[%dma_wait3A_2083, %dma_wait3A_2092, %dma_wait3A_2093] : memref<8x1024x1024xf32, #tpu.memory_space<any>> -> memref<1x1024x1024xf32, #tpu.memory_space<any>>
    %dma_wait3A_2095 = tpu.memref_squeeze %dma_wait3A_2094 : memref<1x1024x1024xf32, #tpu.memory_space<any>> -> memref<1024x1024xf32, #tpu.memory_space<any>>
    tpu.wait_dma2 semaphore(%dma_wait3A_2087 : memref<!tpu.dma_semaphore, #tpu.memory_space<semaphore_mem>>) src(%dma_wait3A_2095 : memref<1024x1024xf32, #tpu.memory_space<any>>) dst(%dma_wait3A_2091 : memref<1024x1024xf32, #tpu.memory_space<vmem>>)
    %iota3A_2096 = tpu.iota {dimensions = array<i32: 0>} : vector<8x1024xi32>
    %iota3A_2097 = tpu.iota {dimensions = array<i32: 1>} : vector<8x1024xi32>
    %jit3A_2098 = arith.constant 128 : i32
    %div3A_2099 = vector.broadcast %jit3A_2098 : i32 to vector<8x1024xi32>
    %div3A_2100 = arith.divsi %iota3A_2097, %div3A_2099 : vector<8x1024xi32>
    %sign3A_2101 = arith.constant 0 : i32
    %sign3A_2102 = vector.broadcast %sign3A_2101 : i32 to vector<8x1024xi32>
    %sign3A_2103 = arith.cmpi sgt, %iota3A_2097, %sign3A_2102 : vector<8x1024xi32>
    %sign3A_2104 = arith.extui %sign3A_2103 : vector<8x1024xi1> to vector<8x1024xi32>
    %sign3A_2105 = arith.constant 0 : i32
    %sign3A_2106 = vector.broadcast %sign3A_2105 : i32 to vector<8x1024xi32>
    %sign3A_2107 = arith.cmpi slt, %iota3A_2097, %sign3A_2106 : vector<8x1024xi32>
    %sign3A_2108 = arith.extui %sign3A_2107 : vector<8x1024xi1> to vector<8x1024xi32>
    %sign3A_2109 = arith.subi %sign3A_2104, %sign3A_2108 : vector<8x1024xi32>
    %sign3A_2110 = arith.constant 0 : i32
    %sign3A_2111 = arith.cmpi sgt, %jit3A_2098, %sign3A_2110 : i32
    %sign3A_2112 = arith.extui %sign3A_2111 : i1 to i32
    %sign3A_2113 = arith.constant 0 : i32
    %sign3A_2114 = arith.cmpi slt, %jit3A_2098, %sign3A_2113 : i32
    %sign3A_2115 = arith.extui %sign3A_2114 : i1 to i32
    %sign3A_2116 = arith.subi %sign3A_2112, %sign3A_2115 : i32
    %ne3A_2117 = vector.broadcast %sign3A_2116 : i32 to vector<8x1024xi32>
    %ne3A_2118 = arith.cmpi ne, %sign3A_2109, %ne3A_2117 : vector<8x1024xi32>
    %rem3A_2119 = vector.broadcast %jit3A_2098 : i32 to vector<8x1024xi32>
    %rem3A_2120 = arith.remsi %iota3A_2097, %rem3A_2119 : vector<8x1024xi32>
    %ne3A_2121 = arith.constant 0 : i32
    %ne3A_2122 = vector.broadcast %ne3A_2121 : i32 to vector<8x1024xi32>
    %ne3A_2123 = arith.cmpi ne, %rem3A_2120, %ne3A_2122 : vector<8x1024xi32>
    %and3A_2124 = arith.andi %ne3A_2118, %ne3A_2123 : vector<8x1024xi1>
    %sub3A_2125 = arith.constant 1 : i32
    %sub3A_2126 = vector.broadcast %sub3A_2125 : i32 to vector<8x1024xi32>
    %sub3A_2127 = arith.subi %div3A_2100, %sub3A_2126 : vector<8x1024xi32>
    %select_n3A_2128 = arith.select %and3A_2124, %sub3A_2127, %div3A_2100 : vector<8x1024xi1>, vector<8x1024xi32>
    %eq3A_2129 = arith.cmpi eq, %iota3A_2096, %select_n3A_2128 : vector<8x1024xi32>
    %convert_element_type3A_2130 = arith.extui %eq3A_2129 : vector<8x1024xi1> to vector<8x1024xi32>
    %convert_element_type3A_2131 = arith.sitofp %convert_element_type3A_2130 : vector<8x1024xi32> to vector<8x1024xf32>
    %get3A_2132 = arith.constant 0 : index
    %get3A_2133 = arith.constant 40 : index
    %get3A_2134 = arith.constant 0 : index
    %get3A_2135 = vector.load %arg11[%get3A_2132, %get3A_2133, %get3A_2134] : memref<2x128x1024xf32, #tpu.memory_space<vmem>>, vector<1x8x1024xf32>
    %get3A_2136 = vector.shape_cast %get3A_2135 : vector<1x8x1024xf32> to vector<8x1024xf32>
    %get3A_2137 = arith.constant 2 : index
    %get3A_2138 = arith.constant 0 : index
    %get3A_2139 = arith.constant 0 : index
    %get3A_2140 = vector.load %arg9[%get3A_2137, %get3A_2138, %get3A_2139] : memref<6x1024x1024xf32, #tpu.memory_space<vmem>>, vector<1x1024x1024xf32>
    %get3A_2141 = vector.shape_cast %get3A_2140 : vector<1x1024x1024xf32> to vector<1024x1024xf32>
    %dot_general3A_2142 = arith.constant dense<0.000000e+00> : vector<8x1024xf32>
    %dot_general3A_2143 = tpu.matmul %get3A_2136, %get3A_2141, %dot_general3A_2142 {dimension_numbers = #tpu.dot_dimension_numbers<[1], [0], [0], [1], [0, 0, 1, 1], [], []>, transpose_lhs_hint = false} : vector<8x1024xf32>, vector<1024x1024xf32>, vector<8x1024xf32> -> vector<8x1024xf32>
    %mul3A_2144 = arith.mulf %dot_general3A_2143, %convert_element_type3A_2131 : vector<8x1024xf32>
    %reduce_sum3A_2145 = arith.constant dense<0.000000e+00> : vector<1024xf32>
    %reduce_sum3A_2146 = vector.multi_reduction <add>, %mul3A_2144, %reduce_sum3A_2145 [0] : vector<8x1024xf32> to vector<1024xf32>
    %broadcast_in_dim3A_2147 = vector.shape_cast %reduce_sum3A_2146 : vector<1024xf32> to vector<1x1024xf32>
    %swap3A_2148 = arith.constant 0 : index
    %swap3A_2149 = arith.constant 0 : index
    %swap3A_2150 = vector.load %arg12[%swap3A_2148, %swap3A_2149] : memref<2x1024xf32, #tpu.memory_space<vmem>>, vector<1x1024xf32>
    tpu.vector_store %arg12[%swap3A_2148, %swap3A_2149], %broadcast_in_dim3A_2147 {strides = array<i32>} : memref<2x1024xf32, #tpu.memory_space<vmem>>, vector<1x1024xf32>,
    %get3A_2151 = arith.constant 1 : index
    %get3A_2152 = arith.constant 40 : index
    %get3A_2153 = arith.constant 0 : index
    %get3A_2154 = vector.load %arg11[%get3A_2151, %get3A_2152, %get3A_2153] : memref<2x128x1024xf32, #tpu.memory_space<vmem>>, vector<1x8x1024xf32>
    %get3A_2155 = vector.shape_cast %get3A_2154 : vector<1x8x1024xf32> to vector<8x1024xf32>
    %get3A_2156 = arith.constant 2 : index
    %get3A_2157 = arith.constant 0 : index
    %get3A_2158 = arith.constant 0 : index
    %get3A_2159 = vector.load %arg9[%get3A_2156, %get3A_2157, %get3A_2158] : memref<6x1024x1024xf32, #tpu.memory_space<vmem>>, vector<1x1024x1024xf32>
    %get3A_2160 = vector.shape_cast %get3A_2159 : vector<1x1024x1024xf32> to vector<1024x1024xf32>
    %dot_general3A_2161 = arith.constant dense<0.000000e+00> : vector<8x1024xf32>
    %dot_general3A_2162 = tpu.matmul %get3A_2155, %get3A_2160, %dot_general3A_2161 {dimension_numbers = #tpu.dot_dimension_numbers<[1], [0], [0], [1], [0, 0, 1, 1], [], []>, transpose_lhs_hint = false} : vector<8x1024xf32>, vector<1024x1024xf32>, vector<8x1024xf32> -> vector<8x1024xf32>
    %mul3A_2163 = arith.mulf %dot_general3A_2162, %convert_element_type3A_2131 : vector<8x1024xf32>
    %reduce_sum3A_2164 = arith.constant dense<0.000000e+00> : vector<1024xf32>
    %reduce_sum3A_2165 = vector.multi_reduction <add>, %mul3A_2163, %reduce_sum3A_2164 [0] : vector<8x1024xf32> to vector<1024xf32>
    %broadcast_in_dim3A_2166 = vector.shape_cast %reduce_sum3A_2165 : vector<1024xf32> to vector<1x1024xf32>
    %swap3A_2167 = arith.constant 1 : index
    %swap3A_2168 = arith.constant 0 : index
    %swap3A_2169 = vector.load %arg12[%swap3A_2167, %swap3A_2168] : memref<2x1024xf32, #tpu.memory_space<vmem>>, vector<1x1024xf32>
    tpu.vector_store %arg12[%swap3A_2167, %swap3A_2168], %broadcast_in_dim3A_2166 {strides = array<i32>} : memref<2x1024xf32, #tpu.memory_space<vmem>>, vector<1x1024xf32>,
    %get3A_2170 = arith.constant 0 : index
    %get3A_2171 = arith.constant 0 : index
    %get3A_2172 = vector.load %arg12[%get3A_2170, %get3A_2171] : memref<2x1024xf32, #tpu.memory_space<vmem>>, vector<2x1024xf32>
    %get3A_2173 = arith.constant 3 : index
    %get3A_2174 = arith.constant 0 : index
    %get3A_2175 = arith.constant 0 : index
    %get3A_2176 = vector.load %arg9[%get3A_2173, %get3A_2174, %get3A_2175] : memref<6x1024x1024xf32, #tpu.memory_space<vmem>>, vector<1x1024x1024xf32>
    %get3A_2177 = vector.shape_cast %get3A_2176 : vector<1x1024x1024xf32> to vector<1024x1024xf32>
    %dot_general3A_2178 = arith.constant dense<0.000000e+00> : vector<2x1024xf32>
    %dot_general3A_2179 = tpu.matmul %get3A_2172, %get3A_2177, %dot_general3A_2178 {dimension_numbers = #tpu.dot_dimension_numbers<[1], [0], [0], [1], [0, 0, 1, 1], [], []>, transpose_lhs_hint = false} : vector<2x1024xf32>, vector<1024x1024xf32>, vector<2x1024xf32> -> vector<2x1024xf32>
    %get3A_2180 = arith.constant 5 : index
    %get3A_2181 = arith.constant 0 : index
    %get3A_2182 = vector.load %arg2[%get3A_2180, %get3A_2181] : memref<8x1024xf32, #tpu.memory_space<vmem>>, vector<1x1024xf32>
    %add3A_2183 = vector.broadcast %get3A_2182 : vector<1x1024xf32> to vector<2x1024xf32>
    %add3A_2184 = arith.addf %dot_general3A_2179, %add3A_2183 : vector<2x1024xf32>
    %neg3A_2185 = arith.constant 0.000000e+00 : f32
    %neg3A_2186 = vector.broadcast %neg3A_2185 : f32 to vector<2x1024xf32>
    %neg3A_2187 = arith.subf %neg3A_2186, %add3A_2184 : vector<2x1024xf32>
    %exp3A_2188 = math.exp %neg3A_2187 : vector<2x1024xf32>
    %add3A_2189 = arith.constant 1.000000e+00 : f32
    %add3A_2190 = vector.broadcast %add3A_2189 : f32 to vector<2x1024xf32>
    %add3A_2191 = arith.addf %add3A_2190, %exp3A_2188 : vector<2x1024xf32>
    %div3A_2192 = arith.constant 1.000000e+00 : f32
    %div3A_2193 = vector.broadcast %div3A_2192 : f32 to vector<2x1024xf32>
    %div3A_2194 = arith.divf %div3A_2193, %add3A_2191 : vector<2x1024xf32>
    %swap3A_2195 = arith.constant 0 : index
    %swap3A_2196 = arith.constant 5 : index
    %swap3A_2197 = arith.constant 0 : index
    %swap3A_2198 = vector.load %arg8[%swap3A_2195, %swap3A_2196, %swap3A_2197] : memref<2x8x1024xf32, #tpu.memory_space<vmem>>, vector<2x1x1024xf32>
    %swap3A_2199 = vector.shape_cast %swap3A_2198 : vector<2x1x1024xf32> to vector<2x1024xf32>
    %swap3A_2200 = vector.shape_cast %div3A_2194 : vector<2x1024xf32> to vector<2x1x1024xf32>
    tpu.vector_store %arg8[%swap3A_2195, %swap3A_2196, %swap3A_2197], %swap3A_2200 {strides = array<i32>} : memref<2x8x1024xf32, #tpu.memory_space<vmem>>, vector<2x1x1024xf32>,
    %dma_wait3A_2201 = arith.constant 6 : i32
    %dma_wait3A_2202 = arith.constant 4 : i32
    %dma_wait3A_2203 = arith.constant 4 : i32
    %dma_wait3A_2204 = tpu.memref_slice %arg13[%dma_wait3A_2203] : memref<6x!tpu.dma_semaphore, #tpu.memory_space<semaphore_mem>> -> memref<1x!tpu.dma_semaphore, #tpu.memory_space<semaphore_mem>>
    %dma_wait3A_2205 = tpu.memref_squeeze %dma_wait3A_2204 : memref<1x!tpu.dma_semaphore, #tpu.memory_space<semaphore_mem>> -> memref<!tpu.dma_semaphore, #tpu.memory_space<semaphore_mem>>
    %dma_wait3A_2206 = arith.constant 0 : i32
    %dma_wait3A_2207 = arith.constant 0 : i32
    %dma_wait3A_2208 = tpu.memref_slice %arg9[%dma_wait3A_2202, %dma_wait3A_2206, %dma_wait3A_2207] : memref<6x1024x1024xf32, #tpu.memory_space<vmem>> -> memref<1x1024x1024xf32, #tpu.memory_space<vmem>>
    %dma_wait3A_2209 = tpu.memref_squeeze %dma_wait3A_2208 : memref<1x1024x1024xf32, #tpu.memory_space<vmem>> -> memref<1024x1024xf32, #tpu.memory_space<vmem>>
    %dma_wait3A_2210 = arith.constant 0 : i32
    %dma_wait3A_2211 = arith.constant 0 : i32
    %dma_wait3A_2212 = tpu.memref_slice %arg6[%dma_wait3A_2201, %dma_wait3A_2210, %dma_wait3A_2211] : memref<8x1024x1024xf32, #tpu.memory_space<any>> -> memref<1x1024x1024xf32, #tpu.memory_space<any>>
    %dma_wait3A_2213 = tpu.memref_squeeze %dma_wait3A_2212 : memref<1x1024x1024xf32, #tpu.memory_space<any>> -> memref<1024x1024xf32, #tpu.memory_space<any>>
    tpu.wait_dma2 semaphore(%dma_wait3A_2205 : memref<!tpu.dma_semaphore, #tpu.memory_space<semaphore_mem>>) src(%dma_wait3A_2213 : memref<1024x1024xf32, #tpu.memory_space<any>>) dst(%dma_wait3A_2209 : memref<1024x1024xf32, #tpu.memory_space<vmem>>)
    %dma_wait3A_2214 = arith.constant 6 : i32
    %dma_wait3A_2215 = arith.constant 5 : i32
    %dma_wait3A_2216 = arith.constant 5 : i32
    %dma_wait3A_2217 = tpu.memref_slice %arg13[%dma_wait3A_2216] : memref<6x!tpu.dma_semaphore, #tpu.memory_space<semaphore_mem>> -> memref<1x!tpu.dma_semaphore, #tpu.memory_space<semaphore_mem>>
    %dma_wait3A_2218 = tpu.memref_squeeze %dma_wait3A_2217 : memref<1x!tpu.dma_semaphore, #tpu.memory_space<semaphore_mem>> -> memref<!tpu.dma_semaphore, #tpu.memory_space<semaphore_mem>>
    %dma_wait3A_2219 = arith.constant 0 : i32
    %dma_wait3A_2220 = arith.constant 0 : i32
    %dma_wait3A_2221 = tpu.memref_slice %arg9[%dma_wait3A_2215, %dma_wait3A_2219, %dma_wait3A_2220] : memref<6x1024x1024xf32, #tpu.memory_space<vmem>> -> memref<1x1024x1024xf32, #tpu.memory_space<vmem>>
    %dma_wait3A_2222 = tpu.memref_squeeze %dma_wait3A_2221 : memref<1x1024x1024xf32, #tpu.memory_space<vmem>> -> memref<1024x1024xf32, #tpu.memory_space<vmem>>
    %dma_wait3A_2223 = arith.constant 0 : i32
    %dma_wait3A_2224 = arith.constant 0 : i32
    %dma_wait3A_2225 = tpu.memref_slice %arg7[%dma_wait3A_2214, %dma_wait3A_2223, %dma_wait3A_2224] : memref<8x1024x1024xf32, #tpu.memory_space<any>> -> memref<1x1024x1024xf32, #tpu.memory_space<any>>
    %dma_wait3A_2226 = tpu.memref_squeeze %dma_wait3A_2225 : memref<1x1024x1024xf32, #tpu.memory_space<any>> -> memref<1024x1024xf32, #tpu.memory_space<any>>
    tpu.wait_dma2 semaphore(%dma_wait3A_2218 : memref<!tpu.dma_semaphore, #tpu.memory_space<semaphore_mem>>) src(%dma_wait3A_2226 : memref<1024x1024xf32, #tpu.memory_space<any>>) dst(%dma_wait3A_2222 : memref<1024x1024xf32, #tpu.memory_space<vmem>>)
    %iota3A_2227 = tpu.iota {dimensions = array<i32: 0>} : vector<8x1024xi32>
    %iota3A_2228 = tpu.iota {dimensions = array<i32: 1>} : vector<8x1024xi32>
    %jit3A_2229 = arith.constant 128 : i32
    %div3A_2230 = vector.broadcast %jit3A_2229 : i32 to vector<8x1024xi32>
    %div3A_2231 = arith.divsi %iota3A_2228, %div3A_2230 : vector<8x1024xi32>
    %sign3A_2232 = arith.constant 0 : i32
    %sign3A_2233 = vector.broadcast %sign3A_2232 : i32 to vector<8x1024xi32>
    %sign3A_2234 = arith.cmpi sgt, %iota3A_2228, %sign3A_2233 : vector<8x1024xi32>
    %sign3A_2235 = arith.extui %sign3A_2234 : vector<8x1024xi1> to vector<8x1024xi32>
    %sign3A_2236 = arith.constant 0 : i32
    %sign3A_2237 = vector.broadcast %sign3A_2236 : i32 to vector<8x1024xi32>
    %sign3A_2238 = arith.cmpi slt, %iota3A_2228, %sign3A_2237 : vector<8x1024xi32>
    %sign3A_2239 = arith.extui %sign3A_2238 : vector<8x1024xi1> to vector<8x1024xi32>
    %sign3A_2240 = arith.subi %sign3A_2235, %sign3A_2239 : vector<8x1024xi32>
    %sign3A_2241 = arith.constant 0 : i32
    %sign3A_2242 = arith.cmpi sgt, %jit3A_2229, %sign3A_2241 : i32
    %sign3A_2243 = arith.extui %sign3A_2242 : i1 to i32
    %sign3A_2244 = arith.constant 0 : i32
    %sign3A_2245 = arith.cmpi slt, %jit3A_2229, %sign3A_2244 : i32
    %sign3A_2246 = arith.extui %sign3A_2245 : i1 to i32
    %sign3A_2247 = arith.subi %sign3A_2243, %sign3A_2246 : i32
    %ne3A_2248 = vector.broadcast %sign3A_2247 : i32 to vector<8x1024xi32>
    %ne3A_2249 = arith.cmpi ne, %sign3A_2240, %ne3A_2248 : vector<8x1024xi32>
    %rem3A_2250 = vector.broadcast %jit3A_2229 : i32 to vector<8x1024xi32>
    %rem3A_2251 = arith.remsi %iota3A_2228, %rem3A_2250 : vector<8x1024xi32>
    %ne3A_2252 = arith.constant 0 : i32
    %ne3A_2253 = vector.broadcast %ne3A_2252 : i32 to vector<8x1024xi32>
    %ne3A_2254 = arith.cmpi ne, %rem3A_2251, %ne3A_2253 : vector<8x1024xi32>
    %and3A_2255 = arith.andi %ne3A_2249, %ne3A_2254 : vector<8x1024xi1>
    %sub3A_2256 = arith.constant 1 : i32
    %sub3A_2257 = vector.broadcast %sub3A_2256 : i32 to vector<8x1024xi32>
    %sub3A_2258 = arith.subi %div3A_2231, %sub3A_2257 : vector<8x1024xi32>
    %select_n3A_2259 = arith.select %and3A_2255, %sub3A_2258, %div3A_2231 : vector<8x1024xi1>, vector<8x1024xi32>
    %eq3A_2260 = arith.cmpi eq, %iota3A_2227, %select_n3A_2259 : vector<8x1024xi32>
    %convert_element_type3A_2261 = arith.extui %eq3A_2260 : vector<8x1024xi1> to vector<8x1024xi32>
    %convert_element_type3A_2262 = arith.sitofp %convert_element_type3A_2261 : vector<8x1024xi32> to vector<8x1024xf32>
    %get3A_2263 = arith.constant 0 : index
    %get3A_2264 = arith.constant 48 : index
    %get3A_2265 = arith.constant 0 : index
    %get3A_2266 = vector.load %arg11[%get3A_2263, %get3A_2264, %get3A_2265] : memref<2x128x1024xf32, #tpu.memory_space<vmem>>, vector<1x8x1024xf32>
    %get3A_2267 = vector.shape_cast %get3A_2266 : vector<1x8x1024xf32> to vector<8x1024xf32>
    %get3A_2268 = arith.constant 4 : index
    %get3A_2269 = arith.constant 0 : index
    %get3A_2270 = arith.constant 0 : index
    %get3A_2271 = vector.load %arg9[%get3A_2268, %get3A_2269, %get3A_2270] : memref<6x1024x1024xf32, #tpu.memory_space<vmem>>, vector<1x1024x1024xf32>
    %get3A_2272 = vector.shape_cast %get3A_2271 : vector<1x1024x1024xf32> to vector<1024x1024xf32>
    %dot_general3A_2273 = arith.constant dense<0.000000e+00> : vector<8x1024xf32>
    %dot_general3A_2274 = tpu.matmul %get3A_2267, %get3A_2272, %dot_general3A_2273 {dimension_numbers = #tpu.dot_dimension_numbers<[1], [0], [0], [1], [0, 0, 1, 1], [], []>, transpose_lhs_hint = false} : vector<8x1024xf32>, vector<1024x1024xf32>, vector<8x1024xf32> -> vector<8x1024xf32>
    %mul3A_2275 = arith.mulf %dot_general3A_2274, %convert_element_type3A_2262 : vector<8x1024xf32>
    %reduce_sum3A_2276 = arith.constant dense<0.000000e+00> : vector<1024xf32>
    %reduce_sum3A_2277 = vector.multi_reduction <add>, %mul3A_2275, %reduce_sum3A_2276 [0] : vector<8x1024xf32> to vector<1024xf32>
    %broadcast_in_dim3A_2278 = vector.shape_cast %reduce_sum3A_2277 : vector<1024xf32> to vector<1x1024xf32>
    %swap3A_2279 = arith.constant 0 : index
    %swap3A_2280 = arith.constant 0 : index
    %swap3A_2281 = vector.load %arg12[%swap3A_2279, %swap3A_2280] : memref<2x1024xf32, #tpu.memory_space<vmem>>, vector<1x1024xf32>
    tpu.vector_store %arg12[%swap3A_2279, %swap3A_2280], %broadcast_in_dim3A_2278 {strides = array<i32>} : memref<2x1024xf32, #tpu.memory_space<vmem>>, vector<1x1024xf32>,
    %get3A_2282 = arith.constant 1 : index
    %get3A_2283 = arith.constant 48 : index
    %get3A_2284 = arith.constant 0 : index
    %get3A_2285 = vector.load %arg11[%get3A_2282, %get3A_2283, %get3A_2284] : memref<2x128x1024xf32, #tpu.memory_space<vmem>>, vector<1x8x1024xf32>
    %get3A_2286 = vector.shape_cast %get3A_2285 : vector<1x8x1024xf32> to vector<8x1024xf32>
    %get3A_2287 = arith.constant 4 : index
    %get3A_2288 = arith.constant 0 : index
    %get3A_2289 = arith.constant 0 : index
    %get3A_2290 = vector.load %arg9[%get3A_2287, %get3A_2288, %get3A_2289] : memref<6x1024x1024xf32, #tpu.memory_space<vmem>>, vector<1x1024x1024xf32>
    %get3A_2291 = vector.shape_cast %get3A_2290 : vector<1x1024x1024xf32> to vector<1024x1024xf32>
    %dot_general3A_2292 = arith.constant dense<0.000000e+00> : vector<8x1024xf32>
    %dot_general3A_2293 = tpu.matmul %get3A_2286, %get3A_2291, %dot_general3A_2292 {dimension_numbers = #tpu.dot_dimension_numbers<[1], [0], [0], [1], [0, 0, 1, 1], [], []>, transpose_lhs_hint = false} : vector<8x1024xf32>, vector<1024x1024xf32>, vector<8x1024xf32> -> vector<8x1024xf32>
    %mul3A_2294 = arith.mulf %dot_general3A_2293, %convert_element_type3A_2262 : vector<8x1024xf32>
    %reduce_sum3A_2295 = arith.constant dense<0.000000e+00> : vector<1024xf32>
    %reduce_sum3A_2296 = vector.multi_reduction <add>, %mul3A_2294, %reduce_sum3A_2295 [0] : vector<8x1024xf32> to vector<1024xf32>
    %broadcast_in_dim3A_2297 = vector.shape_cast %reduce_sum3A_2296 : vector<1024xf32> to vector<1x1024xf32>
    %swap3A_2298 = arith.constant 1 : index
    %swap3A_2299 = arith.constant 0 : index
    %swap3A_2300 = vector.load %arg12[%swap3A_2298, %swap3A_2299] : memref<2x1024xf32, #tpu.memory_space<vmem>>, vector<1x1024xf32>
    tpu.vector_store %arg12[%swap3A_2298, %swap3A_2299], %broadcast_in_dim3A_2297 {strides = array<i32>} : memref<2x1024xf32, #tpu.memory_space<vmem>>, vector<1x1024xf32>,
    %get3A_2301 = arith.constant 0 : index
    %get3A_2302 = arith.constant 0 : index
    %get3A_2303 = vector.load %arg12[%get3A_2301, %get3A_2302] : memref<2x1024xf32, #tpu.memory_space<vmem>>, vector<2x1024xf32>
    %get3A_2304 = arith.constant 5 : index
    %get3A_2305 = arith.constant 0 : index
    %get3A_2306 = arith.constant 0 : index
    %get3A_2307 = vector.load %arg9[%get3A_2304, %get3A_2305, %get3A_2306] : memref<6x1024x1024xf32, #tpu.memory_space<vmem>>, vector<1x1024x1024xf32>
    %get3A_2308 = vector.shape_cast %get3A_2307 : vector<1x1024x1024xf32> to vector<1024x1024xf32>
    %dot_general3A_2309 = arith.constant dense<0.000000e+00> : vector<2x1024xf32>
    %dot_general3A_2310 = tpu.matmul %get3A_2303, %get3A_2308, %dot_general3A_2309 {dimension_numbers = #tpu.dot_dimension_numbers<[1], [0], [0], [1], [0, 0, 1, 1], [], []>, transpose_lhs_hint = false} : vector<2x1024xf32>, vector<1024x1024xf32>, vector<2x1024xf32> -> vector<2x1024xf32>
    %get3A_2311 = arith.constant 6 : index
    %get3A_2312 = arith.constant 0 : index
    %get3A_2313 = vector.load %arg2[%get3A_2311, %get3A_2312] : memref<8x1024xf32, #tpu.memory_space<vmem>>, vector<1x1024xf32>
    %add3A_2314 = vector.broadcast %get3A_2313 : vector<1x1024xf32> to vector<2x1024xf32>
    %add3A_2315 = arith.addf %dot_general3A_2310, %add3A_2314 : vector<2x1024xf32>
    %neg3A_2316 = arith.constant 0.000000e+00 : f32
    %neg3A_2317 = vector.broadcast %neg3A_2316 : f32 to vector<2x1024xf32>
    %neg3A_2318 = arith.subf %neg3A_2317, %add3A_2315 : vector<2x1024xf32>
    %exp3A_2319 = math.exp %neg3A_2318 : vector<2x1024xf32>
    %add3A_2320 = arith.constant 1.000000e+00 : f32
    %add3A_2321 = vector.broadcast %add3A_2320 : f32 to vector<2x1024xf32>
    %add3A_2322 = arith.addf %add3A_2321, %exp3A_2319 : vector<2x1024xf32>
    %div3A_2323 = arith.constant 1.000000e+00 : f32
    %div3A_2324 = vector.broadcast %div3A_2323 : f32 to vector<2x1024xf32>
    %div3A_2325 = arith.divf %div3A_2324, %add3A_2322 : vector<2x1024xf32>
    %swap3A_2326 = arith.constant 0 : index
    %swap3A_2327 = arith.constant 6 : index
    %swap3A_2328 = arith.constant 0 : index
    %swap3A_2329 = vector.load %arg8[%swap3A_2326, %swap3A_2327, %swap3A_2328] : memref<2x8x1024xf32, #tpu.memory_space<vmem>>, vector<2x1x1024xf32>
    %swap3A_2330 = vector.shape_cast %swap3A_2329 : vector<2x1x1024xf32> to vector<2x1024xf32>
    %swap3A_2331 = vector.shape_cast %div3A_2325 : vector<2x1024xf32> to vector<2x1x1024xf32>
    tpu.vector_store %arg8[%swap3A_2326, %swap3A_2327, %swap3A_2328], %swap3A_2331 {strides = array<i32>} : memref<2x8x1024xf32, #tpu.memory_space<vmem>>, vector<2x1x1024xf32>,
    %dma_wait3A_2332 = arith.constant 7 : i32
    %dma_wait3A_2333 = arith.constant 0 : i32
    %dma_wait3A_2334 = arith.constant 0 : i32
    %dma_wait3A_2335 = tpu.memref_slice %arg13[%dma_wait3A_2334] : memref<6x!tpu.dma_semaphore, #tpu.memory_space<semaphore_mem>> -> memref<1x!tpu.dma_semaphore, #tpu.memory_space<semaphore_mem>>
    %dma_wait3A_2336 = tpu.memref_squeeze %dma_wait3A_2335 : memref<1x!tpu.dma_semaphore, #tpu.memory_space<semaphore_mem>> -> memref<!tpu.dma_semaphore, #tpu.memory_space<semaphore_mem>>
    %dma_wait3A_2337 = arith.constant 0 : i32
    %dma_wait3A_2338 = arith.constant 0 : i32
    %dma_wait3A_2339 = tpu.memref_slice %arg9[%dma_wait3A_2333, %dma_wait3A_2337, %dma_wait3A_2338] : memref<6x1024x1024xf32, #tpu.memory_space<vmem>> -> memref<1x1024x1024xf32, #tpu.memory_space<vmem>>
    %dma_wait3A_2340 = tpu.memref_squeeze %dma_wait3A_2339 : memref<1x1024x1024xf32, #tpu.memory_space<vmem>> -> memref<1024x1024xf32, #tpu.memory_space<vmem>>
    %dma_wait3A_2341 = arith.constant 0 : i32
    %dma_wait3A_2342 = arith.constant 0 : i32
    %dma_wait3A_2343 = tpu.memref_slice %arg6[%dma_wait3A_2332, %dma_wait3A_2341, %dma_wait3A_2342] : memref<8x1024x1024xf32, #tpu.memory_space<any>> -> memref<1x1024x1024xf32, #tpu.memory_space<any>>
    %dma_wait3A_2344 = tpu.memref_squeeze %dma_wait3A_2343 : memref<1x1024x1024xf32, #tpu.memory_space<any>> -> memref<1024x1024xf32, #tpu.memory_space<any>>
    tpu.wait_dma2 semaphore(%dma_wait3A_2336 : memref<!tpu.dma_semaphore, #tpu.memory_space<semaphore_mem>>) src(%dma_wait3A_2344 : memref<1024x1024xf32, #tpu.memory_space<any>>) dst(%dma_wait3A_2340 : memref<1024x1024xf32, #tpu.memory_space<vmem>>)
    %dma_wait3A_2345 = arith.constant 7 : i32
    %dma_wait3A_2346 = arith.constant 1 : i32
    %dma_wait3A_2347 = arith.constant 1 : i32
    %dma_wait3A_2348 = tpu.memref_slice %arg13[%dma_wait3A_2347] : memref<6x!tpu.dma_semaphore, #tpu.memory_space<semaphore_mem>> -> memref<1x!tpu.dma_semaphore, #tpu.memory_space<semaphore_mem>>
    %dma_wait3A_2349 = tpu.memref_squeeze %dma_wait3A_2348 : memref<1x!tpu.dma_semaphore, #tpu.memory_space<semaphore_mem>> -> memref<!tpu.dma_semaphore, #tpu.memory_space<semaphore_mem>>
    %dma_wait3A_2350 = arith.constant 0 : i32
    %dma_wait3A_2351 = arith.constant 0 : i32
    %dma_wait3A_2352 = tpu.memref_slice %arg9[%dma_wait3A_2346, %dma_wait3A_2350, %dma_wait3A_2351] : memref<6x1024x1024xf32, #tpu.memory_space<vmem>> -> memref<1x1024x1024xf32, #tpu.memory_space<vmem>>
    %dma_wait3A_2353 = tpu.memref_squeeze %dma_wait3A_2352 : memref<1x1024x1024xf32, #tpu.memory_space<vmem>> -> memref<1024x1024xf32, #tpu.memory_space<vmem>>
    %dma_wait3A_2354 = arith.constant 0 : i32
    %dma_wait3A_2355 = arith.constant 0 : i32
    %dma_wait3A_2356 = tpu.memref_slice %arg7[%dma_wait3A_2345, %dma_wait3A_2354, %dma_wait3A_2355] : memref<8x1024x1024xf32, #tpu.memory_space<any>> -> memref<1x1024x1024xf32, #tpu.memory_space<any>>
    %dma_wait3A_2357 = tpu.memref_squeeze %dma_wait3A_2356 : memref<1x1024x1024xf32, #tpu.memory_space<any>> -> memref<1024x1024xf32, #tpu.memory_space<any>>
    tpu.wait_dma2 semaphore(%dma_wait3A_2349 : memref<!tpu.dma_semaphore, #tpu.memory_space<semaphore_mem>>) src(%dma_wait3A_2357 : memref<1024x1024xf32, #tpu.memory_space<any>>) dst(%dma_wait3A_2353 : memref<1024x1024xf32, #tpu.memory_space<vmem>>)
    %iota3A_2358 = tpu.iota {dimensions = array<i32: 0>} : vector<8x1024xi32>
    %iota3A_2359 = tpu.iota {dimensions = array<i32: 1>} : vector<8x1024xi32>
    %jit3A_2360 = arith.constant 128 : i32
    %div3A_2361 = vector.broadcast %jit3A_2360 : i32 to vector<8x1024xi32>
    %div3A_2362 = arith.divsi %iota3A_2359, %div3A_2361 : vector<8x1024xi32>
    %sign3A_2363 = arith.constant 0 : i32
    %sign3A_2364 = vector.broadcast %sign3A_2363 : i32 to vector<8x1024xi32>
    %sign3A_2365 = arith.cmpi sgt, %iota3A_2359, %sign3A_2364 : vector<8x1024xi32>
    %sign3A_2366 = arith.extui %sign3A_2365 : vector<8x1024xi1> to vector<8x1024xi32>
    %sign3A_2367 = arith.constant 0 : i32
    %sign3A_2368 = vector.broadcast %sign3A_2367 : i32 to vector<8x1024xi32>
    %sign3A_2369 = arith.cmpi slt, %iota3A_2359, %sign3A_2368 : vector<8x1024xi32>
    %sign3A_2370 = arith.extui %sign3A_2369 : vector<8x1024xi1> to vector<8x1024xi32>
    %sign3A_2371 = arith.subi %sign3A_2366, %sign3A_2370 : vector<8x1024xi32>
    %sign3A_2372 = arith.constant 0 : i32
    %sign3A_2373 = arith.cmpi sgt, %jit3A_2360, %sign3A_2372 : i32
    %sign3A_2374 = arith.extui %sign3A_2373 : i1 to i32
    %sign3A_2375 = arith.constant 0 : i32
    %sign3A_2376 = arith.cmpi slt, %jit3A_2360, %sign3A_2375 : i32
    %sign3A_2377 = arith.extui %sign3A_2376 : i1 to i32
    %sign3A_2378 = arith.subi %sign3A_2374, %sign3A_2377 : i32
    %ne3A_2379 = vector.broadcast %sign3A_2378 : i32 to vector<8x1024xi32>
    %ne3A_2380 = arith.cmpi ne, %sign3A_2371, %ne3A_2379 : vector<8x1024xi32>
    %rem3A_2381 = vector.broadcast %jit3A_2360 : i32 to vector<8x1024xi32>
    %rem3A_2382 = arith.remsi %iota3A_2359, %rem3A_2381 : vector<8x1024xi32>
    %ne3A_2383 = arith.constant 0 : i32
    %ne3A_2384 = vector.broadcast %ne3A_2383 : i32 to vector<8x1024xi32>
    %ne3A_2385 = arith.cmpi ne, %rem3A_2382, %ne3A_2384 : vector<8x1024xi32>
    %and3A_2386 = arith.andi %ne3A_2380, %ne3A_2385 : vector<8x1024xi1>
    %sub3A_2387 = arith.constant 1 : i32
    %sub3A_2388 = vector.broadcast %sub3A_2387 : i32 to vector<8x1024xi32>
    %sub3A_2389 = arith.subi %div3A_2362, %sub3A_2388 : vector<8x1024xi32>
    %select_n3A_2390 = arith.select %and3A_2386, %sub3A_2389, %div3A_2362 : vector<8x1024xi1>, vector<8x1024xi32>
    %eq3A_2391 = arith.cmpi eq, %iota3A_2358, %select_n3A_2390 : vector<8x1024xi32>
    %convert_element_type3A_2392 = arith.extui %eq3A_2391 : vector<8x1024xi1> to vector<8x1024xi32>
    %convert_element_type3A_2393 = arith.sitofp %convert_element_type3A_2392 : vector<8x1024xi32> to vector<8x1024xf32>
    %get3A_2394 = arith.constant 0 : index
    %get3A_2395 = arith.constant 56 : index
    %get3A_2396 = arith.constant 0 : index
    %get3A_2397 = vector.load %arg11[%get3A_2394, %get3A_2395, %get3A_2396] : memref<2x128x1024xf32, #tpu.memory_space<vmem>>, vector<1x8x1024xf32>
    %get3A_2398 = vector.shape_cast %get3A_2397 : vector<1x8x1024xf32> to vector<8x1024xf32>
    %get3A_2399 = arith.constant 0 : index
    %get3A_2400 = arith.constant 0 : index
    %get3A_2401 = arith.constant 0 : index
    %get3A_2402 = vector.load %arg9[%get3A_2399, %get3A_2400, %get3A_2401] : memref<6x1024x1024xf32, #tpu.memory_space<vmem>>, vector<1x1024x1024xf32>
    %get3A_2403 = vector.shape_cast %get3A_2402 : vector<1x1024x1024xf32> to vector<1024x1024xf32>
    %dot_general3A_2404 = arith.constant dense<0.000000e+00> : vector<8x1024xf32>
    %dot_general3A_2405 = tpu.matmul %get3A_2398, %get3A_2403, %dot_general3A_2404 {dimension_numbers = #tpu.dot_dimension_numbers<[1], [0], [0], [1], [0, 0, 1, 1], [], []>, transpose_lhs_hint = false} : vector<8x1024xf32>, vector<1024x1024xf32>, vector<8x1024xf32> -> vector<8x1024xf32>
    %mul3A_2406 = arith.mulf %dot_general3A_2405, %convert_element_type3A_2393 : vector<8x1024xf32>
    %reduce_sum3A_2407 = arith.constant dense<0.000000e+00> : vector<1024xf32>
    %reduce_sum3A_2408 = vector.multi_reduction <add>, %mul3A_2406, %reduce_sum3A_2407 [0] : vector<8x1024xf32> to vector<1024xf32>
    %broadcast_in_dim3A_2409 = vector.shape_cast %reduce_sum3A_2408 : vector<1024xf32> to vector<1x1024xf32>
    %swap3A_2410 = arith.constant 0 : index
    %swap3A_2411 = arith.constant 0 : index
    %swap3A_2412 = vector.load %arg12[%swap3A_2410, %swap3A_2411] : memref<2x1024xf32, #tpu.memory_space<vmem>>, vector<1x1024xf32>
    tpu.vector_store %arg12[%swap3A_2410, %swap3A_2411], %broadcast_in_dim3A_2409 {strides = array<i32>} : memref<2x1024xf32, #tpu.memory_space<vmem>>, vector<1x1024xf32>,
    %get3A_2413 = arith.constant 1 : index
    %get3A_2414 = arith.constant 56 : index
    %get3A_2415 = arith.constant 0 : index
    %get3A_2416 = vector.load %arg11[%get3A_2413, %get3A_2414, %get3A_2415] : memref<2x128x1024xf32, #tpu.memory_space<vmem>>, vector<1x8x1024xf32>
    %get3A_2417 = vector.shape_cast %get3A_2416 : vector<1x8x1024xf32> to vector<8x1024xf32>
    %get3A_2418 = arith.constant 0 : index
    %get3A_2419 = arith.constant 0 : index
    %get3A_2420 = arith.constant 0 : index
    %get3A_2421 = vector.load %arg9[%get3A_2418, %get3A_2419, %get3A_2420] : memref<6x1024x1024xf32, #tpu.memory_space<vmem>>, vector<1x1024x1024xf32>
    %get3A_2422 = vector.shape_cast %get3A_2421 : vector<1x1024x1024xf32> to vector<1024x1024xf32>
    %dot_general3A_2423 = arith.constant dense<0.000000e+00> : vector<8x1024xf32>
    %dot_general3A_2424 = tpu.matmul %get3A_2417, %get3A_2422, %dot_general3A_2423 {dimension_numbers = #tpu.dot_dimension_numbers<[1], [0], [0], [1], [0, 0, 1, 1], [], []>, transpose_lhs_hint = false} : vector<8x1024xf32>, vector<1024x1024xf32>, vector<8x1024xf32> -> vector<8x1024xf32>
    %mul3A_2425 = arith.mulf %dot_general3A_2424, %convert_element_type3A_2393 : vector<8x1024xf32>
    %reduce_sum3A_2426 = arith.constant dense<0.000000e+00> : vector<1024xf32>
    %reduce_sum3A_2427 = vector.multi_reduction <add>, %mul3A_2425, %reduce_sum3A_2426 [0] : vector<8x1024xf32> to vector<1024xf32>
    %broadcast_in_dim3A_2428 = vector.shape_cast %reduce_sum3A_2427 : vector<1024xf32> to vector<1x1024xf32>
    %swap3A_2429 = arith.constant 1 : index
    %swap3A_2430 = arith.constant 0 : index
    %swap3A_2431 = vector.load %arg12[%swap3A_2429, %swap3A_2430] : memref<2x1024xf32, #tpu.memory_space<vmem>>, vector<1x1024xf32>
    tpu.vector_store %arg12[%swap3A_2429, %swap3A_2430], %broadcast_in_dim3A_2428 {strides = array<i32>} : memref<2x1024xf32, #tpu.memory_space<vmem>>, vector<1x1024xf32>,
    %get3A_2432 = arith.constant 0 : index
    %get3A_2433 = arith.constant 0 : index
    %get3A_2434 = vector.load %arg12[%get3A_2432, %get3A_2433] : memref<2x1024xf32, #tpu.memory_space<vmem>>, vector<2x1024xf32>
    %get3A_2435 = arith.constant 1 : index
    %get3A_2436 = arith.constant 0 : index
    %get3A_2437 = arith.constant 0 : index
    %get3A_2438 = vector.load %arg9[%get3A_2435, %get3A_2436, %get3A_2437] : memref<6x1024x1024xf32, #tpu.memory_space<vmem>>, vector<1x1024x1024xf32>
    %get3A_2439 = vector.shape_cast %get3A_2438 : vector<1x1024x1024xf32> to vector<1024x1024xf32>
    %dot_general3A_2440 = arith.constant dense<0.000000e+00> : vector<2x1024xf32>
    %dot_general3A_2441 = tpu.matmul %get3A_2434, %get3A_2439, %dot_general3A_2440 {dimension_numbers = #tpu.dot_dimension_numbers<[1], [0], [0], [1], [0, 0, 1, 1], [], []>, transpose_lhs_hint = false} : vector<2x1024xf32>, vector<1024x1024xf32>, vector<2x1024xf32> -> vector<2x1024xf32>
    %get3A_2442 = arith.constant 7 : index
    %get3A_2443 = arith.constant 0 : index
    %get3A_2444 = vector.load %arg2[%get3A_2442, %get3A_2443] : memref<8x1024xf32, #tpu.memory_space<vmem>>, vector<1x1024xf32>
    %add3A_2445 = vector.broadcast %get3A_2444 : vector<1x1024xf32> to vector<2x1024xf32>
    %add3A_2446 = arith.addf %dot_general3A_2441, %add3A_2445 : vector<2x1024xf32>
    %neg3A_2447 = arith.constant 0.000000e+00 : f32
    %neg3A_2448 = vector.broadcast %neg3A_2447 : f32 to vector<2x1024xf32>
    %neg3A_2449 = arith.subf %neg3A_2448, %add3A_2446 : vector<2x1024xf32>
    %exp3A_2450 = math.exp %neg3A_2449 : vector<2x1024xf32>
    %add3A_2451 = arith.constant 1.000000e+00 : f32
    %add3A_2452 = vector.broadcast %add3A_2451 : f32 to vector<2x1024xf32>
    %add3A_2453 = arith.addf %add3A_2452, %exp3A_2450 : vector<2x1024xf32>
    %div3A_2454 = arith.constant 1.000000e+00 : f32
    %div3A_2455 = vector.broadcast %div3A_2454 : f32 to vector<2x1024xf32>
    %div3A_2456 = arith.divf %div3A_2455, %add3A_2453 : vector<2x1024xf32>
    %swap3A_2457 = arith.constant 0 : index
    %swap3A_2458 = arith.constant 7 : index
    %swap3A_2459 = arith.constant 0 : index
    %swap3A_2460 = vector.load %arg8[%swap3A_2457, %swap3A_2458, %swap3A_2459] : memref<2x8x1024xf32, #tpu.memory_space<vmem>>, vector<2x1x1024xf32>
    %swap3A_2461 = vector.shape_cast %swap3A_2460 : vector<2x1x1024xf32> to vector<2x1024xf32>
    %swap3A_2462 = vector.shape_cast %div3A_2456 : vector<2x1024xf32> to vector<2x1x1024xf32>
    tpu.vector_store %arg8[%swap3A_2457, %swap3A_2458, %swap3A_2459], %swap3A_2462 {strides = array<i32>} : memref<2x8x1024xf32, #tpu.memory_space<vmem>>, vector<2x1x1024xf32>,
    return
  }
}

module attributes {stable_mosaic.version = 14 : i64} {
  func.func @_combine_body(%arg0: i32, %arg1: memref<2x256x1024xf32, #tpu.memory_space<vmem>>, %arg2: memref<256x8xf32, #tpu.memory_space<vmem>>, %arg3: memref<2x8x1024xf32, #tpu.memory_space<vmem>>, %arg4: memref<2x256x1024xf32, #tpu.memory_space<vmem>>) attributes {dimension_semantics = [#tpu.dimension_semantics<arbitrary>], iteration_bounds = array<i64: 8>, scalar_prefetch = 0 : i64, scratch_operands = 0 : i64, tpu.core_type = #tpu.core_type<tc>, window_params = [{transform_indices = @transform_0, window_bounds = array<i64: 2, 256, 1024>}, {transform_indices = @transform_1, window_bounds = array<i64: 256, 8>}, {pipeline_mode = #tpu.pipeline_mode<synchronous>, transform_indices = @transform_2, window_bounds = array<i64: 2, 8, 1024>}, {transform_indices = @transform_3, window_bounds = array<i64: 2, 256, 1024>}]} {
    %iota3A = tpu.iota {dimensions = array<i32: 1>} : vector<256x8xi32>
    %convert_element_type3A = arith.sitofp %iota3A : vector<256x8xi32> to vector<256x8xf32>
    %get3A = arith.constant 0 : index
    %get3A_0 = arith.constant 0 : index
    %get3A_1 = vector.load %arg2[%get3A, %get3A_0] : memref<256x8xf32, #tpu.memory_space<vmem>>, vector<256x4xf32>
    %slice3A = vector.extract_strided_slice %get3A_1 {offsets = [0, 2], sizes = [256, 1], strides = [1, 1]} : vector<256x4xf32> to vector<256x1xf32>
    %slice3A_2 = vector.extract_strided_slice %get3A_1 {offsets = [0, 0], sizes = [256, 1], strides = [1, 1]} : vector<256x4xf32> to vector<256x1xf32>
    %eq3A = vector.broadcast %slice3A_2 : vector<256x1xf32> to vector<256x8xf32>
    %eq3A_3 = arith.cmpf oeq, %convert_element_type3A, %eq3A : vector<256x8xf32>
    %convert_element_type3A_4 = arith.extui %eq3A_3 : vector<256x8xi1> to vector<256x8xi32>
    %convert_element_type3A_5 = arith.sitofp %convert_element_type3A_4 : vector<256x8xi32> to vector<256x8xf32>
    %mul3A = vector.broadcast %slice3A : vector<256x1xf32> to vector<256x8xf32>
    %mul3A_6 = arith.mulf %mul3A, %convert_element_type3A_5 : vector<256x8xf32>
    %slice3A_7 = vector.extract_strided_slice %get3A_1 {offsets = [0, 3], sizes = [256, 1], strides = [1, 1]} : vector<256x4xf32> to vector<256x1xf32>
    %slice3A_8 = vector.extract_strided_slice %get3A_1 {offsets = [0, 1], sizes = [256, 1], strides = [1, 1]} : vector<256x4xf32> to vector<256x1xf32>
    %eq3A_9 = vector.broadcast %slice3A_8 : vector<256x1xf32> to vector<256x8xf32>
    %eq3A_10 = arith.cmpf oeq, %convert_element_type3A, %eq3A_9 : vector<256x8xf32>
    %convert_element_type3A_11 = arith.extui %eq3A_10 : vector<256x8xi1> to vector<256x8xi32>
    %convert_element_type3A_12 = arith.sitofp %convert_element_type3A_11 : vector<256x8xi32> to vector<256x8xf32>
    %mul3A_13 = vector.broadcast %slice3A_7 : vector<256x1xf32> to vector<256x8xf32>
    %mul3A_14 = arith.mulf %mul3A_13, %convert_element_type3A_12 : vector<256x8xf32>
    %add3A = arith.addf %mul3A_6, %mul3A_14 : vector<256x8xf32>
    %get3A_15 = arith.constant 0 : index
    %get3A_16 = arith.constant 0 : index
    %get3A_17 = arith.constant 0 : index
    %get3A_18 = vector.load %arg3[%get3A_15, %get3A_16, %get3A_17] : memref<2x8x1024xf32, #tpu.memory_space<vmem>>, vector<1x8x1024xf32>
    %get3A_19 = vector.shape_cast %get3A_18 : vector<1x8x1024xf32> to vector<8x1024xf32>
    %dot_general3A = arith.constant dense<0.000000e+00> : vector<256x1024xf32>
    %dot_general3A_20 = tpu.matmul %add3A, %get3A_19, %dot_general3A {dimension_numbers = #tpu.dot_dimension_numbers<[1], [0], [0], [1], [0, 0, 1, 1], [], []>, transpose_lhs_hint = false} : vector<256x8xf32>, vector<8x1024xf32>, vector<256x1024xf32> -> vector<256x1024xf32>
    %get3A_21 = arith.constant 0 : index
    %get3A_22 = arith.constant 0 : index
    %get3A_23 = arith.constant 0 : index
    %get3A_24 = vector.load %arg1[%get3A_21, %get3A_22, %get3A_23] : memref<2x256x1024xf32, #tpu.memory_space<vmem>>, vector<1x256x1024xf32>
    %get3A_25 = vector.shape_cast %get3A_24 : vector<1x256x1024xf32> to vector<256x1024xf32>
    %mul3A_26 = arith.mulf %get3A_25, %dot_general3A_20 : vector<256x1024xf32>
    %swap3A = arith.constant 0 : index
    %swap3A_27 = arith.constant 0 : index
    %swap3A_28 = arith.constant 0 : index
    %swap3A_29 = vector.load %arg4[%swap3A, %swap3A_27, %swap3A_28] : memref<2x256x1024xf32, #tpu.memory_space<vmem>>, vector<1x256x1024xf32>
    %swap3A_30 = vector.shape_cast %swap3A_29 : vector<1x256x1024xf32> to vector<256x1024xf32>
    %swap3A_31 = vector.shape_cast %mul3A_26 : vector<256x1024xf32> to vector<1x256x1024xf32>
    tpu.vector_store %arg4[%swap3A, %swap3A_27, %swap3A_28], %swap3A_31 {strides = array<i32>} : memref<2x256x1024xf32, #tpu.memory_space<vmem>>, vector<1x256x1024xf32>,
    %get3A_32 = arith.constant 0 : index
    %get3A_33 = arith.constant 4 : index
    %get3A_34 = vector.load %arg2[%get3A_32, %get3A_33] : memref<256x8xf32, #tpu.memory_space<vmem>>, vector<256x4xf32>
    %slice3A_35 = vector.extract_strided_slice %get3A_34 {offsets = [0, 2], sizes = [256, 1], strides = [1, 1]} : vector<256x4xf32> to vector<256x1xf32>
    %slice3A_36 = vector.extract_strided_slice %get3A_34 {offsets = [0, 0], sizes = [256, 1], strides = [1, 1]} : vector<256x4xf32> to vector<256x1xf32>
    %eq3A_37 = vector.broadcast %slice3A_36 : vector<256x1xf32> to vector<256x8xf32>
    %eq3A_38 = arith.cmpf oeq, %convert_element_type3A, %eq3A_37 : vector<256x8xf32>
    %convert_element_type3A_39 = arith.extui %eq3A_38 : vector<256x8xi1> to vector<256x8xi32>
    %convert_element_type3A_40 = arith.sitofp %convert_element_type3A_39 : vector<256x8xi32> to vector<256x8xf32>
    %mul3A_41 = vector.broadcast %slice3A_35 : vector<256x1xf32> to vector<256x8xf32>
    %mul3A_42 = arith.mulf %mul3A_41, %convert_element_type3A_40 : vector<256x8xf32>
    %slice3A_43 = vector.extract_strided_slice %get3A_34 {offsets = [0, 3], sizes = [256, 1], strides = [1, 1]} : vector<256x4xf32> to vector<256x1xf32>
    %slice3A_44 = vector.extract_strided_slice %get3A_34 {offsets = [0, 1], sizes = [256, 1], strides = [1, 1]} : vector<256x4xf32> to vector<256x1xf32>
    %eq3A_45 = vector.broadcast %slice3A_44 : vector<256x1xf32> to vector<256x8xf32>
    %eq3A_46 = arith.cmpf oeq, %convert_element_type3A, %eq3A_45 : vector<256x8xf32>
    %convert_element_type3A_47 = arith.extui %eq3A_46 : vector<256x8xi1> to vector<256x8xi32>
    %convert_element_type3A_48 = arith.sitofp %convert_element_type3A_47 : vector<256x8xi32> to vector<256x8xf32>
    %mul3A_49 = vector.broadcast %slice3A_43 : vector<256x1xf32> to vector<256x8xf32>
    %mul3A_50 = arith.mulf %mul3A_49, %convert_element_type3A_48 : vector<256x8xf32>
    %add3A_51 = arith.addf %mul3A_42, %mul3A_50 : vector<256x8xf32>
    %get3A_52 = arith.constant 1 : index
    %get3A_53 = arith.constant 0 : index
    %get3A_54 = arith.constant 0 : index
    %get3A_55 = vector.load %arg3[%get3A_52, %get3A_53, %get3A_54] : memref<2x8x1024xf32, #tpu.memory_space<vmem>>, vector<1x8x1024xf32>
    %get3A_56 = vector.shape_cast %get3A_55 : vector<1x8x1024xf32> to vector<8x1024xf32>
    %dot_general3A_57 = arith.constant dense<0.000000e+00> : vector<256x1024xf32>
    %dot_general3A_58 = tpu.matmul %add3A_51, %get3A_56, %dot_general3A_57 {dimension_numbers = #tpu.dot_dimension_numbers<[1], [0], [0], [1], [0, 0, 1, 1], [], []>, transpose_lhs_hint = false} : vector<256x8xf32>, vector<8x1024xf32>, vector<256x1024xf32> -> vector<256x1024xf32>
    %get3A_59 = arith.constant 1 : index
    %get3A_60 = arith.constant 0 : index
    %get3A_61 = arith.constant 0 : index
    %get3A_62 = vector.load %arg1[%get3A_59, %get3A_60, %get3A_61] : memref<2x256x1024xf32, #tpu.memory_space<vmem>>, vector<1x256x1024xf32>
    %get3A_63 = vector.shape_cast %get3A_62 : vector<1x256x1024xf32> to vector<256x1024xf32>
    %mul3A_64 = arith.mulf %get3A_63, %dot_general3A_58 : vector<256x1024xf32>
    %swap3A_65 = arith.constant 1 : index
    %swap3A_66 = arith.constant 0 : index
    %swap3A_67 = arith.constant 0 : index
    %swap3A_68 = vector.load %arg4[%swap3A_65, %swap3A_66, %swap3A_67] : memref<2x256x1024xf32, #tpu.memory_space<vmem>>, vector<1x256x1024xf32>
    %swap3A_69 = vector.shape_cast %swap3A_68 : vector<1x256x1024xf32> to vector<256x1024xf32>
    %swap3A_70 = vector.shape_cast %mul3A_64 : vector<256x1024xf32> to vector<1x256x1024xf32>
    tpu.vector_store %arg4[%swap3A_65, %swap3A_66, %swap3A_67], %swap3A_70 {strides = array<i32>} : memref<2x256x1024xf32, #tpu.memory_space<vmem>>, vector<1x256x1024xf32>,
    return
  }
  func.func @transform_0(%arg0: i32) -> (i32, i32, i32) {
    %c0_i32 = arith.constant 0 : i32
    %c0_i32_0 = arith.constant 0 : i32
    %c0_i32_1 = arith.constant 0 : i32
    return %c0_i32, %arg0, %c0_i32_0 : i32, i32, i32
  }
  func.func @transform_1(%arg0: i32) -> (i32, i32) {
    %c0_i32 = arith.constant 0 : i32
    %c0_i32_0 = arith.constant 0 : i32
    return %arg0, %c0_i32 : i32, i32
  }
  func.func @transform_2(%arg0: i32) -> (i32, i32, i32) {
    %c0_i32 = arith.constant 0 : i32
    %c0_i32_0 = arith.constant 0 : i32
    %c0_i32_1 = arith.constant 0 : i32
    %c0_i32_2 = arith.constant 0 : i32
    return %c0_i32, %c0_i32_0, %c0_i32_1 : i32, i32, i32
  }
  func.func @transform_3(%arg0: i32) -> (i32, i32, i32) {
    %c0_i32 = arith.constant 0 : i32
    %c0_i32_0 = arith.constant 0 : i32
    %c0_i32_1 = arith.constant 0 : i32
    return %c0_i32, %arg0, %c0_i32_0 : i32, i32, i32
  }
}

</mosaic_0001>

<sc_bundles>
// kernel: kernel.6.cloned.1.call-start
scs
__scs_entry_jumppad:
0x0: {  	(pc) =	sbr.rel $0x88, $3  }
0x1: {  	(tag) =	ssettag $0x0;
	lr =	simm.s32 $0x1  }
0x2: {  	[smem:$0x3F9A] =	sst lr;
	_ =	strace $0xD0000000  }
0x3: {  	_ = 	snop  }
0x4: {  	_ = 	snop  }
0x5: {  	_ = 	snop  }
0x6: {  	_ = 	snop  }
0x7: {  	_ = 	snop  }
__scs_overlays_trampoline_lowered:
0x8: {  	[smem:$0x3FA9] =	sst s0  }
0x9: {  	[smem:$0x3FAA] =	sst s1  }
0xa: {  	[smem:$0x3FAB] =	sst s2  }
0xb: {  	[smem:$0x3FAC] =	sst s3  }
0xc: {  	[smem:$0x3FAD] =	sst s4  }
0xd: {  	[smem:$0x3FAE] =	sst s5  }
0xe: {  	[smem:$0x3FAF] =	sst s6  }
0xf: {  	[smem:$0x3FB0] =	sst s7  }
0x10: {  	[smem:$0x3FB1] =	sst s8  }
0x11: {  	[smem:$0x3FB2] =	sst s9;
	s0 =	simm.s32 @!p0 $0x0  }
0x12: {  	s1 =	sld [smem:$0x3F98];
	s0 =	simm.s32 @p0 $0x1  }
0x13: {  	[smem:$0x3FB3] =	sst s0;
	s0 =	simm.s32 @!p1 $0x0  }
0x14: {  	s2 =	sld [smem:$0x3F97];
	s0 =	simm.s32 @p1 $0x1  }
0x15: {  	[smem:$0x3FB4] =	sst s0;
	s0 =	simm.s32 @!p2 $0x0  }
0x16: {  	s3 =	sld [smem:$0x3FDB];
	s0 =	simm.s32 @p2 $0x1  }
0x17: {  	s4 =	simm.s32 $0x1BF5;
	[smem:$0x3FB6] =	sst s0  }
0x18: {  	s0 =	sld [smem:$0x3F99];
	_ =	swait.ge [sflag:s4], $0x0  }
0x19: {  	s7 =	sld [smem:$0x3F9A]  }
0x1a: {  	s8 =	sadd.s32 $0xFFFFE003, lr  }
0x1b: {  	s9 =	sadd.s32 $0xFFFFFEF7, lr;
	s5 =	simm.s32 $0xFFFFFFFF;
	p2 =	slt.u32 s8, $0xFFFFF086  }
0x1c: {  	p1 =	slt.u32 s9, $0xF7A;
	s5 =	simm.s32 @!p2 $0x0  }
0x1d: {  	s5 =	simm.s32 @p1 $0x1;
	p0 =	seq.s32 s7, s2  }
0x1e: {  	s7 =	smul.u32 @!p0 $0xF7A, s2;
	p2 =	seq.s32 @!p0 s5, $0x0  }
0x1f: {  	s9 =	smul.u32 $0xF7A, s1;
	s8 =	simm.s32 @!p0 $0x1BF5;
	p2 =	por !p2, p0  }
0x20: {  	[sflag:s8] =	ssyncset.s32 @!p0 $0xFFFFF086;
	s6 =	sadd.s32 @!p0 s3, s7;
	s7 =	simm.s32 @!p0 $0x108  }
0x21: {  	s3 =	sadd.s32 s3, s9;
	s6 =	sadd.s32 @!p0 $0x88, s6;
	s7 =	simm.s32 @p2 $0x1082  }
0x22: {  	[simem:s7], [sflag:s8] =	dma.local @!p0 [hbm:s6], $0xF7A  }
0x23: {  	s9 =	sor.u32 $0xD0000000, s2;
	s6 =	simm.s32 $0x108;
	_ =	swait.ge @!p0 [sflag:s8], $0x0  }
0x24: {  	s3 =	sadd.s32 $0x88, s3;
	s6 =	simm.s32 @!p1 $0x1082;
	[sflag:s4] =	ssyncset.s32 $0xFFFFF086  }
0x25: {  	[simem:s6], [sflag:s4] =	dma.local [hbm:s3], $0xF7A  }
0x26: {  	[smem:$0x3F9A] =	sst s1;
	(tag) =	ssettag s2;
	_ =	strace s9  }
0x27: {  	s1 =	sld [smem:$0x3FAA]  }
0x28: {  	s2 =	sld [smem:$0x3FAB]  }
0x29: {  	s4 =	sld [smem:$0x3FAD]  }
0x2a: {  	p0 =	seq.s32 s5, $0x0;
	s5 =	sld [smem:$0x3FAE]  }
0x2b: {  	s6 =	sld [smem:$0x3FAF]  }
0x2c: {  	s7 =	sld [smem:$0x3FB0]  }
0x2d: {  	s3 =	simm.s32 $0x108;
	s8 =	sld [smem:$0x3FB1]  }
0x2e: {  	s3 =	simm.s32 @!p0 $0x1082;
	s9 =	sld [smem:$0x3FB2]  }
0x2f: {  	lr =	sadd.s32 s0, s3;
	s0 =	sld [smem:$0x3FA9]  }
0x30: {  	s3 =	sld [smem:$0x3FAC]  }
0x31: {  	[smem:$0x3FB5] =	sst s10  }
0x32: {  	s10 =	sld [smem:$0x3FB3];
	_ =	sdelay $0x3  }
0x33: {  	p0 =	seq.s32 s10, $0x1;
	s10 =	sld [smem:$0x3FB5];
	_ =	sdelay $0x3  }
0x34: {  	[smem:$0x3FB5] =	sst s10  }
0x35: {  	s10 =	sld [smem:$0x3FB4];
	_ =	sdelay $0x3  }
0x36: {  	p1 =	seq.s32 s10, $0x1;
	s10 =	sld [smem:$0x3FB5];
	_ =	sdelay $0x3  }
0x37: {  	[smem:$0x3FB5] =	sst s10  }
0x38: {  	s10 =	sld [smem:$0x3FB6]  }
0x39: {  	_ = 	snop;
	(pc) =	sbr.ind lr, $3  }
0x3a: {  	_ = 	snop  }
0x3b: {  	_ = 	snop  }
0x3c: {  	p2 =	seq.s32 s10, $0x1;
	s10 =	sld [smem:$0x3FB5]  }
0x3d: {  	_ =	shalt  }
0x3e: {  	_ =	shalt  }
0x3f: {  	_ =	shalt  }
0x40: {  	_ =	shalt  }
0x41: {  	_ =	shalt  }
0x42: {  	_ =	shalt  }
0x43: {  	_ =	shalt  }
0x44: {  	_ =	shalt  }
0x45: {  	_ =	shalt  }
0x46: {  	_ =	shalt  }
0x47: {  	_ =	shalt  }
0x48: {  	_ =	shalt  }
0x49: {  	_ =	shalt  }
0x4a: {  	_ =	shalt  }
0x4b: {  	_ =	shalt  }
0x4c: {  	_ =	shalt  }
0x4d: {  	_ =	shalt  }
0x4e: {  	_ =	shalt  }
0x4f: {  	_ =	shalt  }
0x50: {  	_ =	shalt  }
0x51: {  	_ =	shalt  }
0x52: {  	_ =	shalt  }
0x53: {  	_ =	shalt  }
0x54: {  	_ =	shalt  }
0x55: {  	_ =	shalt  }
0x56: {  	_ =	shalt  }
0x57: {  	_ =	shalt  }
0x58: {  	_ =	shalt  }
0x59: {  	_ =	shalt  }
0x5a: {  	_ =	shalt  }
0x5b: {  	_ =	shalt  }
0x5c: {  	_ =	shalt  }
0x5d: {  	_ =	shalt  }
0x5e: {  	_ =	shalt  }
0x5f: {  	_ =	shalt  }
0x60: {  	_ =	shalt  }
0x61: {  	_ =	shalt  }
0x62: {  	_ =	shalt  }
0x63: {  	_ =	shalt  }
0x64: {  	_ =	shalt  }
0x65: {  	_ =	shalt  }
0x66: {  	_ =	shalt  }
0x67: {  	_ =	shalt  }
0x68: {  	_ =	shalt  }
0x69: {  	_ =	shalt  }
0x6a: {  	_ =	shalt  }
0x6b: {  	_ =	shalt  }
0x6c: {  	_ =	shalt  }
0x6d: {  	_ =	shalt  }
0x6e: {  	_ =	shalt  }
0x6f: {  	_ =	shalt  }
0x70: {  	_ =	shalt  }
0x71: {  	_ =	shalt  }
0x72: {  	_ =	shalt  }
0x73: {  	_ =	shalt  }
0x74: {  	_ =	shalt  }
0x75: {  	_ =	shalt  }
0x76: {  	_ =	shalt  }
0x77: {  	_ =	shalt  }
0x78: {  	_ =	shalt  }
0x79: {  	_ =	shalt  }
0x7a: {  	_ =	shalt  }
0x7b: {  	_ =	shalt  }
0x7c: {  	_ =	shalt  }
0x7d: {  	_ =	shalt  }
0x7e: {  	_ =	shalt  }
0x7f: {  	_ =	shalt  }
0x80: {  	_ =	shalt  }
0x81: {  	_ =	shalt  }
0x82: {  	_ =	shalt  }
0x83: {  	_ =	shalt  }
0x84: {  	_ =	shalt  }
0x85: {  	_ =	shalt  }
0x86: {  	_ =	shalt  }
0x87: {  	_ =	shalt  }
.Lfunc_end0:
.L_simem_size_0:
called_computation_lowered:
.L_overlay_start_0:
0x88: {  	s2 =	sld [smem:$0x3FD9]  }
0x89: {  	s3 =	sld [smem:$0x3FFE];
	_ =	sdelay $0x1  }
0x8a: {  	s1 =	srdreg.scid  }
0x8b: {  	s0 =	sand.u32 $0x1, s1  }
0x8c: {  	s14 =	sshll.u32 s0, $0xA;
	s2 =	sadd.s32 s3, s2  }
0x8d: {  	s2 =	sadd.s32 s2, s14  }
0x8e: {  	[smem:$0x3FC1] =	sst s2  }
0x8f: {  	_ = 	snop  }
0x90: {  	s2 =	sld [smem:$0x3FD0];
	_ =	sdelay $0x2  }
0x91: {  	s15 =	simm.s32 $0xA;
	s4 =	simm.s32 $0x10  }
0x92: {  	[smem:s4], [sflag:s15] =	dma.local [hbm:s2], $0x1  }
0x93: {  	_ =	swait.eq [sflag:s15], $0x1  }
0x94: {  	[sflag:s15] =	ssyncset.done $0x0  }
0x95: {  	[sflag:s15] =	ssyncadd.s32 $0xFFFFFFFF  }
0x96: {  	s16 =	sld [smem:$0x10];
	(tm) =	ssettm $0x1  }
0x97: {  	s17 =	sld [smem:$0x3FFB];
	_ =	sdelay $0x3  }
0x98: {  	_ =	strace s17  }
0x99: {  	s3 =	sld [smem:$0x3FFC];
	_ =	sdelay $0x3  }
0x9a: {  	_ =	strace s3  }
0x9b: {  	s3 =	sld [smem:$0x3FFD];
	_ =	sdelay $0x3  }
0x9c: {  	_ =	strace s3  }
0x9d: {  	_ =	strace $0x8FFFFFFF  }
0x9e: {  	s18 =	sld [smem:$0x3FDB];
	_ =	sdelay $0x1  }
0x9f: {  	s19 =	simm.s32 $_scs_section_size  }
0xa0: {  	s5 =	simm.s32 $_size__tile_overlayer_lowered;
	s6 =	simm.s32 $_tile_overlayer_lowered  }
0xa1: {  	s22 =	simm.s32 $0x1BFF;
	s21 =	sshll.u32 s6, $0x1;
	s3 =	sadd.s32 s19, s18  }
0xa2: {  	s7 =	simm.s32 $0x0;
	s20 =	sshll.u32 s5, $0x1;
	s5 =	sadd.s32 s21, s3  }
0xa3: {  	[timem:s7], [sflag:s22] =	dma.local [hbm:s5], s20  }
0xa4: {  	_ =	swait.ge [sflag:s22], s20  }
0xa5: {  	s4 =	ssub.s32 $0x0, s20;
	[sflag:s22] =	ssyncset.done $0x0  }
0xa6: {  	[sflag:s22] =	ssyncadd.s32 s4;
	_ =	sdelay $0x1  }
0xa7: {  	s23 =	simm.s32 $0x1B8B  }
0xa8: {  	_ =	swait.ge [sflag:s23], $0x1  }
0xa9: {  	[sflag:s23] =	ssyncset.done $0x0  }
0xaa: {  	s25 =	simm.s32 $0x1B8E;
	s24 =	sld [smem:$0x3FFE];
	[sflag:s23] =	ssyncadd.s32 $0xFFFFFFFF  }
0xab: {  	s26 =	simm.s32 $execute0_lowered;
	[smem:$0x3FD2] =	sst s25  }
0xac: {  	s5 =	sshll.u32 s26, $0x1;
	_ =	strace $0x80000046;
	[dreg:$0x1] =	wrdreg $0xFFFFFFFF  }
0xad: {  	s28 =	simm.s32 $_size_execute0_lowered;
	s3 =	sadd.s32 s3, s5;
	[dreg:$0x0] =	wrdreg $0x0  }
0xae: {  	s5 =	sshll.u32 s28, $0x1;
	[dreg:$0x2] =	wrdreg s3  }
0xaf: {  	[dreg:$0x3] =	wrdreg s5  }
0xb0: {  	[dreg:$0x4] =	wrdreg $0xC0  }
0xb1: {  	_ =	task [dreg:s7], $0x5FFFF  }
0xb2: {  	[dreg:$0x1] =	wrdreg $0xFFFFFFFF  }
0xb3: {  	[dreg:$0x0] =	wrdreg $0x60  }
0xb4: {  	[dreg:$0x2] =	wrdreg s24  }
0xb5: {  	[dreg:$0x3] =	wrdreg s16  }
0xb6: {  	[dreg:$0x4] =	wrdreg $0x9  }
0xb7: {  	_ =	task.clear_ibuf [dreg:s7], $0x5FFFF;
	_ =	strace $0x90000046  }
0xb8: {  	s29 =	simm.s32 $0x9;
	_ =	strace $0x80000048  }
0xb9: {  	_ =	swait.ge [sflag:s29], $0x1  }
0xba: {  	[sflag:s29] =	ssyncadd.s32 $0xFFFFFFFF  }
0xbb: {  	_ =	strace $0x90000048  }
0xbc: {  	_ =	sfence  }
0xbd: {  	s30 =	sld [smem:$0x0];
	_ =	sdelay $0x2  }
0xbe: {  	s31 =	sshll.u32 s1, $0xD;
	s1 =	sshrl.u32 s1, $0x2  }
0xbf: {  	s3 =	sand.u32 $0x4000, s31;
	s1 =	sadd.s32 s1, s30  }
0xc0: {  	s0 =	sor.u32 s3, s0;
	s1 =	sshll.u32 s1, $0x11  }
0xc1: {  	s0 =	sor.u32 s1, s0  }
0xc2: {  	s0 =	sadd.s32 $0x8F2B, s0  }
0xc3: {  	[sflag:s0] =	ssyncadd.remote.s32 $0x1  }
0xc4: {  	_ =	sfence.sel $0xFFFF  }
0xc5: {  	[dreg:$0x0] =	wrdreg $0xFFFFFFFF;
	(pc) =	sbr.abs _section_cstart, $3  }
0xc6: {  	[dreg:$0x1] =	wrdreg $0xFFFFFFFF  }
0xc7: {  	_ =	task.clear_ibuf [dreg:s7], $0x2FFFF;
	_ =	strace $0x9FFFFFFF  }
0xc8: {  	(tm) =	ssettm $0x7FFFFFFF  }
0xc9: {  	_ =	shalt  }
tec
execute0_lowered:
.L_overlay_start_1:
0x0: {  	(tag) =	ssettag $0x1  }
0x1: {  	s1 =	srdreg.scid  }
0x2: {  	s1 =	sand.u32 $0x1, s1  }
0x3: {  	p0 =	seq.s32 s1, $0x1  }
.Ltmp0:
0x4: {  	_ = 	snop;
	(pc) =	sbr.rel @p0 .LBB2_6-.Ltmp0, $4  }
0x5: {  	s4 =	rddreg [dreg:$0x0]  }
0x6: {  	s2 =	rddreg [dreg:$0x1];
	s3 =	simm.s32 $0x0  }
0x7: {  	[smem:$0x7FF] =	sst s3  }
0x8: {  	s0 =	rddreg [dreg:$0x2];
	_ =	strace $0x80000047;
	s1 =	stileid.u32  }
0x9: {  	s6 =	sshrl.u32 s1, $0x3  }
0xa: {  	s4 =	sadd.s32 $0x1000, s4;
	s29 =	simm.s32 $0x80;
	s5 =	sshll.u32 s6, $0x4  }
0xb: {  	s7 =	simm.s32 $0x100;
	s30 =	simm.s32 $0x1;
	s4 =	sadd.s32 s4, s5  }
0xc: {  	[tilespmem:s3], [sflag:$0x1] =	stream.strided.gather [hbm4b:s4+s29], $0x800, s7, s29, $0x38;
	[tilespmem:$0x1000] =	vst v63  }
0xd: {  	_ =	swait.ge [sflag:s30], $0x800  }
0xe: {  	v0 =	vimm.s32 $0xEDCBA987;
	v1 =	vimm.s32 $0x65432100;
	[sflag:s30] =	ssyncset.done $0x0  }
0xf: {  	v2 =	vunpack.c.l.s4.s8 v0;
	v1 =	vunpack.c.l.s4.s8 v1;
	s3 =	simm.s32 $0x0;
	[sflag:s30] =	ssyncadd.s32 $0xFFFFF800  }
0x10: {  	v5 =	vimm.s32 $0xDCBA9876;
	v7 =	vlaneseq.u32;
	v8 =	vimm.s32 $0x32100000;
	v4 =	vld [tilespmem:s3+$0x0]  }
0x11: {  	v2 =	vunpack.c.0.s8.s32 v2;
	v3 =	vunpack.c.0.s8.s32 v1;
	v1 =	vimm.s32 $0x54321000  }
0x12: {  	s31 =	sand.u32 $0x7, s1;
	v9 =	vimm.s32 $0xE40000;
	vm1 =	vmmov $0x3;
	v6 =	vunpack.c.l.s4.s8 v1  }
0x13: {  	v0 =	vmov s31;
	v5 =	vunpack.c.l.s4.s8 v5;
	v2 =	vand.u32 $0xF, v2  }
0x14: {  	v3 =	vcombine.low v3, v2;
	v2 =	vunpack.c.0.s8.s32 v6;
	v6 =	vimm.s32 $0xBA987654  }
0x15: {  	v8 =	vunpack.c.l.s4.s8 v8;
	s4 =	simm.s32 $0x10;
	v6 =	vunpack.c.l.s4.s8 v6;
	v4 =	vand.u32 $0x7, v4  }
0x16: {  	v5 =	vunpack.c.0.s8.s32 v5;
	v1 =	vimm.s32 $0x0;
	v10 =	vld [tilespmem:s4+$0x0];
	vm5 =	veq.s32 v4, v0  }
0x17: {  	v9 =	vunpack.c.l.s2.s4 v9;
	v4 =	vunpack.c.0.s8.s32 v6;
	v11 =	vsel vm5, $0x1, v1  }
0x18: {  	v8 =	vunpack.c.0.s8.s32 v8;
	v5 =	vand.u32 $0xF, v5;
	v12 =	vperm.xlane v11, v3  }
0x19: {  	vm4 =	veq.s32 v7, $0x0;
	v6 =	vcombine.low v2, v5;
	v2 =	vand.u32 $0xF, v4  }
0x1a: {  	v5 =	vunpack.c.l.s4.s8 v9;
	v4 =	vcombine.low v8, v2;
	v2 =	vsel vm4, $0x0, v12  }
0x1b: {  	vm0 =	vmmov $0xf;
	v9 =	vand.u32 $0x7, v10;
	v2 =	vadd.s32 v11, v2  }
0x1c: {  	s5 =	simm.s32 $0x20;
	v5 =	vunpack.c.0.s8.s32 v5;
	v8 =	vimm.s32 $0x7060504;
	v11 =	vperm.xlane v2, v6  }
0x1d: {  	vm3 =	vcmask $0x3F30;
	v10 =	vld [tilespmem:s5+$0x0];
	vm6 =	veq.s32 v9, v0;
	v8 =	vunpack.c.0.s8.s32 v8  }
0x1e: {  	v9 =	vsel vm6, $0x1, v1;
	v5 =	vand.u32 $0x3, v5;
	v11 =	vsel vm1, $0x0, v11  }
0x1f: {  	v5 =	vsel vm3, v8, v5;
	v8 =	vperm.xlane v9, v3;
	v11 =	vadd.s32 v11, v2  }
0x20: {  	vm2 =	vmmov $0xff;
	vm5 =	vmmov vm5;
	v12 =	vperm.xlane v11, v4  }
0x21: {  	vm7 =	vmmov vm5;
	vm6 =	vmmov vm6;
	v8 =	vsel vm4, $0x0, v8  }
0x22: {  	s8 =	sshll.u32 s6, $0xB;
	s6 =	simm.s32 $0x30;
	v10 =	vand.u32 $0x7, v10;
	v8 =	vadd.s32 v9, v8;
	v9 =	vsel vm0, $0x0, v12  }
0x23: {  	v13 =	vld [tilespmem:s6+$0x0];
	vm5 =	veq.s32 v10, v0;
	v10 =	vperm.xlane v8, v6;
	v14 =	vadd.s32 v9, v11  }
0x24: {  	v15 =	vsel vm7, $0xFFFFFFFF, v1;
	vm7 =	vmmov vm7;
	v11 =	vperm.xlane v14, v5  }
0x25: {  	s7 =	sshll.u32 s31, $0x4;
	v2 =	vimm.s32 $0xF;
	v10 =	vsel vm1, $0x0, v10;
	v9 =	vsel vm5, $0x1, v1  }
0x26: {  	s2 =	sadd.s32 s2, s7;
	v12 =	vperm.xlane v9, v3;
	v16 =	vsel vm2, $0x0, v11;
	v11 =	vadd.s32 v10, v8  }
0x27: {  	s7 =	simm.s32 $0x100;
	s2 =	sadd.s32 s8, s2;
	v8 =	vimm.s32 $0x0;
	v10 =	vadd.s32 v16, v14;
	v14 =	vadd.s32 v15, v1  }
.LBB2_2:
0x28: {  	v13 =	vand.u32 $0x7, v13;
	v15 =	vperm.xlane v11, v4  }
0x29: {  	p0 =	sne.s32 s7, $0x1FC0;
	v14 =	vadd.s32 v10, v14;
	vm8 =	vmmov vm6;
	vm6 =	vmmov vm5  }
0x2a: {  	v12 =	vsel vm4, $0x0, v12;
	vm5 =	veq.s32 v13, v0;
	vm9 =	vlt.s32 v14, $0x200  }
0x2b: {  	s8 =	sshra.s32 s7, $0x2;
	v14 =	vadd.s32 v9, v12;
	v9 =	vsel vm0, $0x0, v15;
	vm7 =	vmand vm7, vm9  }
.Ltmp1:
0x2c: {  	v15 =	vperm.xlane v14, v6;
	v13 =	vld [tilespmem:s8+$0x0];
	v16 =	vadd.s32 v9, v11;
	v11 =	vsel vm7, $0x1, v1;
	(pc) =	sbr.rel @p0 .LBB2_2-.Ltmp1, $4  }
0x2d: {  	v10 =	vperm.xlane v10, v2;
	v9 =	vsel vm5, $0x1, v1;
	v17 =	vperm.xlane v16, v5;
	[tilespmem:s3+$0x800] =	vst v11;
	s3 =	smov.u32 s4;
	s4 =	smov.u32 s5;
	s5 =	smov.u32 s6  }
0x2e: {  	v18 =	vsel vm8, $0xFFFFFFFF, v1;
	vm7 =	vmmov vm8;
	v12 =	vperm.xlane v9, v3;
	s6 =	smov.u32 s8  }
0x2f: {  	v8 =	vadd.s32 v8, v10;
	v11 =	vsel vm1, $0x0, v15;
	v15 =	vsel vm2, $0x0, v17  }
0x30: {  	s7 =	sadd.s32 $0x40, s7;
	v11 =	vadd.s32 v11, v14;
	v14 =	vadd.s32 v18, v8;
	v10 =	vadd.s32 v15, v16  }
0x31: {  	v13 =	vand.u32 $0x7, v13;
	vm8 =	veq.s32 v7, $0x0;
	v7 =	vperm.xlane v11, v4  }
0x32: {  	v14 =	vadd.s32 v10, v14;
	vm6 =	vmmov vm6;
	vm5 =	vmmov vm5  }
0x33: {  	v10 =	vperm.xlane v10, v2;
	v12 =	vsel vm8, $0x0, v12;
	vm4 =	veq.s32 v13, v0  }
0x34: {  	vm9 =	vlt.s32 v14, $0x200;
	v9 =	vadd.s32 v9, v12;
	v12 =	vsel vm4, $0x1, v1  }
0x35: {  	v15 =	vsel vm6, $0xFFFFFFFF, v1;
	v13 =	vperm.xlane v9, v6;
	v3 =	vperm.xlane v12, v3  }
0x36: {  	vm6 =	vmmov vm6;
	vm5 =	vmmov vm5;
	v7 =	vsel vm0, $0x0, v7  }
0x37: {  	v7 =	vadd.s32 v7, v11;
	v13 =	vsel vm1, $0x0, v13;
	v3 =	vsel vm8, $0x0, v3  }
0x38: {  	v14 =	vperm.xlane v7, v5;
	v9 =	vadd.s32 v13, v9;
	v3 =	vadd.s32 v12, v3  }
0x39: {  	vm7 =	vmand vm7, vm9;
	v13 =	vperm.xlane v9, v4;
	v6 =	vperm.xlane v3, v6  }
0x3a: {  	v8 =	vadd.s32 v8, v10;
	vm4 =	vmmov vm4;
	v12 =	vsel vm2, $0x0, v14  }
0x3b: {  	v7 =	vadd.s32 v12, v7;
	v12 =	vsel vm0, $0x0, v13;
	v6 =	vsel vm1, $0x0, v6  }
0x3c: {  	v11 =	vsel vm7, $0x1, v1;
	v9 =	vadd.s32 v12, v9;
	v3 =	vadd.s32 v6, v3  }
0x3d: {  	v10 =	vadd.s32 v15, v8;
	v6 =	vperm.xlane v9, v5;
	v4 =	vperm.xlane v3, v4  }
0x3e: {  	vm4 =	vmmov vm4;
	v10 =	vadd.s32 v7, v10;
	v7 =	vperm.xlane v7, v2  }
0x3f: {  	vm7 =	vlt.s32 v10, $0x200;
	v6 =	vsel vm2, $0x0, v6;
	v4 =	vsel vm0, $0x0, v4  }
0x40: {  	v10 =	vsel vm5, $0xFFFFFFFF, v1;
	v6 =	vadd.s32 v6, v9;
	v3 =	vadd.s32 v4, v3  }
0x41: {  	v4 =	vadd.s32 v8, v7;
	v5 =	vperm.xlane v3, v5;
	v7 =	vperm.xlane v6, v2  }
0x42: {  	vm5 =	vmmov vm5;
	vm6 =	vmand vm6, vm7;
	v9 =	vadd.s32 v10, v4  }
0x43: {  	v10 =	vsel vm4, $0xFFFFFFFF, v1;
	v5 =	vsel vm2, $0x0, v5;
	v4 =	vadd.s32 v4, v7  }
0x44: {  	v6 =	vadd.s32 v6, v9;
	v3 =	vadd.s32 v5, v3;
	v5 =	vadd.s32 v10, v4  }
0x45: {  	v8 =	vsel vm6, $0x1, v1;
	vm6 =	vlt.s32 v6, $0x200;
	v5 =	vadd.s32 v3, v5  }
0x46: {  	[tilespmem:s3+$0x800] =	vst v11;
	vm4 =	vmmov vm4;
	vm5 =	vmand vm5, vm6;
	vm6 =	vlt.s32 v5, $0x200  }
0x47: {  	[tilespmem:s4+$0x800] =	vst v8;
	v5 =	vsel vm5, $0x1, v1;
	vm4 =	vmand vm4, vm6  }
0x48: {  	v8 =	vimm.s32 $0xBA987654;
	[tilespmem:s5+$0x800] =	vst v5;
	v1 =	vsel vm4, $0x1, v1  }
0x49: {  	s3 =	simm.s32 $0x0;
	v8 =	vunpack.c.l.s4.s8 v8;
	v5 =	vimm.s32 $0xEDCBA987;
	[tilespmem:s6+$0x800] =	vst v1  }
0x4a: {  	v5 =	vunpack.c.l.s4.s8 v5;
	v1 =	vimm.s32 $0x65432100;
	v6 =	vld [tilespmem:s3+$0x0]  }
0x4b: {  	v8 =	vunpack.c.0.s8.s32 v8;
	v1 =	vunpack.c.l.s4.s8 v1  }
0x4c: {  	v2 =	vperm.xlane v3, v2;
	v3 =	vimm.s32 $0x54321000;
	v5 =	vunpack.c.0.s8.s32 v5  }
0x4d: {  	v7 =	vimm.s32 $0xDCBA9876;
	v3 =	vunpack.c.l.s4.s8 v3;
	v1 =	vunpack.c.0.s8.s32 v1  }
0x4e: {  	v8 =	vand.u32 $0xF, v8;
	v2 =	vadd.s32 v4, v2;
	v5 =	vand.u32 $0xF, v5  }
0x4f: {  	v4 =	vunpack.c.l.s4.s8 v7;
	v1 =	vcombine.low v1, v5;
	v5 =	vshrl.u32 v6, $0x3  }
0x50: {  	s4 =	simm.s32 $0x10;
	v7 =	vlaneseq.u32;
	v6 =	vshrl.u32 v6, $0x6;
	v5 =	vand.u32 $0x7, v5  }
0x51: {  	v4 =	vunpack.c.0.s8.s32 v4;
	v9 =	vld [tilespmem:s4+$0x0];
	v6 =	vand.u32 $0x1, v6;
	vm4 =	veq.s32 v5, v0  }
0x52: {  	v3 =	vunpack.c.0.s8.s32 v3;
	v5 =	vimm.s32 $0x32100000;
	v16 =	vnsel vm4, $0x0, v6  }
0x53: {  	v4 =	vand.u32 $0xF, v4;
	v5 =	vunpack.c.l.s4.s8 v5;
	v10 =	vperm.xlane v16, v1  }
0x54: {  	vm5 =	vlt.s32 v2, $0x200;
	v4 =	vcombine.low v3, v4;
	vm4 =	veq.s32 v7, $0x0  }
0x55: {  	v6 =	vimm.s32 $0xE40000;
	v3 =	vunpack.c.0.s8.s32 v5;
	v5 =	vsel vm4, $0x0, v10  }
0x56: {  	v11 =	vshrl.u32 v9, $0x3;
	v6 =	vunpack.c.l.s2.s4 v6;
	v5 =	vadd.s32 v5, v16  }
0x57: {  	v9 =	vshrl.u32 v9, $0x6;
	v3 =	vcombine.low v3, v8;
	v8 =	vperm.xlane v5, v4  }
0x58: {  	s5 =	simm.s32 $0x20;
	v11 =	vand.u32 $0x7, v11;
	v9 =	vand.u32 $0x1, v9;
	v6 =	vunpack.c.l.s4.s8 v6  }
0x59: {  	v12 =	vld [tilespmem:s5+$0x0];
	vm6 =	veq.s32 v11, v0;
	v10 =	vimm.s32 $0x7060504;
	v8 =	vsel vm1, $0x0, v8  }
0x5a: {  	v6 =	vunpack.c.0.s8.s32 v6;
	v11 =	vadd.s32 v8, v5;
	v8 =	vnsel vm6, $0x0, v9  }
0x5b: {  	v5 =	vunpack.c.0.s8.s32 v10;
	v9 =	vperm.xlane v11, v3;
	v13 =	vperm.xlane v8, v1  }
0x5c: {  	v10 =	vnsel vm5, $0x200, v2;
	v2 =	vand.u32 $0x3, v6  }
0x5d: {  	v5 =	vsel vm3, v5, v2;
	v9 =	vsel vm0, $0x0, v9;
	v13 =	vsel vm4, $0x0, v13  }
0x5e: {  	v9 =	vadd.s32 v9, v11;
	v11 =	vshrl.u32 v12, $0x3;
	v13 =	vadd.s32 v13, v8  }
0x5f: {  	s6 =	simm.s32 $0x30;
	v12 =	vshrl.u32 v12, $0x6;
	v14 =	vperm.xlane v9, v5;
	v15 =	vperm.xlane v13, v4  }
0x60: {  	v6 =	vimm.s32 $0xF;
	v11 =	vand.u32 $0x7, v11;
	v17 =	vand.u32 $0x1, v12;
	v12 =	vld [tilespmem:s6+$0x0]  }
0x61: {  	vm3 =	veq.s32 v11, v0;
	v11 =	vsel vm2, $0x0, v14;
	v14 =	vsel vm1, $0x0, v15  }
0x62: {  	v15 =	vsub.s32 v10, v16;
	v11 =	vadd.s32 v11, v9;
	v14 =	vadd.s32 v14, v13;
	v13 =	vld [tilespmem:s3+$0x800]  }
0x63: {  	v2 =	vimm.s32 $0x0;
	v9 =	vnsel vm3, $0x0, v17;
	v17 =	vadd.s32 v11, v15  }
0x64: {  	s7 =	simm.s32 $0x100;
	vm3 =	vne.s32 v16, $0x0;
	v15 =	vperm.xlane v14, v3;
	vm5 =	vlt.s32 v17, $0x200  }
.LBB2_4:
0x65: {  	p0 =	sne.s32 s7, $0x1FC0;
	v16 =	vshrl.u32 v12, $0x6;
	v17 =	vperm.xlane v9, v1;
	vm3 =	vmand vm3, vm5  }
0x66: {  	v18 =	vshrl.u32 v12, $0x3;
	v12 =	vsel vm0, $0x0, v15;
	v15 =	vsel vm3, $0x2, v2  }
0x67: {  	v17 =	vsel vm4, $0x0, v17;
	v14 =	vadd.s32 v12, v14;
	v12 =	vadd.s32 v13, v15  }
0x68: {  	s8 =	sshra.s32 s7, $0x2;
	v11 =	vperm.xlane v11, v6;
	v15 =	vadd.s32 v17, v9;
	v13 =	vperm.xlane v14, v5;
	[tilespmem:s3+$0x800] =	vst v12;
	s3 =	smov.u32 s4;
	s4 =	smov.u32 s5  }
.Ltmp2:
0x69: {  	v16 =	vand.u32 $0x1, v16;
	v17 =	vand.u32 $0x7, v18;
	s5 =	smov.u32 s6;
	s6 =	smov.u32 s8;
	v12 =	vld [tilespmem:s8+$0x0];
	v18 =	vperm.xlane v15, v4;
	(pc) =	sbr.rel @p0 .LBB2_4-.Ltmp2, $4  }
0x6a: {  	v10 =	vadd.s32 v10, v11;
	vm3 =	veq.s32 v17, v0;
	v13 =	vsel vm2, $0x0, v13  }
0x6b: {  	v17 =	vsel vm1, $0x0, v18;
	v11 =	vadd.s32 v13, v14;
	v18 =	vsub.s32 v10, v8;
	v13 =	vld [tilespmem:s3+$0x800]  }
0x6c: {  	v16 =	vnsel vm3, $0x0, v16;
	v14 =	vadd.s32 v17, v15;
	v17 =	vadd.s32 v11, v18  }
0x6d: {  	s7 =	sadd.s32 $0x40, s7;
	vm3 =	vne.s32 v8, $0x0;
	v8 =	vmovc v9;
	v9 =	vmovc v16;
	v15 =	vperm.xlane v14, v3;
	vm5 =	vlt.s32 v17, $0x200  }
0x6e: {  	v16 =	vperm.xlane v9, v1;
	v17 =	vshrl.u32 v12, $0x6  }
0x6f: {  	vm3 =	vmand vm3, vm5;
	v38 =	vshrl.u32 v12, $0x3;
	vm4 =	veq.s32 v7, $0x0  }
0x70: {  	v11 =	vperm.xlane v11, v6;
	v39 =	vsel vm0, $0x0, v15;
	v16 =	vsel vm4, $0x0, v16  }
0x71: {  	v40 =	vsel vm3, $0x2, v2;
	v12 =	vand.u32 $0x7, v38;
	v41 =	vadd.s32 v16, v9  }
0x72: {  	v17 =	vand.u32 $0x1, v17;
	v7 =	vadd.s32 v39, v14;
	v16 =	vperm.xlane v41, v4  }
0x73: {  	v13 =	vadd.s32 v13, v40;
	vm8 =	veq.s32 v12, v0;
	v42 =	vperm.xlane v7, v5  }
0x74: {  	v10 =	vadd.s32 v10, v11;
	v45 =	vnsel vm8, $0x0, v17;
	v44 =	vsel vm1, $0x0, v16  }
0x75: {  	[tilespmem:s3+$0x800] =	vst v13;
	v47 =	vperm.xlane v45, v1;
	v43 =	vsel vm2, $0x0, v42;
	v46 =	vadd.s32 v44, v41  }
0x76: {  	v48 =	vsub.s32 v10, v8;
	v49 =	vld [tilespmem:s4+$0x800];
	v0 =	vadd.s32 v43, v7;
	v50 =	vperm.xlane v46, v3  }
0x77: {  	vm9 =	vne.s32 v8, $0x0;
	v1 =	vsel vm4, $0x0, v47;
	v7 =	vadd.s32 v0, v48  }
0x78: {  	v1 =	vadd.s32 v1, v45;
	vm10 =	vlt.s32 v7, $0x200;
	v51 =	vsel vm0, $0x0, v50  }
0x79: {  	v52 =	vperm.xlane v1, v4;
	vm3 =	vmand vm9, vm10;
	v7 =	vadd.s32 v51, v46  }
0x7a: {  	v0 =	vperm.xlane v0, v6;
	v53 =	vsel vm3, $0x2, v2;
	v11 =	vperm.xlane v7, v5  }
0x7b: {  	v4 =	vsel vm1, $0x0, v52;
	v8 =	vadd.s32 v49, v53  }
0x7c: {  	v0 =	vadd.s32 v10, v0;
	v1 =	vadd.s32 v4, v1;
	[tilespmem:s4+$0x800] =	vst v8;
	v54 =	vsel vm2, $0x0, v11  }
0x7d: {  	v56 =	vsub.s32 v0, v9;
	v58 =	vperm.xlane v1, v3;
	v57 =	vld [tilespmem:s5+$0x800];
	v55 =	vadd.s32 v54, v7  }
0x7e: {  	v7 =	vadd.s32 v55, v56  }
0x7f: {  	vm11 =	vne.s32 v9, $0x0;
	v3 =	vsel vm0, $0x0, v58;
	vm12 =	vlt.s32 v7, $0x200  }
0x80: {  	v1 =	vadd.s32 v3, v1;
	vm13 =	vmand vm11, vm12  }
0x81: {  	v60 =	vperm.xlane v1, v5;
	v4 =	vperm.xlane v55, v6;
	v59 =	vsel vm13, $0x2, v2  }
0x82: {  	v3 =	vadd.s32 v57, v59  }
0x83: {  	v61 =	vsel vm2, $0x0, v60;
	v0 =	vadd.s32 v0, v4;
	[tilespmem:s5+$0x800] =	vst v3  }
0x84: {  	v1 =	vadd.s32 v61, v1;
	v0 =	vsub.s32 v0, v45;
	v62 =	vld [tilespmem:s6+$0x800]  }
0x85: {  	v0 =	vadd.s32 v1, v0  }
0x86: {  	vm14 =	vne.s32 v45, $0x0;
	vm15 =	vlt.s32 v0, $0x200  }
0x87: {  	vm0 =	vmand vm14, vm15  }
0x88: {  	v63 =	vsel vm0, $0x2, v2  }
0x89: {  	s28 =	simm.s32 $0x80;
	v0 =	vadd.s32 v62, v63  }
0x8a: {  	s29 =	simm.s32 $0x400;
	s30 =	simm.s32 $0x800;
	s31 =	simm.s32 $0x1;
	[tilespmem:s6+$0x800] =	vst v0  }
0x8b: {  	[hbm4b:s2+s28] =	stream.strided.scatter [tilespmem:s30], [sflag:$0x1], $0x800, s29, s28, $0x38;
	[tilespmem:$0x1000] =	vst v63  }
0x8c: {  	_ =	swait.ge [sflag:s31], $0x800  }
0x8d: {  	[sflag:s31] =	ssyncset.done $0x0  }
0x8e: {  	[sflag:s31] =	ssyncadd.s32 $0xFFFFF800  }
.LBB2_6:
0x8f: {  	_ =	sfence.sel $0x180000  }
0x90: {  	[bflag:$0x0] =	sbarrier.arrive $0xFFFF  }
0x91: {  	p0 =	sne.s32 s1, $0x0;
	_ =	strace $0x90000047  }
0x92: {  	s0 =	sadd.s32 @!p0 $0x100000, s0;
	[bflag:$0x2] =	sbarrier.arrive $0xFFFF  }
0x93: {  	[sflag:s0] =	ssyncadd.tile.s32 @!p0 $0x1;
	_ =	shalt  }
.Lfunc_end2:
_tile_overlayer_lowered:
.L_overlay_start_2:
0x94: {  	(tag) =	ssettag $0x2  }
0x95: {  	s0 =	rddreg [dreg:$0x0];
	s2 =	stileid.u32  }
0x96: {  	s1 =	rddreg [dreg:$0x1];
	p0 =	sne.s32 s2, $0x0  }
0x97: {  	s3 =	rddreg [dreg:$0x2];
	[bflag:$0x3] =	sbarrier.arrive $0xFFFF;
	s2 =	simm.s32 @!p0 $0x1C01  }
0x98: {  	[timem:s3], [sflag:s2] =	dma.local @!p0 [hbm:s0], s1  }
0x99: {  	s0 =	simm.s32 @!p0 $0x1  }
0x9a: {  	_ =	swait.ge @!p0 [sflag:s0], s1  }
0x9b: {  	s1 =	ssub.s32 @!p0 $0x0, s1;
	[sflag:s0] =	ssyncset.done @!p0 $0x0  }
0x9c: {  	[sflag:s0] =	ssyncadd.s32 @!p0 s1  }
0x9d: {  	[bflag:$0x3] =	sbarrier.arrive $0xFFFF  }
0x9e: {  	_ =	shalt  }

</sc_bundles>
